<compile_context>
chip_gen: v7x
topology: tpu7x:2x2x1
jax: 0.10.2.dev20260603
libtpu: 0.0.44.dev20260713+nightly
codegen_flags: <defaults>
</compile_context>

<pallas_src>
import functools

import jax
import jax.numpy as jnp
from jax import lax
from jax.experimental import pallas as pl
from jax.experimental.pallas import tpu as pltpu
from jax.experimental.pallas import tpu_sc as plsc

G = 200
Gpad = 208
A = 20000
BA = 2048
NB = 10
Ap = BA * NB
NW = 32
CHUNK = Ap // NW
NG = CHUNK // 16
IOU_THRESHOLD = 0.5
BIG = 2**30


def _stage1_body(boxes_ref, anch_ref, iou_out, idx_out, gbest_out,
                 acc_iou, acc_idx, gcol_s):
    j = pl.program_id(0)

    @pl.when(j == 0)
    def _hoist():
        ones = jnp.ones((G, BA), jnp.float32)
        bl = boxes_ref[:, 0:1] * ones
        bt = boxes_ref[:, 1:2] * ones
        br = boxes_ref[:, 2:3] * ones
        bb = boxes_ref[:, 3:4] * ones
        gcol_s[0] = bl
        gcol_s[1] = bt
        gcol_s[2] = br
        gcol_s[3] = bb
        gcol_s[4] = (br - bl) * (bb - bt)

    bl = gcol_s[0]
    bt = gcol_s[1]
    br = gcol_s[2]
    bb = gcol_s[3]
    a1 = gcol_s[4]
    al = anch_ref[0:1, :]
    at = anch_ref[1:2, :]
    ar = anch_ref[2:3, :]
    ab = anch_ref[3:4, :]

    w = jnp.maximum(jnp.minimum(br, ar) - jnp.maximum(bl, al), 0.0)
    h = jnp.maximum(jnp.minimum(bb, ab) - jnp.maximum(bt, at), 0.0)
    inter = w * h
    a2 = (ar - al) * (ab - at)
    iou = inter / (a1 + a2 - inter)

    gi = jax.lax.broadcasted_iota(jnp.int32, (G, BA), 0)
    ai = jax.lax.broadcasted_iota(jnp.int32, (G, BA), 1) + j * BA

    m = jnp.max(iou, axis=0, keepdims=True)
    amin = jnp.min(jnp.where(iou == m, gi, BIG), axis=0, keepdims=True)
    iou_out[0:1, :] = m
    idx_out[0:1, :] = amin

    rmax = jnp.max(iou, axis=1, keepdims=True)
    ridx = jnp.min(jnp.where(iou == rmax, ai, BIG), axis=1, keepdims=True)

    @pl.when(j == 0)
    def _():
        acc_iou[:, 0:1] = jnp.full((G, 1), -1.0, jnp.float32)

    prev_i = acc_iou[:, 0:1]
    upd = rmax > prev_i
    acc_iou[:, 0:1] = jnp.where(upd, rmax, prev_i)

    @pl.when(j == 0)
    def _():
        acc_idx[:, 0:1] = ridx

    @pl.when(j > 0)
    def _():
        acc_idx[:, 0:1] = jnp.where(upd, ridx, acc_idx[:, 0:1])

    @pl.when(j == NB - 1)
    def _():
        gbest_out[0:G, :] = acc_idx[:, 0:1]
        gbest_out[G:Gpad, :] = jnp.full((Gpad - G, 1), -1, jnp.int32)


def _make_sc_stage2():
    mesh = plsc.VectorSubcoreMesh(core_axis_name="c", subcore_axis_name="s")

    @functools.partial(
        pl.kernel,
        out_type=[
            jax.ShapeDtypeStruct((Ap, 4), jnp.float32),
            jax.ShapeDtypeStruct((Ap,), jnp.int32),
        ],
        mesh=mesh,
        compiler_params=pltpu.CompilerParams(needs_layout_passes=False),
        scratch_types=[
            pltpu.VMEM((CHUNK,), jnp.float32),
            pltpu.VMEM((CHUNK,), jnp.int32),
            pltpu.VMEM((CHUNK,), jnp.int32),
            pltpu.VMEM((CHUNK * 4,), jnp.float32),
            pltpu.VMEM((Gpad,), jnp.int32),
            pltpu.VMEM((G * 4,), jnp.float32),
            pltpu.VMEM((Gpad,), jnp.float32),
            pltpu.VMEM((Gpad,), jnp.float32),
            pltpu.VMEM((Gpad,), jnp.float32),
            pltpu.VMEM((Gpad,), jnp.float32),
            pltpu.VMEM((G,), jnp.int32),
            pltpu.VMEM((CHUNK, 4), jnp.float32),
            pltpu.VMEM((CHUNK,), jnp.int32),
            pltpu.SemaphoreType.DMA,
        ],
    )
    def sc_stage2(biou_hbm, bidx_hbm, gbest_hbm, boxes_hbm, labels_hbm,
                  anch_hbm, bbox_hbm, labout_hbm,
                  iou_v, idx_v, forced_v, afl_v, gb_v, box_v,
                  tabx_v, taby_v, tabw_v, tabh_v, lab_v,
                  obox_v, olab_v, dsem):
        wid = lax.axis_index("s") * 2 + lax.axis_index("c")
        base = wid * CHUNK

        cps = [
            pltpu.async_copy(biou_hbm.at[pl.ds(base, CHUNK)], iou_v, dsem),
            pltpu.async_copy(bidx_hbm.at[pl.ds(base, CHUNK)], idx_v, dsem),
            pltpu.async_copy(anch_hbm.at[pl.ds(base * 4, CHUNK * 4)],
                             afl_v, dsem),
            pltpu.async_copy(gbest_hbm, gb_v, dsem),
            pltpu.async_copy(boxes_hbm, box_v, dsem),
            pltpu.async_copy(labels_hbm, lab_v, dsem),
        ]
        for cp in cps:
            cp.wait()

        lane = lax.iota(jnp.int32, 16)

        for k in range(Gpad // 16):
            gidx = jnp.minimum(lane + k * 16, G - 1) * 4
            l = plsc.load_gather(box_v, [gidx])
            t = plsc.load_gather(box_v, [gidx + 1])
            r = plsc.load_gather(box_v, [gidx + 2])
            b = plsc.load_gather(box_v, [gidx + 3])
            sl = pl.ds(k * 16, 16)
            tabx_v[sl] = 0.5 * (l + r)
            taby_v[sl] = 0.5 * (t + b)
            tabw_v[sl] = r - l
            tabh_v[sl] = b - t

        for q in range(NG):
            forced_v[pl.ds(q * 16, 16)] = jnp.full((16,), -1, jnp.int32)

        def fbody(k, carry):
            gv = gb_v[pl.ds(k * 16, 16)]
            for ln in range(16):
                off = gv[ln] - base
                offb = jnp.full((16,), off, jnp.int32)
                valb = jnp.full((16,), k * 16 + ln, jnp.int32)
                m = (lane == ln) & (offb >= 0) & (offb < CHUNK)
                offc = jnp.clip(offb, 0, CHUNK - 1)
                plsc.store_scatter(forced_v, [offc], valb, mask=m)
            return carry

        lax.fori_loop(0, Gpad // 16, fbody, 0)

        c0 = jnp.full((16,), 0, jnp.int32)
        for q in range(NG):
            sl = pl.ds(q * 16, 16)
            fg = forced_v[sl]
            fi = jnp.where(fg >= 0, fg, idx_v[sl])
            matched = (fg >= 0) | (iou_v[sl] > IOU_THRESHOLD)
            gx = plsc.load_gather(tabx_v, [fi])
            gy = plsc.load_gather(taby_v, [fi])
            gw = plsc.load_gather(tabw_v, [fi])
            gh = plsc.load_gather(tabh_v, [fi])
            glab = plsc.load_gather(lab_v, [fi])
            apos = (lane + q * 16) * 4
            al = plsc.load_gather(afl_v, [apos])
            at = plsc.load_gather(afl_v, [apos + 1])
            ar = plsc.load_gather(afl_v, [apos + 2])
            ab = plsc.load_gather(afl_v, [apos + 3])
            x = jnp.where(matched, gx, 0.5 * (al + ar))
            y = jnp.where(matched, gy, 0.5 * (at + ab))
            w = jnp.where(matched, gw, ar - al)
            h = jnp.where(matched, gh, ab - at)
            olab_v[sl] = jnp.where(matched, glab, 0)
            aid = lane + q * 16
            plsc.store_scatter(obox_v, [aid, c0], x)
            plsc.store_scatter(obox_v, [aid, c0 + 1], y)
            plsc.store_scatter(obox_v, [aid, c0 + 2], w)
            plsc.store_scatter(obox_v, [aid, c0 + 3], h)

        pltpu.sync_copy(obox_v, bbox_hbm.at[pl.ds(base, CHUNK)])
        pltpu.sync_copy(olab_v, labout_hbm.at[pl.ds(base, CHUNK)])

    return sc_stage2


@jax.jit
def _run(image, boxes, labels, anchors):
    f32 = jnp.float32
    boxes = boxes.astype(f32)
    anchors = anchors.astype(f32)
    anch_pad = jnp.zeros((Ap, 4), f32).at[:A].set(anchors)
    anch_t = anch_pad.T

    iou_b, idx_b, gbest = pl.pallas_call(
        _stage1_body,
        grid=(NB,),
        in_specs=[
            pl.BlockSpec((G, 4), lambda j: (0, 0)),
            pl.BlockSpec((4, BA), lambda j: (0, j)),
        ],
        out_specs=[
            pl.BlockSpec((1, BA), lambda j: (0, j)),
            pl.BlockSpec((1, BA), lambda j: (0, j)),
            pl.BlockSpec((Gpad, 1), lambda j: (0, 0)),
        ],
        out_shape=[
            jax.ShapeDtypeStruct((1, Ap), f32),
            jax.ShapeDtypeStruct((1, Ap), jnp.int32),
            jax.ShapeDtypeStruct((Gpad, 1), jnp.int32),
        ],
        scratch_shapes=[
            pltpu.VMEM((G, 128), f32),
            pltpu.VMEM((G, 128), jnp.int32),
            pltpu.VMEM((5, G, BA), f32),
        ],
    )(boxes, anch_t)

    bbox, lab = _make_sc_stage2()(
        iou_b.reshape(Ap), idx_b.reshape(Ap), gbest.reshape(Gpad),
        boxes.reshape(G * 4), labels.astype(jnp.int32),
        anch_pad.reshape(Ap * 4))

    return (image, bbox[:A], lab[:A])


def kernel(image, boxes, labels, anchors):
    return _run(image, boxes, labels, anchors)

# --- scband reference (transcript-rebuilt; emitter-appended) ---
"""Pipeline reference for scband-ground-truth-boxes-to-anchors-49555332661250 (READ-ONLY COPY).

The authoritative reference and input builder live on the scoring server;
editing this copy changes nothing except your own understanding.
"""

import jax, jax.numpy as jnp
import numpy as np

IOU_THRESHOLD = 0.5

def _calc_iou(b1, b2):
    # b1: [G,4] ltrb, b2: [A,4] ltrb -> [G,A] IoU
    lt = jnp.maximum(b1[:, None, :2], b2[None, :, :2])
    rb = jnp.minimum(b1[:, None, 2:], b2[None, :, 2:])
    wh = jnp.clip(rb - lt, 0.0, None)
    inter = wh[..., 0] * wh[..., 1]
    a1 = (b1[:, 2] - b1[:, 0]) * (b1[:, 3] - b1[:, 1])
    a2 = (b2[:, 2] - b2[:, 0]) * (b2[:, 3] - b2[:, 1])
    union = a1[:, None] + a2[None, :] - inter
    return inter / union

def setup_inputs(seed: int = 0):
    key = jax.random.key(seed)
    k1, k2, k3, k4, k5, k6 = jax.random.split(key, 6)
    G, A = 200, 20000
    # valid ltrb gt boxes in [0,1]
    xy = jax.random.uniform(k1, (G, 2)) * 0.7
    wh = jax.random.uniform(k2, (G, 2)) * 0.25 + 0.02
    boxes = jnp.concatenate([xy, xy + wh], axis=1)
    # valid ltrb anchors (dense SSD-style grid surrogate)
    axy = jax.random.uniform(k3, (A, 2)) * 0.7
    awh = jax.random.uniform(k4, (A, 2)) * 0.25 + 0.02
    anchors = jnp.concatenate([axy, axy + awh], axis=1)
    labels = jax.random.randint(k5, (G,), 1, 81)
    image = jax.random.normal(k6, (3, 512, 512), dtype=jnp.float32)
    return {"image": image, "boxes": boxes, "labels": labels, "anchors": anchors}

def reference(image, boxes, labels, anchors):
    # SSD AnchorEncoder.encode: match gt boxes to anchors by IoU
    ious = _calc_iou(boxes, anchors)              # [G, A]
    best_dbox_ious = jnp.max(ious, axis=0)        # best gt iou per anchor [A]
    best_dbox_idx = jnp.argmax(ious, axis=0)      # best gt idx per anchor [A]
    best_bbox_idx = jnp.argmax(ious, axis=1)      # best anchor per gt [G]
    # force-match: every gt gets its best anchor
    best_dbox_ious = best_dbox_ious.at[best_bbox_idx].set(2.0)
    G = boxes.shape[0]
    best_dbox_idx = best_dbox_idx.at[best_bbox_idx].set(jnp.arange(G))
    masks = best_dbox_ious > IOU_THRESHOLD
    labels_out = jnp.where(masks, labels[best_dbox_idx], 0)
    bboxes_out = jnp.where(masks[:, None], boxes[best_dbox_idx], anchors)
    # ltrb -> xywh
    x = 0.5 * (bboxes_out[:, 0] + bboxes_out[:, 2])
    y = 0.5 * (bboxes_out[:, 1] + bboxes_out[:, 3])
    w = bboxes_out[:, 2] - bboxes_out[:, 0]
    h = bboxes_out[:, 3] - bboxes_out[:, 1]
    bboxes_out = jnp.stack([x, y, w, h], axis=1)
    return (image, bboxes_out, labels_out)

if __name__ == "__main__":
    import jax
    _d = setup_inputs()
    print(jax.jit(kernel)(*tuple(_d.values())))

</pallas_src>

<mosaic_0001>
#map = affine_map<(d0, d1) -> (0)>
#map1 = affine_map<(d0, d1) -> (0, 0)>
module attributes {stable_mosaic.version = 14 : i64} {
  func.func @sc_stage2(%arg0: i32, %arg1: i32, %arg2: memref<20480xf32, #tpu.memory_space<hbm>>, %arg3: memref<20480xi32, #tpu.memory_space<hbm>>, %arg4: memref<208xi32, #tpu.memory_space<hbm>>, %arg5: memref<800xf32, #tpu.memory_space<hbm>>, %arg6: memref<200xi32, #tpu.memory_space<hbm>>, %arg7: memref<81920xf32, #tpu.memory_space<hbm>>, %arg8: memref<20480x4xf32, #tpu.memory_space<hbm>>, %arg9: memref<20480xi32, #tpu.memory_space<hbm>>, %arg10: memref<640xf32, #tpu.memory_space<vmem>>, %arg11: memref<640xi32, #tpu.memory_space<vmem>>, %arg12: memref<640xi32, #tpu.memory_space<vmem>>, %arg13: memref<2560xf32, #tpu.memory_space<vmem>>, %arg14: memref<208xi32, #tpu.memory_space<vmem>>, %arg15: memref<800xf32, #tpu.memory_space<vmem>>, %arg16: memref<208xf32, #tpu.memory_space<vmem>>, %arg17: memref<208xf32, #tpu.memory_space<vmem>>, %arg18: memref<208xf32, #tpu.memory_space<vmem>>, %arg19: memref<208xf32, #tpu.memory_space<vmem>>, %arg20: memref<200xi32, #tpu.memory_space<vmem>>, %arg21: memref<640x4xf32, #tpu.memory_space<vmem>>, %arg22: memref<640xi32, #tpu.memory_space<vmem>>, %arg23: memref<!tpu.dma_semaphore, #tpu.memory_space<semaphore_mem>>) attributes {dimension_semantics = [#tpu.dimension_semantics<core_parallel>, #tpu.dimension_semantics<subcore_parallel>], iteration_bounds = array<i64: 2, 16>, scalar_prefetch = 0 : i64, scratch_operands = 14 : i64, tpu.core_type = #tpu.core_type<sc_vector_subcore>, window_params = [{transform_indices = #map}, {transform_indices = #map}, {transform_indices = #map}, {transform_indices = #map}, {transform_indices = #map}, {transform_indices = #map}, {transform_indices = #map1}, {transform_indices = #map}]} {
    %mul3A = arith.constant 2 : i32
    %mul3A_0 = arith.muli %arg1, %mul3A : i32
    %add3A = arith.addi %mul3A_0, %arg0 : i32
    %mul3A_1 = arith.constant 640 : i32
    %mul3A_2 = arith.muli %add3A, %mul3A_1 : i32
    %dma_start3A = tpu.memref_slice %arg2[%mul3A_2] : memref<20480xf32, #tpu.memory_space<hbm>> -> memref<640xf32, #tpu.memory_space<hbm>>
    %dma_start3A_3 = tpu.memref_slice %arg2[%mul3A_2] : memref<20480xf32, #tpu.memory_space<hbm>> -> memref<640xf32, #tpu.memory_space<hbm>>
    tpu.enqueue_dma source(%dma_start3A_3 : memref<640xf32, #tpu.memory_space<hbm>>) target(%arg10 : memref<640xf32, #tpu.memory_space<vmem>>) target_semaphore(%arg23 : memref<!tpu.dma_semaphore, #tpu.memory_space<semaphore_mem>>)
    %dma_start3A_4 = tpu.memref_slice %arg3[%mul3A_2] : memref<20480xi32, #tpu.memory_space<hbm>> -> memref<640xi32, #tpu.memory_space<hbm>>
    %dma_start3A_5 = tpu.memref_slice %arg3[%mul3A_2] : memref<20480xi32, #tpu.memory_space<hbm>> -> memref<640xi32, #tpu.memory_space<hbm>>
    tpu.enqueue_dma source(%dma_start3A_5 : memref<640xi32, #tpu.memory_space<hbm>>) target(%arg11 : memref<640xi32, #tpu.memory_space<vmem>>) target_semaphore(%arg23 : memref<!tpu.dma_semaphore, #tpu.memory_space<semaphore_mem>>)
    %mul3A_6 = arith.constant 4 : i32
    %mul3A_7 = arith.muli %mul3A_2, %mul3A_6 : i32
    %dma_start3A_8 = tpu.memref_slice %arg7[%mul3A_7] : memref<81920xf32, #tpu.memory_space<hbm>> -> memref<2560xf32, #tpu.memory_space<hbm>>
    %dma_start3A_9 = tpu.memref_slice %arg7[%mul3A_7] : memref<81920xf32, #tpu.memory_space<hbm>> -> memref<2560xf32, #tpu.memory_space<hbm>>
    tpu.enqueue_dma source(%dma_start3A_9 : memref<2560xf32, #tpu.memory_space<hbm>>) target(%arg13 : memref<2560xf32, #tpu.memory_space<vmem>>) target_semaphore(%arg23 : memref<!tpu.dma_semaphore, #tpu.memory_space<semaphore_mem>>)
    tpu.enqueue_dma source(%arg4 : memref<208xi32, #tpu.memory_space<hbm>>) target(%arg14 : memref<208xi32, #tpu.memory_space<vmem>>) target_semaphore(%arg23 : memref<!tpu.dma_semaphore, #tpu.memory_space<semaphore_mem>>)
    tpu.enqueue_dma source(%arg5 : memref<800xf32, #tpu.memory_space<hbm>>) target(%arg15 : memref<800xf32, #tpu.memory_space<vmem>>) target_semaphore(%arg23 : memref<!tpu.dma_semaphore, #tpu.memory_space<semaphore_mem>>)
    tpu.enqueue_dma source(%arg6 : memref<200xi32, #tpu.memory_space<hbm>>) target(%arg20 : memref<200xi32, #tpu.memory_space<vmem>>) target_semaphore(%arg23 : memref<!tpu.dma_semaphore, #tpu.memory_space<semaphore_mem>>)
    %dma_wait3A = tpu.memref_slice %arg2[%mul3A_2] : memref<20480xf32, #tpu.memory_space<hbm>> -> memref<640xf32, #tpu.memory_space<hbm>>
    %dma_wait3A_10 = tpu.memref_slice %arg2[%mul3A_2] : memref<20480xf32, #tpu.memory_space<hbm>> -> memref<640xf32, #tpu.memory_space<hbm>>
    tpu.wait_dma2 semaphore(%arg23 : memref<!tpu.dma_semaphore, #tpu.memory_space<semaphore_mem>>) src(%dma_wait3A_10 : memref<640xf32, #tpu.memory_space<hbm>>) dst(%arg10 : memref<640xf32, #tpu.memory_space<vmem>>)
    %dma_wait3A_11 = tpu.memref_slice %arg3[%mul3A_2] : memref<20480xi32, #tpu.memory_space<hbm>> -> memref<640xi32, #tpu.memory_space<hbm>>
    %dma_wait3A_12 = tpu.memref_slice %arg3[%mul3A_2] : memref<20480xi32, #tpu.memory_space<hbm>> -> memref<640xi32, #tpu.memory_space<hbm>>
    tpu.wait_dma2 semaphore(%arg23 : memref<!tpu.dma_semaphore, #tpu.memory_space<semaphore_mem>>) src(%dma_wait3A_12 : memref<640xi32, #tpu.memory_space<hbm>>) dst(%arg11 : memref<640xi32, #tpu.memory_space<vmem>>)
    %dma_wait3A_13 = tpu.memref_slice %arg7[%mul3A_7] : memref<81920xf32, #tpu.memory_space<hbm>> -> memref<2560xf32, #tpu.memory_space<hbm>>
    %dma_wait3A_14 = tpu.memref_slice %arg7[%mul3A_7] : memref<81920xf32, #tpu.memory_space<hbm>> -> memref<2560xf32, #tpu.memory_space<hbm>>
    tpu.wait_dma2 semaphore(%arg23 : memref<!tpu.dma_semaphore, #tpu.memory_space<semaphore_mem>>) src(%dma_wait3A_14 : memref<2560xf32, #tpu.memory_space<hbm>>) dst(%arg13 : memref<2560xf32, #tpu.memory_space<vmem>>)
    tpu.wait_dma2 semaphore(%arg23 : memref<!tpu.dma_semaphore, #tpu.memory_space<semaphore_mem>>) src(%arg4 : memref<208xi32, #tpu.memory_space<hbm>>) dst(%arg14 : memref<208xi32, #tpu.memory_space<vmem>>)
    tpu.wait_dma2 semaphore(%arg23 : memref<!tpu.dma_semaphore, #tpu.memory_space<semaphore_mem>>) src(%arg5 : memref<800xf32, #tpu.memory_space<hbm>>) dst(%arg15 : memref<800xf32, #tpu.memory_space<vmem>>)
    tpu.wait_dma2 semaphore(%arg23 : memref<!tpu.dma_semaphore, #tpu.memory_space<semaphore_mem>>) src(%arg6 : memref<200xi32, #tpu.memory_space<hbm>>) dst(%arg20 : memref<200xi32, #tpu.memory_space<vmem>>)
    %iota3A = tpu.iota {dimensions = array<i32: 0>} : vector<16xi32>
    %add3A_15 = arith.constant 0 : i32
    %add3A_16 = vector.broadcast %add3A_15 : i32 to vector<16xi32>
    %add3A_17 = arith.addi %iota3A, %add3A_16 : vector<16xi32>
    %min3A = arith.constant 199 : i32
    %min3A_18 = vector.broadcast %min3A : i32 to vector<16xi32>
    %min3A_19 = arith.minsi %add3A_17, %min3A_18 : vector<16xi32>
    %mul3A_20 = arith.constant 4 : i32
    %mul3A_21 = vector.broadcast %mul3A_20 : i32 to vector<16xi32>
    %mul3A_22 = arith.muli %min3A_19, %mul3A_21 : vector<16xi32>
    %gather3A = tpu.vector_load_idx %arg15[%mul3A_22] : memref<800xf32, #tpu.memory_space<vmem>>[vector<16xi32>], vector<16xf32>,
    %add3A_23 = arith.constant 1 : i32
    %add3A_24 = vector.broadcast %add3A_23 : i32 to vector<16xi32>
    %add3A_25 = arith.addi %mul3A_22, %add3A_24 : vector<16xi32>
    %gather3A_26 = tpu.vector_load_idx %arg15[%add3A_25] : memref<800xf32, #tpu.memory_space<vmem>>[vector<16xi32>], vector<16xf32>,
    %add3A_27 = arith.constant 2 : i32
    %add3A_28 = vector.broadcast %add3A_27 : i32 to vector<16xi32>
    %add3A_29 = arith.addi %mul3A_22, %add3A_28 : vector<16xi32>
    %gather3A_30 = tpu.vector_load_idx %arg15[%add3A_29] : memref<800xf32, #tpu.memory_space<vmem>>[vector<16xi32>], vector<16xf32>,
    %add3A_31 = arith.constant 3 : i32
    %add3A_32 = vector.broadcast %add3A_31 : i32 to vector<16xi32>
    %add3A_33 = arith.addi %mul3A_22, %add3A_32 : vector<16xi32>
    %gather3A_34 = tpu.vector_load_idx %arg15[%add3A_33] : memref<800xf32, #tpu.memory_space<vmem>>[vector<16xi32>], vector<16xf32>,
    %add3A_35 = arith.addf %gather3A, %gather3A_30 : vector<16xf32>
    %mul3A_36 = arith.constant 5.000000e-01 : f32
    %mul3A_37 = vector.broadcast %mul3A_36 : f32 to vector<16xf32>
    %mul3A_38 = arith.mulf %mul3A_37, %add3A_35 : vector<16xf32>
    %swap3A = arith.constant 0 : index
    %swap3A_39 = tpu.vector_load %arg16[%swap3A] {strides = array<i32>} : memref<208xf32, #tpu.memory_space<vmem>>, vector<16xf32>,
    tpu.vector_store %arg16[%swap3A], %mul3A_38 {strides = array<i32>} : memref<208xf32, #tpu.memory_space<vmem>>, vector<16xf32>,
    %add3A_40 = arith.addf %gather3A_26, %gather3A_34 : vector<16xf32>
    %mul3A_41 = arith.constant 5.000000e-01 : f32
    %mul3A_42 = vector.broadcast %mul3A_41 : f32 to vector<16xf32>
    %mul3A_43 = arith.mulf %mul3A_42, %add3A_40 : vector<16xf32>
    %swap3A_44 = arith.constant 0 : index
    %swap3A_45 = tpu.vector_load %arg17[%swap3A_44] {strides = array<i32>} : memref<208xf32, #tpu.memory_space<vmem>>, vector<16xf32>,
    tpu.vector_store %arg17[%swap3A_44], %mul3A_43 {strides = array<i32>} : memref<208xf32, #tpu.memory_space<vmem>>, vector<16xf32>,
    %sub3A = arith.subf %gather3A_30, %gather3A : vector<16xf32>
    %swap3A_46 = arith.constant 0 : index
    %swap3A_47 = tpu.vector_load %arg18[%swap3A_46] {strides = array<i32>} : memref<208xf32, #tpu.memory_space<vmem>>, vector<16xf32>,
    tpu.vector_store %arg18[%swap3A_46], %sub3A {strides = array<i32>} : memref<208xf32, #tpu.memory_space<vmem>>, vector<16xf32>,
    %sub3A_48 = arith.subf %gather3A_34, %gather3A_26 : vector<16xf32>
    %swap3A_49 = arith.constant 0 : index
    %swap3A_50 = tpu.vector_load %arg19[%swap3A_49] {strides = array<i32>} : memref<208xf32, #tpu.memory_space<vmem>>, vector<16xf32>,
    tpu.vector_store %arg19[%swap3A_49], %sub3A_48 {strides = array<i32>} : memref<208xf32, #tpu.memory_space<vmem>>, vector<16xf32>,
    %add3A_51 = arith.constant 16 : i32
    %add3A_52 = vector.broadcast %add3A_51 : i32 to vector<16xi32>
    %add3A_53 = arith.addi %iota3A, %add3A_52 : vector<16xi32>
    %min3A_54 = arith.constant 199 : i32
    %min3A_55 = vector.broadcast %min3A_54 : i32 to vector<16xi32>
    %min3A_56 = arith.minsi %add3A_53, %min3A_55 : vector<16xi32>
    %mul3A_57 = arith.constant 4 : i32
    %mul3A_58 = vector.broadcast %mul3A_57 : i32 to vector<16xi32>
    %mul3A_59 = arith.muli %min3A_56, %mul3A_58 : vector<16xi32>
    %gather3A_60 = tpu.vector_load_idx %arg15[%mul3A_59] : memref<800xf32, #tpu.memory_space<vmem>>[vector<16xi32>], vector<16xf32>,
    %add3A_61 = arith.constant 1 : i32
    %add3A_62 = vector.broadcast %add3A_61 : i32 to vector<16xi32>
    %add3A_63 = arith.addi %mul3A_59, %add3A_62 : vector<16xi32>
    %gather3A_64 = tpu.vector_load_idx %arg15[%add3A_63] : memref<800xf32, #tpu.memory_space<vmem>>[vector<16xi32>], vector<16xf32>,
    %add3A_65 = arith.constant 2 : i32
    %add3A_66 = vector.broadcast %add3A_65 : i32 to vector<16xi32>
    %add3A_67 = arith.addi %mul3A_59, %add3A_66 : vector<16xi32>
    %gather3A_68 = tpu.vector_load_idx %arg15[%add3A_67] : memref<800xf32, #tpu.memory_space<vmem>>[vector<16xi32>], vector<16xf32>,
    %add3A_69 = arith.constant 3 : i32
    %add3A_70 = vector.broadcast %add3A_69 : i32 to vector<16xi32>
    %add3A_71 = arith.addi %mul3A_59, %add3A_70 : vector<16xi32>
    %gather3A_72 = tpu.vector_load_idx %arg15[%add3A_71] : memref<800xf32, #tpu.memory_space<vmem>>[vector<16xi32>], vector<16xf32>,
    %add3A_73 = arith.addf %gather3A_60, %gather3A_68 : vector<16xf32>
    %mul3A_74 = arith.constant 5.000000e-01 : f32
    %mul3A_75 = vector.broadcast %mul3A_74 : f32 to vector<16xf32>
    %mul3A_76 = arith.mulf %mul3A_75, %add3A_73 : vector<16xf32>
    %swap3A_77 = arith.constant 16 : index
    %swap3A_78 = tpu.vector_load %arg16[%swap3A_77] {strides = array<i32>} : memref<208xf32, #tpu.memory_space<vmem>>, vector<16xf32>,
    tpu.vector_store %arg16[%swap3A_77], %mul3A_76 {strides = array<i32>} : memref<208xf32, #tpu.memory_space<vmem>>, vector<16xf32>,
    %add3A_79 = arith.addf %gather3A_64, %gather3A_72 : vector<16xf32>
    %mul3A_80 = arith.constant 5.000000e-01 : f32
    %mul3A_81 = vector.broadcast %mul3A_80 : f32 to vector<16xf32>
    %mul3A_82 = arith.mulf %mul3A_81, %add3A_79 : vector<16xf32>
    %swap3A_83 = arith.constant 16 : index
    %swap3A_84 = tpu.vector_load %arg17[%swap3A_83] {strides = array<i32>} : memref<208xf32, #tpu.memory_space<vmem>>, vector<16xf32>,
    tpu.vector_store %arg17[%swap3A_83], %mul3A_82 {strides = array<i32>} : memref<208xf32, #tpu.memory_space<vmem>>, vector<16xf32>,
    %sub3A_85 = arith.subf %gather3A_68, %gather3A_60 : vector<16xf32>
    %swap3A_86 = arith.constant 16 : index
    %swap3A_87 = tpu.vector_load %arg18[%swap3A_86] {strides = array<i32>} : memref<208xf32, #tpu.memory_space<vmem>>, vector<16xf32>,
    tpu.vector_store %arg18[%swap3A_86], %sub3A_85 {strides = array<i32>} : memref<208xf32, #tpu.memory_space<vmem>>, vector<16xf32>,
    %sub3A_88 = arith.subf %gather3A_72, %gather3A_64 : vector<16xf32>
    %swap3A_89 = arith.constant 16 : index
    %swap3A_90 = tpu.vector_load %arg19[%swap3A_89] {strides = array<i32>} : memref<208xf32, #tpu.memory_space<vmem>>, vector<16xf32>,
    tpu.vector_store %arg19[%swap3A_89], %sub3A_88 {strides = array<i32>} : memref<208xf32, #tpu.memory_space<vmem>>, vector<16xf32>,
    %add3A_91 = arith.constant 32 : i32
    %add3A_92 = vector.broadcast %add3A_91 : i32 to vector<16xi32>
    %add3A_93 = arith.addi %iota3A, %add3A_92 : vector<16xi32>
    %min3A_94 = arith.constant 199 : i32
    %min3A_95 = vector.broadcast %min3A_94 : i32 to vector<16xi32>
    %min3A_96 = arith.minsi %add3A_93, %min3A_95 : vector<16xi32>
    %mul3A_97 = arith.constant 4 : i32
    %mul3A_98 = vector.broadcast %mul3A_97 : i32 to vector<16xi32>
    %mul3A_99 = arith.muli %min3A_96, %mul3A_98 : vector<16xi32>
    %gather3A_100 = tpu.vector_load_idx %arg15[%mul3A_99] : memref<800xf32, #tpu.memory_space<vmem>>[vector<16xi32>], vector<16xf32>,
    %add3A_101 = arith.constant 1 : i32
    %add3A_102 = vector.broadcast %add3A_101 : i32 to vector<16xi32>
    %add3A_103 = arith.addi %mul3A_99, %add3A_102 : vector<16xi32>
    %gather3A_104 = tpu.vector_load_idx %arg15[%add3A_103] : memref<800xf32, #tpu.memory_space<vmem>>[vector<16xi32>], vector<16xf32>,
    %add3A_105 = arith.constant 2 : i32
    %add3A_106 = vector.broadcast %add3A_105 : i32 to vector<16xi32>
    %add3A_107 = arith.addi %mul3A_99, %add3A_106 : vector<16xi32>
    %gather3A_108 = tpu.vector_load_idx %arg15[%add3A_107] : memref<800xf32, #tpu.memory_space<vmem>>[vector<16xi32>], vector<16xf32>,
    %add3A_109 = arith.constant 3 : i32
    %add3A_110 = vector.broadcast %add3A_109 : i32 to vector<16xi32>
    %add3A_111 = arith.addi %mul3A_99, %add3A_110 : vector<16xi32>
    %gather3A_112 = tpu.vector_load_idx %arg15[%add3A_111] : memref<800xf32, #tpu.memory_space<vmem>>[vector<16xi32>], vector<16xf32>,
    %add3A_113 = arith.addf %gather3A_100, %gather3A_108 : vector<16xf32>
    %mul3A_114 = arith.constant 5.000000e-01 : f32
    %mul3A_115 = vector.broadcast %mul3A_114 : f32 to vector<16xf32>
    %mul3A_116 = arith.mulf %mul3A_115, %add3A_113 : vector<16xf32>
    %swap3A_117 = arith.constant 32 : index
    %swap3A_118 = tpu.vector_load %arg16[%swap3A_117] {strides = array<i32>} : memref<208xf32, #tpu.memory_space<vmem>>, vector<16xf32>,
    tpu.vector_store %arg16[%swap3A_117], %mul3A_116 {strides = array<i32>} : memref<208xf32, #tpu.memory_space<vmem>>, vector<16xf32>,
    %add3A_119 = arith.addf %gather3A_104, %gather3A_112 : vector<16xf32>
    %mul3A_120 = arith.constant 5.000000e-01 : f32
    %mul3A_121 = vector.broadcast %mul3A_120 : f32 to vector<16xf32>
    %mul3A_122 = arith.mulf %mul3A_121, %add3A_119 : vector<16xf32>
    %swap3A_123 = arith.constant 32 : index
    %swap3A_124 = tpu.vector_load %arg17[%swap3A_123] {strides = array<i32>} : memref<208xf32, #tpu.memory_space<vmem>>, vector<16xf32>,
    tpu.vector_store %arg17[%swap3A_123], %mul3A_122 {strides = array<i32>} : memref<208xf32, #tpu.memory_space<vmem>>, vector<16xf32>,
    %sub3A_125 = arith.subf %gather3A_108, %gather3A_100 : vector<16xf32>
    %swap3A_126 = arith.constant 32 : index
    %swap3A_127 = tpu.vector_load %arg18[%swap3A_126] {strides = array<i32>} : memref<208xf32, #tpu.memory_space<vmem>>, vector<16xf32>,
    tpu.vector_store %arg18[%swap3A_126], %sub3A_125 {strides = array<i32>} : memref<208xf32, #tpu.memory_space<vmem>>, vector<16xf32>,
    %sub3A_128 = arith.subf %gather3A_112, %gather3A_104 : vector<16xf32>
    %swap3A_129 = arith.constant 32 : index
    %swap3A_130 = tpu.vector_load %arg19[%swap3A_129] {strides = array<i32>} : memref<208xf32, #tpu.memory_space<vmem>>, vector<16xf32>,
    tpu.vector_store %arg19[%swap3A_129], %sub3A_128 {strides = array<i32>} : memref<208xf32, #tpu.memory_space<vmem>>, vector<16xf32>,
    %add3A_131 = arith.constant 48 : i32
    %add3A_132 = vector.broadcast %add3A_131 : i32 to vector<16xi32>
    %add3A_133 = arith.addi %iota3A, %add3A_132 : vector<16xi32>
    %min3A_134 = arith.constant 199 : i32
    %min3A_135 = vector.broadcast %min3A_134 : i32 to vector<16xi32>
    %min3A_136 = arith.minsi %add3A_133, %min3A_135 : vector<16xi32>
    %mul3A_137 = arith.constant 4 : i32
    %mul3A_138 = vector.broadcast %mul3A_137 : i32 to vector<16xi32>
    %mul3A_139 = arith.muli %min3A_136, %mul3A_138 : vector<16xi32>
    %gather3A_140 = tpu.vector_load_idx %arg15[%mul3A_139] : memref<800xf32, #tpu.memory_space<vmem>>[vector<16xi32>], vector<16xf32>,
    %add3A_141 = arith.constant 1 : i32
    %add3A_142 = vector.broadcast %add3A_141 : i32 to vector<16xi32>
    %add3A_143 = arith.addi %mul3A_139, %add3A_142 : vector<16xi32>
    %gather3A_144 = tpu.vector_load_idx %arg15[%add3A_143] : memref<800xf32, #tpu.memory_space<vmem>>[vector<16xi32>], vector<16xf32>,
    %add3A_145 = arith.constant 2 : i32
    %add3A_146 = vector.broadcast %add3A_145 : i32 to vector<16xi32>
    %add3A_147 = arith.addi %mul3A_139, %add3A_146 : vector<16xi32>
    %gather3A_148 = tpu.vector_load_idx %arg15[%add3A_147] : memref<800xf32, #tpu.memory_space<vmem>>[vector<16xi32>], vector<16xf32>,
    %add3A_149 = arith.constant 3 : i32
    %add3A_150 = vector.broadcast %add3A_149 : i32 to vector<16xi32>
    %add3A_151 = arith.addi %mul3A_139, %add3A_150 : vector<16xi32>
    %gather3A_152 = tpu.vector_load_idx %arg15[%add3A_151] : memref<800xf32, #tpu.memory_space<vmem>>[vector<16xi32>], vector<16xf32>,
    %add3A_153 = arith.addf %gather3A_140, %gather3A_148 : vector<16xf32>
    %mul3A_154 = arith.constant 5.000000e-01 : f32
    %mul3A_155 = vector.broadcast %mul3A_154 : f32 to vector<16xf32>
    %mul3A_156 = arith.mulf %mul3A_155, %add3A_153 : vector<16xf32>
    %swap3A_157 = arith.constant 48 : index
    %swap3A_158 = tpu.vector_load %arg16[%swap3A_157] {strides = array<i32>} : memref<208xf32, #tpu.memory_space<vmem>>, vector<16xf32>,
    tpu.vector_store %arg16[%swap3A_157], %mul3A_156 {strides = array<i32>} : memref<208xf32, #tpu.memory_space<vmem>>, vector<16xf32>,
    %add3A_159 = arith.addf %gather3A_144, %gather3A_152 : vector<16xf32>
    %mul3A_160 = arith.constant 5.000000e-01 : f32
    %mul3A_161 = vector.broadcast %mul3A_160 : f32 to vector<16xf32>
    %mul3A_162 = arith.mulf %mul3A_161, %add3A_159 : vector<16xf32>
    %swap3A_163 = arith.constant 48 : index
    %swap3A_164 = tpu.vector_load %arg17[%swap3A_163] {strides = array<i32>} : memref<208xf32, #tpu.memory_space<vmem>>, vector<16xf32>,
    tpu.vector_store %arg17[%swap3A_163], %mul3A_162 {strides = array<i32>} : memref<208xf32, #tpu.memory_space<vmem>>, vector<16xf32>,
    %sub3A_165 = arith.subf %gather3A_148, %gather3A_140 : vector<16xf32>
    %swap3A_166 = arith.constant 48 : index
    %swap3A_167 = tpu.vector_load %arg18[%swap3A_166] {strides = array<i32>} : memref<208xf32, #tpu.memory_space<vmem>>, vector<16xf32>,
    tpu.vector_store %arg18[%swap3A_166], %sub3A_165 {strides = array<i32>} : memref<208xf32, #tpu.memory_space<vmem>>, vector<16xf32>,
    %sub3A_168 = arith.subf %gather3A_152, %gather3A_144 : vector<16xf32>
    %swap3A_169 = arith.constant 48 : index
    %swap3A_170 = tpu.vector_load %arg19[%swap3A_169] {strides = array<i32>} : memref<208xf32, #tpu.memory_space<vmem>>, vector<16xf32>,
    tpu.vector_store %arg19[%swap3A_169], %sub3A_168 {strides = array<i32>} : memref<208xf32, #tpu.memory_space<vmem>>, vector<16xf32>,
    %add3A_171 = arith.constant 64 : i32
    %add3A_172 = vector.broadcast %add3A_171 : i32 to vector<16xi32>
    %add3A_173 = arith.addi %iota3A, %add3A_172 : vector<16xi32>
    %min3A_174 = arith.constant 199 : i32
    %min3A_175 = vector.broadcast %min3A_174 : i32 to vector<16xi32>
    %min3A_176 = arith.minsi %add3A_173, %min3A_175 : vector<16xi32>
    %mul3A_177 = arith.constant 4 : i32
    %mul3A_178 = vector.broadcast %mul3A_177 : i32 to vector<16xi32>
    %mul3A_179 = arith.muli %min3A_176, %mul3A_178 : vector<16xi32>
    %gather3A_180 = tpu.vector_load_idx %arg15[%mul3A_179] : memref<800xf32, #tpu.memory_space<vmem>>[vector<16xi32>], vector<16xf32>,
    %add3A_181 = arith.constant 1 : i32
    %add3A_182 = vector.broadcast %add3A_181 : i32 to vector<16xi32>
    %add3A_183 = arith.addi %mul3A_179, %add3A_182 : vector<16xi32>
    %gather3A_184 = tpu.vector_load_idx %arg15[%add3A_183] : memref<800xf32, #tpu.memory_space<vmem>>[vector<16xi32>], vector<16xf32>,
    %add3A_185 = arith.constant 2 : i32
    %add3A_186 = vector.broadcast %add3A_185 : i32 to vector<16xi32>
    %add3A_187 = arith.addi %mul3A_179, %add3A_186 : vector<16xi32>
    %gather3A_188 = tpu.vector_load_idx %arg15[%add3A_187] : memref<800xf32, #tpu.memory_space<vmem>>[vector<16xi32>], vector<16xf32>,
    %add3A_189 = arith.constant 3 : i32
    %add3A_190 = vector.broadcast %add3A_189 : i32 to vector<16xi32>
    %add3A_191 = arith.addi %mul3A_179, %add3A_190 : vector<16xi32>
    %gather3A_192 = tpu.vector_load_idx %arg15[%add3A_191] : memref<800xf32, #tpu.memory_space<vmem>>[vector<16xi32>], vector<16xf32>,
    %add3A_193 = arith.addf %gather3A_180, %gather3A_188 : vector<16xf32>
    %mul3A_194 = arith.constant 5.000000e-01 : f32
    %mul3A_195 = vector.broadcast %mul3A_194 : f32 to vector<16xf32>
    %mul3A_196 = arith.mulf %mul3A_195, %add3A_193 : vector<16xf32>
    %swap3A_197 = arith.constant 64 : index
    %swap3A_198 = tpu.vector_load %arg16[%swap3A_197] {strides = array<i32>} : memref<208xf32, #tpu.memory_space<vmem>>, vector<16xf32>,
    tpu.vector_store %arg16[%swap3A_197], %mul3A_196 {strides = array<i32>} : memref<208xf32, #tpu.memory_space<vmem>>, vector<16xf32>,
    %add3A_199 = arith.addf %gather3A_184, %gather3A_192 : vector<16xf32>
    %mul3A_200 = arith.constant 5.000000e-01 : f32
    %mul3A_201 = vector.broadcast %mul3A_200 : f32 to vector<16xf32>
    %mul3A_202 = arith.mulf %mul3A_201, %add3A_199 : vector<16xf32>
    %swap3A_203 = arith.constant 64 : index
    %swap3A_204 = tpu.vector_load %arg17[%swap3A_203] {strides = array<i32>} : memref<208xf32, #tpu.memory_space<vmem>>, vector<16xf32>,
    tpu.vector_store %arg17[%swap3A_203], %mul3A_202 {strides = array<i32>} : memref<208xf32, #tpu.memory_space<vmem>>, vector<16xf32>,
    %sub3A_205 = arith.subf %gather3A_188, %gather3A_180 : vector<16xf32>
    %swap3A_206 = arith.constant 64 : index
    %swap3A_207 = tpu.vector_load %arg18[%swap3A_206] {strides = array<i32>} : memref<208xf32, #tpu.memory_space<vmem>>, vector<16xf32>,
    tpu.vector_store %arg18[%swap3A_206], %sub3A_205 {strides = array<i32>} : memref<208xf32, #tpu.memory_space<vmem>>, vector<16xf32>,
    %sub3A_208 = arith.subf %gather3A_192, %gather3A_184 : vector<16xf32>
    %swap3A_209 = arith.constant 64 : index
    %swap3A_210 = tpu.vector_load %arg19[%swap3A_209] {strides = array<i32>} : memref<208xf32, #tpu.memory_space<vmem>>, vector<16xf32>,
    tpu.vector_store %arg19[%swap3A_209], %sub3A_208 {strides = array<i32>} : memref<208xf32, #tpu.memory_space<vmem>>, vector<16xf32>,
    %add3A_211 = arith.constant 80 : i32
    %add3A_212 = vector.broadcast %add3A_211 : i32 to vector<16xi32>
    %add3A_213 = arith.addi %iota3A, %add3A_212 : vector<16xi32>
    %min3A_214 = arith.constant 199 : i32
    %min3A_215 = vector.broadcast %min3A_214 : i32 to vector<16xi32>
    %min3A_216 = arith.minsi %add3A_213, %min3A_215 : vector<16xi32>
    %mul3A_217 = arith.constant 4 : i32
    %mul3A_218 = vector.broadcast %mul3A_217 : i32 to vector<16xi32>
    %mul3A_219 = arith.muli %min3A_216, %mul3A_218 : vector<16xi32>
    %gather3A_220 = tpu.vector_load_idx %arg15[%mul3A_219] : memref<800xf32, #tpu.memory_space<vmem>>[vector<16xi32>], vector<16xf32>,
    %add3A_221 = arith.constant 1 : i32
    %add3A_222 = vector.broadcast %add3A_221 : i32 to vector<16xi32>
    %add3A_223 = arith.addi %mul3A_219, %add3A_222 : vector<16xi32>
    %gather3A_224 = tpu.vector_load_idx %arg15[%add3A_223] : memref<800xf32, #tpu.memory_space<vmem>>[vector<16xi32>], vector<16xf32>,
    %add3A_225 = arith.constant 2 : i32
    %add3A_226 = vector.broadcast %add3A_225 : i32 to vector<16xi32>
    %add3A_227 = arith.addi %mul3A_219, %add3A_226 : vector<16xi32>
    %gather3A_228 = tpu.vector_load_idx %arg15[%add3A_227] : memref<800xf32, #tpu.memory_space<vmem>>[vector<16xi32>], vector<16xf32>,
    %add3A_229 = arith.constant 3 : i32
    %add3A_230 = vector.broadcast %add3A_229 : i32 to vector<16xi32>
    %add3A_231 = arith.addi %mul3A_219, %add3A_230 : vector<16xi32>
    %gather3A_232 = tpu.vector_load_idx %arg15[%add3A_231] : memref<800xf32, #tpu.memory_space<vmem>>[vector<16xi32>], vector<16xf32>,
    %add3A_233 = arith.addf %gather3A_220, %gather3A_228 : vector<16xf32>
    %mul3A_234 = arith.constant 5.000000e-01 : f32
    %mul3A_235 = vector.broadcast %mul3A_234 : f32 to vector<16xf32>
    %mul3A_236 = arith.mulf %mul3A_235, %add3A_233 : vector<16xf32>
    %swap3A_237 = arith.constant 80 : index
    %swap3A_238 = tpu.vector_load %arg16[%swap3A_237] {strides = array<i32>} : memref<208xf32, #tpu.memory_space<vmem>>, vector<16xf32>,
    tpu.vector_store %arg16[%swap3A_237], %mul3A_236 {strides = array<i32>} : memref<208xf32, #tpu.memory_space<vmem>>, vector<16xf32>,
    %add3A_239 = arith.addf %gather3A_224, %gather3A_232 : vector<16xf32>
    %mul3A_240 = arith.constant 5.000000e-01 : f32
    %mul3A_241 = vector.broadcast %mul3A_240 : f32 to vector<16xf32>
    %mul3A_242 = arith.mulf %mul3A_241, %add3A_239 : vector<16xf32>
    %swap3A_243 = arith.constant 80 : index
    %swap3A_244 = tpu.vector_load %arg17[%swap3A_243] {strides = array<i32>} : memref<208xf32, #tpu.memory_space<vmem>>, vector<16xf32>,
    tpu.vector_store %arg17[%swap3A_243], %mul3A_242 {strides = array<i32>} : memref<208xf32, #tpu.memory_space<vmem>>, vector<16xf32>,
    %sub3A_245 = arith.subf %gather3A_228, %gather3A_220 : vector<16xf32>
    %swap3A_246 = arith.constant 80 : index
    %swap3A_247 = tpu.vector_load %arg18[%swap3A_246] {strides = array<i32>} : memref<208xf32, #tpu.memory_space<vmem>>, vector<16xf32>,
    tpu.vector_store %arg18[%swap3A_246], %sub3A_245 {strides = array<i32>} : memref<208xf32, #tpu.memory_space<vmem>>, vector<16xf32>,
    %sub3A_248 = arith.subf %gather3A_232, %gather3A_224 : vector<16xf32>
    %swap3A_249 = arith.constant 80 : index
    %swap3A_250 = tpu.vector_load %arg19[%swap3A_249] {strides = array<i32>} : memref<208xf32, #tpu.memory_space<vmem>>, vector<16xf32>,
    tpu.vector_store %arg19[%swap3A_249], %sub3A_248 {strides = array<i32>} : memref<208xf32, #tpu.memory_space<vmem>>, vector<16xf32>,
    %add3A_251 = arith.constant 96 : i32
    %add3A_252 = vector.broadcast %add3A_251 : i32 to vector<16xi32>
    %add3A_253 = arith.addi %iota3A, %add3A_252 : vector<16xi32>
    %min3A_254 = arith.constant 199 : i32
    %min3A_255 = vector.broadcast %min3A_254 : i32 to vector<16xi32>
    %min3A_256 = arith.minsi %add3A_253, %min3A_255 : vector<16xi32>
    %mul3A_257 = arith.constant 4 : i32
    %mul3A_258 = vector.broadcast %mul3A_257 : i32 to vector<16xi32>
    %mul3A_259 = arith.muli %min3A_256, %mul3A_258 : vector<16xi32>
    %gather3A_260 = tpu.vector_load_idx %arg15[%mul3A_259] : memref<800xf32, #tpu.memory_space<vmem>>[vector<16xi32>], vector<16xf32>,
    %add3A_261 = arith.constant 1 : i32
    %add3A_262 = vector.broadcast %add3A_261 : i32 to vector<16xi32>
    %add3A_263 = arith.addi %mul3A_259, %add3A_262 : vector<16xi32>
    %gather3A_264 = tpu.vector_load_idx %arg15[%add3A_263] : memref<800xf32, #tpu.memory_space<vmem>>[vector<16xi32>], vector<16xf32>,
    %add3A_265 = arith.constant 2 : i32
    %add3A_266 = vector.broadcast %add3A_265 : i32 to vector<16xi32>
    %add3A_267 = arith.addi %mul3A_259, %add3A_266 : vector<16xi32>
    %gather3A_268 = tpu.vector_load_idx %arg15[%add3A_267] : memref<800xf32, #tpu.memory_space<vmem>>[vector<16xi32>], vector<16xf32>,
    %add3A_269 = arith.constant 3 : i32
    %add3A_270 = vector.broadcast %add3A_269 : i32 to vector<16xi32>
    %add3A_271 = arith.addi %mul3A_259, %add3A_270 : vector<16xi32>
    %gather3A_272 = tpu.vector_load_idx %arg15[%add3A_271] : memref<800xf32, #tpu.memory_space<vmem>>[vector<16xi32>], vector<16xf32>,
    %add3A_273 = arith.addf %gather3A_260, %gather3A_268 : vector<16xf32>
    %mul3A_274 = arith.constant 5.000000e-01 : f32
    %mul3A_275 = vector.broadcast %mul3A_274 : f32 to vector<16xf32>
    %mul3A_276 = arith.mulf %mul3A_275, %add3A_273 : vector<16xf32>
    %swap3A_277 = arith.constant 96 : index
    %swap3A_278 = tpu.vector_load %arg16[%swap3A_277] {strides = array<i32>} : memref<208xf32, #tpu.memory_space<vmem>>, vector<16xf32>,
    tpu.vector_store %arg16[%swap3A_277], %mul3A_276 {strides = array<i32>} : memref<208xf32, #tpu.memory_space<vmem>>, vector<16xf32>,
    %add3A_279 = arith.addf %gather3A_264, %gather3A_272 : vector<16xf32>
    %mul3A_280 = arith.constant 5.000000e-01 : f32
    %mul3A_281 = vector.broadcast %mul3A_280 : f32 to vector<16xf32>
    %mul3A_282 = arith.mulf %mul3A_281, %add3A_279 : vector<16xf32>
    %swap3A_283 = arith.constant 96 : index
    %swap3A_284 = tpu.vector_load %arg17[%swap3A_283] {strides = array<i32>} : memref<208xf32, #tpu.memory_space<vmem>>, vector<16xf32>,
    tpu.vector_store %arg17[%swap3A_283], %mul3A_282 {strides = array<i32>} : memref<208xf32, #tpu.memory_space<vmem>>, vector<16xf32>,
    %sub3A_285 = arith.subf %gather3A_268, %gather3A_260 : vector<16xf32>
    %swap3A_286 = arith.constant 96 : index
    %swap3A_287 = tpu.vector_load %arg18[%swap3A_286] {strides = array<i32>} : memref<208xf32, #tpu.memory_space<vmem>>, vector<16xf32>,
    tpu.vector_store %arg18[%swap3A_286], %sub3A_285 {strides = array<i32>} : memref<208xf32, #tpu.memory_space<vmem>>, vector<16xf32>,
    %sub3A_288 = arith.subf %gather3A_272, %gather3A_264 : vector<16xf32>
    %swap3A_289 = arith.constant 96 : index
    %swap3A_290 = tpu.vector_load %arg19[%swap3A_289] {strides = array<i32>} : memref<208xf32, #tpu.memory_space<vmem>>, vector<16xf32>,
    tpu.vector_store %arg19[%swap3A_289], %sub3A_288 {strides = array<i32>} : memref<208xf32, #tpu.memory_space<vmem>>, vector<16xf32>,
    %add3A_291 = arith.constant 112 : i32
    %add3A_292 = vector.broadcast %add3A_291 : i32 to vector<16xi32>
    %add3A_293 = arith.addi %iota3A, %add3A_292 : vector<16xi32>
    %min3A_294 = arith.constant 199 : i32
    %min3A_295 = vector.broadcast %min3A_294 : i32 to vector<16xi32>
    %min3A_296 = arith.minsi %add3A_293, %min3A_295 : vector<16xi32>
    %mul3A_297 = arith.constant 4 : i32
    %mul3A_298 = vector.broadcast %mul3A_297 : i32 to vector<16xi32>
    %mul3A_299 = arith.muli %min3A_296, %mul3A_298 : vector<16xi32>
    %gather3A_300 = tpu.vector_load_idx %arg15[%mul3A_299] : memref<800xf32, #tpu.memory_space<vmem>>[vector<16xi32>], vector<16xf32>,
    %add3A_301 = arith.constant 1 : i32
    %add3A_302 = vector.broadcast %add3A_301 : i32 to vector<16xi32>
    %add3A_303 = arith.addi %mul3A_299, %add3A_302 : vector<16xi32>
    %gather3A_304 = tpu.vector_load_idx %arg15[%add3A_303] : memref<800xf32, #tpu.memory_space<vmem>>[vector<16xi32>], vector<16xf32>,
    %add3A_305 = arith.constant 2 : i32
    %add3A_306 = vector.broadcast %add3A_305 : i32 to vector<16xi32>
    %add3A_307 = arith.addi %mul3A_299, %add3A_306 : vector<16xi32>
    %gather3A_308 = tpu.vector_load_idx %arg15[%add3A_307] : memref<800xf32, #tpu.memory_space<vmem>>[vector<16xi32>], vector<16xf32>,
    %add3A_309 = arith.constant 3 : i32
    %add3A_310 = vector.broadcast %add3A_309 : i32 to vector<16xi32>
    %add3A_311 = arith.addi %mul3A_299, %add3A_310 : vector<16xi32>
    %gather3A_312 = tpu.vector_load_idx %arg15[%add3A_311] : memref<800xf32, #tpu.memory_space<vmem>>[vector<16xi32>], vector<16xf32>,
    %add3A_313 = arith.addf %gather3A_300, %gather3A_308 : vector<16xf32>
    %mul3A_314 = arith.constant 5.000000e-01 : f32
    %mul3A_315 = vector.broadcast %mul3A_314 : f32 to vector<16xf32>
    %mul3A_316 = arith.mulf %mul3A_315, %add3A_313 : vector<16xf32>
    %swap3A_317 = arith.constant 112 : index
    %swap3A_318 = tpu.vector_load %arg16[%swap3A_317] {strides = array<i32>} : memref<208xf32, #tpu.memory_space<vmem>>, vector<16xf32>,
    tpu.vector_store %arg16[%swap3A_317], %mul3A_316 {strides = array<i32>} : memref<208xf32, #tpu.memory_space<vmem>>, vector<16xf32>,
    %add3A_319 = arith.addf %gather3A_304, %gather3A_312 : vector<16xf32>
    %mul3A_320 = arith.constant 5.000000e-01 : f32
    %mul3A_321 = vector.broadcast %mul3A_320 : f32 to vector<16xf32>
    %mul3A_322 = arith.mulf %mul3A_321, %add3A_319 : vector<16xf32>
    %swap3A_323 = arith.constant 112 : index
    %swap3A_324 = tpu.vector_load %arg17[%swap3A_323] {strides = array<i32>} : memref<208xf32, #tpu.memory_space<vmem>>, vector<16xf32>,
    tpu.vector_store %arg17[%swap3A_323], %mul3A_322 {strides = array<i32>} : memref<208xf32, #tpu.memory_space<vmem>>, vector<16xf32>,
    %sub3A_325 = arith.subf %gather3A_308, %gather3A_300 : vector<16xf32>
    %swap3A_326 = arith.constant 112 : index
    %swap3A_327 = tpu.vector_load %arg18[%swap3A_326] {strides = array<i32>} : memref<208xf32, #tpu.memory_space<vmem>>, vector<16xf32>,
    tpu.vector_store %arg18[%swap3A_326], %sub3A_325 {strides = array<i32>} : memref<208xf32, #tpu.memory_space<vmem>>, vector<16xf32>,
    %sub3A_328 = arith.subf %gather3A_312, %gather3A_304 : vector<16xf32>
    %swap3A_329 = arith.constant 112 : index
    %swap3A_330 = tpu.vector_load %arg19[%swap3A_329] {strides = array<i32>} : memref<208xf32, #tpu.memory_space<vmem>>, vector<16xf32>,
    tpu.vector_store %arg19[%swap3A_329], %sub3A_328 {strides = array<i32>} : memref<208xf32, #tpu.memory_space<vmem>>, vector<16xf32>,
    %add3A_331 = arith.constant 128 : i32
    %add3A_332 = vector.broadcast %add3A_331 : i32 to vector<16xi32>
    %add3A_333 = arith.addi %iota3A, %add3A_332 : vector<16xi32>
    %min3A_334 = arith.constant 199 : i32
    %min3A_335 = vector.broadcast %min3A_334 : i32 to vector<16xi32>
    %min3A_336 = arith.minsi %add3A_333, %min3A_335 : vector<16xi32>
    %mul3A_337 = arith.constant 4 : i32
    %mul3A_338 = vector.broadcast %mul3A_337 : i32 to vector<16xi32>
    %mul3A_339 = arith.muli %min3A_336, %mul3A_338 : vector<16xi32>
    %gather3A_340 = tpu.vector_load_idx %arg15[%mul3A_339] : memref<800xf32, #tpu.memory_space<vmem>>[vector<16xi32>], vector<16xf32>,
    %add3A_341 = arith.constant 1 : i32
    %add3A_342 = vector.broadcast %add3A_341 : i32 to vector<16xi32>
    %add3A_343 = arith.addi %mul3A_339, %add3A_342 : vector<16xi32>
    %gather3A_344 = tpu.vector_load_idx %arg15[%add3A_343] : memref<800xf32, #tpu.memory_space<vmem>>[vector<16xi32>], vector<16xf32>,
    %add3A_345 = arith.constant 2 : i32
    %add3A_346 = vector.broadcast %add3A_345 : i32 to vector<16xi32>
    %add3A_347 = arith.addi %mul3A_339, %add3A_346 : vector<16xi32>
    %gather3A_348 = tpu.vector_load_idx %arg15[%add3A_347] : memref<800xf32, #tpu.memory_space<vmem>>[vector<16xi32>], vector<16xf32>,
    %add3A_349 = arith.constant 3 : i32
    %add3A_350 = vector.broadcast %add3A_349 : i32 to vector<16xi32>
    %add3A_351 = arith.addi %mul3A_339, %add3A_350 : vector<16xi32>
    %gather3A_352 = tpu.vector_load_idx %arg15[%add3A_351] : memref<800xf32, #tpu.memory_space<vmem>>[vector<16xi32>], vector<16xf32>,
    %add3A_353 = arith.addf %gather3A_340, %gather3A_348 : vector<16xf32>
    %mul3A_354 = arith.constant 5.000000e-01 : f32
    %mul3A_355 = vector.broadcast %mul3A_354 : f32 to vector<16xf32>
    %mul3A_356 = arith.mulf %mul3A_355, %add3A_353 : vector<16xf32>
    %swap3A_357 = arith.constant 128 : index
    %swap3A_358 = tpu.vector_load %arg16[%swap3A_357] {strides = array<i32>} : memref<208xf32, #tpu.memory_space<vmem>>, vector<16xf32>,
    tpu.vector_store %arg16[%swap3A_357], %mul3A_356 {strides = array<i32>} : memref<208xf32, #tpu.memory_space<vmem>>, vector<16xf32>,
    %add3A_359 = arith.addf %gather3A_344, %gather3A_352 : vector<16xf32>
    %mul3A_360 = arith.constant 5.000000e-01 : f32
    %mul3A_361 = vector.broadcast %mul3A_360 : f32 to vector<16xf32>
    %mul3A_362 = arith.mulf %mul3A_361, %add3A_359 : vector<16xf32>
    %swap3A_363 = arith.constant 128 : index
    %swap3A_364 = tpu.vector_load %arg17[%swap3A_363] {strides = array<i32>} : memref<208xf32, #tpu.memory_space<vmem>>, vector<16xf32>,
    tpu.vector_store %arg17[%swap3A_363], %mul3A_362 {strides = array<i32>} : memref<208xf32, #tpu.memory_space<vmem>>, vector<16xf32>,
    %sub3A_365 = arith.subf %gather3A_348, %gather3A_340 : vector<16xf32>
    %swap3A_366 = arith.constant 128 : index
    %swap3A_367 = tpu.vector_load %arg18[%swap3A_366] {strides = array<i32>} : memref<208xf32, #tpu.memory_space<vmem>>, vector<16xf32>,
    tpu.vector_store %arg18[%swap3A_366], %sub3A_365 {strides = array<i32>} : memref<208xf32, #tpu.memory_space<vmem>>, vector<16xf32>,
    %sub3A_368 = arith.subf %gather3A_352, %gather3A_344 : vector<16xf32>
    %swap3A_369 = arith.constant 128 : index
    %swap3A_370 = tpu.vector_load %arg19[%swap3A_369] {strides = array<i32>} : memref<208xf32, #tpu.memory_space<vmem>>, vector<16xf32>,
    tpu.vector_store %arg19[%swap3A_369], %sub3A_368 {strides = array<i32>} : memref<208xf32, #tpu.memory_space<vmem>>, vector<16xf32>,
    %add3A_371 = arith.constant 144 : i32
    %add3A_372 = vector.broadcast %add3A_371 : i32 to vector<16xi32>
    %add3A_373 = arith.addi %iota3A, %add3A_372 : vector<16xi32>
    %min3A_374 = arith.constant 199 : i32
    %min3A_375 = vector.broadcast %min3A_374 : i32 to vector<16xi32>
    %min3A_376 = arith.minsi %add3A_373, %min3A_375 : vector<16xi32>
    %mul3A_377 = arith.constant 4 : i32
    %mul3A_378 = vector.broadcast %mul3A_377 : i32 to vector<16xi32>
    %mul3A_379 = arith.muli %min3A_376, %mul3A_378 : vector<16xi32>
    %gather3A_380 = tpu.vector_load_idx %arg15[%mul3A_379] : memref<800xf32, #tpu.memory_space<vmem>>[vector<16xi32>], vector<16xf32>,
    %add3A_381 = arith.constant 1 : i32
    %add3A_382 = vector.broadcast %add3A_381 : i32 to vector<16xi32>
    %add3A_383 = arith.addi %mul3A_379, %add3A_382 : vector<16xi32>
    %gather3A_384 = tpu.vector_load_idx %arg15[%add3A_383] : memref<800xf32, #tpu.memory_space<vmem>>[vector<16xi32>], vector<16xf32>,
    %add3A_385 = arith.constant 2 : i32
    %add3A_386 = vector.broadcast %add3A_385 : i32 to vector<16xi32>
    %add3A_387 = arith.addi %mul3A_379, %add3A_386 : vector<16xi32>
    %gather3A_388 = tpu.vector_load_idx %arg15[%add3A_387] : memref<800xf32, #tpu.memory_space<vmem>>[vector<16xi32>], vector<16xf32>,
    %add3A_389 = arith.constant 3 : i32
    %add3A_390 = vector.broadcast %add3A_389 : i32 to vector<16xi32>
    %add3A_391 = arith.addi %mul3A_379, %add3A_390 : vector<16xi32>
    %gather3A_392 = tpu.vector_load_idx %arg15[%add3A_391] : memref<800xf32, #tpu.memory_space<vmem>>[vector<16xi32>], vector<16xf32>,
    %add3A_393 = arith.addf %gather3A_380, %gather3A_388 : vector<16xf32>
    %mul3A_394 = arith.constant 5.000000e-01 : f32
    %mul3A_395 = vector.broadcast %mul3A_394 : f32 to vector<16xf32>
    %mul3A_396 = arith.mulf %mul3A_395, %add3A_393 : vector<16xf32>
    %swap3A_397 = arith.constant 144 : index
    %swap3A_398 = tpu.vector_load %arg16[%swap3A_397] {strides = array<i32>} : memref<208xf32, #tpu.memory_space<vmem>>, vector<16xf32>,
    tpu.vector_store %arg16[%swap3A_397], %mul3A_396 {strides = array<i32>} : memref<208xf32, #tpu.memory_space<vmem>>, vector<16xf32>,
    %add3A_399 = arith.addf %gather3A_384, %gather3A_392 : vector<16xf32>
    %mul3A_400 = arith.constant 5.000000e-01 : f32
    %mul3A_401 = vector.broadcast %mul3A_400 : f32 to vector<16xf32>
    %mul3A_402 = arith.mulf %mul3A_401, %add3A_399 : vector<16xf32>
    %swap3A_403 = arith.constant 144 : index
    %swap3A_404 = tpu.vector_load %arg17[%swap3A_403] {strides = array<i32>} : memref<208xf32, #tpu.memory_space<vmem>>, vector<16xf32>,
    tpu.vector_store %arg17[%swap3A_403], %mul3A_402 {strides = array<i32>} : memref<208xf32, #tpu.memory_space<vmem>>, vector<16xf32>,
    %sub3A_405 = arith.subf %gather3A_388, %gather3A_380 : vector<16xf32>
    %swap3A_406 = arith.constant 144 : index
    %swap3A_407 = tpu.vector_load %arg18[%swap3A_406] {strides = array<i32>} : memref<208xf32, #tpu.memory_space<vmem>>, vector<16xf32>,
    tpu.vector_store %arg18[%swap3A_406], %sub3A_405 {strides = array<i32>} : memref<208xf32, #tpu.memory_space<vmem>>, vector<16xf32>,
    %sub3A_408 = arith.subf %gather3A_392, %gather3A_384 : vector<16xf32>
    %swap3A_409 = arith.constant 144 : index
    %swap3A_410 = tpu.vector_load %arg19[%swap3A_409] {strides = array<i32>} : memref<208xf32, #tpu.memory_space<vmem>>, vector<16xf32>,
    tpu.vector_store %arg19[%swap3A_409], %sub3A_408 {strides = array<i32>} : memref<208xf32, #tpu.memory_space<vmem>>, vector<16xf32>,
    %add3A_411 = arith.constant 160 : i32
    %add3A_412 = vector.broadcast %add3A_411 : i32 to vector<16xi32>
    %add3A_413 = arith.addi %iota3A, %add3A_412 : vector<16xi32>
    %min3A_414 = arith.constant 199 : i32
    %min3A_415 = vector.broadcast %min3A_414 : i32 to vector<16xi32>
    %min3A_416 = arith.minsi %add3A_413, %min3A_415 : vector<16xi32>
    %mul3A_417 = arith.constant 4 : i32
    %mul3A_418 = vector.broadcast %mul3A_417 : i32 to vector<16xi32>
    %mul3A_419 = arith.muli %min3A_416, %mul3A_418 : vector<16xi32>
    %gather3A_420 = tpu.vector_load_idx %arg15[%mul3A_419] : memref<800xf32, #tpu.memory_space<vmem>>[vector<16xi32>], vector<16xf32>,
    %add3A_421 = arith.constant 1 : i32
    %add3A_422 = vector.broadcast %add3A_421 : i32 to vector<16xi32>
    %add3A_423 = arith.addi %mul3A_419, %add3A_422 : vector<16xi32>
    %gather3A_424 = tpu.vector_load_idx %arg15[%add3A_423] : memref<800xf32, #tpu.memory_space<vmem>>[vector<16xi32>], vector<16xf32>,
    %add3A_425 = arith.constant 2 : i32
    %add3A_426 = vector.broadcast %add3A_425 : i32 to vector<16xi32>
    %add3A_427 = arith.addi %mul3A_419, %add3A_426 : vector<16xi32>
    %gather3A_428 = tpu.vector_load_idx %arg15[%add3A_427] : memref<800xf32, #tpu.memory_space<vmem>>[vector<16xi32>], vector<16xf32>,
    %add3A_429 = arith.constant 3 : i32
    %add3A_430 = vector.broadcast %add3A_429 : i32 to vector<16xi32>
    %add3A_431 = arith.addi %mul3A_419, %add3A_430 : vector<16xi32>
    %gather3A_432 = tpu.vector_load_idx %arg15[%add3A_431] : memref<800xf32, #tpu.memory_space<vmem>>[vector<16xi32>], vector<16xf32>,
    %add3A_433 = arith.addf %gather3A_420, %gather3A_428 : vector<16xf32>
    %mul3A_434 = arith.constant 5.000000e-01 : f32
    %mul3A_435 = vector.broadcast %mul3A_434 : f32 to vector<16xf32>
    %mul3A_436 = arith.mulf %mul3A_435, %add3A_433 : vector<16xf32>
    %swap3A_437 = arith.constant 160 : index
    %swap3A_438 = tpu.vector_load %arg16[%swap3A_437] {strides = array<i32>} : memref<208xf32, #tpu.memory_space<vmem>>, vector<16xf32>,
    tpu.vector_store %arg16[%swap3A_437], %mul3A_436 {strides = array<i32>} : memref<208xf32, #tpu.memory_space<vmem>>, vector<16xf32>,
    %add3A_439 = arith.addf %gather3A_424, %gather3A_432 : vector<16xf32>
    %mul3A_440 = arith.constant 5.000000e-01 : f32
    %mul3A_441 = vector.broadcast %mul3A_440 : f32 to vector<16xf32>
    %mul3A_442 = arith.mulf %mul3A_441, %add3A_439 : vector<16xf32>
    %swap3A_443 = arith.constant 160 : index
    %swap3A_444 = tpu.vector_load %arg17[%swap3A_443] {strides = array<i32>} : memref<208xf32, #tpu.memory_space<vmem>>, vector<16xf32>,
    tpu.vector_store %arg17[%swap3A_443], %mul3A_442 {strides = array<i32>} : memref<208xf32, #tpu.memory_space<vmem>>, vector<16xf32>,
    %sub3A_445 = arith.subf %gather3A_428, %gather3A_420 : vector<16xf32>
    %swap3A_446 = arith.constant 160 : index
    %swap3A_447 = tpu.vector_load %arg18[%swap3A_446] {strides = array<i32>} : memref<208xf32, #tpu.memory_space<vmem>>, vector<16xf32>,
    tpu.vector_store %arg18[%swap3A_446], %sub3A_445 {strides = array<i32>} : memref<208xf32, #tpu.memory_space<vmem>>, vector<16xf32>,
    %sub3A_448 = arith.subf %gather3A_432, %gather3A_424 : vector<16xf32>
    %swap3A_449 = arith.constant 160 : index
    %swap3A_450 = tpu.vector_load %arg19[%swap3A_449] {strides = array<i32>} : memref<208xf32, #tpu.memory_space<vmem>>, vector<16xf32>,
    tpu.vector_store %arg19[%swap3A_449], %sub3A_448 {strides = array<i32>} : memref<208xf32, #tpu.memory_space<vmem>>, vector<16xf32>,
    %add3A_451 = arith.constant 176 : i32
    %add3A_452 = vector.broadcast %add3A_451 : i32 to vector<16xi32>
    %add3A_453 = arith.addi %iota3A, %add3A_452 : vector<16xi32>
    %min3A_454 = arith.constant 199 : i32
    %min3A_455 = vector.broadcast %min3A_454 : i32 to vector<16xi32>
    %min3A_456 = arith.minsi %add3A_453, %min3A_455 : vector<16xi32>
    %mul3A_457 = arith.constant 4 : i32
    %mul3A_458 = vector.broadcast %mul3A_457 : i32 to vector<16xi32>
    %mul3A_459 = arith.muli %min3A_456, %mul3A_458 : vector<16xi32>
    %gather3A_460 = tpu.vector_load_idx %arg15[%mul3A_459] : memref<800xf32, #tpu.memory_space<vmem>>[vector<16xi32>], vector<16xf32>,
    %add3A_461 = arith.constant 1 : i32
    %add3A_462 = vector.broadcast %add3A_461 : i32 to vector<16xi32>
    %add3A_463 = arith.addi %mul3A_459, %add3A_462 : vector<16xi32>
    %gather3A_464 = tpu.vector_load_idx %arg15[%add3A_463] : memref<800xf32, #tpu.memory_space<vmem>>[vector<16xi32>], vector<16xf32>,
    %add3A_465 = arith.constant 2 : i32
    %add3A_466 = vector.broadcast %add3A_465 : i32 to vector<16xi32>
    %add3A_467 = arith.addi %mul3A_459, %add3A_466 : vector<16xi32>
    %gather3A_468 = tpu.vector_load_idx %arg15[%add3A_467] : memref<800xf32, #tpu.memory_space<vmem>>[vector<16xi32>], vector<16xf32>,
    %add3A_469 = arith.constant 3 : i32
    %add3A_470 = vector.broadcast %add3A_469 : i32 to vector<16xi32>
    %add3A_471 = arith.addi %mul3A_459, %add3A_470 : vector<16xi32>
    %gather3A_472 = tpu.vector_load_idx %arg15[%add3A_471] : memref<800xf32, #tpu.memory_space<vmem>>[vector<16xi32>], vector<16xf32>,
    %add3A_473 = arith.addf %gather3A_460, %gather3A_468 : vector<16xf32>
    %mul3A_474 = arith.constant 5.000000e-01 : f32
    %mul3A_475 = vector.broadcast %mul3A_474 : f32 to vector<16xf32>
    %mul3A_476 = arith.mulf %mul3A_475, %add3A_473 : vector<16xf32>
    %swap3A_477 = arith.constant 176 : index
    %swap3A_478 = tpu.vector_load %arg16[%swap3A_477] {strides = array<i32>} : memref<208xf32, #tpu.memory_space<vmem>>, vector<16xf32>,
    tpu.vector_store %arg16[%swap3A_477], %mul3A_476 {strides = array<i32>} : memref<208xf32, #tpu.memory_space<vmem>>, vector<16xf32>,
    %add3A_479 = arith.addf %gather3A_464, %gather3A_472 : vector<16xf32>
    %mul3A_480 = arith.constant 5.000000e-01 : f32
    %mul3A_481 = vector.broadcast %mul3A_480 : f32 to vector<16xf32>
    %mul3A_482 = arith.mulf %mul3A_481, %add3A_479 : vector<16xf32>
    %swap3A_483 = arith.constant 176 : index
    %swap3A_484 = tpu.vector_load %arg17[%swap3A_483] {strides = array<i32>} : memref<208xf32, #tpu.memory_space<vmem>>, vector<16xf32>,
    tpu.vector_store %arg17[%swap3A_483], %mul3A_482 {strides = array<i32>} : memref<208xf32, #tpu.memory_space<vmem>>, vector<16xf32>,
    %sub3A_485 = arith.subf %gather3A_468, %gather3A_460 : vector<16xf32>
    %swap3A_486 = arith.constant 176 : index
    %swap3A_487 = tpu.vector_load %arg18[%swap3A_486] {strides = array<i32>} : memref<208xf32, #tpu.memory_space<vmem>>, vector<16xf32>,
    tpu.vector_store %arg18[%swap3A_486], %sub3A_485 {strides = array<i32>} : memref<208xf32, #tpu.memory_space<vmem>>, vector<16xf32>,
    %sub3A_488 = arith.subf %gather3A_472, %gather3A_464 : vector<16xf32>
    %swap3A_489 = arith.constant 176 : index
    %swap3A_490 = tpu.vector_load %arg19[%swap3A_489] {strides = array<i32>} : memref<208xf32, #tpu.memory_space<vmem>>, vector<16xf32>,
    tpu.vector_store %arg19[%swap3A_489], %sub3A_488 {strides = array<i32>} : memref<208xf32, #tpu.memory_space<vmem>>, vector<16xf32>,
    %add3A_491 = arith.constant 192 : i32
    %add3A_492 = vector.broadcast %add3A_491 : i32 to vector<16xi32>
    %add3A_493 = arith.addi %iota3A, %add3A_492 : vector<16xi32>
    %min3A_494 = arith.constant 199 : i32
    %min3A_495 = vector.broadcast %min3A_494 : i32 to vector<16xi32>
    %min3A_496 = arith.minsi %add3A_493, %min3A_495 : vector<16xi32>
    %mul3A_497 = arith.constant 4 : i32
    %mul3A_498 = vector.broadcast %mul3A_497 : i32 to vector<16xi32>
    %mul3A_499 = arith.muli %min3A_496, %mul3A_498 : vector<16xi32>
    %gather3A_500 = tpu.vector_load_idx %arg15[%mul3A_499] : memref<800xf32, #tpu.memory_space<vmem>>[vector<16xi32>], vector<16xf32>,
    %add3A_501 = arith.constant 1 : i32
    %add3A_502 = vector.broadcast %add3A_501 : i32 to vector<16xi32>
    %add3A_503 = arith.addi %mul3A_499, %add3A_502 : vector<16xi32>
    %gather3A_504 = tpu.vector_load_idx %arg15[%add3A_503] : memref<800xf32, #tpu.memory_space<vmem>>[vector<16xi32>], vector<16xf32>,
    %add3A_505 = arith.constant 2 : i32
    %add3A_506 = vector.broadcast %add3A_505 : i32 to vector<16xi32>
    %add3A_507 = arith.addi %mul3A_499, %add3A_506 : vector<16xi32>
    %gather3A_508 = tpu.vector_load_idx %arg15[%add3A_507] : memref<800xf32, #tpu.memory_space<vmem>>[vector<16xi32>], vector<16xf32>,
    %add3A_509 = arith.constant 3 : i32
    %add3A_510 = vector.broadcast %add3A_509 : i32 to vector<16xi32>
    %add3A_511 = arith.addi %mul3A_499, %add3A_510 : vector<16xi32>
    %gather3A_512 = tpu.vector_load_idx %arg15[%add3A_511] : memref<800xf32, #tpu.memory_space<vmem>>[vector<16xi32>], vector<16xf32>,
    %add3A_513 = arith.addf %gather3A_500, %gather3A_508 : vector<16xf32>
    %mul3A_514 = arith.constant 5.000000e-01 : f32
    %mul3A_515 = vector.broadcast %mul3A_514 : f32 to vector<16xf32>
    %mul3A_516 = arith.mulf %mul3A_515, %add3A_513 : vector<16xf32>
    %swap3A_517 = arith.constant 192 : index
    %swap3A_518 = tpu.vector_load %arg16[%swap3A_517] {strides = array<i32>} : memref<208xf32, #tpu.memory_space<vmem>>, vector<16xf32>,
    tpu.vector_store %arg16[%swap3A_517], %mul3A_516 {strides = array<i32>} : memref<208xf32, #tpu.memory_space<vmem>>, vector<16xf32>,
    %add3A_519 = arith.addf %gather3A_504, %gather3A_512 : vector<16xf32>
    %mul3A_520 = arith.constant 5.000000e-01 : f32
    %mul3A_521 = vector.broadcast %mul3A_520 : f32 to vector<16xf32>
    %mul3A_522 = arith.mulf %mul3A_521, %add3A_519 : vector<16xf32>
    %swap3A_523 = arith.constant 192 : index
    %swap3A_524 = tpu.vector_load %arg17[%swap3A_523] {strides = array<i32>} : memref<208xf32, #tpu.memory_space<vmem>>, vector<16xf32>,
    tpu.vector_store %arg17[%swap3A_523], %mul3A_522 {strides = array<i32>} : memref<208xf32, #tpu.memory_space<vmem>>, vector<16xf32>,
    %sub3A_525 = arith.subf %gather3A_508, %gather3A_500 : vector<16xf32>
    %swap3A_526 = arith.constant 192 : index
    %swap3A_527 = tpu.vector_load %arg18[%swap3A_526] {strides = array<i32>} : memref<208xf32, #tpu.memory_space<vmem>>, vector<16xf32>,
    tpu.vector_store %arg18[%swap3A_526], %sub3A_525 {strides = array<i32>} : memref<208xf32, #tpu.memory_space<vmem>>, vector<16xf32>,
    %sub3A_528 = arith.subf %gather3A_512, %gather3A_504 : vector<16xf32>
    %swap3A_529 = arith.constant 192 : index
    %swap3A_530 = tpu.vector_load %arg19[%swap3A_529] {strides = array<i32>} : memref<208xf32, #tpu.memory_space<vmem>>, vector<16xf32>,
    tpu.vector_store %arg19[%swap3A_529], %sub3A_528 {strides = array<i32>} : memref<208xf32, #tpu.memory_space<vmem>>, vector<16xf32>,
    %broadcast_in_dim3A = arith.constant -1 : i32
    %broadcast_in_dim3A_531 = vector.broadcast %broadcast_in_dim3A : i32 to vector<16xi32>
    %swap3A_532 = arith.constant 0 : index
    %swap3A_533 = tpu.vector_load %arg12[%swap3A_532] {strides = array<i32>} : memref<640xi32, #tpu.memory_space<vmem>>, vector<16xi32>,
    tpu.vector_store %arg12[%swap3A_532], %broadcast_in_dim3A_531 {strides = array<i32>} : memref<640xi32, #tpu.memory_space<vmem>>, vector<16xi32>,
    %broadcast_in_dim3A_534 = arith.constant -1 : i32
    %broadcast_in_dim3A_535 = vector.broadcast %broadcast_in_dim3A_534 : i32 to vector<16xi32>
    %swap3A_536 = arith.constant 16 : index
    %swap3A_537 = tpu.vector_load %arg12[%swap3A_536] {strides = array<i32>} : memref<640xi32, #tpu.memory_space<vmem>>, vector<16xi32>,
    tpu.vector_store %arg12[%swap3A_536], %broadcast_in_dim3A_535 {strides = array<i32>} : memref<640xi32, #tpu.memory_space<vmem>>, vector<16xi32>,
    %broadcast_in_dim3A_538 = arith.constant -1 : i32
    %broadcast_in_dim3A_539 = vector.broadcast %broadcast_in_dim3A_538 : i32 to vector<16xi32>
    %swap3A_540 = arith.constant 32 : index
    %swap3A_541 = tpu.vector_load %arg12[%swap3A_540] {strides = array<i32>} : memref<640xi32, #tpu.memory_space<vmem>>, vector<16xi32>,
    tpu.vector_store %arg12[%swap3A_540], %broadcast_in_dim3A_539 {strides = array<i32>} : memref<640xi32, #tpu.memory_space<vmem>>, vector<16xi32>,
    %broadcast_in_dim3A_542 = arith.constant -1 : i32
    %broadcast_in_dim3A_543 = vector.broadcast %broadcast_in_dim3A_542 : i32 to vector<16xi32>
    %swap3A_544 = arith.constant 48 : index
    %swap3A_545 = tpu.vector_load %arg12[%swap3A_544] {strides = array<i32>} : memref<640xi32, #tpu.memory_space<vmem>>, vector<16xi32>,
    tpu.vector_store %arg12[%swap3A_544], %broadcast_in_dim3A_543 {strides = array<i32>} : memref<640xi32, #tpu.memory_space<vmem>>, vector<16xi32>,
    %broadcast_in_dim3A_546 = arith.constant -1 : i32
    %broadcast_in_dim3A_547 = vector.broadcast %broadcast_in_dim3A_546 : i32 to vector<16xi32>
    %swap3A_548 = arith.constant 64 : index
    %swap3A_549 = tpu.vector_load %arg12[%swap3A_548] {strides = array<i32>} : memref<640xi32, #tpu.memory_space<vmem>>, vector<16xi32>,
    tpu.vector_store %arg12[%swap3A_548], %broadcast_in_dim3A_547 {strides = array<i32>} : memref<640xi32, #tpu.memory_space<vmem>>, vector<16xi32>,
    %broadcast_in_dim3A_550 = arith.constant -1 : i32
    %broadcast_in_dim3A_551 = vector.broadcast %broadcast_in_dim3A_550 : i32 to vector<16xi32>
    %swap3A_552 = arith.constant 80 : index
    %swap3A_553 = tpu.vector_load %arg12[%swap3A_552] {strides = array<i32>} : memref<640xi32, #tpu.memory_space<vmem>>, vector<16xi32>,
    tpu.vector_store %arg12[%swap3A_552], %broadcast_in_dim3A_551 {strides = array<i32>} : memref<640xi32, #tpu.memory_space<vmem>>, vector<16xi32>,
    %broadcast_in_dim3A_554 = arith.constant -1 : i32
    %broadcast_in_dim3A_555 = vector.broadcast %broadcast_in_dim3A_554 : i32 to vector<16xi32>
    %swap3A_556 = arith.constant 96 : index
    %swap3A_557 = tpu.vector_load %arg12[%swap3A_556] {strides = array<i32>} : memref<640xi32, #tpu.memory_space<vmem>>, vector<16xi32>,
    tpu.vector_store %arg12[%swap3A_556], %broadcast_in_dim3A_555 {strides = array<i32>} : memref<640xi32, #tpu.memory_space<vmem>>, vector<16xi32>,
    %broadcast_in_dim3A_558 = arith.constant -1 : i32
    %broadcast_in_dim3A_559 = vector.broadcast %broadcast_in_dim3A_558 : i32 to vector<16xi32>
    %swap3A_560 = arith.constant 112 : index
    %swap3A_561 = tpu.vector_load %arg12[%swap3A_560] {strides = array<i32>} : memref<640xi32, #tpu.memory_space<vmem>>, vector<16xi32>,
    tpu.vector_store %arg12[%swap3A_560], %broadcast_in_dim3A_559 {strides = array<i32>} : memref<640xi32, #tpu.memory_space<vmem>>, vector<16xi32>,
    %broadcast_in_dim3A_562 = arith.constant -1 : i32
    %broadcast_in_dim3A_563 = vector.broadcast %broadcast_in_dim3A_562 : i32 to vector<16xi32>
    %swap3A_564 = arith.constant 128 : index
    %swap3A_565 = tpu.vector_load %arg12[%swap3A_564] {strides = array<i32>} : memref<640xi32, #tpu.memory_space<vmem>>, vector<16xi32>,
    tpu.vector_store %arg12[%swap3A_564], %broadcast_in_dim3A_563 {strides = array<i32>} : memref<640xi32, #tpu.memory_space<vmem>>, vector<16xi32>,
    %broadcast_in_dim3A_566 = arith.constant -1 : i32
    %broadcast_in_dim3A_567 = vector.broadcast %broadcast_in_dim3A_566 : i32 to vector<16xi32>
    %swap3A_568 = arith.constant 144 : index
    %swap3A_569 = tpu.vector_load %arg12[%swap3A_568] {strides = array<i32>} : memref<640xi32, #tpu.memory_space<vmem>>, vector<16xi32>,
    tpu.vector_store %arg12[%swap3A_568], %broadcast_in_dim3A_567 {strides = array<i32>} : memref<640xi32, #tpu.memory_space<vmem>>, vector<16xi32>,
    %broadcast_in_dim3A_570 = arith.constant -1 : i32
    %broadcast_in_dim3A_571 = vector.broadcast %broadcast_in_dim3A_570 : i32 to vector<16xi32>
    %swap3A_572 = arith.constant 160 : index
    %swap3A_573 = tpu.vector_load %arg12[%swap3A_572] {strides = array<i32>} : memref<640xi32, #tpu.memory_space<vmem>>, vector<16xi32>,
    tpu.vector_store %arg12[%swap3A_572], %broadcast_in_dim3A_571 {strides = array<i32>} : memref<640xi32, #tpu.memory_space<vmem>>, vector<16xi32>,
    %broadcast_in_dim3A_574 = arith.constant -1 : i32
    %broadcast_in_dim3A_575 = vector.broadcast %broadcast_in_dim3A_574 : i32 to vector<16xi32>
    %swap3A_576 = arith.constant 176 : index
    %swap3A_577 = tpu.vector_load %arg12[%swap3A_576] {strides = array<i32>} : memref<640xi32, #tpu.memory_space<vmem>>, vector<16xi32>,
    tpu.vector_store %arg12[%swap3A_576], %broadcast_in_dim3A_575 {strides = array<i32>} : memref<640xi32, #tpu.memory_space<vmem>>, vector<16xi32>,
    %broadcast_in_dim3A_578 = arith.constant -1 : i32
    %broadcast_in_dim3A_579 = vector.broadcast %broadcast_in_dim3A_578 : i32 to vector<16xi32>
    %swap3A_580 = arith.constant 192 : index
    %swap3A_581 = tpu.vector_load %arg12[%swap3A_580] {strides = array<i32>} : memref<640xi32, #tpu.memory_space<vmem>>, vector<16xi32>,
    tpu.vector_store %arg12[%swap3A_580], %broadcast_in_dim3A_579 {strides = array<i32>} : memref<640xi32, #tpu.memory_space<vmem>>, vector<16xi32>,
    %broadcast_in_dim3A_582 = arith.constant -1 : i32
    %broadcast_in_dim3A_583 = vector.broadcast %broadcast_in_dim3A_582 : i32 to vector<16xi32>
    %swap3A_584 = arith.constant 208 : index
    %swap3A_585 = tpu.vector_load %arg12[%swap3A_584] {strides = array<i32>} : memref<640xi32, #tpu.memory_space<vmem>>, vector<16xi32>,
    tpu.vector_store %arg12[%swap3A_584], %broadcast_in_dim3A_583 {strides = array<i32>} : memref<640xi32, #tpu.memory_space<vmem>>, vector<16xi32>,
    %broadcast_in_dim3A_586 = arith.constant -1 : i32
    %broadcast_in_dim3A_587 = vector.broadcast %broadcast_in_dim3A_586 : i32 to vector<16xi32>
    %swap3A_588 = arith.constant 224 : index
    %swap3A_589 = tpu.vector_load %arg12[%swap3A_588] {strides = array<i32>} : memref<640xi32, #tpu.memory_space<vmem>>, vector<16xi32>,
    tpu.vector_store %arg12[%swap3A_588], %broadcast_in_dim3A_587 {strides = array<i32>} : memref<640xi32, #tpu.memory_space<vmem>>, vector<16xi32>,
    %broadcast_in_dim3A_590 = arith.constant -1 : i32
    %broadcast_in_dim3A_591 = vector.broadcast %broadcast_in_dim3A_590 : i32 to vector<16xi32>
    %swap3A_592 = arith.constant 240 : index
    %swap3A_593 = tpu.vector_load %arg12[%swap3A_592] {strides = array<i32>} : memref<640xi32, #tpu.memory_space<vmem>>, vector<16xi32>,
    tpu.vector_store %arg12[%swap3A_592], %broadcast_in_dim3A_591 {strides = array<i32>} : memref<640xi32, #tpu.memory_space<vmem>>, vector<16xi32>,
    %broadcast_in_dim3A_594 = arith.constant -1 : i32
    %broadcast_in_dim3A_595 = vector.broadcast %broadcast_in_dim3A_594 : i32 to vector<16xi32>
    %swap3A_596 = arith.constant 256 : index
    %swap3A_597 = tpu.vector_load %arg12[%swap3A_596] {strides = array<i32>} : memref<640xi32, #tpu.memory_space<vmem>>, vector<16xi32>,
    tpu.vector_store %arg12[%swap3A_596], %broadcast_in_dim3A_595 {strides = array<i32>} : memref<640xi32, #tpu.memory_space<vmem>>, vector<16xi32>,
    %broadcast_in_dim3A_598 = arith.constant -1 : i32
    %broadcast_in_dim3A_599 = vector.broadcast %broadcast_in_dim3A_598 : i32 to vector<16xi32>
    %swap3A_600 = arith.constant 272 : index
    %swap3A_601 = tpu.vector_load %arg12[%swap3A_600] {strides = array<i32>} : memref<640xi32, #tpu.memory_space<vmem>>, vector<16xi32>,
    tpu.vector_store %arg12[%swap3A_600], %broadcast_in_dim3A_599 {strides = array<i32>} : memref<640xi32, #tpu.memory_space<vmem>>, vector<16xi32>,
    %broadcast_in_dim3A_602 = arith.constant -1 : i32
    %broadcast_in_dim3A_603 = vector.broadcast %broadcast_in_dim3A_602 : i32 to vector<16xi32>
    %swap3A_604 = arith.constant 288 : index
    %swap3A_605 = tpu.vector_load %arg12[%swap3A_604] {strides = array<i32>} : memref<640xi32, #tpu.memory_space<vmem>>, vector<16xi32>,
    tpu.vector_store %arg12[%swap3A_604], %broadcast_in_dim3A_603 {strides = array<i32>} : memref<640xi32, #tpu.memory_space<vmem>>, vector<16xi32>,
    %broadcast_in_dim3A_606 = arith.constant -1 : i32
    %broadcast_in_dim3A_607 = vector.broadcast %broadcast_in_dim3A_606 : i32 to vector<16xi32>
    %swap3A_608 = arith.constant 304 : index
    %swap3A_609 = tpu.vector_load %arg12[%swap3A_608] {strides = array<i32>} : memref<640xi32, #tpu.memory_space<vmem>>, vector<16xi32>,
    tpu.vector_store %arg12[%swap3A_608], %broadcast_in_dim3A_607 {strides = array<i32>} : memref<640xi32, #tpu.memory_space<vmem>>, vector<16xi32>,
    %broadcast_in_dim3A_610 = arith.constant -1 : i32
    %broadcast_in_dim3A_611 = vector.broadcast %broadcast_in_dim3A_610 : i32 to vector<16xi32>
    %swap3A_612 = arith.constant 320 : index
    %swap3A_613 = tpu.vector_load %arg12[%swap3A_612] {strides = array<i32>} : memref<640xi32, #tpu.memory_space<vmem>>, vector<16xi32>,
    tpu.vector_store %arg12[%swap3A_612], %broadcast_in_dim3A_611 {strides = array<i32>} : memref<640xi32, #tpu.memory_space<vmem>>, vector<16xi32>,
    %broadcast_in_dim3A_614 = arith.constant -1 : i32
    %broadcast_in_dim3A_615 = vector.broadcast %broadcast_in_dim3A_614 : i32 to vector<16xi32>
    %swap3A_616 = arith.constant 336 : index
    %swap3A_617 = tpu.vector_load %arg12[%swap3A_616] {strides = array<i32>} : memref<640xi32, #tpu.memory_space<vmem>>, vector<16xi32>,
    tpu.vector_store %arg12[%swap3A_616], %broadcast_in_dim3A_615 {strides = array<i32>} : memref<640xi32, #tpu.memory_space<vmem>>, vector<16xi32>,
    %broadcast_in_dim3A_618 = arith.constant -1 : i32
    %broadcast_in_dim3A_619 = vector.broadcast %broadcast_in_dim3A_618 : i32 to vector<16xi32>
    %swap3A_620 = arith.constant 352 : index
    %swap3A_621 = tpu.vector_load %arg12[%swap3A_620] {strides = array<i32>} : memref<640xi32, #tpu.memory_space<vmem>>, vector<16xi32>,
    tpu.vector_store %arg12[%swap3A_620], %broadcast_in_dim3A_619 {strides = array<i32>} : memref<640xi32, #tpu.memory_space<vmem>>, vector<16xi32>,
    %broadcast_in_dim3A_622 = arith.constant -1 : i32
    %broadcast_in_dim3A_623 = vector.broadcast %broadcast_in_dim3A_622 : i32 to vector<16xi32>
    %swap3A_624 = arith.constant 368 : index
    %swap3A_625 = tpu.vector_load %arg12[%swap3A_624] {strides = array<i32>} : memref<640xi32, #tpu.memory_space<vmem>>, vector<16xi32>,
    tpu.vector_store %arg12[%swap3A_624], %broadcast_in_dim3A_623 {strides = array<i32>} : memref<640xi32, #tpu.memory_space<vmem>>, vector<16xi32>,
    %broadcast_in_dim3A_626 = arith.constant -1 : i32
    %broadcast_in_dim3A_627 = vector.broadcast %broadcast_in_dim3A_626 : i32 to vector<16xi32>
    %swap3A_628 = arith.constant 384 : index
    %swap3A_629 = tpu.vector_load %arg12[%swap3A_628] {strides = array<i32>} : memref<640xi32, #tpu.memory_space<vmem>>, vector<16xi32>,
    tpu.vector_store %arg12[%swap3A_628], %broadcast_in_dim3A_627 {strides = array<i32>} : memref<640xi32, #tpu.memory_space<vmem>>, vector<16xi32>,
    %broadcast_in_dim3A_630 = arith.constant -1 : i32
    %broadcast_in_dim3A_631 = vector.broadcast %broadcast_in_dim3A_630 : i32 to vector<16xi32>
    %swap3A_632 = arith.constant 400 : index
    %swap3A_633 = tpu.vector_load %arg12[%swap3A_632] {strides = array<i32>} : memref<640xi32, #tpu.memory_space<vmem>>, vector<16xi32>,
    tpu.vector_store %arg12[%swap3A_632], %broadcast_in_dim3A_631 {strides = array<i32>} : memref<640xi32, #tpu.memory_space<vmem>>, vector<16xi32>,
    %broadcast_in_dim3A_634 = arith.constant -1 : i32
    %broadcast_in_dim3A_635 = vector.broadcast %broadcast_in_dim3A_634 : i32 to vector<16xi32>
    %swap3A_636 = arith.constant 416 : index
    %swap3A_637 = tpu.vector_load %arg12[%swap3A_636] {strides = array<i32>} : memref<640xi32, #tpu.memory_space<vmem>>, vector<16xi32>,
    tpu.vector_store %arg12[%swap3A_636], %broadcast_in_dim3A_635 {strides = array<i32>} : memref<640xi32, #tpu.memory_space<vmem>>, vector<16xi32>,
    %broadcast_in_dim3A_638 = arith.constant -1 : i32
    %broadcast_in_dim3A_639 = vector.broadcast %broadcast_in_dim3A_638 : i32 to vector<16xi32>
    %swap3A_640 = arith.constant 432 : index
    %swap3A_641 = tpu.vector_load %arg12[%swap3A_640] {strides = array<i32>} : memref<640xi32, #tpu.memory_space<vmem>>, vector<16xi32>,
    tpu.vector_store %arg12[%swap3A_640], %broadcast_in_dim3A_639 {strides = array<i32>} : memref<640xi32, #tpu.memory_space<vmem>>, vector<16xi32>,
    %broadcast_in_dim3A_642 = arith.constant -1 : i32
    %broadcast_in_dim3A_643 = vector.broadcast %broadcast_in_dim3A_642 : i32 to vector<16xi32>
    %swap3A_644 = arith.constant 448 : index
    %swap3A_645 = tpu.vector_load %arg12[%swap3A_644] {strides = array<i32>} : memref<640xi32, #tpu.memory_space<vmem>>, vector<16xi32>,
    tpu.vector_store %arg12[%swap3A_644], %broadcast_in_dim3A_643 {strides = array<i32>} : memref<640xi32, #tpu.memory_space<vmem>>, vector<16xi32>,
    %broadcast_in_dim3A_646 = arith.constant -1 : i32
    %broadcast_in_dim3A_647 = vector.broadcast %broadcast_in_dim3A_646 : i32 to vector<16xi32>
    %swap3A_648 = arith.constant 464 : index
    %swap3A_649 = tpu.vector_load %arg12[%swap3A_648] {strides = array<i32>} : memref<640xi32, #tpu.memory_space<vmem>>, vector<16xi32>,
    tpu.vector_store %arg12[%swap3A_648], %broadcast_in_dim3A_647 {strides = array<i32>} : memref<640xi32, #tpu.memory_space<vmem>>, vector<16xi32>,
    %broadcast_in_dim3A_650 = arith.constant -1 : i32
    %broadcast_in_dim3A_651 = vector.broadcast %broadcast_in_dim3A_650 : i32 to vector<16xi32>
    %swap3A_652 = arith.constant 480 : index
    %swap3A_653 = tpu.vector_load %arg12[%swap3A_652] {strides = array<i32>} : memref<640xi32, #tpu.memory_space<vmem>>, vector<16xi32>,
    tpu.vector_store %arg12[%swap3A_652], %broadcast_in_dim3A_651 {strides = array<i32>} : memref<640xi32, #tpu.memory_space<vmem>>, vector<16xi32>,
    %broadcast_in_dim3A_654 = arith.constant -1 : i32
    %broadcast_in_dim3A_655 = vector.broadcast %broadcast_in_dim3A_654 : i32 to vector<16xi32>
    %swap3A_656 = arith.constant 496 : index
    %swap3A_657 = tpu.vector_load %arg12[%swap3A_656] {strides = array<i32>} : memref<640xi32, #tpu.memory_space<vmem>>, vector<16xi32>,
    tpu.vector_store %arg12[%swap3A_656], %broadcast_in_dim3A_655 {strides = array<i32>} : memref<640xi32, #tpu.memory_space<vmem>>, vector<16xi32>,
    %broadcast_in_dim3A_658 = arith.constant -1 : i32
    %broadcast_in_dim3A_659 = vector.broadcast %broadcast_in_dim3A_658 : i32 to vector<16xi32>
    %swap3A_660 = arith.constant 512 : index
    %swap3A_661 = tpu.vector_load %arg12[%swap3A_660] {strides = array<i32>} : memref<640xi32, #tpu.memory_space<vmem>>, vector<16xi32>,
    tpu.vector_store %arg12[%swap3A_660], %broadcast_in_dim3A_659 {strides = array<i32>} : memref<640xi32, #tpu.memory_space<vmem>>, vector<16xi32>,
    %broadcast_in_dim3A_662 = arith.constant -1 : i32
    %broadcast_in_dim3A_663 = vector.broadcast %broadcast_in_dim3A_662 : i32 to vector<16xi32>
    %swap3A_664 = arith.constant 528 : index
    %swap3A_665 = tpu.vector_load %arg12[%swap3A_664] {strides = array<i32>} : memref<640xi32, #tpu.memory_space<vmem>>, vector<16xi32>,
    tpu.vector_store %arg12[%swap3A_664], %broadcast_in_dim3A_663 {strides = array<i32>} : memref<640xi32, #tpu.memory_space<vmem>>, vector<16xi32>,
    %broadcast_in_dim3A_666 = arith.constant -1 : i32
    %broadcast_in_dim3A_667 = vector.broadcast %broadcast_in_dim3A_666 : i32 to vector<16xi32>
    %swap3A_668 = arith.constant 544 : index
    %swap3A_669 = tpu.vector_load %arg12[%swap3A_668] {strides = array<i32>} : memref<640xi32, #tpu.memory_space<vmem>>, vector<16xi32>,
    tpu.vector_store %arg12[%swap3A_668], %broadcast_in_dim3A_667 {strides = array<i32>} : memref<640xi32, #tpu.memory_space<vmem>>, vector<16xi32>,
    %broadcast_in_dim3A_670 = arith.constant -1 : i32
    %broadcast_in_dim3A_671 = vector.broadcast %broadcast_in_dim3A_670 : i32 to vector<16xi32>
    %swap3A_672 = arith.constant 560 : index
    %swap3A_673 = tpu.vector_load %arg12[%swap3A_672] {strides = array<i32>} : memref<640xi32, #tpu.memory_space<vmem>>, vector<16xi32>,
    tpu.vector_store %arg12[%swap3A_672], %broadcast_in_dim3A_671 {strides = array<i32>} : memref<640xi32, #tpu.memory_space<vmem>>, vector<16xi32>,
    %broadcast_in_dim3A_674 = arith.constant -1 : i32
    %broadcast_in_dim3A_675 = vector.broadcast %broadcast_in_dim3A_674 : i32 to vector<16xi32>
    %swap3A_676 = arith.constant 576 : index
    %swap3A_677 = tpu.vector_load %arg12[%swap3A_676] {strides = array<i32>} : memref<640xi32, #tpu.memory_space<vmem>>, vector<16xi32>,
    tpu.vector_store %arg12[%swap3A_676], %broadcast_in_dim3A_675 {strides = array<i32>} : memref<640xi32, #tpu.memory_space<vmem>>, vector<16xi32>,
    %broadcast_in_dim3A_678 = arith.constant -1 : i32
    %broadcast_in_dim3A_679 = vector.broadcast %broadcast_in_dim3A_678 : i32 to vector<16xi32>
    %swap3A_680 = arith.constant 592 : index
    %swap3A_681 = tpu.vector_load %arg12[%swap3A_680] {strides = array<i32>} : memref<640xi32, #tpu.memory_space<vmem>>, vector<16xi32>,
    tpu.vector_store %arg12[%swap3A_680], %broadcast_in_dim3A_679 {strides = array<i32>} : memref<640xi32, #tpu.memory_space<vmem>>, vector<16xi32>,
    %broadcast_in_dim3A_682 = arith.constant -1 : i32
    %broadcast_in_dim3A_683 = vector.broadcast %broadcast_in_dim3A_682 : i32 to vector<16xi32>
    %swap3A_684 = arith.constant 608 : index
    %swap3A_685 = tpu.vector_load %arg12[%swap3A_684] {strides = array<i32>} : memref<640xi32, #tpu.memory_space<vmem>>, vector<16xi32>,
    tpu.vector_store %arg12[%swap3A_684], %broadcast_in_dim3A_683 {strides = array<i32>} : memref<640xi32, #tpu.memory_space<vmem>>, vector<16xi32>,
    %broadcast_in_dim3A_686 = arith.constant -1 : i32
    %broadcast_in_dim3A_687 = vector.broadcast %broadcast_in_dim3A_686 : i32 to vector<16xi32>
    %swap3A_688 = arith.constant 624 : index
    %swap3A_689 = tpu.vector_load %arg12[%swap3A_688] {strides = array<i32>} : memref<640xi32, #tpu.memory_space<vmem>>, vector<16xi32>,
    tpu.vector_store %arg12[%swap3A_688], %broadcast_in_dim3A_687 {strides = array<i32>} : memref<640xi32, #tpu.memory_space<vmem>>, vector<16xi32>,
    %scan3A = arith.constant 0 : i32
    %scan3A_690 = arith.constant 0 : i32
    %scan3A_691 = arith.constant 13 : i32
    %scan3A_692 = arith.addi %scan3A_690, %scan3A_691 : i32
    %scan3A_693 = arith.constant 1 : i32
    scf.for %scan3A_3571 = %scan3A_690 to %scan3A_692 step %scan3A_693  : i32 {
      %mul3A_3572 = arith.constant 16 : i32
      %mul3A_3573 = arith.muli %scan3A_3571, %mul3A_3572 : i32
      %get3A_3574 = arith.index_cast %mul3A_3573 : i32 to index
      %get3A_3575 = tpu.vector_load %arg14[%get3A_3574] {strides = array<i32>} : memref<208xi32, #tpu.memory_space<vmem>>, vector<16xi32>,
      %slice3A = vector.extract_strided_slice %get3A_3575 {offsets = [0], sizes = [1], strides = [1]} : vector<16xi32> to vector<1xi32>
      %squeeze3A = vector.extract %slice3A[0] : i32 from vector<1xi32>
      %sub3A_3576 = arith.subi %squeeze3A, %mul3A_2 : i32
      %broadcast_in_dim3A_3577 = vector.broadcast %sub3A_3576 : i32 to vector<16xi32>
      %mul3A_3578 = arith.constant 16 : i32
      %mul3A_3579 = arith.muli %scan3A_3571, %mul3A_3578 : i32
      %add3A_3580 = arith.constant 0 : i32
      %add3A_3581 = arith.addi %mul3A_3579, %add3A_3580 : i32
      %broadcast_in_dim3A_3582 = vector.broadcast %add3A_3581 : i32 to vector<16xi32>
      %eq3A = arith.constant 0 : i32
      %eq3A_3583 = vector.broadcast %eq3A : i32 to vector<16xi32>
      %eq3A_3584 = arith.cmpi eq, %iota3A, %eq3A_3583 : vector<16xi32>
      %ge3A_3585 = arith.constant 0 : i32
      %ge3A_3586 = vector.broadcast %ge3A_3585 : i32 to vector<16xi32>
      %ge3A_3587 = arith.cmpi sge, %broadcast_in_dim3A_3577, %ge3A_3586 : vector<16xi32>
      %and3A = arith.andi %eq3A_3584, %ge3A_3587 : vector<16xi1>
      %lt3A = arith.constant 640 : i32
      %lt3A_3588 = vector.broadcast %lt3A : i32 to vector<16xi32>
      %lt3A_3589 = arith.cmpi slt, %broadcast_in_dim3A_3577, %lt3A_3588 : vector<16xi32>
      %and3A_3590 = arith.andi %and3A, %lt3A_3589 : vector<16xi1>
      %jit3A_3591 = arith.constant 0 : i32
      %jit3A_3592 = arith.constant 639 : i32
      %max3A = vector.broadcast %jit3A_3591 : i32 to vector<16xi32>
      %max3A_3593 = arith.maxsi %max3A, %broadcast_in_dim3A_3577 : vector<16xi32>
      %min3A_3594 = vector.broadcast %jit3A_3592 : i32 to vector<16xi32>
      %min3A_3595 = arith.minsi %min3A_3594, %max3A_3593 : vector<16xi32>
      tpu.vector_store_idx %arg12[%min3A_3595], %broadcast_in_dim3A_3582 masked %and3A_3590 : memref<640xi32, #tpu.memory_space<vmem>>[vector<16xi32>], vector<16xi32>, vector<16xi1>
      %slice3A_3596 = vector.extract_strided_slice %get3A_3575 {offsets = [1], sizes = [1], strides = [1]} : vector<16xi32> to vector<1xi32>
      %squeeze3A_3597 = vector.extract %slice3A_3596[0] : i32 from vector<1xi32>
      %sub3A_3598 = arith.subi %squeeze3A_3597, %mul3A_2 : i32
      %broadcast_in_dim3A_3599 = vector.broadcast %sub3A_3598 : i32 to vector<16xi32>
      %mul3A_3600 = arith.constant 16 : i32
      %mul3A_3601 = arith.muli %scan3A_3571, %mul3A_3600 : i32
      %add3A_3602 = arith.constant 1 : i32
      %add3A_3603 = arith.addi %mul3A_3601, %add3A_3602 : i32
      %broadcast_in_dim3A_3604 = vector.broadcast %add3A_3603 : i32 to vector<16xi32>
      %eq3A_3605 = arith.constant 1 : i32
      %eq3A_3606 = vector.broadcast %eq3A_3605 : i32 to vector<16xi32>
      %eq3A_3607 = arith.cmpi eq, %iota3A, %eq3A_3606 : vector<16xi32>
      %ge3A_3608 = arith.constant 0 : i32
      %ge3A_3609 = vector.broadcast %ge3A_3608 : i32 to vector<16xi32>
      %ge3A_3610 = arith.cmpi sge, %broadcast_in_dim3A_3599, %ge3A_3609 : vector<16xi32>
      %and3A_3611 = arith.andi %eq3A_3607, %ge3A_3610 : vector<16xi1>
      %lt3A_3612 = arith.constant 640 : i32
      %lt3A_3613 = vector.broadcast %lt3A_3612 : i32 to vector<16xi32>
      %lt3A_3614 = arith.cmpi slt, %broadcast_in_dim3A_3599, %lt3A_3613 : vector<16xi32>
      %and3A_3615 = arith.andi %and3A_3611, %lt3A_3614 : vector<16xi1>
      %jit3A_3616 = arith.constant 0 : i32
      %jit3A_3617 = arith.constant 639 : i32
      %max3A_3618 = vector.broadcast %jit3A_3616 : i32 to vector<16xi32>
      %max3A_3619 = arith.maxsi %max3A_3618, %broadcast_in_dim3A_3599 : vector<16xi32>
      %min3A_3620 = vector.broadcast %jit3A_3617 : i32 to vector<16xi32>
      %min3A_3621 = arith.minsi %min3A_3620, %max3A_3619 : vector<16xi32>
      tpu.vector_store_idx %arg12[%min3A_3621], %broadcast_in_dim3A_3604 masked %and3A_3615 : memref<640xi32, #tpu.memory_space<vmem>>[vector<16xi32>], vector<16xi32>, vector<16xi1>
      %slice3A_3622 = vector.extract_strided_slice %get3A_3575 {offsets = [2], sizes = [1], strides = [1]} : vector<16xi32> to vector<1xi32>
      %squeeze3A_3623 = vector.extract %slice3A_3622[0] : i32 from vector<1xi32>
      %sub3A_3624 = arith.subi %squeeze3A_3623, %mul3A_2 : i32
      %broadcast_in_dim3A_3625 = vector.broadcast %sub3A_3624 : i32 to vector<16xi32>
      %mul3A_3626 = arith.constant 16 : i32
      %mul3A_3627 = arith.muli %scan3A_3571, %mul3A_3626 : i32
      %add3A_3628 = arith.constant 2 : i32
      %add3A_3629 = arith.addi %mul3A_3627, %add3A_3628 : i32
      %broadcast_in_dim3A_3630 = vector.broadcast %add3A_3629 : i32 to vector<16xi32>
      %eq3A_3631 = arith.constant 2 : i32
      %eq3A_3632 = vector.broadcast %eq3A_3631 : i32 to vector<16xi32>
      %eq3A_3633 = arith.cmpi eq, %iota3A, %eq3A_3632 : vector<16xi32>
      %ge3A_3634 = arith.constant 0 : i32
      %ge3A_3635 = vector.broadcast %ge3A_3634 : i32 to vector<16xi32>
      %ge3A_3636 = arith.cmpi sge, %broadcast_in_dim3A_3625, %ge3A_3635 : vector<16xi32>
      %and3A_3637 = arith.andi %eq3A_3633, %ge3A_3636 : vector<16xi1>
      %lt3A_3638 = arith.constant 640 : i32
      %lt3A_3639 = vector.broadcast %lt3A_3638 : i32 to vector<16xi32>
      %lt3A_3640 = arith.cmpi slt, %broadcast_in_dim3A_3625, %lt3A_3639 : vector<16xi32>
      %and3A_3641 = arith.andi %and3A_3637, %lt3A_3640 : vector<16xi1>
      %jit3A_3642 = arith.constant 0 : i32
      %jit3A_3643 = arith.constant 639 : i32
      %max3A_3644 = vector.broadcast %jit3A_3642 : i32 to vector<16xi32>
      %max3A_3645 = arith.maxsi %max3A_3644, %broadcast_in_dim3A_3625 : vector<16xi32>
      %min3A_3646 = vector.broadcast %jit3A_3643 : i32 to vector<16xi32>
      %min3A_3647 = arith.minsi %min3A_3646, %max3A_3645 : vector<16xi32>
      tpu.vector_store_idx %arg12[%min3A_3647], %broadcast_in_dim3A_3630 masked %and3A_3641 : memref<640xi32, #tpu.memory_space<vmem>>[vector<16xi32>], vector<16xi32>, vector<16xi1>
      %slice3A_3648 = vector.extract_strided_slice %get3A_3575 {offsets = [3], sizes = [1], strides = [1]} : vector<16xi32> to vector<1xi32>
      %squeeze3A_3649 = vector.extract %slice3A_3648[0] : i32 from vector<1xi32>
      %sub3A_3650 = arith.subi %squeeze3A_3649, %mul3A_2 : i32
      %broadcast_in_dim3A_3651 = vector.broadcast %sub3A_3650 : i32 to vector<16xi32>
      %mul3A_3652 = arith.constant 16 : i32
      %mul3A_3653 = arith.muli %scan3A_3571, %mul3A_3652 : i32
      %add3A_3654 = arith.constant 3 : i32
      %add3A_3655 = arith.addi %mul3A_3653, %add3A_3654 : i32
      %broadcast_in_dim3A_3656 = vector.broadcast %add3A_3655 : i32 to vector<16xi32>
      %eq3A_3657 = arith.constant 3 : i32
      %eq3A_3658 = vector.broadcast %eq3A_3657 : i32 to vector<16xi32>
      %eq3A_3659 = arith.cmpi eq, %iota3A, %eq3A_3658 : vector<16xi32>
      %ge3A_3660 = arith.constant 0 : i32
      %ge3A_3661 = vector.broadcast %ge3A_3660 : i32 to vector<16xi32>
      %ge3A_3662 = arith.cmpi sge, %broadcast_in_dim3A_3651, %ge3A_3661 : vector<16xi32>
      %and3A_3663 = arith.andi %eq3A_3659, %ge3A_3662 : vector<16xi1>
      %lt3A_3664 = arith.constant 640 : i32
      %lt3A_3665 = vector.broadcast %lt3A_3664 : i32 to vector<16xi32>
      %lt3A_3666 = arith.cmpi slt, %broadcast_in_dim3A_3651, %lt3A_3665 : vector<16xi32>
      %and3A_3667 = arith.andi %and3A_3663, %lt3A_3666 : vector<16xi1>
      %jit3A_3668 = arith.constant 0 : i32
      %jit3A_3669 = arith.constant 639 : i32
      %max3A_3670 = vector.broadcast %jit3A_3668 : i32 to vector<16xi32>
      %max3A_3671 = arith.maxsi %max3A_3670, %broadcast_in_dim3A_3651 : vector<16xi32>
      %min3A_3672 = vector.broadcast %jit3A_3669 : i32 to vector<16xi32>
      %min3A_3673 = arith.minsi %min3A_3672, %max3A_3671 : vector<16xi32>
      tpu.vector_store_idx %arg12[%min3A_3673], %broadcast_in_dim3A_3656 masked %and3A_3667 : memref<640xi32, #tpu.memory_space<vmem>>[vector<16xi32>], vector<16xi32>, vector<16xi1>
      %slice3A_3674 = vector.extract_strided_slice %get3A_3575 {offsets = [4], sizes = [1], strides = [1]} : vector<16xi32> to vector<1xi32>
      %squeeze3A_3675 = vector.extract %slice3A_3674[0] : i32 from vector<1xi32>
      %sub3A_3676 = arith.subi %squeeze3A_3675, %mul3A_2 : i32
      %broadcast_in_dim3A_3677 = vector.broadcast %sub3A_3676 : i32 to vector<16xi32>
      %mul3A_3678 = arith.constant 16 : i32
      %mul3A_3679 = arith.muli %scan3A_3571, %mul3A_3678 : i32
      %add3A_3680 = arith.constant 4 : i32
      %add3A_3681 = arith.addi %mul3A_3679, %add3A_3680 : i32
      %broadcast_in_dim3A_3682 = vector.broadcast %add3A_3681 : i32 to vector<16xi32>
      %eq3A_3683 = arith.constant 4 : i32
      %eq3A_3684 = vector.broadcast %eq3A_3683 : i32 to vector<16xi32>
      %eq3A_3685 = arith.cmpi eq, %iota3A, %eq3A_3684 : vector<16xi32>
      %ge3A_3686 = arith.constant 0 : i32
      %ge3A_3687 = vector.broadcast %ge3A_3686 : i32 to vector<16xi32>
      %ge3A_3688 = arith.cmpi sge, %broadcast_in_dim3A_3677, %ge3A_3687 : vector<16xi32>
      %and3A_3689 = arith.andi %eq3A_3685, %ge3A_3688 : vector<16xi1>
      %lt3A_3690 = arith.constant 640 : i32
      %lt3A_3691 = vector.broadcast %lt3A_3690 : i32 to vector<16xi32>
      %lt3A_3692 = arith.cmpi slt, %broadcast_in_dim3A_3677, %lt3A_3691 : vector<16xi32>
      %and3A_3693 = arith.andi %and3A_3689, %lt3A_3692 : vector<16xi1>
      %jit3A_3694 = arith.constant 0 : i32
      %jit3A_3695 = arith.constant 639 : i32
      %max3A_3696 = vector.broadcast %jit3A_3694 : i32 to vector<16xi32>
      %max3A_3697 = arith.maxsi %max3A_3696, %broadcast_in_dim3A_3677 : vector<16xi32>
      %min3A_3698 = vector.broadcast %jit3A_3695 : i32 to vector<16xi32>
      %min3A_3699 = arith.minsi %min3A_3698, %max3A_3697 : vector<16xi32>
      tpu.vector_store_idx %arg12[%min3A_3699], %broadcast_in_dim3A_3682 masked %and3A_3693 : memref<640xi32, #tpu.memory_space<vmem>>[vector<16xi32>], vector<16xi32>, vector<16xi1>
      %slice3A_3700 = vector.extract_strided_slice %get3A_3575 {offsets = [5], sizes = [1], strides = [1]} : vector<16xi32> to vector<1xi32>
      %squeeze3A_3701 = vector.extract %slice3A_3700[0] : i32 from vector<1xi32>
      %sub3A_3702 = arith.subi %squeeze3A_3701, %mul3A_2 : i32
      %broadcast_in_dim3A_3703 = vector.broadcast %sub3A_3702 : i32 to vector<16xi32>
      %mul3A_3704 = arith.constant 16 : i32
      %mul3A_3705 = arith.muli %scan3A_3571, %mul3A_3704 : i32
      %add3A_3706 = arith.constant 5 : i32
      %add3A_3707 = arith.addi %mul3A_3705, %add3A_3706 : i32
      %broadcast_in_dim3A_3708 = vector.broadcast %add3A_3707 : i32 to vector<16xi32>
      %eq3A_3709 = arith.constant 5 : i32
      %eq3A_3710 = vector.broadcast %eq3A_3709 : i32 to vector<16xi32>
      %eq3A_3711 = arith.cmpi eq, %iota3A, %eq3A_3710 : vector<16xi32>
      %ge3A_3712 = arith.constant 0 : i32
      %ge3A_3713 = vector.broadcast %ge3A_3712 : i32 to vector<16xi32>
      %ge3A_3714 = arith.cmpi sge, %broadcast_in_dim3A_3703, %ge3A_3713 : vector<16xi32>
      %and3A_3715 = arith.andi %eq3A_3711, %ge3A_3714 : vector<16xi1>
      %lt3A_3716 = arith.constant 640 : i32
      %lt3A_3717 = vector.broadcast %lt3A_3716 : i32 to vector<16xi32>
      %lt3A_3718 = arith.cmpi slt, %broadcast_in_dim3A_3703, %lt3A_3717 : vector<16xi32>
      %and3A_3719 = arith.andi %and3A_3715, %lt3A_3718 : vector<16xi1>
      %jit3A_3720 = arith.constant 0 : i32
      %jit3A_3721 = arith.constant 639 : i32
      %max3A_3722 = vector.broadcast %jit3A_3720 : i32 to vector<16xi32>
      %max3A_3723 = arith.maxsi %max3A_3722, %broadcast_in_dim3A_3703 : vector<16xi32>
      %min3A_3724 = vector.broadcast %jit3A_3721 : i32 to vector<16xi32>
      %min3A_3725 = arith.minsi %min3A_3724, %max3A_3723 : vector<16xi32>
      tpu.vector_store_idx %arg12[%min3A_3725], %broadcast_in_dim3A_3708 masked %and3A_3719 : memref<640xi32, #tpu.memory_space<vmem>>[vector<16xi32>], vector<16xi32>, vector<16xi1>
      %slice3A_3726 = vector.extract_strided_slice %get3A_3575 {offsets = [6], sizes = [1], strides = [1]} : vector<16xi32> to vector<1xi32>
      %squeeze3A_3727 = vector.extract %slice3A_3726[0] : i32 from vector<1xi32>
      %sub3A_3728 = arith.subi %squeeze3A_3727, %mul3A_2 : i32
      %broadcast_in_dim3A_3729 = vector.broadcast %sub3A_3728 : i32 to vector<16xi32>
      %mul3A_3730 = arith.constant 16 : i32
      %mul3A_3731 = arith.muli %scan3A_3571, %mul3A_3730 : i32
      %add3A_3732 = arith.constant 6 : i32
      %add3A_3733 = arith.addi %mul3A_3731, %add3A_3732 : i32
      %broadcast_in_dim3A_3734 = vector.broadcast %add3A_3733 : i32 to vector<16xi32>
      %eq3A_3735 = arith.constant 6 : i32
      %eq3A_3736 = vector.broadcast %eq3A_3735 : i32 to vector<16xi32>
      %eq3A_3737 = arith.cmpi eq, %iota3A, %eq3A_3736 : vector<16xi32>
      %ge3A_3738 = arith.constant 0 : i32
      %ge3A_3739 = vector.broadcast %ge3A_3738 : i32 to vector<16xi32>
      %ge3A_3740 = arith.cmpi sge, %broadcast_in_dim3A_3729, %ge3A_3739 : vector<16xi32>
      %and3A_3741 = arith.andi %eq3A_3737, %ge3A_3740 : vector<16xi1>
      %lt3A_3742 = arith.constant 640 : i32
      %lt3A_3743 = vector.broadcast %lt3A_3742 : i32 to vector<16xi32>
      %lt3A_3744 = arith.cmpi slt, %broadcast_in_dim3A_3729, %lt3A_3743 : vector<16xi32>
      %and3A_3745 = arith.andi %and3A_3741, %lt3A_3744 : vector<16xi1>
      %jit3A_3746 = arith.constant 0 : i32
      %jit3A_3747 = arith.constant 639 : i32
      %max3A_3748 = vector.broadcast %jit3A_3746 : i32 to vector<16xi32>
      %max3A_3749 = arith.maxsi %max3A_3748, %broadcast_in_dim3A_3729 : vector<16xi32>
      %min3A_3750 = vector.broadcast %jit3A_3747 : i32 to vector<16xi32>
      %min3A_3751 = arith.minsi %min3A_3750, %max3A_3749 : vector<16xi32>
      tpu.vector_store_idx %arg12[%min3A_3751], %broadcast_in_dim3A_3734 masked %and3A_3745 : memref<640xi32, #tpu.memory_space<vmem>>[vector<16xi32>], vector<16xi32>, vector<16xi1>
      %slice3A_3752 = vector.extract_strided_slice %get3A_3575 {offsets = [7], sizes = [1], strides = [1]} : vector<16xi32> to vector<1xi32>
      %squeeze3A_3753 = vector.extract %slice3A_3752[0] : i32 from vector<1xi32>
      %sub3A_3754 = arith.subi %squeeze3A_3753, %mul3A_2 : i32
      %broadcast_in_dim3A_3755 = vector.broadcast %sub3A_3754 : i32 to vector<16xi32>
      %mul3A_3756 = arith.constant 16 : i32
      %mul3A_3757 = arith.muli %scan3A_3571, %mul3A_3756 : i32
      %add3A_3758 = arith.constant 7 : i32
      %add3A_3759 = arith.addi %mul3A_3757, %add3A_3758 : i32
      %broadcast_in_dim3A_3760 = vector.broadcast %add3A_3759 : i32 to vector<16xi32>
      %eq3A_3761 = arith.constant 7 : i32
      %eq3A_3762 = vector.broadcast %eq3A_3761 : i32 to vector<16xi32>
      %eq3A_3763 = arith.cmpi eq, %iota3A, %eq3A_3762 : vector<16xi32>
      %ge3A_3764 = arith.constant 0 : i32
      %ge3A_3765 = vector.broadcast %ge3A_3764 : i32 to vector<16xi32>
      %ge3A_3766 = arith.cmpi sge, %broadcast_in_dim3A_3755, %ge3A_3765 : vector<16xi32>
      %and3A_3767 = arith.andi %eq3A_3763, %ge3A_3766 : vector<16xi1>
      %lt3A_3768 = arith.constant 640 : i32
      %lt3A_3769 = vector.broadcast %lt3A_3768 : i32 to vector<16xi32>
      %lt3A_3770 = arith.cmpi slt, %broadcast_in_dim3A_3755, %lt3A_3769 : vector<16xi32>
      %and3A_3771 = arith.andi %and3A_3767, %lt3A_3770 : vector<16xi1>
      %jit3A_3772 = arith.constant 0 : i32
      %jit3A_3773 = arith.constant 639 : i32
      %max3A_3774 = vector.broadcast %jit3A_3772 : i32 to vector<16xi32>
      %max3A_3775 = arith.maxsi %max3A_3774, %broadcast_in_dim3A_3755 : vector<16xi32>
      %min3A_3776 = vector.broadcast %jit3A_3773 : i32 to vector<16xi32>
      %min3A_3777 = arith.minsi %min3A_3776, %max3A_3775 : vector<16xi32>
      tpu.vector_store_idx %arg12[%min3A_3777], %broadcast_in_dim3A_3760 masked %and3A_3771 : memref<640xi32, #tpu.memory_space<vmem>>[vector<16xi32>], vector<16xi32>, vector<16xi1>
      %slice3A_3778 = vector.extract_strided_slice %get3A_3575 {offsets = [8], sizes = [1], strides = [1]} : vector<16xi32> to vector<1xi32>
      %squeeze3A_3779 = vector.extract %slice3A_3778[0] : i32 from vector<1xi32>
      %sub3A_3780 = arith.subi %squeeze3A_3779, %mul3A_2 : i32
      %broadcast_in_dim3A_3781 = vector.broadcast %sub3A_3780 : i32 to vector<16xi32>
      %mul3A_3782 = arith.constant 16 : i32
      %mul3A_3783 = arith.muli %scan3A_3571, %mul3A_3782 : i32
      %add3A_3784 = arith.constant 8 : i32
      %add3A_3785 = arith.addi %mul3A_3783, %add3A_3784 : i32
      %broadcast_in_dim3A_3786 = vector.broadcast %add3A_3785 : i32 to vector<16xi32>
      %eq3A_3787 = arith.constant 8 : i32
      %eq3A_3788 = vector.broadcast %eq3A_3787 : i32 to vector<16xi32>
      %eq3A_3789 = arith.cmpi eq, %iota3A, %eq3A_3788 : vector<16xi32>
      %ge3A_3790 = arith.constant 0 : i32
      %ge3A_3791 = vector.broadcast %ge3A_3790 : i32 to vector<16xi32>
      %ge3A_3792 = arith.cmpi sge, %broadcast_in_dim3A_3781, %ge3A_3791 : vector<16xi32>
      %and3A_3793 = arith.andi %eq3A_3789, %ge3A_3792 : vector<16xi1>
      %lt3A_3794 = arith.constant 640 : i32
      %lt3A_3795 = vector.broadcast %lt3A_3794 : i32 to vector<16xi32>
      %lt3A_3796 = arith.cmpi slt, %broadcast_in_dim3A_3781, %lt3A_3795 : vector<16xi32>
      %and3A_3797 = arith.andi %and3A_3793, %lt3A_3796 : vector<16xi1>
      %jit3A_3798 = arith.constant 0 : i32
      %jit3A_3799 = arith.constant 639 : i32
      %max3A_3800 = vector.broadcast %jit3A_3798 : i32 to vector<16xi32>
      %max3A_3801 = arith.maxsi %max3A_3800, %broadcast_in_dim3A_3781 : vector<16xi32>
      %min3A_3802 = vector.broadcast %jit3A_3799 : i32 to vector<16xi32>
      %min3A_3803 = arith.minsi %min3A_3802, %max3A_3801 : vector<16xi32>
      tpu.vector_store_idx %arg12[%min3A_3803], %broadcast_in_dim3A_3786 masked %and3A_3797 : memref<640xi32, #tpu.memory_space<vmem>>[vector<16xi32>], vector<16xi32>, vector<16xi1>
      %slice3A_3804 = vector.extract_strided_slice %get3A_3575 {offsets = [9], sizes = [1], strides = [1]} : vector<16xi32> to vector<1xi32>
      %squeeze3A_3805 = vector.extract %slice3A_3804[0] : i32 from vector<1xi32>
      %sub3A_3806 = arith.subi %squeeze3A_3805, %mul3A_2 : i32
      %broadcast_in_dim3A_3807 = vector.broadcast %sub3A_3806 : i32 to vector<16xi32>
      %mul3A_3808 = arith.constant 16 : i32
      %mul3A_3809 = arith.muli %scan3A_3571, %mul3A_3808 : i32
      %add3A_3810 = arith.constant 9 : i32
      %add3A_3811 = arith.addi %mul3A_3809, %add3A_3810 : i32
      %broadcast_in_dim3A_3812 = vector.broadcast %add3A_3811 : i32 to vector<16xi32>
      %eq3A_3813 = arith.constant 9 : i32
      %eq3A_3814 = vector.broadcast %eq3A_3813 : i32 to vector<16xi32>
      %eq3A_3815 = arith.cmpi eq, %iota3A, %eq3A_3814 : vector<16xi32>
      %ge3A_3816 = arith.constant 0 : i32
      %ge3A_3817 = vector.broadcast %ge3A_3816 : i32 to vector<16xi32>
      %ge3A_3818 = arith.cmpi sge, %broadcast_in_dim3A_3807, %ge3A_3817 : vector<16xi32>
      %and3A_3819 = arith.andi %eq3A_3815, %ge3A_3818 : vector<16xi1>
      %lt3A_3820 = arith.constant 640 : i32
      %lt3A_3821 = vector.broadcast %lt3A_3820 : i32 to vector<16xi32>
      %lt3A_3822 = arith.cmpi slt, %broadcast_in_dim3A_3807, %lt3A_3821 : vector<16xi32>
      %and3A_3823 = arith.andi %and3A_3819, %lt3A_3822 : vector<16xi1>
      %jit3A_3824 = arith.constant 0 : i32
      %jit3A_3825 = arith.constant 639 : i32
      %max3A_3826 = vector.broadcast %jit3A_3824 : i32 to vector<16xi32>
      %max3A_3827 = arith.maxsi %max3A_3826, %broadcast_in_dim3A_3807 : vector<16xi32>
      %min3A_3828 = vector.broadcast %jit3A_3825 : i32 to vector<16xi32>
      %min3A_3829 = arith.minsi %min3A_3828, %max3A_3827 : vector<16xi32>
      tpu.vector_store_idx %arg12[%min3A_3829], %broadcast_in_dim3A_3812 masked %and3A_3823 : memref<640xi32, #tpu.memory_space<vmem>>[vector<16xi32>], vector<16xi32>, vector<16xi1>
      %slice3A_3830 = vector.extract_strided_slice %get3A_3575 {offsets = [10], sizes = [1], strides = [1]} : vector<16xi32> to vector<1xi32>
      %squeeze3A_3831 = vector.extract %slice3A_3830[0] : i32 from vector<1xi32>
      %sub3A_3832 = arith.subi %squeeze3A_3831, %mul3A_2 : i32
      %broadcast_in_dim3A_3833 = vector.broadcast %sub3A_3832 : i32 to vector<16xi32>
      %mul3A_3834 = arith.constant 16 : i32
      %mul3A_3835 = arith.muli %scan3A_3571, %mul3A_3834 : i32
      %add3A_3836 = arith.constant 10 : i32
      %add3A_3837 = arith.addi %mul3A_3835, %add3A_3836 : i32
      %broadcast_in_dim3A_3838 = vector.broadcast %add3A_3837 : i32 to vector<16xi32>
      %eq3A_3839 = arith.constant 10 : i32
      %eq3A_3840 = vector.broadcast %eq3A_3839 : i32 to vector<16xi32>
      %eq3A_3841 = arith.cmpi eq, %iota3A, %eq3A_3840 : vector<16xi32>
      %ge3A_3842 = arith.constant 0 : i32
      %ge3A_3843 = vector.broadcast %ge3A_3842 : i32 to vector<16xi32>
      %ge3A_3844 = arith.cmpi sge, %broadcast_in_dim3A_3833, %ge3A_3843 : vector<16xi32>
      %and3A_3845 = arith.andi %eq3A_3841, %ge3A_3844 : vector<16xi1>
      %lt3A_3846 = arith.constant 640 : i32
      %lt3A_3847 = vector.broadcast %lt3A_3846 : i32 to vector<16xi32>
      %lt3A_3848 = arith.cmpi slt, %broadcast_in_dim3A_3833, %lt3A_3847 : vector<16xi32>
      %and3A_3849 = arith.andi %and3A_3845, %lt3A_3848 : vector<16xi1>
      %jit3A_3850 = arith.constant 0 : i32
      %jit3A_3851 = arith.constant 639 : i32
      %max3A_3852 = vector.broadcast %jit3A_3850 : i32 to vector<16xi32>
      %max3A_3853 = arith.maxsi %max3A_3852, %broadcast_in_dim3A_3833 : vector<16xi32>
      %min3A_3854 = vector.broadcast %jit3A_3851 : i32 to vector<16xi32>
      %min3A_3855 = arith.minsi %min3A_3854, %max3A_3853 : vector<16xi32>
      tpu.vector_store_idx %arg12[%min3A_3855], %broadcast_in_dim3A_3838 masked %and3A_3849 : memref<640xi32, #tpu.memory_space<vmem>>[vector<16xi32>], vector<16xi32>, vector<16xi1>
      %slice3A_3856 = vector.extract_strided_slice %get3A_3575 {offsets = [11], sizes = [1], strides = [1]} : vector<16xi32> to vector<1xi32>
      %squeeze3A_3857 = vector.extract %slice3A_3856[0] : i32 from vector<1xi32>
      %sub3A_3858 = arith.subi %squeeze3A_3857, %mul3A_2 : i32
      %broadcast_in_dim3A_3859 = vector.broadcast %sub3A_3858 : i32 to vector<16xi32>
      %mul3A_3860 = arith.constant 16 : i32
      %mul3A_3861 = arith.muli %scan3A_3571, %mul3A_3860 : i32
      %add3A_3862 = arith.constant 11 : i32
      %add3A_3863 = arith.addi %mul3A_3861, %add3A_3862 : i32
      %broadcast_in_dim3A_3864 = vector.broadcast %add3A_3863 : i32 to vector<16xi32>
      %eq3A_3865 = arith.constant 11 : i32
      %eq3A_3866 = vector.broadcast %eq3A_3865 : i32 to vector<16xi32>
      %eq3A_3867 = arith.cmpi eq, %iota3A, %eq3A_3866 : vector<16xi32>
      %ge3A_3868 = arith.constant 0 : i32
      %ge3A_3869 = vector.broadcast %ge3A_3868 : i32 to vector<16xi32>
      %ge3A_3870 = arith.cmpi sge, %broadcast_in_dim3A_3859, %ge3A_3869 : vector<16xi32>
      %and3A_3871 = arith.andi %eq3A_3867, %ge3A_3870 : vector<16xi1>
      %lt3A_3872 = arith.constant 640 : i32
      %lt3A_3873 = vector.broadcast %lt3A_3872 : i32 to vector<16xi32>
      %lt3A_3874 = arith.cmpi slt, %broadcast_in_dim3A_3859, %lt3A_3873 : vector<16xi32>
      %and3A_3875 = arith.andi %and3A_3871, %lt3A_3874 : vector<16xi1>
      %jit3A_3876 = arith.constant 0 : i32
      %jit3A_3877 = arith.constant 639 : i32
      %max3A_3878 = vector.broadcast %jit3A_3876 : i32 to vector<16xi32>
      %max3A_3879 = arith.maxsi %max3A_3878, %broadcast_in_dim3A_3859 : vector<16xi32>
      %min3A_3880 = vector.broadcast %jit3A_3877 : i32 to vector<16xi32>
      %min3A_3881 = arith.minsi %min3A_3880, %max3A_3879 : vector<16xi32>
      tpu.vector_store_idx %arg12[%min3A_3881], %broadcast_in_dim3A_3864 masked %and3A_3875 : memref<640xi32, #tpu.memory_space<vmem>>[vector<16xi32>], vector<16xi32>, vector<16xi1>
      %slice3A_3882 = vector.extract_strided_slice %get3A_3575 {offsets = [12], sizes = [1], strides = [1]} : vector<16xi32> to vector<1xi32>
      %squeeze3A_3883 = vector.extract %slice3A_3882[0] : i32 from vector<1xi32>
      %sub3A_3884 = arith.subi %squeeze3A_3883, %mul3A_2 : i32
      %broadcast_in_dim3A_3885 = vector.broadcast %sub3A_3884 : i32 to vector<16xi32>
      %mul3A_3886 = arith.constant 16 : i32
      %mul3A_3887 = arith.muli %scan3A_3571, %mul3A_3886 : i32
      %add3A_3888 = arith.constant 12 : i32
      %add3A_3889 = arith.addi %mul3A_3887, %add3A_3888 : i32
      %broadcast_in_dim3A_3890 = vector.broadcast %add3A_3889 : i32 to vector<16xi32>
      %eq3A_3891 = arith.constant 12 : i32
      %eq3A_3892 = vector.broadcast %eq3A_3891 : i32 to vector<16xi32>
      %eq3A_3893 = arith.cmpi eq, %iota3A, %eq3A_3892 : vector<16xi32>
      %ge3A_3894 = arith.constant 0 : i32
      %ge3A_3895 = vector.broadcast %ge3A_3894 : i32 to vector<16xi32>
      %ge3A_3896 = arith.cmpi sge, %broadcast_in_dim3A_3885, %ge3A_3895 : vector<16xi32>
      %and3A_3897 = arith.andi %eq3A_3893, %ge3A_3896 : vector<16xi1>
      %lt3A_3898 = arith.constant 640 : i32
      %lt3A_3899 = vector.broadcast %lt3A_3898 : i32 to vector<16xi32>
      %lt3A_3900 = arith.cmpi slt, %broadcast_in_dim3A_3885, %lt3A_3899 : vector<16xi32>
      %and3A_3901 = arith.andi %and3A_3897, %lt3A_3900 : vector<16xi1>
      %jit3A_3902 = arith.constant 0 : i32
      %jit3A_3903 = arith.constant 639 : i32
      %max3A_3904 = vector.broadcast %jit3A_3902 : i32 to vector<16xi32>
      %max3A_3905 = arith.maxsi %max3A_3904, %broadcast_in_dim3A_3885 : vector<16xi32>
      %min3A_3906 = vector.broadcast %jit3A_3903 : i32 to vector<16xi32>
      %min3A_3907 = arith.minsi %min3A_3906, %max3A_3905 : vector<16xi32>
      tpu.vector_store_idx %arg12[%min3A_3907], %broadcast_in_dim3A_3890 masked %and3A_3901 : memref<640xi32, #tpu.memory_space<vmem>>[vector<16xi32>], vector<16xi32>, vector<16xi1>
      %slice3A_3908 = vector.extract_strided_slice %get3A_3575 {offsets = [13], sizes = [1], strides = [1]} : vector<16xi32> to vector<1xi32>
      %squeeze3A_3909 = vector.extract %slice3A_3908[0] : i32 from vector<1xi32>
      %sub3A_3910 = arith.subi %squeeze3A_3909, %mul3A_2 : i32
      %broadcast_in_dim3A_3911 = vector.broadcast %sub3A_3910 : i32 to vector<16xi32>
      %mul3A_3912 = arith.constant 16 : i32
      %mul3A_3913 = arith.muli %scan3A_3571, %mul3A_3912 : i32
      %add3A_3914 = arith.constant 13 : i32
      %add3A_3915 = arith.addi %mul3A_3913, %add3A_3914 : i32
      %broadcast_in_dim3A_3916 = vector.broadcast %add3A_3915 : i32 to vector<16xi32>
      %eq3A_3917 = arith.constant 13 : i32
      %eq3A_3918 = vector.broadcast %eq3A_3917 : i32 to vector<16xi32>
      %eq3A_3919 = arith.cmpi eq, %iota3A, %eq3A_3918 : vector<16xi32>
      %ge3A_3920 = arith.constant 0 : i32
      %ge3A_3921 = vector.broadcast %ge3A_3920 : i32 to vector<16xi32>
      %ge3A_3922 = arith.cmpi sge, %broadcast_in_dim3A_3911, %ge3A_3921 : vector<16xi32>
      %and3A_3923 = arith.andi %eq3A_3919, %ge3A_3922 : vector<16xi1>
      %lt3A_3924 = arith.constant 640 : i32
      %lt3A_3925 = vector.broadcast %lt3A_3924 : i32 to vector<16xi32>
      %lt3A_3926 = arith.cmpi slt, %broadcast_in_dim3A_3911, %lt3A_3925 : vector<16xi32>
      %and3A_3927 = arith.andi %and3A_3923, %lt3A_3926 : vector<16xi1>
      %jit3A_3928 = arith.constant 0 : i32
      %jit3A_3929 = arith.constant 639 : i32
      %max3A_3930 = vector.broadcast %jit3A_3928 : i32 to vector<16xi32>
      %max3A_3931 = arith.maxsi %max3A_3930, %broadcast_in_dim3A_3911 : vector<16xi32>
      %min3A_3932 = vector.broadcast %jit3A_3929 : i32 to vector<16xi32>
      %min3A_3933 = arith.minsi %min3A_3932, %max3A_3931 : vector<16xi32>
      tpu.vector_store_idx %arg12[%min3A_3933], %broadcast_in_dim3A_3916 masked %and3A_3927 : memref<640xi32, #tpu.memory_space<vmem>>[vector<16xi32>], vector<16xi32>, vector<16xi1>
      %slice3A_3934 = vector.extract_strided_slice %get3A_3575 {offsets = [14], sizes = [1], strides = [1]} : vector<16xi32> to vector<1xi32>
      %squeeze3A_3935 = vector.extract %slice3A_3934[0] : i32 from vector<1xi32>
      %sub3A_3936 = arith.subi %squeeze3A_3935, %mul3A_2 : i32
      %broadcast_in_dim3A_3937 = vector.broadcast %sub3A_3936 : i32 to vector<16xi32>
      %mul3A_3938 = arith.constant 16 : i32
      %mul3A_3939 = arith.muli %scan3A_3571, %mul3A_3938 : i32
      %add3A_3940 = arith.constant 14 : i32
      %add3A_3941 = arith.addi %mul3A_3939, %add3A_3940 : i32
      %broadcast_in_dim3A_3942 = vector.broadcast %add3A_3941 : i32 to vector<16xi32>
      %eq3A_3943 = arith.constant 14 : i32
      %eq3A_3944 = vector.broadcast %eq3A_3943 : i32 to vector<16xi32>
      %eq3A_3945 = arith.cmpi eq, %iota3A, %eq3A_3944 : vector<16xi32>
      %ge3A_3946 = arith.constant 0 : i32
      %ge3A_3947 = vector.broadcast %ge3A_3946 : i32 to vector<16xi32>
      %ge3A_3948 = arith.cmpi sge, %broadcast_in_dim3A_3937, %ge3A_3947 : vector<16xi32>
      %and3A_3949 = arith.andi %eq3A_3945, %ge3A_3948 : vector<16xi1>
      %lt3A_3950 = arith.constant 640 : i32
      %lt3A_3951 = vector.broadcast %lt3A_3950 : i32 to vector<16xi32>
      %lt3A_3952 = arith.cmpi slt, %broadcast_in_dim3A_3937, %lt3A_3951 : vector<16xi32>
      %and3A_3953 = arith.andi %and3A_3949, %lt3A_3952 : vector<16xi1>
      %jit3A_3954 = arith.constant 0 : i32
      %jit3A_3955 = arith.constant 639 : i32
      %max3A_3956 = vector.broadcast %jit3A_3954 : i32 to vector<16xi32>
      %max3A_3957 = arith.maxsi %max3A_3956, %broadcast_in_dim3A_3937 : vector<16xi32>
      %min3A_3958 = vector.broadcast %jit3A_3955 : i32 to vector<16xi32>
      %min3A_3959 = arith.minsi %min3A_3958, %max3A_3957 : vector<16xi32>
      tpu.vector_store_idx %arg12[%min3A_3959], %broadcast_in_dim3A_3942 masked %and3A_3953 : memref<640xi32, #tpu.memory_space<vmem>>[vector<16xi32>], vector<16xi32>, vector<16xi1>
      %slice3A_3960 = vector.extract_strided_slice %get3A_3575 {offsets = [15], sizes = [1], strides = [1]} : vector<16xi32> to vector<1xi32>
      %squeeze3A_3961 = vector.extract %slice3A_3960[0] : i32 from vector<1xi32>
      %sub3A_3962 = arith.subi %squeeze3A_3961, %mul3A_2 : i32
      %broadcast_in_dim3A_3963 = vector.broadcast %sub3A_3962 : i32 to vector<16xi32>
      %mul3A_3964 = arith.constant 16 : i32
      %mul3A_3965 = arith.muli %scan3A_3571, %mul3A_3964 : i32
      %add3A_3966 = arith.constant 15 : i32
      %add3A_3967 = arith.addi %mul3A_3965, %add3A_3966 : i32
      %broadcast_in_dim3A_3968 = vector.broadcast %add3A_3967 : i32 to vector<16xi32>
      %eq3A_3969 = arith.constant 15 : i32
      %eq3A_3970 = vector.broadcast %eq3A_3969 : i32 to vector<16xi32>
      %eq3A_3971 = arith.cmpi eq, %iota3A, %eq3A_3970 : vector<16xi32>
      %ge3A_3972 = arith.constant 0 : i32
      %ge3A_3973 = vector.broadcast %ge3A_3972 : i32 to vector<16xi32>
      %ge3A_3974 = arith.cmpi sge, %broadcast_in_dim3A_3963, %ge3A_3973 : vector<16xi32>
      %and3A_3975 = arith.andi %eq3A_3971, %ge3A_3974 : vector<16xi1>
      %lt3A_3976 = arith.constant 640 : i32
      %lt3A_3977 = vector.broadcast %lt3A_3976 : i32 to vector<16xi32>
      %lt3A_3978 = arith.cmpi slt, %broadcast_in_dim3A_3963, %lt3A_3977 : vector<16xi32>
      %and3A_3979 = arith.andi %and3A_3975, %lt3A_3978 : vector<16xi1>
      %jit3A_3980 = arith.constant 0 : i32
      %jit3A_3981 = arith.constant 639 : i32
      %max3A_3982 = vector.broadcast %jit3A_3980 : i32 to vector<16xi32>
      %max3A_3983 = arith.maxsi %max3A_3982, %broadcast_in_dim3A_3963 : vector<16xi32>
      %min3A_3984 = vector.broadcast %jit3A_3981 : i32 to vector<16xi32>
      %min3A_3985 = arith.minsi %min3A_3984, %max3A_3983 : vector<16xi32>
      tpu.vector_store_idx %arg12[%min3A_3985], %broadcast_in_dim3A_3968 masked %and3A_3979 : memref<640xi32, #tpu.memory_space<vmem>>[vector<16xi32>], vector<16xi32>, vector<16xi1>
    }
    %scan3A_694 = arith.constant 13 : i32
    %broadcast_in_dim3A_695 = arith.constant 0 : i32
    %broadcast_in_dim3A_696 = vector.broadcast %broadcast_in_dim3A_695 : i32 to vector<16xi32>
    %get3A = arith.constant 0 : index
    %get3A_697 = tpu.vector_load %arg12[%get3A] {strides = array<i32>} : memref<640xi32, #tpu.memory_space<vmem>>, vector<16xi32>,
    %ge3A = arith.constant 0 : i32
    %ge3A_698 = vector.broadcast %ge3A : i32 to vector<16xi32>
    %ge3A_699 = arith.cmpi sge, %get3A_697, %ge3A_698 : vector<16xi32>
    %get3A_700 = arith.constant 0 : index
    %get3A_701 = tpu.vector_load %arg11[%get3A_700] {strides = array<i32>} : memref<640xi32, #tpu.memory_space<vmem>>, vector<16xi32>,
    %select_n3A = arith.select %ge3A_699, %get3A_697, %get3A_701 : vector<16xi1>, vector<16xi32>
    %ge3A_702 = arith.constant 0 : i32
    %ge3A_703 = vector.broadcast %ge3A_702 : i32 to vector<16xi32>
    %ge3A_704 = arith.cmpi sge, %get3A_697, %ge3A_703 : vector<16xi32>
    %get3A_705 = arith.constant 0 : index
    %get3A_706 = tpu.vector_load %arg10[%get3A_705] {strides = array<i32>} : memref<640xf32, #tpu.memory_space<vmem>>, vector<16xf32>,
    %gt3A = arith.constant 5.000000e-01 : f32
    %gt3A_707 = vector.broadcast %gt3A : f32 to vector<16xf32>
    %gt3A_708 = arith.cmpf ogt, %get3A_706, %gt3A_707 : vector<16xf32>
    %or3A = arith.ori %ge3A_704, %gt3A_708 : vector<16xi1>
    %gather3A_709 = tpu.vector_load_idx %arg16[%select_n3A] : memref<208xf32, #tpu.memory_space<vmem>>[vector<16xi32>], vector<16xf32>,
    %gather3A_710 = tpu.vector_load_idx %arg17[%select_n3A] : memref<208xf32, #tpu.memory_space<vmem>>[vector<16xi32>], vector<16xf32>,
    %gather3A_711 = tpu.vector_load_idx %arg18[%select_n3A] : memref<208xf32, #tpu.memory_space<vmem>>[vector<16xi32>], vector<16xf32>,
    %gather3A_712 = tpu.vector_load_idx %arg19[%select_n3A] : memref<208xf32, #tpu.memory_space<vmem>>[vector<16xi32>], vector<16xf32>,
    %gather3A_713 = tpu.vector_load_idx %arg20[%select_n3A] : memref<200xi32, #tpu.memory_space<vmem>>[vector<16xi32>], vector<16xi32>,
    %add3A_714 = arith.constant 0 : i32
    %add3A_715 = vector.broadcast %add3A_714 : i32 to vector<16xi32>
    %add3A_716 = arith.addi %iota3A, %add3A_715 : vector<16xi32>
    %mul3A_717 = arith.constant 4 : i32
    %mul3A_718 = vector.broadcast %mul3A_717 : i32 to vector<16xi32>
    %mul3A_719 = arith.muli %add3A_716, %mul3A_718 : vector<16xi32>
    %gather3A_720 = tpu.vector_load_idx %arg13[%mul3A_719] : memref<2560xf32, #tpu.memory_space<vmem>>[vector<16xi32>], vector<16xf32>,
    %add3A_721 = arith.constant 1 : i32
    %add3A_722 = vector.broadcast %add3A_721 : i32 to vector<16xi32>
    %add3A_723 = arith.addi %mul3A_719, %add3A_722 : vector<16xi32>
    %gather3A_724 = tpu.vector_load_idx %arg13[%add3A_723] : memref<2560xf32, #tpu.memory_space<vmem>>[vector<16xi32>], vector<16xf32>,
    %add3A_725 = arith.constant 2 : i32
    %add3A_726 = vector.broadcast %add3A_725 : i32 to vector<16xi32>
    %add3A_727 = arith.addi %mul3A_719, %add3A_726 : vector<16xi32>
    %gather3A_728 = tpu.vector_load_idx %arg13[%add3A_727] : memref<2560xf32, #tpu.memory_space<vmem>>[vector<16xi32>], vector<16xf32>,
    %add3A_729 = arith.constant 3 : i32
    %add3A_730 = vector.broadcast %add3A_729 : i32 to vector<16xi32>
    %add3A_731 = arith.addi %mul3A_719, %add3A_730 : vector<16xi32>
    %gather3A_732 = tpu.vector_load_idx %arg13[%add3A_731] : memref<2560xf32, #tpu.memory_space<vmem>>[vector<16xi32>], vector<16xf32>,
    %add3A_733 = arith.addf %gather3A_720, %gather3A_728 : vector<16xf32>
    %mul3A_734 = arith.constant 5.000000e-01 : f32
    %mul3A_735 = vector.broadcast %mul3A_734 : f32 to vector<16xf32>
    %mul3A_736 = arith.mulf %mul3A_735, %add3A_733 : vector<16xf32>
    %select_n3A_737 = arith.select %or3A, %gather3A_709, %mul3A_736 : vector<16xi1>, vector<16xf32>
    %add3A_738 = arith.addf %gather3A_724, %gather3A_732 : vector<16xf32>
    %mul3A_739 = arith.constant 5.000000e-01 : f32
    %mul3A_740 = vector.broadcast %mul3A_739 : f32 to vector<16xf32>
    %mul3A_741 = arith.mulf %mul3A_740, %add3A_738 : vector<16xf32>
    %select_n3A_742 = arith.select %or3A, %gather3A_710, %mul3A_741 : vector<16xi1>, vector<16xf32>
    %sub3A_743 = arith.subf %gather3A_728, %gather3A_720 : vector<16xf32>
    %select_n3A_744 = arith.select %or3A, %gather3A_711, %sub3A_743 : vector<16xi1>, vector<16xf32>
    %sub3A_745 = arith.subf %gather3A_732, %gather3A_724 : vector<16xf32>
    %select_n3A_746 = arith.select %or3A, %gather3A_712, %sub3A_745 : vector<16xi1>, vector<16xf32>
    %jit3A = arith.constant 0 : i32
    %broadcast_in_dim3A_747 = vector.broadcast %jit3A : i32 to vector<16xi32>
    %select_n3A_748 = arith.select %or3A, %gather3A_713, %broadcast_in_dim3A_747 : vector<16xi1>, vector<16xi32>
    %swap3A_749 = arith.constant 0 : index
    %swap3A_750 = tpu.vector_load %arg22[%swap3A_749] {strides = array<i32>} : memref<640xi32, #tpu.memory_space<vmem>>, vector<16xi32>,
    tpu.vector_store %arg22[%swap3A_749], %select_n3A_748 {strides = array<i32>} : memref<640xi32, #tpu.memory_space<vmem>>, vector<16xi32>,
    %add3A_751 = arith.constant 0 : i32
    %add3A_752 = vector.broadcast %add3A_751 : i32 to vector<16xi32>
    %add3A_753 = arith.addi %iota3A, %add3A_752 : vector<16xi32>
    tpu.vector_store_idx %arg21[%add3A_753, %broadcast_in_dim3A_696], %select_n3A_737 : memref<640x4xf32, #tpu.memory_space<vmem>>[vector<16xi32>, vector<16xi32>], vector<16xf32>,
    %add3A_754 = arith.constant 1 : i32
    %add3A_755 = vector.broadcast %add3A_754 : i32 to vector<16xi32>
    %add3A_756 = arith.addi %broadcast_in_dim3A_696, %add3A_755 : vector<16xi32>
    tpu.vector_store_idx %arg21[%add3A_753, %add3A_756], %select_n3A_742 : memref<640x4xf32, #tpu.memory_space<vmem>>[vector<16xi32>, vector<16xi32>], vector<16xf32>,
    %add3A_757 = arith.constant 2 : i32
    %add3A_758 = vector.broadcast %add3A_757 : i32 to vector<16xi32>
    %add3A_759 = arith.addi %broadcast_in_dim3A_696, %add3A_758 : vector<16xi32>
    tpu.vector_store_idx %arg21[%add3A_753, %add3A_759], %select_n3A_744 : memref<640x4xf32, #tpu.memory_space<vmem>>[vector<16xi32>, vector<16xi32>], vector<16xf32>,
    %add3A_760 = arith.constant 3 : i32
    %add3A_761 = vector.broadcast %add3A_760 : i32 to vector<16xi32>
    %add3A_762 = arith.addi %broadcast_in_dim3A_696, %add3A_761 : vector<16xi32>
    tpu.vector_store_idx %arg21[%add3A_753, %add3A_762], %select_n3A_746 : memref<640x4xf32, #tpu.memory_space<vmem>>[vector<16xi32>, vector<16xi32>], vector<16xf32>,
    %get3A_763 = arith.constant 16 : index
    %get3A_764 = tpu.vector_load %arg12[%get3A_763] {strides = array<i32>} : memref<640xi32, #tpu.memory_space<vmem>>, vector<16xi32>,
    %ge3A_765 = arith.constant 0 : i32
    %ge3A_766 = vector.broadcast %ge3A_765 : i32 to vector<16xi32>
    %ge3A_767 = arith.cmpi sge, %get3A_764, %ge3A_766 : vector<16xi32>
    %get3A_768 = arith.constant 16 : index
    %get3A_769 = tpu.vector_load %arg11[%get3A_768] {strides = array<i32>} : memref<640xi32, #tpu.memory_space<vmem>>, vector<16xi32>,
    %select_n3A_770 = arith.select %ge3A_767, %get3A_764, %get3A_769 : vector<16xi1>, vector<16xi32>
    %ge3A_771 = arith.constant 0 : i32
    %ge3A_772 = vector.broadcast %ge3A_771 : i32 to vector<16xi32>
    %ge3A_773 = arith.cmpi sge, %get3A_764, %ge3A_772 : vector<16xi32>
    %get3A_774 = arith.constant 16 : index
    %get3A_775 = tpu.vector_load %arg10[%get3A_774] {strides = array<i32>} : memref<640xf32, #tpu.memory_space<vmem>>, vector<16xf32>,
    %gt3A_776 = arith.constant 5.000000e-01 : f32
    %gt3A_777 = vector.broadcast %gt3A_776 : f32 to vector<16xf32>
    %gt3A_778 = arith.cmpf ogt, %get3A_775, %gt3A_777 : vector<16xf32>
    %or3A_779 = arith.ori %ge3A_773, %gt3A_778 : vector<16xi1>
    %gather3A_780 = tpu.vector_load_idx %arg16[%select_n3A_770] : memref<208xf32, #tpu.memory_space<vmem>>[vector<16xi32>], vector<16xf32>,
    %gather3A_781 = tpu.vector_load_idx %arg17[%select_n3A_770] : memref<208xf32, #tpu.memory_space<vmem>>[vector<16xi32>], vector<16xf32>,
    %gather3A_782 = tpu.vector_load_idx %arg18[%select_n3A_770] : memref<208xf32, #tpu.memory_space<vmem>>[vector<16xi32>], vector<16xf32>,
    %gather3A_783 = tpu.vector_load_idx %arg19[%select_n3A_770] : memref<208xf32, #tpu.memory_space<vmem>>[vector<16xi32>], vector<16xf32>,
    %gather3A_784 = tpu.vector_load_idx %arg20[%select_n3A_770] : memref<200xi32, #tpu.memory_space<vmem>>[vector<16xi32>], vector<16xi32>,
    %add3A_785 = arith.constant 16 : i32
    %add3A_786 = vector.broadcast %add3A_785 : i32 to vector<16xi32>
    %add3A_787 = arith.addi %iota3A, %add3A_786 : vector<16xi32>
    %mul3A_788 = arith.constant 4 : i32
    %mul3A_789 = vector.broadcast %mul3A_788 : i32 to vector<16xi32>
    %mul3A_790 = arith.muli %add3A_787, %mul3A_789 : vector<16xi32>
    %gather3A_791 = tpu.vector_load_idx %arg13[%mul3A_790] : memref<2560xf32, #tpu.memory_space<vmem>>[vector<16xi32>], vector<16xf32>,
    %add3A_792 = arith.constant 1 : i32
    %add3A_793 = vector.broadcast %add3A_792 : i32 to vector<16xi32>
    %add3A_794 = arith.addi %mul3A_790, %add3A_793 : vector<16xi32>
    %gather3A_795 = tpu.vector_load_idx %arg13[%add3A_794] : memref<2560xf32, #tpu.memory_space<vmem>>[vector<16xi32>], vector<16xf32>,
    %add3A_796 = arith.constant 2 : i32
    %add3A_797 = vector.broadcast %add3A_796 : i32 to vector<16xi32>
    %add3A_798 = arith.addi %mul3A_790, %add3A_797 : vector<16xi32>
    %gather3A_799 = tpu.vector_load_idx %arg13[%add3A_798] : memref<2560xf32, #tpu.memory_space<vmem>>[vector<16xi32>], vector<16xf32>,
    %add3A_800 = arith.constant 3 : i32
    %add3A_801 = vector.broadcast %add3A_800 : i32 to vector<16xi32>
    %add3A_802 = arith.addi %mul3A_790, %add3A_801 : vector<16xi32>
    %gather3A_803 = tpu.vector_load_idx %arg13[%add3A_802] : memref<2560xf32, #tpu.memory_space<vmem>>[vector<16xi32>], vector<16xf32>,
    %add3A_804 = arith.addf %gather3A_791, %gather3A_799 : vector<16xf32>
    %mul3A_805 = arith.constant 5.000000e-01 : f32
    %mul3A_806 = vector.broadcast %mul3A_805 : f32 to vector<16xf32>
    %mul3A_807 = arith.mulf %mul3A_806, %add3A_804 : vector<16xf32>
    %select_n3A_808 = arith.select %or3A_779, %gather3A_780, %mul3A_807 : vector<16xi1>, vector<16xf32>
    %add3A_809 = arith.addf %gather3A_795, %gather3A_803 : vector<16xf32>
    %mul3A_810 = arith.constant 5.000000e-01 : f32
    %mul3A_811 = vector.broadcast %mul3A_810 : f32 to vector<16xf32>
    %mul3A_812 = arith.mulf %mul3A_811, %add3A_809 : vector<16xf32>
    %select_n3A_813 = arith.select %or3A_779, %gather3A_781, %mul3A_812 : vector<16xi1>, vector<16xf32>
    %sub3A_814 = arith.subf %gather3A_799, %gather3A_791 : vector<16xf32>
    %select_n3A_815 = arith.select %or3A_779, %gather3A_782, %sub3A_814 : vector<16xi1>, vector<16xf32>
    %sub3A_816 = arith.subf %gather3A_803, %gather3A_795 : vector<16xf32>
    %select_n3A_817 = arith.select %or3A_779, %gather3A_783, %sub3A_816 : vector<16xi1>, vector<16xf32>
    %jit3A_818 = arith.constant 0 : i32
    %broadcast_in_dim3A_819 = vector.broadcast %jit3A_818 : i32 to vector<16xi32>
    %select_n3A_820 = arith.select %or3A_779, %gather3A_784, %broadcast_in_dim3A_819 : vector<16xi1>, vector<16xi32>
    %swap3A_821 = arith.constant 16 : index
    %swap3A_822 = tpu.vector_load %arg22[%swap3A_821] {strides = array<i32>} : memref<640xi32, #tpu.memory_space<vmem>>, vector<16xi32>,
    tpu.vector_store %arg22[%swap3A_821], %select_n3A_820 {strides = array<i32>} : memref<640xi32, #tpu.memory_space<vmem>>, vector<16xi32>,
    %add3A_823 = arith.constant 16 : i32
    %add3A_824 = vector.broadcast %add3A_823 : i32 to vector<16xi32>
    %add3A_825 = arith.addi %iota3A, %add3A_824 : vector<16xi32>
    tpu.vector_store_idx %arg21[%add3A_825, %broadcast_in_dim3A_696], %select_n3A_808 : memref<640x4xf32, #tpu.memory_space<vmem>>[vector<16xi32>, vector<16xi32>], vector<16xf32>,
    %add3A_826 = arith.constant 1 : i32
    %add3A_827 = vector.broadcast %add3A_826 : i32 to vector<16xi32>
    %add3A_828 = arith.addi %broadcast_in_dim3A_696, %add3A_827 : vector<16xi32>
    tpu.vector_store_idx %arg21[%add3A_825, %add3A_828], %select_n3A_813 : memref<640x4xf32, #tpu.memory_space<vmem>>[vector<16xi32>, vector<16xi32>], vector<16xf32>,
    %add3A_829 = arith.constant 2 : i32
    %add3A_830 = vector.broadcast %add3A_829 : i32 to vector<16xi32>
    %add3A_831 = arith.addi %broadcast_in_dim3A_696, %add3A_830 : vector<16xi32>
    tpu.vector_store_idx %arg21[%add3A_825, %add3A_831], %select_n3A_815 : memref<640x4xf32, #tpu.memory_space<vmem>>[vector<16xi32>, vector<16xi32>], vector<16xf32>,
    %add3A_832 = arith.constant 3 : i32
    %add3A_833 = vector.broadcast %add3A_832 : i32 to vector<16xi32>
    %add3A_834 = arith.addi %broadcast_in_dim3A_696, %add3A_833 : vector<16xi32>
    tpu.vector_store_idx %arg21[%add3A_825, %add3A_834], %select_n3A_817 : memref<640x4xf32, #tpu.memory_space<vmem>>[vector<16xi32>, vector<16xi32>], vector<16xf32>,
    %get3A_835 = arith.constant 32 : index
    %get3A_836 = tpu.vector_load %arg12[%get3A_835] {strides = array<i32>} : memref<640xi32, #tpu.memory_space<vmem>>, vector<16xi32>,
    %ge3A_837 = arith.constant 0 : i32
    %ge3A_838 = vector.broadcast %ge3A_837 : i32 to vector<16xi32>
    %ge3A_839 = arith.cmpi sge, %get3A_836, %ge3A_838 : vector<16xi32>
    %get3A_840 = arith.constant 32 : index
    %get3A_841 = tpu.vector_load %arg11[%get3A_840] {strides = array<i32>} : memref<640xi32, #tpu.memory_space<vmem>>, vector<16xi32>,
    %select_n3A_842 = arith.select %ge3A_839, %get3A_836, %get3A_841 : vector<16xi1>, vector<16xi32>
    %ge3A_843 = arith.constant 0 : i32
    %ge3A_844 = vector.broadcast %ge3A_843 : i32 to vector<16xi32>
    %ge3A_845 = arith.cmpi sge, %get3A_836, %ge3A_844 : vector<16xi32>
    %get3A_846 = arith.constant 32 : index
    %get3A_847 = tpu.vector_load %arg10[%get3A_846] {strides = array<i32>} : memref<640xf32, #tpu.memory_space<vmem>>, vector<16xf32>,
    %gt3A_848 = arith.constant 5.000000e-01 : f32
    %gt3A_849 = vector.broadcast %gt3A_848 : f32 to vector<16xf32>
    %gt3A_850 = arith.cmpf ogt, %get3A_847, %gt3A_849 : vector<16xf32>
    %or3A_851 = arith.ori %ge3A_845, %gt3A_850 : vector<16xi1>
    %gather3A_852 = tpu.vector_load_idx %arg16[%select_n3A_842] : memref<208xf32, #tpu.memory_space<vmem>>[vector<16xi32>], vector<16xf32>,
    %gather3A_853 = tpu.vector_load_idx %arg17[%select_n3A_842] : memref<208xf32, #tpu.memory_space<vmem>>[vector<16xi32>], vector<16xf32>,
    %gather3A_854 = tpu.vector_load_idx %arg18[%select_n3A_842] : memref<208xf32, #tpu.memory_space<vmem>>[vector<16xi32>], vector<16xf32>,
    %gather3A_855 = tpu.vector_load_idx %arg19[%select_n3A_842] : memref<208xf32, #tpu.memory_space<vmem>>[vector<16xi32>], vector<16xf32>,
    %gather3A_856 = tpu.vector_load_idx %arg20[%select_n3A_842] : memref<200xi32, #tpu.memory_space<vmem>>[vector<16xi32>], vector<16xi32>,
    %add3A_857 = arith.constant 32 : i32
    %add3A_858 = vector.broadcast %add3A_857 : i32 to vector<16xi32>
    %add3A_859 = arith.addi %iota3A, %add3A_858 : vector<16xi32>
    %mul3A_860 = arith.constant 4 : i32
    %mul3A_861 = vector.broadcast %mul3A_860 : i32 to vector<16xi32>
    %mul3A_862 = arith.muli %add3A_859, %mul3A_861 : vector<16xi32>
    %gather3A_863 = tpu.vector_load_idx %arg13[%mul3A_862] : memref<2560xf32, #tpu.memory_space<vmem>>[vector<16xi32>], vector<16xf32>,
    %add3A_864 = arith.constant 1 : i32
    %add3A_865 = vector.broadcast %add3A_864 : i32 to vector<16xi32>
    %add3A_866 = arith.addi %mul3A_862, %add3A_865 : vector<16xi32>
    %gather3A_867 = tpu.vector_load_idx %arg13[%add3A_866] : memref<2560xf32, #tpu.memory_space<vmem>>[vector<16xi32>], vector<16xf32>,
    %add3A_868 = arith.constant 2 : i32
    %add3A_869 = vector.broadcast %add3A_868 : i32 to vector<16xi32>
    %add3A_870 = arith.addi %mul3A_862, %add3A_869 : vector<16xi32>
    %gather3A_871 = tpu.vector_load_idx %arg13[%add3A_870] : memref<2560xf32, #tpu.memory_space<vmem>>[vector<16xi32>], vector<16xf32>,
    %add3A_872 = arith.constant 3 : i32
    %add3A_873 = vector.broadcast %add3A_872 : i32 to vector<16xi32>
    %add3A_874 = arith.addi %mul3A_862, %add3A_873 : vector<16xi32>
    %gather3A_875 = tpu.vector_load_idx %arg13[%add3A_874] : memref<2560xf32, #tpu.memory_space<vmem>>[vector<16xi32>], vector<16xf32>,
    %add3A_876 = arith.addf %gather3A_863, %gather3A_871 : vector<16xf32>
    %mul3A_877 = arith.constant 5.000000e-01 : f32
    %mul3A_878 = vector.broadcast %mul3A_877 : f32 to vector<16xf32>
    %mul3A_879 = arith.mulf %mul3A_878, %add3A_876 : vector<16xf32>
    %select_n3A_880 = arith.select %or3A_851, %gather3A_852, %mul3A_879 : vector<16xi1>, vector<16xf32>
    %add3A_881 = arith.addf %gather3A_867, %gather3A_875 : vector<16xf32>
    %mul3A_882 = arith.constant 5.000000e-01 : f32
    %mul3A_883 = vector.broadcast %mul3A_882 : f32 to vector<16xf32>
    %mul3A_884 = arith.mulf %mul3A_883, %add3A_881 : vector<16xf32>
    %select_n3A_885 = arith.select %or3A_851, %gather3A_853, %mul3A_884 : vector<16xi1>, vector<16xf32>
    %sub3A_886 = arith.subf %gather3A_871, %gather3A_863 : vector<16xf32>
    %select_n3A_887 = arith.select %or3A_851, %gather3A_854, %sub3A_886 : vector<16xi1>, vector<16xf32>
    %sub3A_888 = arith.subf %gather3A_875, %gather3A_867 : vector<16xf32>
    %select_n3A_889 = arith.select %or3A_851, %gather3A_855, %sub3A_888 : vector<16xi1>, vector<16xf32>
    %jit3A_890 = arith.constant 0 : i32
    %broadcast_in_dim3A_891 = vector.broadcast %jit3A_890 : i32 to vector<16xi32>
    %select_n3A_892 = arith.select %or3A_851, %gather3A_856, %broadcast_in_dim3A_891 : vector<16xi1>, vector<16xi32>
    %swap3A_893 = arith.constant 32 : index
    %swap3A_894 = tpu.vector_load %arg22[%swap3A_893] {strides = array<i32>} : memref<640xi32, #tpu.memory_space<vmem>>, vector<16xi32>,
    tpu.vector_store %arg22[%swap3A_893], %select_n3A_892 {strides = array<i32>} : memref<640xi32, #tpu.memory_space<vmem>>, vector<16xi32>,
    %add3A_895 = arith.constant 32 : i32
    %add3A_896 = vector.broadcast %add3A_895 : i32 to vector<16xi32>
    %add3A_897 = arith.addi %iota3A, %add3A_896 : vector<16xi32>
    tpu.vector_store_idx %arg21[%add3A_897, %broadcast_in_dim3A_696], %select_n3A_880 : memref<640x4xf32, #tpu.memory_space<vmem>>[vector<16xi32>, vector<16xi32>], vector<16xf32>,
    %add3A_898 = arith.constant 1 : i32
    %add3A_899 = vector.broadcast %add3A_898 : i32 to vector<16xi32>
    %add3A_900 = arith.addi %broadcast_in_dim3A_696, %add3A_899 : vector<16xi32>
    tpu.vector_store_idx %arg21[%add3A_897, %add3A_900], %select_n3A_885 : memref<640x4xf32, #tpu.memory_space<vmem>>[vector<16xi32>, vector<16xi32>], vector<16xf32>,
    %add3A_901 = arith.constant 2 : i32
    %add3A_902 = vector.broadcast %add3A_901 : i32 to vector<16xi32>
    %add3A_903 = arith.addi %broadcast_in_dim3A_696, %add3A_902 : vector<16xi32>
    tpu.vector_store_idx %arg21[%add3A_897, %add3A_903], %select_n3A_887 : memref<640x4xf32, #tpu.memory_space<vmem>>[vector<16xi32>, vector<16xi32>], vector<16xf32>,
    %add3A_904 = arith.constant 3 : i32
    %add3A_905 = vector.broadcast %add3A_904 : i32 to vector<16xi32>
    %add3A_906 = arith.addi %broadcast_in_dim3A_696, %add3A_905 : vector<16xi32>
    tpu.vector_store_idx %arg21[%add3A_897, %add3A_906], %select_n3A_889 : memref<640x4xf32, #tpu.memory_space<vmem>>[vector<16xi32>, vector<16xi32>], vector<16xf32>,
    %get3A_907 = arith.constant 48 : index
    %get3A_908 = tpu.vector_load %arg12[%get3A_907] {strides = array<i32>} : memref<640xi32, #tpu.memory_space<vmem>>, vector<16xi32>,
    %ge3A_909 = arith.constant 0 : i32
    %ge3A_910 = vector.broadcast %ge3A_909 : i32 to vector<16xi32>
    %ge3A_911 = arith.cmpi sge, %get3A_908, %ge3A_910 : vector<16xi32>
    %get3A_912 = arith.constant 48 : index
    %get3A_913 = tpu.vector_load %arg11[%get3A_912] {strides = array<i32>} : memref<640xi32, #tpu.memory_space<vmem>>, vector<16xi32>,
    %select_n3A_914 = arith.select %ge3A_911, %get3A_908, %get3A_913 : vector<16xi1>, vector<16xi32>
    %ge3A_915 = arith.constant 0 : i32
    %ge3A_916 = vector.broadcast %ge3A_915 : i32 to vector<16xi32>
    %ge3A_917 = arith.cmpi sge, %get3A_908, %ge3A_916 : vector<16xi32>
    %get3A_918 = arith.constant 48 : index
    %get3A_919 = tpu.vector_load %arg10[%get3A_918] {strides = array<i32>} : memref<640xf32, #tpu.memory_space<vmem>>, vector<16xf32>,
    %gt3A_920 = arith.constant 5.000000e-01 : f32
    %gt3A_921 = vector.broadcast %gt3A_920 : f32 to vector<16xf32>
    %gt3A_922 = arith.cmpf ogt, %get3A_919, %gt3A_921 : vector<16xf32>
    %or3A_923 = arith.ori %ge3A_917, %gt3A_922 : vector<16xi1>
    %gather3A_924 = tpu.vector_load_idx %arg16[%select_n3A_914] : memref<208xf32, #tpu.memory_space<vmem>>[vector<16xi32>], vector<16xf32>,
    %gather3A_925 = tpu.vector_load_idx %arg17[%select_n3A_914] : memref<208xf32, #tpu.memory_space<vmem>>[vector<16xi32>], vector<16xf32>,
    %gather3A_926 = tpu.vector_load_idx %arg18[%select_n3A_914] : memref<208xf32, #tpu.memory_space<vmem>>[vector<16xi32>], vector<16xf32>,
    %gather3A_927 = tpu.vector_load_idx %arg19[%select_n3A_914] : memref<208xf32, #tpu.memory_space<vmem>>[vector<16xi32>], vector<16xf32>,
    %gather3A_928 = tpu.vector_load_idx %arg20[%select_n3A_914] : memref<200xi32, #tpu.memory_space<vmem>>[vector<16xi32>], vector<16xi32>,
    %add3A_929 = arith.constant 48 : i32
    %add3A_930 = vector.broadcast %add3A_929 : i32 to vector<16xi32>
    %add3A_931 = arith.addi %iota3A, %add3A_930 : vector<16xi32>
    %mul3A_932 = arith.constant 4 : i32
    %mul3A_933 = vector.broadcast %mul3A_932 : i32 to vector<16xi32>
    %mul3A_934 = arith.muli %add3A_931, %mul3A_933 : vector<16xi32>
    %gather3A_935 = tpu.vector_load_idx %arg13[%mul3A_934] : memref<2560xf32, #tpu.memory_space<vmem>>[vector<16xi32>], vector<16xf32>,
    %add3A_936 = arith.constant 1 : i32
    %add3A_937 = vector.broadcast %add3A_936 : i32 to vector<16xi32>
    %add3A_938 = arith.addi %mul3A_934, %add3A_937 : vector<16xi32>
    %gather3A_939 = tpu.vector_load_idx %arg13[%add3A_938] : memref<2560xf32, #tpu.memory_space<vmem>>[vector<16xi32>], vector<16xf32>,
    %add3A_940 = arith.constant 2 : i32
    %add3A_941 = vector.broadcast %add3A_940 : i32 to vector<16xi32>
    %add3A_942 = arith.addi %mul3A_934, %add3A_941 : vector<16xi32>
    %gather3A_943 = tpu.vector_load_idx %arg13[%add3A_942] : memref<2560xf32, #tpu.memory_space<vmem>>[vector<16xi32>], vector<16xf32>,
    %add3A_944 = arith.constant 3 : i32
    %add3A_945 = vector.broadcast %add3A_944 : i32 to vector<16xi32>
    %add3A_946 = arith.addi %mul3A_934, %add3A_945 : vector<16xi32>
    %gather3A_947 = tpu.vector_load_idx %arg13[%add3A_946] : memref<2560xf32, #tpu.memory_space<vmem>>[vector<16xi32>], vector<16xf32>,
    %add3A_948 = arith.addf %gather3A_935, %gather3A_943 : vector<16xf32>
    %mul3A_949 = arith.constant 5.000000e-01 : f32
    %mul3A_950 = vector.broadcast %mul3A_949 : f32 to vector<16xf32>
    %mul3A_951 = arith.mulf %mul3A_950, %add3A_948 : vector<16xf32>
    %select_n3A_952 = arith.select %or3A_923, %gather3A_924, %mul3A_951 : vector<16xi1>, vector<16xf32>
    %add3A_953 = arith.addf %gather3A_939, %gather3A_947 : vector<16xf32>
    %mul3A_954 = arith.constant 5.000000e-01 : f32
    %mul3A_955 = vector.broadcast %mul3A_954 : f32 to vector<16xf32>
    %mul3A_956 = arith.mulf %mul3A_955, %add3A_953 : vector<16xf32>
    %select_n3A_957 = arith.select %or3A_923, %gather3A_925, %mul3A_956 : vector<16xi1>, vector<16xf32>
    %sub3A_958 = arith.subf %gather3A_943, %gather3A_935 : vector<16xf32>
    %select_n3A_959 = arith.select %or3A_923, %gather3A_926, %sub3A_958 : vector<16xi1>, vector<16xf32>
    %sub3A_960 = arith.subf %gather3A_947, %gather3A_939 : vector<16xf32>
    %select_n3A_961 = arith.select %or3A_923, %gather3A_927, %sub3A_960 : vector<16xi1>, vector<16xf32>
    %jit3A_962 = arith.constant 0 : i32
    %broadcast_in_dim3A_963 = vector.broadcast %jit3A_962 : i32 to vector<16xi32>
    %select_n3A_964 = arith.select %or3A_923, %gather3A_928, %broadcast_in_dim3A_963 : vector<16xi1>, vector<16xi32>
    %swap3A_965 = arith.constant 48 : index
    %swap3A_966 = tpu.vector_load %arg22[%swap3A_965] {strides = array<i32>} : memref<640xi32, #tpu.memory_space<vmem>>, vector<16xi32>,
    tpu.vector_store %arg22[%swap3A_965], %select_n3A_964 {strides = array<i32>} : memref<640xi32, #tpu.memory_space<vmem>>, vector<16xi32>,
    %add3A_967 = arith.constant 48 : i32
    %add3A_968 = vector.broadcast %add3A_967 : i32 to vector<16xi32>
    %add3A_969 = arith.addi %iota3A, %add3A_968 : vector<16xi32>
    tpu.vector_store_idx %arg21[%add3A_969, %broadcast_in_dim3A_696], %select_n3A_952 : memref<640x4xf32, #tpu.memory_space<vmem>>[vector<16xi32>, vector<16xi32>], vector<16xf32>,
    %add3A_970 = arith.constant 1 : i32
    %add3A_971 = vector.broadcast %add3A_970 : i32 to vector<16xi32>
    %add3A_972 = arith.addi %broadcast_in_dim3A_696, %add3A_971 : vector<16xi32>
    tpu.vector_store_idx %arg21[%add3A_969, %add3A_972], %select_n3A_957 : memref<640x4xf32, #tpu.memory_space<vmem>>[vector<16xi32>, vector<16xi32>], vector<16xf32>,
    %add3A_973 = arith.constant 2 : i32
    %add3A_974 = vector.broadcast %add3A_973 : i32 to vector<16xi32>
    %add3A_975 = arith.addi %broadcast_in_dim3A_696, %add3A_974 : vector<16xi32>
    tpu.vector_store_idx %arg21[%add3A_969, %add3A_975], %select_n3A_959 : memref<640x4xf32, #tpu.memory_space<vmem>>[vector<16xi32>, vector<16xi32>], vector<16xf32>,
    %add3A_976 = arith.constant 3 : i32
    %add3A_977 = vector.broadcast %add3A_976 : i32 to vector<16xi32>
    %add3A_978 = arith.addi %broadcast_in_dim3A_696, %add3A_977 : vector<16xi32>
    tpu.vector_store_idx %arg21[%add3A_969, %add3A_978], %select_n3A_961 : memref<640x4xf32, #tpu.memory_space<vmem>>[vector<16xi32>, vector<16xi32>], vector<16xf32>,
    %get3A_979 = arith.constant 64 : index
    %get3A_980 = tpu.vector_load %arg12[%get3A_979] {strides = array<i32>} : memref<640xi32, #tpu.memory_space<vmem>>, vector<16xi32>,
    %ge3A_981 = arith.constant 0 : i32
    %ge3A_982 = vector.broadcast %ge3A_981 : i32 to vector<16xi32>
    %ge3A_983 = arith.cmpi sge, %get3A_980, %ge3A_982 : vector<16xi32>
    %get3A_984 = arith.constant 64 : index
    %get3A_985 = tpu.vector_load %arg11[%get3A_984] {strides = array<i32>} : memref<640xi32, #tpu.memory_space<vmem>>, vector<16xi32>,
    %select_n3A_986 = arith.select %ge3A_983, %get3A_980, %get3A_985 : vector<16xi1>, vector<16xi32>
    %ge3A_987 = arith.constant 0 : i32
    %ge3A_988 = vector.broadcast %ge3A_987 : i32 to vector<16xi32>
    %ge3A_989 = arith.cmpi sge, %get3A_980, %ge3A_988 : vector<16xi32>
    %get3A_990 = arith.constant 64 : index
    %get3A_991 = tpu.vector_load %arg10[%get3A_990] {strides = array<i32>} : memref<640xf32, #tpu.memory_space<vmem>>, vector<16xf32>,
    %gt3A_992 = arith.constant 5.000000e-01 : f32
    %gt3A_993 = vector.broadcast %gt3A_992 : f32 to vector<16xf32>
    %gt3A_994 = arith.cmpf ogt, %get3A_991, %gt3A_993 : vector<16xf32>
    %or3A_995 = arith.ori %ge3A_989, %gt3A_994 : vector<16xi1>
    %gather3A_996 = tpu.vector_load_idx %arg16[%select_n3A_986] : memref<208xf32, #tpu.memory_space<vmem>>[vector<16xi32>], vector<16xf32>,
    %gather3A_997 = tpu.vector_load_idx %arg17[%select_n3A_986] : memref<208xf32, #tpu.memory_space<vmem>>[vector<16xi32>], vector<16xf32>,
    %gather3A_998 = tpu.vector_load_idx %arg18[%select_n3A_986] : memref<208xf32, #tpu.memory_space<vmem>>[vector<16xi32>], vector<16xf32>,
    %gather3A_999 = tpu.vector_load_idx %arg19[%select_n3A_986] : memref<208xf32, #tpu.memory_space<vmem>>[vector<16xi32>], vector<16xf32>,
    %gather3A_1000 = tpu.vector_load_idx %arg20[%select_n3A_986] : memref<200xi32, #tpu.memory_space<vmem>>[vector<16xi32>], vector<16xi32>,
    %add3A_1001 = arith.constant 64 : i32
    %add3A_1002 = vector.broadcast %add3A_1001 : i32 to vector<16xi32>
    %add3A_1003 = arith.addi %iota3A, %add3A_1002 : vector<16xi32>
    %mul3A_1004 = arith.constant 4 : i32
    %mul3A_1005 = vector.broadcast %mul3A_1004 : i32 to vector<16xi32>
    %mul3A_1006 = arith.muli %add3A_1003, %mul3A_1005 : vector<16xi32>
    %gather3A_1007 = tpu.vector_load_idx %arg13[%mul3A_1006] : memref<2560xf32, #tpu.memory_space<vmem>>[vector<16xi32>], vector<16xf32>,
    %add3A_1008 = arith.constant 1 : i32
    %add3A_1009 = vector.broadcast %add3A_1008 : i32 to vector<16xi32>
    %add3A_1010 = arith.addi %mul3A_1006, %add3A_1009 : vector<16xi32>
    %gather3A_1011 = tpu.vector_load_idx %arg13[%add3A_1010] : memref<2560xf32, #tpu.memory_space<vmem>>[vector<16xi32>], vector<16xf32>,
    %add3A_1012 = arith.constant 2 : i32
    %add3A_1013 = vector.broadcast %add3A_1012 : i32 to vector<16xi32>
    %add3A_1014 = arith.addi %mul3A_1006, %add3A_1013 : vector<16xi32>
    %gather3A_1015 = tpu.vector_load_idx %arg13[%add3A_1014] : memref<2560xf32, #tpu.memory_space<vmem>>[vector<16xi32>], vector<16xf32>,
    %add3A_1016 = arith.constant 3 : i32
    %add3A_1017 = vector.broadcast %add3A_1016 : i32 to vector<16xi32>
    %add3A_1018 = arith.addi %mul3A_1006, %add3A_1017 : vector<16xi32>
    %gather3A_1019 = tpu.vector_load_idx %arg13[%add3A_1018] : memref<2560xf32, #tpu.memory_space<vmem>>[vector<16xi32>], vector<16xf32>,
    %add3A_1020 = arith.addf %gather3A_1007, %gather3A_1015 : vector<16xf32>
    %mul3A_1021 = arith.constant 5.000000e-01 : f32
    %mul3A_1022 = vector.broadcast %mul3A_1021 : f32 to vector<16xf32>
    %mul3A_1023 = arith.mulf %mul3A_1022, %add3A_1020 : vector<16xf32>
    %select_n3A_1024 = arith.select %or3A_995, %gather3A_996, %mul3A_1023 : vector<16xi1>, vector<16xf32>
    %add3A_1025 = arith.addf %gather3A_1011, %gather3A_1019 : vector<16xf32>
    %mul3A_1026 = arith.constant 5.000000e-01 : f32
    %mul3A_1027 = vector.broadcast %mul3A_1026 : f32 to vector<16xf32>
    %mul3A_1028 = arith.mulf %mul3A_1027, %add3A_1025 : vector<16xf32>
    %select_n3A_1029 = arith.select %or3A_995, %gather3A_997, %mul3A_1028 : vector<16xi1>, vector<16xf32>
    %sub3A_1030 = arith.subf %gather3A_1015, %gather3A_1007 : vector<16xf32>
    %select_n3A_1031 = arith.select %or3A_995, %gather3A_998, %sub3A_1030 : vector<16xi1>, vector<16xf32>
    %sub3A_1032 = arith.subf %gather3A_1019, %gather3A_1011 : vector<16xf32>
    %select_n3A_1033 = arith.select %or3A_995, %gather3A_999, %sub3A_1032 : vector<16xi1>, vector<16xf32>
    %jit3A_1034 = arith.constant 0 : i32
    %broadcast_in_dim3A_1035 = vector.broadcast %jit3A_1034 : i32 to vector<16xi32>
    %select_n3A_1036 = arith.select %or3A_995, %gather3A_1000, %broadcast_in_dim3A_1035 : vector<16xi1>, vector<16xi32>
    %swap3A_1037 = arith.constant 64 : index
    %swap3A_1038 = tpu.vector_load %arg22[%swap3A_1037] {strides = array<i32>} : memref<640xi32, #tpu.memory_space<vmem>>, vector<16xi32>,
    tpu.vector_store %arg22[%swap3A_1037], %select_n3A_1036 {strides = array<i32>} : memref<640xi32, #tpu.memory_space<vmem>>, vector<16xi32>,
    %add3A_1039 = arith.constant 64 : i32
    %add3A_1040 = vector.broadcast %add3A_1039 : i32 to vector<16xi32>
    %add3A_1041 = arith.addi %iota3A, %add3A_1040 : vector<16xi32>
    tpu.vector_store_idx %arg21[%add3A_1041, %broadcast_in_dim3A_696], %select_n3A_1024 : memref<640x4xf32, #tpu.memory_space<vmem>>[vector<16xi32>, vector<16xi32>], vector<16xf32>,
    %add3A_1042 = arith.constant 1 : i32
    %add3A_1043 = vector.broadcast %add3A_1042 : i32 to vector<16xi32>
    %add3A_1044 = arith.addi %broadcast_in_dim3A_696, %add3A_1043 : vector<16xi32>
    tpu.vector_store_idx %arg21[%add3A_1041, %add3A_1044], %select_n3A_1029 : memref<640x4xf32, #tpu.memory_space<vmem>>[vector<16xi32>, vector<16xi32>], vector<16xf32>,
    %add3A_1045 = arith.constant 2 : i32
    %add3A_1046 = vector.broadcast %add3A_1045 : i32 to vector<16xi32>
    %add3A_1047 = arith.addi %broadcast_in_dim3A_696, %add3A_1046 : vector<16xi32>
    tpu.vector_store_idx %arg21[%add3A_1041, %add3A_1047], %select_n3A_1031 : memref<640x4xf32, #tpu.memory_space<vmem>>[vector<16xi32>, vector<16xi32>], vector<16xf32>,
    %add3A_1048 = arith.constant 3 : i32
    %add3A_1049 = vector.broadcast %add3A_1048 : i32 to vector<16xi32>
    %add3A_1050 = arith.addi %broadcast_in_dim3A_696, %add3A_1049 : vector<16xi32>
    tpu.vector_store_idx %arg21[%add3A_1041, %add3A_1050], %select_n3A_1033 : memref<640x4xf32, #tpu.memory_space<vmem>>[vector<16xi32>, vector<16xi32>], vector<16xf32>,
    %get3A_1051 = arith.constant 80 : index
    %get3A_1052 = tpu.vector_load %arg12[%get3A_1051] {strides = array<i32>} : memref<640xi32, #tpu.memory_space<vmem>>, vector<16xi32>,
    %ge3A_1053 = arith.constant 0 : i32
    %ge3A_1054 = vector.broadcast %ge3A_1053 : i32 to vector<16xi32>
    %ge3A_1055 = arith.cmpi sge, %get3A_1052, %ge3A_1054 : vector<16xi32>
    %get3A_1056 = arith.constant 80 : index
    %get3A_1057 = tpu.vector_load %arg11[%get3A_1056] {strides = array<i32>} : memref<640xi32, #tpu.memory_space<vmem>>, vector<16xi32>,
    %select_n3A_1058 = arith.select %ge3A_1055, %get3A_1052, %get3A_1057 : vector<16xi1>, vector<16xi32>
    %ge3A_1059 = arith.constant 0 : i32
    %ge3A_1060 = vector.broadcast %ge3A_1059 : i32 to vector<16xi32>
    %ge3A_1061 = arith.cmpi sge, %get3A_1052, %ge3A_1060 : vector<16xi32>
    %get3A_1062 = arith.constant 80 : index
    %get3A_1063 = tpu.vector_load %arg10[%get3A_1062] {strides = array<i32>} : memref<640xf32, #tpu.memory_space<vmem>>, vector<16xf32>,
    %gt3A_1064 = arith.constant 5.000000e-01 : f32
    %gt3A_1065 = vector.broadcast %gt3A_1064 : f32 to vector<16xf32>
    %gt3A_1066 = arith.cmpf ogt, %get3A_1063, %gt3A_1065 : vector<16xf32>
    %or3A_1067 = arith.ori %ge3A_1061, %gt3A_1066 : vector<16xi1>
    %gather3A_1068 = tpu.vector_load_idx %arg16[%select_n3A_1058] : memref<208xf32, #tpu.memory_space<vmem>>[vector<16xi32>], vector<16xf32>,
    %gather3A_1069 = tpu.vector_load_idx %arg17[%select_n3A_1058] : memref<208xf32, #tpu.memory_space<vmem>>[vector<16xi32>], vector<16xf32>,
    %gather3A_1070 = tpu.vector_load_idx %arg18[%select_n3A_1058] : memref<208xf32, #tpu.memory_space<vmem>>[vector<16xi32>], vector<16xf32>,
    %gather3A_1071 = tpu.vector_load_idx %arg19[%select_n3A_1058] : memref<208xf32, #tpu.memory_space<vmem>>[vector<16xi32>], vector<16xf32>,
    %gather3A_1072 = tpu.vector_load_idx %arg20[%select_n3A_1058] : memref<200xi32, #tpu.memory_space<vmem>>[vector<16xi32>], vector<16xi32>,
    %add3A_1073 = arith.constant 80 : i32
    %add3A_1074 = vector.broadcast %add3A_1073 : i32 to vector<16xi32>
    %add3A_1075 = arith.addi %iota3A, %add3A_1074 : vector<16xi32>
    %mul3A_1076 = arith.constant 4 : i32
    %mul3A_1077 = vector.broadcast %mul3A_1076 : i32 to vector<16xi32>
    %mul3A_1078 = arith.muli %add3A_1075, %mul3A_1077 : vector<16xi32>
    %gather3A_1079 = tpu.vector_load_idx %arg13[%mul3A_1078] : memref<2560xf32, #tpu.memory_space<vmem>>[vector<16xi32>], vector<16xf32>,
    %add3A_1080 = arith.constant 1 : i32
    %add3A_1081 = vector.broadcast %add3A_1080 : i32 to vector<16xi32>
    %add3A_1082 = arith.addi %mul3A_1078, %add3A_1081 : vector<16xi32>
    %gather3A_1083 = tpu.vector_load_idx %arg13[%add3A_1082] : memref<2560xf32, #tpu.memory_space<vmem>>[vector<16xi32>], vector<16xf32>,
    %add3A_1084 = arith.constant 2 : i32
    %add3A_1085 = vector.broadcast %add3A_1084 : i32 to vector<16xi32>
    %add3A_1086 = arith.addi %mul3A_1078, %add3A_1085 : vector<16xi32>
    %gather3A_1087 = tpu.vector_load_idx %arg13[%add3A_1086] : memref<2560xf32, #tpu.memory_space<vmem>>[vector<16xi32>], vector<16xf32>,
    %add3A_1088 = arith.constant 3 : i32
    %add3A_1089 = vector.broadcast %add3A_1088 : i32 to vector<16xi32>
    %add3A_1090 = arith.addi %mul3A_1078, %add3A_1089 : vector<16xi32>
    %gather3A_1091 = tpu.vector_load_idx %arg13[%add3A_1090] : memref<2560xf32, #tpu.memory_space<vmem>>[vector<16xi32>], vector<16xf32>,
    %add3A_1092 = arith.addf %gather3A_1079, %gather3A_1087 : vector<16xf32>
    %mul3A_1093 = arith.constant 5.000000e-01 : f32
    %mul3A_1094 = vector.broadcast %mul3A_1093 : f32 to vector<16xf32>
    %mul3A_1095 = arith.mulf %mul3A_1094, %add3A_1092 : vector<16xf32>
    %select_n3A_1096 = arith.select %or3A_1067, %gather3A_1068, %mul3A_1095 : vector<16xi1>, vector<16xf32>
    %add3A_1097 = arith.addf %gather3A_1083, %gather3A_1091 : vector<16xf32>
    %mul3A_1098 = arith.constant 5.000000e-01 : f32
    %mul3A_1099 = vector.broadcast %mul3A_1098 : f32 to vector<16xf32>
    %mul3A_1100 = arith.mulf %mul3A_1099, %add3A_1097 : vector<16xf32>
    %select_n3A_1101 = arith.select %or3A_1067, %gather3A_1069, %mul3A_1100 : vector<16xi1>, vector<16xf32>
    %sub3A_1102 = arith.subf %gather3A_1087, %gather3A_1079 : vector<16xf32>
    %select_n3A_1103 = arith.select %or3A_1067, %gather3A_1070, %sub3A_1102 : vector<16xi1>, vector<16xf32>
    %sub3A_1104 = arith.subf %gather3A_1091, %gather3A_1083 : vector<16xf32>
    %select_n3A_1105 = arith.select %or3A_1067, %gather3A_1071, %sub3A_1104 : vector<16xi1>, vector<16xf32>
    %jit3A_1106 = arith.constant 0 : i32
    %broadcast_in_dim3A_1107 = vector.broadcast %jit3A_1106 : i32 to vector<16xi32>
    %select_n3A_1108 = arith.select %or3A_1067, %gather3A_1072, %broadcast_in_dim3A_1107 : vector<16xi1>, vector<16xi32>
    %swap3A_1109 = arith.constant 80 : index
    %swap3A_1110 = tpu.vector_load %arg22[%swap3A_1109] {strides = array<i32>} : memref<640xi32, #tpu.memory_space<vmem>>, vector<16xi32>,
    tpu.vector_store %arg22[%swap3A_1109], %select_n3A_1108 {strides = array<i32>} : memref<640xi32, #tpu.memory_space<vmem>>, vector<16xi32>,
    %add3A_1111 = arith.constant 80 : i32
    %add3A_1112 = vector.broadcast %add3A_1111 : i32 to vector<16xi32>
    %add3A_1113 = arith.addi %iota3A, %add3A_1112 : vector<16xi32>
    tpu.vector_store_idx %arg21[%add3A_1113, %broadcast_in_dim3A_696], %select_n3A_1096 : memref<640x4xf32, #tpu.memory_space<vmem>>[vector<16xi32>, vector<16xi32>], vector<16xf32>,
    %add3A_1114 = arith.constant 1 : i32
    %add3A_1115 = vector.broadcast %add3A_1114 : i32 to vector<16xi32>
    %add3A_1116 = arith.addi %broadcast_in_dim3A_696, %add3A_1115 : vector<16xi32>
    tpu.vector_store_idx %arg21[%add3A_1113, %add3A_1116], %select_n3A_1101 : memref<640x4xf32, #tpu.memory_space<vmem>>[vector<16xi32>, vector<16xi32>], vector<16xf32>,
    %add3A_1117 = arith.constant 2 : i32
    %add3A_1118 = vector.broadcast %add3A_1117 : i32 to vector<16xi32>
    %add3A_1119 = arith.addi %broadcast_in_dim3A_696, %add3A_1118 : vector<16xi32>
    tpu.vector_store_idx %arg21[%add3A_1113, %add3A_1119], %select_n3A_1103 : memref<640x4xf32, #tpu.memory_space<vmem>>[vector<16xi32>, vector<16xi32>], vector<16xf32>,
    %add3A_1120 = arith.constant 3 : i32
    %add3A_1121 = vector.broadcast %add3A_1120 : i32 to vector<16xi32>
    %add3A_1122 = arith.addi %broadcast_in_dim3A_696, %add3A_1121 : vector<16xi32>
    tpu.vector_store_idx %arg21[%add3A_1113, %add3A_1122], %select_n3A_1105 : memref<640x4xf32, #tpu.memory_space<vmem>>[vector<16xi32>, vector<16xi32>], vector<16xf32>,
    %get3A_1123 = arith.constant 96 : index
    %get3A_1124 = tpu.vector_load %arg12[%get3A_1123] {strides = array<i32>} : memref<640xi32, #tpu.memory_space<vmem>>, vector<16xi32>,
    %ge3A_1125 = arith.constant 0 : i32
    %ge3A_1126 = vector.broadcast %ge3A_1125 : i32 to vector<16xi32>
    %ge3A_1127 = arith.cmpi sge, %get3A_1124, %ge3A_1126 : vector<16xi32>
    %get3A_1128 = arith.constant 96 : index
    %get3A_1129 = tpu.vector_load %arg11[%get3A_1128] {strides = array<i32>} : memref<640xi32, #tpu.memory_space<vmem>>, vector<16xi32>,
    %select_n3A_1130 = arith.select %ge3A_1127, %get3A_1124, %get3A_1129 : vector<16xi1>, vector<16xi32>
    %ge3A_1131 = arith.constant 0 : i32
    %ge3A_1132 = vector.broadcast %ge3A_1131 : i32 to vector<16xi32>
    %ge3A_1133 = arith.cmpi sge, %get3A_1124, %ge3A_1132 : vector<16xi32>
    %get3A_1134 = arith.constant 96 : index
    %get3A_1135 = tpu.vector_load %arg10[%get3A_1134] {strides = array<i32>} : memref<640xf32, #tpu.memory_space<vmem>>, vector<16xf32>,
    %gt3A_1136 = arith.constant 5.000000e-01 : f32
    %gt3A_1137 = vector.broadcast %gt3A_1136 : f32 to vector<16xf32>
    %gt3A_1138 = arith.cmpf ogt, %get3A_1135, %gt3A_1137 : vector<16xf32>
    %or3A_1139 = arith.ori %ge3A_1133, %gt3A_1138 : vector<16xi1>
    %gather3A_1140 = tpu.vector_load_idx %arg16[%select_n3A_1130] : memref<208xf32, #tpu.memory_space<vmem>>[vector<16xi32>], vector<16xf32>,
    %gather3A_1141 = tpu.vector_load_idx %arg17[%select_n3A_1130] : memref<208xf32, #tpu.memory_space<vmem>>[vector<16xi32>], vector<16xf32>,
    %gather3A_1142 = tpu.vector_load_idx %arg18[%select_n3A_1130] : memref<208xf32, #tpu.memory_space<vmem>>[vector<16xi32>], vector<16xf32>,
    %gather3A_1143 = tpu.vector_load_idx %arg19[%select_n3A_1130] : memref<208xf32, #tpu.memory_space<vmem>>[vector<16xi32>], vector<16xf32>,
    %gather3A_1144 = tpu.vector_load_idx %arg20[%select_n3A_1130] : memref<200xi32, #tpu.memory_space<vmem>>[vector<16xi32>], vector<16xi32>,
    %add3A_1145 = arith.constant 96 : i32
    %add3A_1146 = vector.broadcast %add3A_1145 : i32 to vector<16xi32>
    %add3A_1147 = arith.addi %iota3A, %add3A_1146 : vector<16xi32>
    %mul3A_1148 = arith.constant 4 : i32
    %mul3A_1149 = vector.broadcast %mul3A_1148 : i32 to vector<16xi32>
    %mul3A_1150 = arith.muli %add3A_1147, %mul3A_1149 : vector<16xi32>
    %gather3A_1151 = tpu.vector_load_idx %arg13[%mul3A_1150] : memref<2560xf32, #tpu.memory_space<vmem>>[vector<16xi32>], vector<16xf32>,
    %add3A_1152 = arith.constant 1 : i32
    %add3A_1153 = vector.broadcast %add3A_1152 : i32 to vector<16xi32>
    %add3A_1154 = arith.addi %mul3A_1150, %add3A_1153 : vector<16xi32>
    %gather3A_1155 = tpu.vector_load_idx %arg13[%add3A_1154] : memref<2560xf32, #tpu.memory_space<vmem>>[vector<16xi32>], vector<16xf32>,
    %add3A_1156 = arith.constant 2 : i32
    %add3A_1157 = vector.broadcast %add3A_1156 : i32 to vector<16xi32>
    %add3A_1158 = arith.addi %mul3A_1150, %add3A_1157 : vector<16xi32>
    %gather3A_1159 = tpu.vector_load_idx %arg13[%add3A_1158] : memref<2560xf32, #tpu.memory_space<vmem>>[vector<16xi32>], vector<16xf32>,
    %add3A_1160 = arith.constant 3 : i32
    %add3A_1161 = vector.broadcast %add3A_1160 : i32 to vector<16xi32>
    %add3A_1162 = arith.addi %mul3A_1150, %add3A_1161 : vector<16xi32>
    %gather3A_1163 = tpu.vector_load_idx %arg13[%add3A_1162] : memref<2560xf32, #tpu.memory_space<vmem>>[vector<16xi32>], vector<16xf32>,
    %add3A_1164 = arith.addf %gather3A_1151, %gather3A_1159 : vector<16xf32>
    %mul3A_1165 = arith.constant 5.000000e-01 : f32
    %mul3A_1166 = vector.broadcast %mul3A_1165 : f32 to vector<16xf32>
    %mul3A_1167 = arith.mulf %mul3A_1166, %add3A_1164 : vector<16xf32>
    %select_n3A_1168 = arith.select %or3A_1139, %gather3A_1140, %mul3A_1167 : vector<16xi1>, vector<16xf32>
    %add3A_1169 = arith.addf %gather3A_1155, %gather3A_1163 : vector<16xf32>
    %mul3A_1170 = arith.constant 5.000000e-01 : f32
    %mul3A_1171 = vector.broadcast %mul3A_1170 : f32 to vector<16xf32>
    %mul3A_1172 = arith.mulf %mul3A_1171, %add3A_1169 : vector<16xf32>
    %select_n3A_1173 = arith.select %or3A_1139, %gather3A_1141, %mul3A_1172 : vector<16xi1>, vector<16xf32>
    %sub3A_1174 = arith.subf %gather3A_1159, %gather3A_1151 : vector<16xf32>
    %select_n3A_1175 = arith.select %or3A_1139, %gather3A_1142, %sub3A_1174 : vector<16xi1>, vector<16xf32>
    %sub3A_1176 = arith.subf %gather3A_1163, %gather3A_1155 : vector<16xf32>
    %select_n3A_1177 = arith.select %or3A_1139, %gather3A_1143, %sub3A_1176 : vector<16xi1>, vector<16xf32>
    %jit3A_1178 = arith.constant 0 : i32
    %broadcast_in_dim3A_1179 = vector.broadcast %jit3A_1178 : i32 to vector<16xi32>
    %select_n3A_1180 = arith.select %or3A_1139, %gather3A_1144, %broadcast_in_dim3A_1179 : vector<16xi1>, vector<16xi32>
    %swap3A_1181 = arith.constant 96 : index
    %swap3A_1182 = tpu.vector_load %arg22[%swap3A_1181] {strides = array<i32>} : memref<640xi32, #tpu.memory_space<vmem>>, vector<16xi32>,
    tpu.vector_store %arg22[%swap3A_1181], %select_n3A_1180 {strides = array<i32>} : memref<640xi32, #tpu.memory_space<vmem>>, vector<16xi32>,
    %add3A_1183 = arith.constant 96 : i32
    %add3A_1184 = vector.broadcast %add3A_1183 : i32 to vector<16xi32>
    %add3A_1185 = arith.addi %iota3A, %add3A_1184 : vector<16xi32>
    tpu.vector_store_idx %arg21[%add3A_1185, %broadcast_in_dim3A_696], %select_n3A_1168 : memref<640x4xf32, #tpu.memory_space<vmem>>[vector<16xi32>, vector<16xi32>], vector<16xf32>,
    %add3A_1186 = arith.constant 1 : i32
    %add3A_1187 = vector.broadcast %add3A_1186 : i32 to vector<16xi32>
    %add3A_1188 = arith.addi %broadcast_in_dim3A_696, %add3A_1187 : vector<16xi32>
    tpu.vector_store_idx %arg21[%add3A_1185, %add3A_1188], %select_n3A_1173 : memref<640x4xf32, #tpu.memory_space<vmem>>[vector<16xi32>, vector<16xi32>], vector<16xf32>,
    %add3A_1189 = arith.constant 2 : i32
    %add3A_1190 = vector.broadcast %add3A_1189 : i32 to vector<16xi32>
    %add3A_1191 = arith.addi %broadcast_in_dim3A_696, %add3A_1190 : vector<16xi32>
    tpu.vector_store_idx %arg21[%add3A_1185, %add3A_1191], %select_n3A_1175 : memref<640x4xf32, #tpu.memory_space<vmem>>[vector<16xi32>, vector<16xi32>], vector<16xf32>,
    %add3A_1192 = arith.constant 3 : i32
    %add3A_1193 = vector.broadcast %add3A_1192 : i32 to vector<16xi32>
    %add3A_1194 = arith.addi %broadcast_in_dim3A_696, %add3A_1193 : vector<16xi32>
    tpu.vector_store_idx %arg21[%add3A_1185, %add3A_1194], %select_n3A_1177 : memref<640x4xf32, #tpu.memory_space<vmem>>[vector<16xi32>, vector<16xi32>], vector<16xf32>,
    %get3A_1195 = arith.constant 112 : index
    %get3A_1196 = tpu.vector_load %arg12[%get3A_1195] {strides = array<i32>} : memref<640xi32, #tpu.memory_space<vmem>>, vector<16xi32>,
    %ge3A_1197 = arith.constant 0 : i32
    %ge3A_1198 = vector.broadcast %ge3A_1197 : i32 to vector<16xi32>
    %ge3A_1199 = arith.cmpi sge, %get3A_1196, %ge3A_1198 : vector<16xi32>
    %get3A_1200 = arith.constant 112 : index
    %get3A_1201 = tpu.vector_load %arg11[%get3A_1200] {strides = array<i32>} : memref<640xi32, #tpu.memory_space<vmem>>, vector<16xi32>,
    %select_n3A_1202 = arith.select %ge3A_1199, %get3A_1196, %get3A_1201 : vector<16xi1>, vector<16xi32>
    %ge3A_1203 = arith.constant 0 : i32
    %ge3A_1204 = vector.broadcast %ge3A_1203 : i32 to vector<16xi32>
    %ge3A_1205 = arith.cmpi sge, %get3A_1196, %ge3A_1204 : vector<16xi32>
    %get3A_1206 = arith.constant 112 : index
    %get3A_1207 = tpu.vector_load %arg10[%get3A_1206] {strides = array<i32>} : memref<640xf32, #tpu.memory_space<vmem>>, vector<16xf32>,
    %gt3A_1208 = arith.constant 5.000000e-01 : f32
    %gt3A_1209 = vector.broadcast %gt3A_1208 : f32 to vector<16xf32>
    %gt3A_1210 = arith.cmpf ogt, %get3A_1207, %gt3A_1209 : vector<16xf32>
    %or3A_1211 = arith.ori %ge3A_1205, %gt3A_1210 : vector<16xi1>
    %gather3A_1212 = tpu.vector_load_idx %arg16[%select_n3A_1202] : memref<208xf32, #tpu.memory_space<vmem>>[vector<16xi32>], vector<16xf32>,
    %gather3A_1213 = tpu.vector_load_idx %arg17[%select_n3A_1202] : memref<208xf32, #tpu.memory_space<vmem>>[vector<16xi32>], vector<16xf32>,
    %gather3A_1214 = tpu.vector_load_idx %arg18[%select_n3A_1202] : memref<208xf32, #tpu.memory_space<vmem>>[vector<16xi32>], vector<16xf32>,
    %gather3A_1215 = tpu.vector_load_idx %arg19[%select_n3A_1202] : memref<208xf32, #tpu.memory_space<vmem>>[vector<16xi32>], vector<16xf32>,
    %gather3A_1216 = tpu.vector_load_idx %arg20[%select_n3A_1202] : memref<200xi32, #tpu.memory_space<vmem>>[vector<16xi32>], vector<16xi32>,
    %add3A_1217 = arith.constant 112 : i32
    %add3A_1218 = vector.broadcast %add3A_1217 : i32 to vector<16xi32>
    %add3A_1219 = arith.addi %iota3A, %add3A_1218 : vector<16xi32>
    %mul3A_1220 = arith.constant 4 : i32
    %mul3A_1221 = vector.broadcast %mul3A_1220 : i32 to vector<16xi32>
    %mul3A_1222 = arith.muli %add3A_1219, %mul3A_1221 : vector<16xi32>
    %gather3A_1223 = tpu.vector_load_idx %arg13[%mul3A_1222] : memref<2560xf32, #tpu.memory_space<vmem>>[vector<16xi32>], vector<16xf32>,
    %add3A_1224 = arith.constant 1 : i32
    %add3A_1225 = vector.broadcast %add3A_1224 : i32 to vector<16xi32>
    %add3A_1226 = arith.addi %mul3A_1222, %add3A_1225 : vector<16xi32>
    %gather3A_1227 = tpu.vector_load_idx %arg13[%add3A_1226] : memref<2560xf32, #tpu.memory_space<vmem>>[vector<16xi32>], vector<16xf32>,
    %add3A_1228 = arith.constant 2 : i32
    %add3A_1229 = vector.broadcast %add3A_1228 : i32 to vector<16xi32>
    %add3A_1230 = arith.addi %mul3A_1222, %add3A_1229 : vector<16xi32>
    %gather3A_1231 = tpu.vector_load_idx %arg13[%add3A_1230] : memref<2560xf32, #tpu.memory_space<vmem>>[vector<16xi32>], vector<16xf32>,
    %add3A_1232 = arith.constant 3 : i32
    %add3A_1233 = vector.broadcast %add3A_1232 : i32 to vector<16xi32>
    %add3A_1234 = arith.addi %mul3A_1222, %add3A_1233 : vector<16xi32>
    %gather3A_1235 = tpu.vector_load_idx %arg13[%add3A_1234] : memref<2560xf32, #tpu.memory_space<vmem>>[vector<16xi32>], vector<16xf32>,
    %add3A_1236 = arith.addf %gather3A_1223, %gather3A_1231 : vector<16xf32>
    %mul3A_1237 = arith.constant 5.000000e-01 : f32
    %mul3A_1238 = vector.broadcast %mul3A_1237 : f32 to vector<16xf32>
    %mul3A_1239 = arith.mulf %mul3A_1238, %add3A_1236 : vector<16xf32>
    %select_n3A_1240 = arith.select %or3A_1211, %gather3A_1212, %mul3A_1239 : vector<16xi1>, vector<16xf32>
    %add3A_1241 = arith.addf %gather3A_1227, %gather3A_1235 : vector<16xf32>
    %mul3A_1242 = arith.constant 5.000000e-01 : f32
    %mul3A_1243 = vector.broadcast %mul3A_1242 : f32 to vector<16xf32>
    %mul3A_1244 = arith.mulf %mul3A_1243, %add3A_1241 : vector<16xf32>
    %select_n3A_1245 = arith.select %or3A_1211, %gather3A_1213, %mul3A_1244 : vector<16xi1>, vector<16xf32>
    %sub3A_1246 = arith.subf %gather3A_1231, %gather3A_1223 : vector<16xf32>
    %select_n3A_1247 = arith.select %or3A_1211, %gather3A_1214, %sub3A_1246 : vector<16xi1>, vector<16xf32>
    %sub3A_1248 = arith.subf %gather3A_1235, %gather3A_1227 : vector<16xf32>
    %select_n3A_1249 = arith.select %or3A_1211, %gather3A_1215, %sub3A_1248 : vector<16xi1>, vector<16xf32>
    %jit3A_1250 = arith.constant 0 : i32
    %broadcast_in_dim3A_1251 = vector.broadcast %jit3A_1250 : i32 to vector<16xi32>
    %select_n3A_1252 = arith.select %or3A_1211, %gather3A_1216, %broadcast_in_dim3A_1251 : vector<16xi1>, vector<16xi32>
    %swap3A_1253 = arith.constant 112 : index
    %swap3A_1254 = tpu.vector_load %arg22[%swap3A_1253] {strides = array<i32>} : memref<640xi32, #tpu.memory_space<vmem>>, vector<16xi32>,
    tpu.vector_store %arg22[%swap3A_1253], %select_n3A_1252 {strides = array<i32>} : memref<640xi32, #tpu.memory_space<vmem>>, vector<16xi32>,
    %add3A_1255 = arith.constant 112 : i32
    %add3A_1256 = vector.broadcast %add3A_1255 : i32 to vector<16xi32>
    %add3A_1257 = arith.addi %iota3A, %add3A_1256 : vector<16xi32>
    tpu.vector_store_idx %arg21[%add3A_1257, %broadcast_in_dim3A_696], %select_n3A_1240 : memref<640x4xf32, #tpu.memory_space<vmem>>[vector<16xi32>, vector<16xi32>], vector<16xf32>,
    %add3A_1258 = arith.constant 1 : i32
    %add3A_1259 = vector.broadcast %add3A_1258 : i32 to vector<16xi32>
    %add3A_1260 = arith.addi %broadcast_in_dim3A_696, %add3A_1259 : vector<16xi32>
    tpu.vector_store_idx %arg21[%add3A_1257, %add3A_1260], %select_n3A_1245 : memref<640x4xf32, #tpu.memory_space<vmem>>[vector<16xi32>, vector<16xi32>], vector<16xf32>,
    %add3A_1261 = arith.constant 2 : i32
    %add3A_1262 = vector.broadcast %add3A_1261 : i32 to vector<16xi32>
    %add3A_1263 = arith.addi %broadcast_in_dim3A_696, %add3A_1262 : vector<16xi32>
    tpu.vector_store_idx %arg21[%add3A_1257, %add3A_1263], %select_n3A_1247 : memref<640x4xf32, #tpu.memory_space<vmem>>[vector<16xi32>, vector<16xi32>], vector<16xf32>,
    %add3A_1264 = arith.constant 3 : i32
    %add3A_1265 = vector.broadcast %add3A_1264 : i32 to vector<16xi32>
    %add3A_1266 = arith.addi %broadcast_in_dim3A_696, %add3A_1265 : vector<16xi32>
    tpu.vector_store_idx %arg21[%add3A_1257, %add3A_1266], %select_n3A_1249 : memref<640x4xf32, #tpu.memory_space<vmem>>[vector<16xi32>, vector<16xi32>], vector<16xf32>,
    %get3A_1267 = arith.constant 128 : index
    %get3A_1268 = tpu.vector_load %arg12[%get3A_1267] {strides = array<i32>} : memref<640xi32, #tpu.memory_space<vmem>>, vector<16xi32>,
    %ge3A_1269 = arith.constant 0 : i32
    %ge3A_1270 = vector.broadcast %ge3A_1269 : i32 to vector<16xi32>
    %ge3A_1271 = arith.cmpi sge, %get3A_1268, %ge3A_1270 : vector<16xi32>
    %get3A_1272 = arith.constant 128 : index
    %get3A_1273 = tpu.vector_load %arg11[%get3A_1272] {strides = array<i32>} : memref<640xi32, #tpu.memory_space<vmem>>, vector<16xi32>,
    %select_n3A_1274 = arith.select %ge3A_1271, %get3A_1268, %get3A_1273 : vector<16xi1>, vector<16xi32>
    %ge3A_1275 = arith.constant 0 : i32
    %ge3A_1276 = vector.broadcast %ge3A_1275 : i32 to vector<16xi32>
    %ge3A_1277 = arith.cmpi sge, %get3A_1268, %ge3A_1276 : vector<16xi32>
    %get3A_1278 = arith.constant 128 : index
    %get3A_1279 = tpu.vector_load %arg10[%get3A_1278] {strides = array<i32>} : memref<640xf32, #tpu.memory_space<vmem>>, vector<16xf32>,
    %gt3A_1280 = arith.constant 5.000000e-01 : f32
    %gt3A_1281 = vector.broadcast %gt3A_1280 : f32 to vector<16xf32>
    %gt3A_1282 = arith.cmpf ogt, %get3A_1279, %gt3A_1281 : vector<16xf32>
    %or3A_1283 = arith.ori %ge3A_1277, %gt3A_1282 : vector<16xi1>
    %gather3A_1284 = tpu.vector_load_idx %arg16[%select_n3A_1274] : memref<208xf32, #tpu.memory_space<vmem>>[vector<16xi32>], vector<16xf32>,
    %gather3A_1285 = tpu.vector_load_idx %arg17[%select_n3A_1274] : memref<208xf32, #tpu.memory_space<vmem>>[vector<16xi32>], vector<16xf32>,
    %gather3A_1286 = tpu.vector_load_idx %arg18[%select_n3A_1274] : memref<208xf32, #tpu.memory_space<vmem>>[vector<16xi32>], vector<16xf32>,
    %gather3A_1287 = tpu.vector_load_idx %arg19[%select_n3A_1274] : memref<208xf32, #tpu.memory_space<vmem>>[vector<16xi32>], vector<16xf32>,
    %gather3A_1288 = tpu.vector_load_idx %arg20[%select_n3A_1274] : memref<200xi32, #tpu.memory_space<vmem>>[vector<16xi32>], vector<16xi32>,
    %add3A_1289 = arith.constant 128 : i32
    %add3A_1290 = vector.broadcast %add3A_1289 : i32 to vector<16xi32>
    %add3A_1291 = arith.addi %iota3A, %add3A_1290 : vector<16xi32>
    %mul3A_1292 = arith.constant 4 : i32
    %mul3A_1293 = vector.broadcast %mul3A_1292 : i32 to vector<16xi32>
    %mul3A_1294 = arith.muli %add3A_1291, %mul3A_1293 : vector<16xi32>
    %gather3A_1295 = tpu.vector_load_idx %arg13[%mul3A_1294] : memref<2560xf32, #tpu.memory_space<vmem>>[vector<16xi32>], vector<16xf32>,
    %add3A_1296 = arith.constant 1 : i32
    %add3A_1297 = vector.broadcast %add3A_1296 : i32 to vector<16xi32>
    %add3A_1298 = arith.addi %mul3A_1294, %add3A_1297 : vector<16xi32>
    %gather3A_1299 = tpu.vector_load_idx %arg13[%add3A_1298] : memref<2560xf32, #tpu.memory_space<vmem>>[vector<16xi32>], vector<16xf32>,
    %add3A_1300 = arith.constant 2 : i32
    %add3A_1301 = vector.broadcast %add3A_1300 : i32 to vector<16xi32>
    %add3A_1302 = arith.addi %mul3A_1294, %add3A_1301 : vector<16xi32>
    %gather3A_1303 = tpu.vector_load_idx %arg13[%add3A_1302] : memref<2560xf32, #tpu.memory_space<vmem>>[vector<16xi32>], vector<16xf32>,
    %add3A_1304 = arith.constant 3 : i32
    %add3A_1305 = vector.broadcast %add3A_1304 : i32 to vector<16xi32>
    %add3A_1306 = arith.addi %mul3A_1294, %add3A_1305 : vector<16xi32>
    %gather3A_1307 = tpu.vector_load_idx %arg13[%add3A_1306] : memref<2560xf32, #tpu.memory_space<vmem>>[vector<16xi32>], vector<16xf32>,
    %add3A_1308 = arith.addf %gather3A_1295, %gather3A_1303 : vector<16xf32>
    %mul3A_1309 = arith.constant 5.000000e-01 : f32
    %mul3A_1310 = vector.broadcast %mul3A_1309 : f32 to vector<16xf32>
    %mul3A_1311 = arith.mulf %mul3A_1310, %add3A_1308 : vector<16xf32>
    %select_n3A_1312 = arith.select %or3A_1283, %gather3A_1284, %mul3A_1311 : vector<16xi1>, vector<16xf32>
    %add3A_1313 = arith.addf %gather3A_1299, %gather3A_1307 : vector<16xf32>
    %mul3A_1314 = arith.constant 5.000000e-01 : f32
    %mul3A_1315 = vector.broadcast %mul3A_1314 : f32 to vector<16xf32>
    %mul3A_1316 = arith.mulf %mul3A_1315, %add3A_1313 : vector<16xf32>
    %select_n3A_1317 = arith.select %or3A_1283, %gather3A_1285, %mul3A_1316 : vector<16xi1>, vector<16xf32>
    %sub3A_1318 = arith.subf %gather3A_1303, %gather3A_1295 : vector<16xf32>
    %select_n3A_1319 = arith.select %or3A_1283, %gather3A_1286, %sub3A_1318 : vector<16xi1>, vector<16xf32>
    %sub3A_1320 = arith.subf %gather3A_1307, %gather3A_1299 : vector<16xf32>
    %select_n3A_1321 = arith.select %or3A_1283, %gather3A_1287, %sub3A_1320 : vector<16xi1>, vector<16xf32>
    %jit3A_1322 = arith.constant 0 : i32
    %broadcast_in_dim3A_1323 = vector.broadcast %jit3A_1322 : i32 to vector<16xi32>
    %select_n3A_1324 = arith.select %or3A_1283, %gather3A_1288, %broadcast_in_dim3A_1323 : vector<16xi1>, vector<16xi32>
    %swap3A_1325 = arith.constant 128 : index
    %swap3A_1326 = tpu.vector_load %arg22[%swap3A_1325] {strides = array<i32>} : memref<640xi32, #tpu.memory_space<vmem>>, vector<16xi32>,
    tpu.vector_store %arg22[%swap3A_1325], %select_n3A_1324 {strides = array<i32>} : memref<640xi32, #tpu.memory_space<vmem>>, vector<16xi32>,
    %add3A_1327 = arith.constant 128 : i32
    %add3A_1328 = vector.broadcast %add3A_1327 : i32 to vector<16xi32>
    %add3A_1329 = arith.addi %iota3A, %add3A_1328 : vector<16xi32>
    tpu.vector_store_idx %arg21[%add3A_1329, %broadcast_in_dim3A_696], %select_n3A_1312 : memref<640x4xf32, #tpu.memory_space<vmem>>[vector<16xi32>, vector<16xi32>], vector<16xf32>,
    %add3A_1330 = arith.constant 1 : i32
    %add3A_1331 = vector.broadcast %add3A_1330 : i32 to vector<16xi32>
    %add3A_1332 = arith.addi %broadcast_in_dim3A_696, %add3A_1331 : vector<16xi32>
    tpu.vector_store_idx %arg21[%add3A_1329, %add3A_1332], %select_n3A_1317 : memref<640x4xf32, #tpu.memory_space<vmem>>[vector<16xi32>, vector<16xi32>], vector<16xf32>,
    %add3A_1333 = arith.constant 2 : i32
    %add3A_1334 = vector.broadcast %add3A_1333 : i32 to vector<16xi32>
    %add3A_1335 = arith.addi %broadcast_in_dim3A_696, %add3A_1334 : vector<16xi32>
    tpu.vector_store_idx %arg21[%add3A_1329, %add3A_1335], %select_n3A_1319 : memref<640x4xf32, #tpu.memory_space<vmem>>[vector<16xi32>, vector<16xi32>], vector<16xf32>,
    %add3A_1336 = arith.constant 3 : i32
    %add3A_1337 = vector.broadcast %add3A_1336 : i32 to vector<16xi32>
    %add3A_1338 = arith.addi %broadcast_in_dim3A_696, %add3A_1337 : vector<16xi32>
    tpu.vector_store_idx %arg21[%add3A_1329, %add3A_1338], %select_n3A_1321 : memref<640x4xf32, #tpu.memory_space<vmem>>[vector<16xi32>, vector<16xi32>], vector<16xf32>,
    %get3A_1339 = arith.constant 144 : index
    %get3A_1340 = tpu.vector_load %arg12[%get3A_1339] {strides = array<i32>} : memref<640xi32, #tpu.memory_space<vmem>>, vector<16xi32>,
    %ge3A_1341 = arith.constant 0 : i32
    %ge3A_1342 = vector.broadcast %ge3A_1341 : i32 to vector<16xi32>
    %ge3A_1343 = arith.cmpi sge, %get3A_1340, %ge3A_1342 : vector<16xi32>
    %get3A_1344 = arith.constant 144 : index
    %get3A_1345 = tpu.vector_load %arg11[%get3A_1344] {strides = array<i32>} : memref<640xi32, #tpu.memory_space<vmem>>, vector<16xi32>,
    %select_n3A_1346 = arith.select %ge3A_1343, %get3A_1340, %get3A_1345 : vector<16xi1>, vector<16xi32>
    %ge3A_1347 = arith.constant 0 : i32
    %ge3A_1348 = vector.broadcast %ge3A_1347 : i32 to vector<16xi32>
    %ge3A_1349 = arith.cmpi sge, %get3A_1340, %ge3A_1348 : vector<16xi32>
    %get3A_1350 = arith.constant 144 : index
    %get3A_1351 = tpu.vector_load %arg10[%get3A_1350] {strides = array<i32>} : memref<640xf32, #tpu.memory_space<vmem>>, vector<16xf32>,
    %gt3A_1352 = arith.constant 5.000000e-01 : f32
    %gt3A_1353 = vector.broadcast %gt3A_1352 : f32 to vector<16xf32>
    %gt3A_1354 = arith.cmpf ogt, %get3A_1351, %gt3A_1353 : vector<16xf32>
    %or3A_1355 = arith.ori %ge3A_1349, %gt3A_1354 : vector<16xi1>
    %gather3A_1356 = tpu.vector_load_idx %arg16[%select_n3A_1346] : memref<208xf32, #tpu.memory_space<vmem>>[vector<16xi32>], vector<16xf32>,
    %gather3A_1357 = tpu.vector_load_idx %arg17[%select_n3A_1346] : memref<208xf32, #tpu.memory_space<vmem>>[vector<16xi32>], vector<16xf32>,
    %gather3A_1358 = tpu.vector_load_idx %arg18[%select_n3A_1346] : memref<208xf32, #tpu.memory_space<vmem>>[vector<16xi32>], vector<16xf32>,
    %gather3A_1359 = tpu.vector_load_idx %arg19[%select_n3A_1346] : memref<208xf32, #tpu.memory_space<vmem>>[vector<16xi32>], vector<16xf32>,
    %gather3A_1360 = tpu.vector_load_idx %arg20[%select_n3A_1346] : memref<200xi32, #tpu.memory_space<vmem>>[vector<16xi32>], vector<16xi32>,
    %add3A_1361 = arith.constant 144 : i32
    %add3A_1362 = vector.broadcast %add3A_1361 : i32 to vector<16xi32>
    %add3A_1363 = arith.addi %iota3A, %add3A_1362 : vector<16xi32>
    %mul3A_1364 = arith.constant 4 : i32
    %mul3A_1365 = vector.broadcast %mul3A_1364 : i32 to vector<16xi32>
    %mul3A_1366 = arith.muli %add3A_1363, %mul3A_1365 : vector<16xi32>
    %gather3A_1367 = tpu.vector_load_idx %arg13[%mul3A_1366] : memref<2560xf32, #tpu.memory_space<vmem>>[vector<16xi32>], vector<16xf32>,
    %add3A_1368 = arith.constant 1 : i32
    %add3A_1369 = vector.broadcast %add3A_1368 : i32 to vector<16xi32>
    %add3A_1370 = arith.addi %mul3A_1366, %add3A_1369 : vector<16xi32>
    %gather3A_1371 = tpu.vector_load_idx %arg13[%add3A_1370] : memref<2560xf32, #tpu.memory_space<vmem>>[vector<16xi32>], vector<16xf32>,
    %add3A_1372 = arith.constant 2 : i32
    %add3A_1373 = vector.broadcast %add3A_1372 : i32 to vector<16xi32>
    %add3A_1374 = arith.addi %mul3A_1366, %add3A_1373 : vector<16xi32>
    %gather3A_1375 = tpu.vector_load_idx %arg13[%add3A_1374] : memref<2560xf32, #tpu.memory_space<vmem>>[vector<16xi32>], vector<16xf32>,
    %add3A_1376 = arith.constant 3 : i32
    %add3A_1377 = vector.broadcast %add3A_1376 : i32 to vector<16xi32>
    %add3A_1378 = arith.addi %mul3A_1366, %add3A_1377 : vector<16xi32>
    %gather3A_1379 = tpu.vector_load_idx %arg13[%add3A_1378] : memref<2560xf32, #tpu.memory_space<vmem>>[vector<16xi32>], vector<16xf32>,
    %add3A_1380 = arith.addf %gather3A_1367, %gather3A_1375 : vector<16xf32>
    %mul3A_1381 = arith.constant 5.000000e-01 : f32
    %mul3A_1382 = vector.broadcast %mul3A_1381 : f32 to vector<16xf32>
    %mul3A_1383 = arith.mulf %mul3A_1382, %add3A_1380 : vector<16xf32>
    %select_n3A_1384 = arith.select %or3A_1355, %gather3A_1356, %mul3A_1383 : vector<16xi1>, vector<16xf32>
    %add3A_1385 = arith.addf %gather3A_1371, %gather3A_1379 : vector<16xf32>
    %mul3A_1386 = arith.constant 5.000000e-01 : f32
    %mul3A_1387 = vector.broadcast %mul3A_1386 : f32 to vector<16xf32>
    %mul3A_1388 = arith.mulf %mul3A_1387, %add3A_1385 : vector<16xf32>
    %select_n3A_1389 = arith.select %or3A_1355, %gather3A_1357, %mul3A_1388 : vector<16xi1>, vector<16xf32>
    %sub3A_1390 = arith.subf %gather3A_1375, %gather3A_1367 : vector<16xf32>
    %select_n3A_1391 = arith.select %or3A_1355, %gather3A_1358, %sub3A_1390 : vector<16xi1>, vector<16xf32>
    %sub3A_1392 = arith.subf %gather3A_1379, %gather3A_1371 : vector<16xf32>
    %select_n3A_1393 = arith.select %or3A_1355, %gather3A_1359, %sub3A_1392 : vector<16xi1>, vector<16xf32>
    %jit3A_1394 = arith.constant 0 : i32
    %broadcast_in_dim3A_1395 = vector.broadcast %jit3A_1394 : i32 to vector<16xi32>
    %select_n3A_1396 = arith.select %or3A_1355, %gather3A_1360, %broadcast_in_dim3A_1395 : vector<16xi1>, vector<16xi32>
    %swap3A_1397 = arith.constant 144 : index
    %swap3A_1398 = tpu.vector_load %arg22[%swap3A_1397] {strides = array<i32>} : memref<640xi32, #tpu.memory_space<vmem>>, vector<16xi32>,
    tpu.vector_store %arg22[%swap3A_1397], %select_n3A_1396 {strides = array<i32>} : memref<640xi32, #tpu.memory_space<vmem>>, vector<16xi32>,
    %add3A_1399 = arith.constant 144 : i32
    %add3A_1400 = vector.broadcast %add3A_1399 : i32 to vector<16xi32>
    %add3A_1401 = arith.addi %iota3A, %add3A_1400 : vector<16xi32>
    tpu.vector_store_idx %arg21[%add3A_1401, %broadcast_in_dim3A_696], %select_n3A_1384 : memref<640x4xf32, #tpu.memory_space<vmem>>[vector<16xi32>, vector<16xi32>], vector<16xf32>,
    %add3A_1402 = arith.constant 1 : i32
    %add3A_1403 = vector.broadcast %add3A_1402 : i32 to vector<16xi32>
    %add3A_1404 = arith.addi %broadcast_in_dim3A_696, %add3A_1403 : vector<16xi32>
    tpu.vector_store_idx %arg21[%add3A_1401, %add3A_1404], %select_n3A_1389 : memref<640x4xf32, #tpu.memory_space<vmem>>[vector<16xi32>, vector<16xi32>], vector<16xf32>,
    %add3A_1405 = arith.constant 2 : i32
    %add3A_1406 = vector.broadcast %add3A_1405 : i32 to vector<16xi32>
    %add3A_1407 = arith.addi %broadcast_in_dim3A_696, %add3A_1406 : vector<16xi32>
    tpu.vector_store_idx %arg21[%add3A_1401, %add3A_1407], %select_n3A_1391 : memref<640x4xf32, #tpu.memory_space<vmem>>[vector<16xi32>, vector<16xi32>], vector<16xf32>,
    %add3A_1408 = arith.constant 3 : i32
    %add3A_1409 = vector.broadcast %add3A_1408 : i32 to vector<16xi32>
    %add3A_1410 = arith.addi %broadcast_in_dim3A_696, %add3A_1409 : vector<16xi32>
    tpu.vector_store_idx %arg21[%add3A_1401, %add3A_1410], %select_n3A_1393 : memref<640x4xf32, #tpu.memory_space<vmem>>[vector<16xi32>, vector<16xi32>], vector<16xf32>,
    %get3A_1411 = arith.constant 160 : index
    %get3A_1412 = tpu.vector_load %arg12[%get3A_1411] {strides = array<i32>} : memref<640xi32, #tpu.memory_space<vmem>>, vector<16xi32>,
    %ge3A_1413 = arith.constant 0 : i32
    %ge3A_1414 = vector.broadcast %ge3A_1413 : i32 to vector<16xi32>
    %ge3A_1415 = arith.cmpi sge, %get3A_1412, %ge3A_1414 : vector<16xi32>
    %get3A_1416 = arith.constant 160 : index
    %get3A_1417 = tpu.vector_load %arg11[%get3A_1416] {strides = array<i32>} : memref<640xi32, #tpu.memory_space<vmem>>, vector<16xi32>,
    %select_n3A_1418 = arith.select %ge3A_1415, %get3A_1412, %get3A_1417 : vector<16xi1>, vector<16xi32>
    %ge3A_1419 = arith.constant 0 : i32
    %ge3A_1420 = vector.broadcast %ge3A_1419 : i32 to vector<16xi32>
    %ge3A_1421 = arith.cmpi sge, %get3A_1412, %ge3A_1420 : vector<16xi32>
    %get3A_1422 = arith.constant 160 : index
    %get3A_1423 = tpu.vector_load %arg10[%get3A_1422] {strides = array<i32>} : memref<640xf32, #tpu.memory_space<vmem>>, vector<16xf32>,
    %gt3A_1424 = arith.constant 5.000000e-01 : f32
    %gt3A_1425 = vector.broadcast %gt3A_1424 : f32 to vector<16xf32>
    %gt3A_1426 = arith.cmpf ogt, %get3A_1423, %gt3A_1425 : vector<16xf32>
    %or3A_1427 = arith.ori %ge3A_1421, %gt3A_1426 : vector<16xi1>
    %gather3A_1428 = tpu.vector_load_idx %arg16[%select_n3A_1418] : memref<208xf32, #tpu.memory_space<vmem>>[vector<16xi32>], vector<16xf32>,
    %gather3A_1429 = tpu.vector_load_idx %arg17[%select_n3A_1418] : memref<208xf32, #tpu.memory_space<vmem>>[vector<16xi32>], vector<16xf32>,
    %gather3A_1430 = tpu.vector_load_idx %arg18[%select_n3A_1418] : memref<208xf32, #tpu.memory_space<vmem>>[vector<16xi32>], vector<16xf32>,
    %gather3A_1431 = tpu.vector_load_idx %arg19[%select_n3A_1418] : memref<208xf32, #tpu.memory_space<vmem>>[vector<16xi32>], vector<16xf32>,
    %gather3A_1432 = tpu.vector_load_idx %arg20[%select_n3A_1418] : memref<200xi32, #tpu.memory_space<vmem>>[vector<16xi32>], vector<16xi32>,
    %add3A_1433 = arith.constant 160 : i32
    %add3A_1434 = vector.broadcast %add3A_1433 : i32 to vector<16xi32>
    %add3A_1435 = arith.addi %iota3A, %add3A_1434 : vector<16xi32>
    %mul3A_1436 = arith.constant 4 : i32
    %mul3A_1437 = vector.broadcast %mul3A_1436 : i32 to vector<16xi32>
    %mul3A_1438 = arith.muli %add3A_1435, %mul3A_1437 : vector<16xi32>
    %gather3A_1439 = tpu.vector_load_idx %arg13[%mul3A_1438] : memref<2560xf32, #tpu.memory_space<vmem>>[vector<16xi32>], vector<16xf32>,
    %add3A_1440 = arith.constant 1 : i32
    %add3A_1441 = vector.broadcast %add3A_1440 : i32 to vector<16xi32>
    %add3A_1442 = arith.addi %mul3A_1438, %add3A_1441 : vector<16xi32>
    %gather3A_1443 = tpu.vector_load_idx %arg13[%add3A_1442] : memref<2560xf32, #tpu.memory_space<vmem>>[vector<16xi32>], vector<16xf32>,
    %add3A_1444 = arith.constant 2 : i32
    %add3A_1445 = vector.broadcast %add3A_1444 : i32 to vector<16xi32>
    %add3A_1446 = arith.addi %mul3A_1438, %add3A_1445 : vector<16xi32>
    %gather3A_1447 = tpu.vector_load_idx %arg13[%add3A_1446] : memref<2560xf32, #tpu.memory_space<vmem>>[vector<16xi32>], vector<16xf32>,
    %add3A_1448 = arith.constant 3 : i32
    %add3A_1449 = vector.broadcast %add3A_1448 : i32 to vector<16xi32>
    %add3A_1450 = arith.addi %mul3A_1438, %add3A_1449 : vector<16xi32>
    %gather3A_1451 = tpu.vector_load_idx %arg13[%add3A_1450] : memref<2560xf32, #tpu.memory_space<vmem>>[vector<16xi32>], vector<16xf32>,
    %add3A_1452 = arith.addf %gather3A_1439, %gather3A_1447 : vector<16xf32>
    %mul3A_1453 = arith.constant 5.000000e-01 : f32
    %mul3A_1454 = vector.broadcast %mul3A_1453 : f32 to vector<16xf32>
    %mul3A_1455 = arith.mulf %mul3A_1454, %add3A_1452 : vector<16xf32>
    %select_n3A_1456 = arith.select %or3A_1427, %gather3A_1428, %mul3A_1455 : vector<16xi1>, vector<16xf32>
    %add3A_1457 = arith.addf %gather3A_1443, %gather3A_1451 : vector<16xf32>
    %mul3A_1458 = arith.constant 5.000000e-01 : f32
    %mul3A_1459 = vector.broadcast %mul3A_1458 : f32 to vector<16xf32>
    %mul3A_1460 = arith.mulf %mul3A_1459, %add3A_1457 : vector<16xf32>
    %select_n3A_1461 = arith.select %or3A_1427, %gather3A_1429, %mul3A_1460 : vector<16xi1>, vector<16xf32>
    %sub3A_1462 = arith.subf %gather3A_1447, %gather3A_1439 : vector<16xf32>
    %select_n3A_1463 = arith.select %or3A_1427, %gather3A_1430, %sub3A_1462 : vector<16xi1>, vector<16xf32>
    %sub3A_1464 = arith.subf %gather3A_1451, %gather3A_1443 : vector<16xf32>
    %select_n3A_1465 = arith.select %or3A_1427, %gather3A_1431, %sub3A_1464 : vector<16xi1>, vector<16xf32>
    %jit3A_1466 = arith.constant 0 : i32
    %broadcast_in_dim3A_1467 = vector.broadcast %jit3A_1466 : i32 to vector<16xi32>
    %select_n3A_1468 = arith.select %or3A_1427, %gather3A_1432, %broadcast_in_dim3A_1467 : vector<16xi1>, vector<16xi32>
    %swap3A_1469 = arith.constant 160 : index
    %swap3A_1470 = tpu.vector_load %arg22[%swap3A_1469] {strides = array<i32>} : memref<640xi32, #tpu.memory_space<vmem>>, vector<16xi32>,
    tpu.vector_store %arg22[%swap3A_1469], %select_n3A_1468 {strides = array<i32>} : memref<640xi32, #tpu.memory_space<vmem>>, vector<16xi32>,
    %add3A_1471 = arith.constant 160 : i32
    %add3A_1472 = vector.broadcast %add3A_1471 : i32 to vector<16xi32>
    %add3A_1473 = arith.addi %iota3A, %add3A_1472 : vector<16xi32>
    tpu.vector_store_idx %arg21[%add3A_1473, %broadcast_in_dim3A_696], %select_n3A_1456 : memref<640x4xf32, #tpu.memory_space<vmem>>[vector<16xi32>, vector<16xi32>], vector<16xf32>,
    %add3A_1474 = arith.constant 1 : i32
    %add3A_1475 = vector.broadcast %add3A_1474 : i32 to vector<16xi32>
    %add3A_1476 = arith.addi %broadcast_in_dim3A_696, %add3A_1475 : vector<16xi32>
    tpu.vector_store_idx %arg21[%add3A_1473, %add3A_1476], %select_n3A_1461 : memref<640x4xf32, #tpu.memory_space<vmem>>[vector<16xi32>, vector<16xi32>], vector<16xf32>,
    %add3A_1477 = arith.constant 2 : i32
    %add3A_1478 = vector.broadcast %add3A_1477 : i32 to vector<16xi32>
    %add3A_1479 = arith.addi %broadcast_in_dim3A_696, %add3A_1478 : vector<16xi32>
    tpu.vector_store_idx %arg21[%add3A_1473, %add3A_1479], %select_n3A_1463 : memref<640x4xf32, #tpu.memory_space<vmem>>[vector<16xi32>, vector<16xi32>], vector<16xf32>,
    %add3A_1480 = arith.constant 3 : i32
    %add3A_1481 = vector.broadcast %add3A_1480 : i32 to vector<16xi32>
    %add3A_1482 = arith.addi %broadcast_in_dim3A_696, %add3A_1481 : vector<16xi32>
    tpu.vector_store_idx %arg21[%add3A_1473, %add3A_1482], %select_n3A_1465 : memref<640x4xf32, #tpu.memory_space<vmem>>[vector<16xi32>, vector<16xi32>], vector<16xf32>,
    %get3A_1483 = arith.constant 176 : index
    %get3A_1484 = tpu.vector_load %arg12[%get3A_1483] {strides = array<i32>} : memref<640xi32, #tpu.memory_space<vmem>>, vector<16xi32>,
    %ge3A_1485 = arith.constant 0 : i32
    %ge3A_1486 = vector.broadcast %ge3A_1485 : i32 to vector<16xi32>
    %ge3A_1487 = arith.cmpi sge, %get3A_1484, %ge3A_1486 : vector<16xi32>
    %get3A_1488 = arith.constant 176 : index
    %get3A_1489 = tpu.vector_load %arg11[%get3A_1488] {strides = array<i32>} : memref<640xi32, #tpu.memory_space<vmem>>, vector<16xi32>,
    %select_n3A_1490 = arith.select %ge3A_1487, %get3A_1484, %get3A_1489 : vector<16xi1>, vector<16xi32>
    %ge3A_1491 = arith.constant 0 : i32
    %ge3A_1492 = vector.broadcast %ge3A_1491 : i32 to vector<16xi32>
    %ge3A_1493 = arith.cmpi sge, %get3A_1484, %ge3A_1492 : vector<16xi32>
    %get3A_1494 = arith.constant 176 : index
    %get3A_1495 = tpu.vector_load %arg10[%get3A_1494] {strides = array<i32>} : memref<640xf32, #tpu.memory_space<vmem>>, vector<16xf32>,
    %gt3A_1496 = arith.constant 5.000000e-01 : f32
    %gt3A_1497 = vector.broadcast %gt3A_1496 : f32 to vector<16xf32>
    %gt3A_1498 = arith.cmpf ogt, %get3A_1495, %gt3A_1497 : vector<16xf32>
    %or3A_1499 = arith.ori %ge3A_1493, %gt3A_1498 : vector<16xi1>
    %gather3A_1500 = tpu.vector_load_idx %arg16[%select_n3A_1490] : memref<208xf32, #tpu.memory_space<vmem>>[vector<16xi32>], vector<16xf32>,
    %gather3A_1501 = tpu.vector_load_idx %arg17[%select_n3A_1490] : memref<208xf32, #tpu.memory_space<vmem>>[vector<16xi32>], vector<16xf32>,
    %gather3A_1502 = tpu.vector_load_idx %arg18[%select_n3A_1490] : memref<208xf32, #tpu.memory_space<vmem>>[vector<16xi32>], vector<16xf32>,
    %gather3A_1503 = tpu.vector_load_idx %arg19[%select_n3A_1490] : memref<208xf32, #tpu.memory_space<vmem>>[vector<16xi32>], vector<16xf32>,
    %gather3A_1504 = tpu.vector_load_idx %arg20[%select_n3A_1490] : memref<200xi32, #tpu.memory_space<vmem>>[vector<16xi32>], vector<16xi32>,
    %add3A_1505 = arith.constant 176 : i32
    %add3A_1506 = vector.broadcast %add3A_1505 : i32 to vector<16xi32>
    %add3A_1507 = arith.addi %iota3A, %add3A_1506 : vector<16xi32>
    %mul3A_1508 = arith.constant 4 : i32
    %mul3A_1509 = vector.broadcast %mul3A_1508 : i32 to vector<16xi32>
    %mul3A_1510 = arith.muli %add3A_1507, %mul3A_1509 : vector<16xi32>
    %gather3A_1511 = tpu.vector_load_idx %arg13[%mul3A_1510] : memref<2560xf32, #tpu.memory_space<vmem>>[vector<16xi32>], vector<16xf32>,
    %add3A_1512 = arith.constant 1 : i32
    %add3A_1513 = vector.broadcast %add3A_1512 : i32 to vector<16xi32>
    %add3A_1514 = arith.addi %mul3A_1510, %add3A_1513 : vector<16xi32>
    %gather3A_1515 = tpu.vector_load_idx %arg13[%add3A_1514] : memref<2560xf32, #tpu.memory_space<vmem>>[vector<16xi32>], vector<16xf32>,
    %add3A_1516 = arith.constant 2 : i32
    %add3A_1517 = vector.broadcast %add3A_1516 : i32 to vector<16xi32>
    %add3A_1518 = arith.addi %mul3A_1510, %add3A_1517 : vector<16xi32>
    %gather3A_1519 = tpu.vector_load_idx %arg13[%add3A_1518] : memref<2560xf32, #tpu.memory_space<vmem>>[vector<16xi32>], vector<16xf32>,
    %add3A_1520 = arith.constant 3 : i32
    %add3A_1521 = vector.broadcast %add3A_1520 : i32 to vector<16xi32>
    %add3A_1522 = arith.addi %mul3A_1510, %add3A_1521 : vector<16xi32>
    %gather3A_1523 = tpu.vector_load_idx %arg13[%add3A_1522] : memref<2560xf32, #tpu.memory_space<vmem>>[vector<16xi32>], vector<16xf32>,
    %add3A_1524 = arith.addf %gather3A_1511, %gather3A_1519 : vector<16xf32>
    %mul3A_1525 = arith.constant 5.000000e-01 : f32
    %mul3A_1526 = vector.broadcast %mul3A_1525 : f32 to vector<16xf32>
    %mul3A_1527 = arith.mulf %mul3A_1526, %add3A_1524 : vector<16xf32>
    %select_n3A_1528 = arith.select %or3A_1499, %gather3A_1500, %mul3A_1527 : vector<16xi1>, vector<16xf32>
    %add3A_1529 = arith.addf %gather3A_1515, %gather3A_1523 : vector<16xf32>
    %mul3A_1530 = arith.constant 5.000000e-01 : f32
    %mul3A_1531 = vector.broadcast %mul3A_1530 : f32 to vector<16xf32>
    %mul3A_1532 = arith.mulf %mul3A_1531, %add3A_1529 : vector<16xf32>
    %select_n3A_1533 = arith.select %or3A_1499, %gather3A_1501, %mul3A_1532 : vector<16xi1>, vector<16xf32>
    %sub3A_1534 = arith.subf %gather3A_1519, %gather3A_1511 : vector<16xf32>
    %select_n3A_1535 = arith.select %or3A_1499, %gather3A_1502, %sub3A_1534 : vector<16xi1>, vector<16xf32>
    %sub3A_1536 = arith.subf %gather3A_1523, %gather3A_1515 : vector<16xf32>
    %select_n3A_1537 = arith.select %or3A_1499, %gather3A_1503, %sub3A_1536 : vector<16xi1>, vector<16xf32>
    %jit3A_1538 = arith.constant 0 : i32
    %broadcast_in_dim3A_1539 = vector.broadcast %jit3A_1538 : i32 to vector<16xi32>
    %select_n3A_1540 = arith.select %or3A_1499, %gather3A_1504, %broadcast_in_dim3A_1539 : vector<16xi1>, vector<16xi32>
    %swap3A_1541 = arith.constant 176 : index
    %swap3A_1542 = tpu.vector_load %arg22[%swap3A_1541] {strides = array<i32>} : memref<640xi32, #tpu.memory_space<vmem>>, vector<16xi32>,
    tpu.vector_store %arg22[%swap3A_1541], %select_n3A_1540 {strides = array<i32>} : memref<640xi32, #tpu.memory_space<vmem>>, vector<16xi32>,
    %add3A_1543 = arith.constant 176 : i32
    %add3A_1544 = vector.broadcast %add3A_1543 : i32 to vector<16xi32>
    %add3A_1545 = arith.addi %iota3A, %add3A_1544 : vector<16xi32>
    tpu.vector_store_idx %arg21[%add3A_1545, %broadcast_in_dim3A_696], %select_n3A_1528 : memref<640x4xf32, #tpu.memory_space<vmem>>[vector<16xi32>, vector<16xi32>], vector<16xf32>,
    %add3A_1546 = arith.constant 1 : i32
    %add3A_1547 = vector.broadcast %add3A_1546 : i32 to vector<16xi32>
    %add3A_1548 = arith.addi %broadcast_in_dim3A_696, %add3A_1547 : vector<16xi32>
    tpu.vector_store_idx %arg21[%add3A_1545, %add3A_1548], %select_n3A_1533 : memref<640x4xf32, #tpu.memory_space<vmem>>[vector<16xi32>, vector<16xi32>], vector<16xf32>,
    %add3A_1549 = arith.constant 2 : i32
    %add3A_1550 = vector.broadcast %add3A_1549 : i32 to vector<16xi32>
    %add3A_1551 = arith.addi %broadcast_in_dim3A_696, %add3A_1550 : vector<16xi32>
    tpu.vector_store_idx %arg21[%add3A_1545, %add3A_1551], %select_n3A_1535 : memref<640x4xf32, #tpu.memory_space<vmem>>[vector<16xi32>, vector<16xi32>], vector<16xf32>,
    %add3A_1552 = arith.constant 3 : i32
    %add3A_1553 = vector.broadcast %add3A_1552 : i32 to vector<16xi32>
    %add3A_1554 = arith.addi %broadcast_in_dim3A_696, %add3A_1553 : vector<16xi32>
    tpu.vector_store_idx %arg21[%add3A_1545, %add3A_1554], %select_n3A_1537 : memref<640x4xf32, #tpu.memory_space<vmem>>[vector<16xi32>, vector<16xi32>], vector<16xf32>,
    %get3A_1555 = arith.constant 192 : index
    %get3A_1556 = tpu.vector_load %arg12[%get3A_1555] {strides = array<i32>} : memref<640xi32, #tpu.memory_space<vmem>>, vector<16xi32>,
    %ge3A_1557 = arith.constant 0 : i32
    %ge3A_1558 = vector.broadcast %ge3A_1557 : i32 to vector<16xi32>
    %ge3A_1559 = arith.cmpi sge, %get3A_1556, %ge3A_1558 : vector<16xi32>
    %get3A_1560 = arith.constant 192 : index
    %get3A_1561 = tpu.vector_load %arg11[%get3A_1560] {strides = array<i32>} : memref<640xi32, #tpu.memory_space<vmem>>, vector<16xi32>,
    %select_n3A_1562 = arith.select %ge3A_1559, %get3A_1556, %get3A_1561 : vector<16xi1>, vector<16xi32>
    %ge3A_1563 = arith.constant 0 : i32
    %ge3A_1564 = vector.broadcast %ge3A_1563 : i32 to vector<16xi32>
    %ge3A_1565 = arith.cmpi sge, %get3A_1556, %ge3A_1564 : vector<16xi32>
    %get3A_1566 = arith.constant 192 : index
    %get3A_1567 = tpu.vector_load %arg10[%get3A_1566] {strides = array<i32>} : memref<640xf32, #tpu.memory_space<vmem>>, vector<16xf32>,
    %gt3A_1568 = arith.constant 5.000000e-01 : f32
    %gt3A_1569 = vector.broadcast %gt3A_1568 : f32 to vector<16xf32>
    %gt3A_1570 = arith.cmpf ogt, %get3A_1567, %gt3A_1569 : vector<16xf32>
    %or3A_1571 = arith.ori %ge3A_1565, %gt3A_1570 : vector<16xi1>
    %gather3A_1572 = tpu.vector_load_idx %arg16[%select_n3A_1562] : memref<208xf32, #tpu.memory_space<vmem>>[vector<16xi32>], vector<16xf32>,
    %gather3A_1573 = tpu.vector_load_idx %arg17[%select_n3A_1562] : memref<208xf32, #tpu.memory_space<vmem>>[vector<16xi32>], vector<16xf32>,
    %gather3A_1574 = tpu.vector_load_idx %arg18[%select_n3A_1562] : memref<208xf32, #tpu.memory_space<vmem>>[vector<16xi32>], vector<16xf32>,
    %gather3A_1575 = tpu.vector_load_idx %arg19[%select_n3A_1562] : memref<208xf32, #tpu.memory_space<vmem>>[vector<16xi32>], vector<16xf32>,
    %gather3A_1576 = tpu.vector_load_idx %arg20[%select_n3A_1562] : memref<200xi32, #tpu.memory_space<vmem>>[vector<16xi32>], vector<16xi32>,
    %add3A_1577 = arith.constant 192 : i32
    %add3A_1578 = vector.broadcast %add3A_1577 : i32 to vector<16xi32>
    %add3A_1579 = arith.addi %iota3A, %add3A_1578 : vector<16xi32>
    %mul3A_1580 = arith.constant 4 : i32
    %mul3A_1581 = vector.broadcast %mul3A_1580 : i32 to vector<16xi32>
    %mul3A_1582 = arith.muli %add3A_1579, %mul3A_1581 : vector<16xi32>
    %gather3A_1583 = tpu.vector_load_idx %arg13[%mul3A_1582] : memref<2560xf32, #tpu.memory_space<vmem>>[vector<16xi32>], vector<16xf32>,
    %add3A_1584 = arith.constant 1 : i32
    %add3A_1585 = vector.broadcast %add3A_1584 : i32 to vector<16xi32>
    %add3A_1586 = arith.addi %mul3A_1582, %add3A_1585 : vector<16xi32>
    %gather3A_1587 = tpu.vector_load_idx %arg13[%add3A_1586] : memref<2560xf32, #tpu.memory_space<vmem>>[vector<16xi32>], vector<16xf32>,
    %add3A_1588 = arith.constant 2 : i32
    %add3A_1589 = vector.broadcast %add3A_1588 : i32 to vector<16xi32>
    %add3A_1590 = arith.addi %mul3A_1582, %add3A_1589 : vector<16xi32>
    %gather3A_1591 = tpu.vector_load_idx %arg13[%add3A_1590] : memref<2560xf32, #tpu.memory_space<vmem>>[vector<16xi32>], vector<16xf32>,
    %add3A_1592 = arith.constant 3 : i32
    %add3A_1593 = vector.broadcast %add3A_1592 : i32 to vector<16xi32>
    %add3A_1594 = arith.addi %mul3A_1582, %add3A_1593 : vector<16xi32>
    %gather3A_1595 = tpu.vector_load_idx %arg13[%add3A_1594] : memref<2560xf32, #tpu.memory_space<vmem>>[vector<16xi32>], vector<16xf32>,
    %add3A_1596 = arith.addf %gather3A_1583, %gather3A_1591 : vector<16xf32>
    %mul3A_1597 = arith.constant 5.000000e-01 : f32
    %mul3A_1598 = vector.broadcast %mul3A_1597 : f32 to vector<16xf32>
    %mul3A_1599 = arith.mulf %mul3A_1598, %add3A_1596 : vector<16xf32>
    %select_n3A_1600 = arith.select %or3A_1571, %gather3A_1572, %mul3A_1599 : vector<16xi1>, vector<16xf32>
    %add3A_1601 = arith.addf %gather3A_1587, %gather3A_1595 : vector<16xf32>
    %mul3A_1602 = arith.constant 5.000000e-01 : f32
    %mul3A_1603 = vector.broadcast %mul3A_1602 : f32 to vector<16xf32>
    %mul3A_1604 = arith.mulf %mul3A_1603, %add3A_1601 : vector<16xf32>
    %select_n3A_1605 = arith.select %or3A_1571, %gather3A_1573, %mul3A_1604 : vector<16xi1>, vector<16xf32>
    %sub3A_1606 = arith.subf %gather3A_1591, %gather3A_1583 : vector<16xf32>
    %select_n3A_1607 = arith.select %or3A_1571, %gather3A_1574, %sub3A_1606 : vector<16xi1>, vector<16xf32>
    %sub3A_1608 = arith.subf %gather3A_1595, %gather3A_1587 : vector<16xf32>
    %select_n3A_1609 = arith.select %or3A_1571, %gather3A_1575, %sub3A_1608 : vector<16xi1>, vector<16xf32>
    %jit3A_1610 = arith.constant 0 : i32
    %broadcast_in_dim3A_1611 = vector.broadcast %jit3A_1610 : i32 to vector<16xi32>
    %select_n3A_1612 = arith.select %or3A_1571, %gather3A_1576, %broadcast_in_dim3A_1611 : vector<16xi1>, vector<16xi32>
    %swap3A_1613 = arith.constant 192 : index
    %swap3A_1614 = tpu.vector_load %arg22[%swap3A_1613] {strides = array<i32>} : memref<640xi32, #tpu.memory_space<vmem>>, vector<16xi32>,
    tpu.vector_store %arg22[%swap3A_1613], %select_n3A_1612 {strides = array<i32>} : memref<640xi32, #tpu.memory_space<vmem>>, vector<16xi32>,
    %add3A_1615 = arith.constant 192 : i32
    %add3A_1616 = vector.broadcast %add3A_1615 : i32 to vector<16xi32>
    %add3A_1617 = arith.addi %iota3A, %add3A_1616 : vector<16xi32>
    tpu.vector_store_idx %arg21[%add3A_1617, %broadcast_in_dim3A_696], %select_n3A_1600 : memref<640x4xf32, #tpu.memory_space<vmem>>[vector<16xi32>, vector<16xi32>], vector<16xf32>,
    %add3A_1618 = arith.constant 1 : i32
    %add3A_1619 = vector.broadcast %add3A_1618 : i32 to vector<16xi32>
    %add3A_1620 = arith.addi %broadcast_in_dim3A_696, %add3A_1619 : vector<16xi32>
    tpu.vector_store_idx %arg21[%add3A_1617, %add3A_1620], %select_n3A_1605 : memref<640x4xf32, #tpu.memory_space<vmem>>[vector<16xi32>, vector<16xi32>], vector<16xf32>,
    %add3A_1621 = arith.constant 2 : i32
    %add3A_1622 = vector.broadcast %add3A_1621 : i32 to vector<16xi32>
    %add3A_1623 = arith.addi %broadcast_in_dim3A_696, %add3A_1622 : vector<16xi32>
    tpu.vector_store_idx %arg21[%add3A_1617, %add3A_1623], %select_n3A_1607 : memref<640x4xf32, #tpu.memory_space<vmem>>[vector<16xi32>, vector<16xi32>], vector<16xf32>,
    %add3A_1624 = arith.constant 3 : i32
    %add3A_1625 = vector.broadcast %add3A_1624 : i32 to vector<16xi32>
    %add3A_1626 = arith.addi %broadcast_in_dim3A_696, %add3A_1625 : vector<16xi32>
    tpu.vector_store_idx %arg21[%add3A_1617, %add3A_1626], %select_n3A_1609 : memref<640x4xf32, #tpu.memory_space<vmem>>[vector<16xi32>, vector<16xi32>], vector<16xf32>,
    %get3A_1627 = arith.constant 208 : index
    %get3A_1628 = tpu.vector_load %arg12[%get3A_1627] {strides = array<i32>} : memref<640xi32, #tpu.memory_space<vmem>>, vector<16xi32>,
    %ge3A_1629 = arith.constant 0 : i32
    %ge3A_1630 = vector.broadcast %ge3A_1629 : i32 to vector<16xi32>
    %ge3A_1631 = arith.cmpi sge, %get3A_1628, %ge3A_1630 : vector<16xi32>
    %get3A_1632 = arith.constant 208 : index
    %get3A_1633 = tpu.vector_load %arg11[%get3A_1632] {strides = array<i32>} : memref<640xi32, #tpu.memory_space<vmem>>, vector<16xi32>,
    %select_n3A_1634 = arith.select %ge3A_1631, %get3A_1628, %get3A_1633 : vector<16xi1>, vector<16xi32>
    %ge3A_1635 = arith.constant 0 : i32
    %ge3A_1636 = vector.broadcast %ge3A_1635 : i32 to vector<16xi32>
    %ge3A_1637 = arith.cmpi sge, %get3A_1628, %ge3A_1636 : vector<16xi32>
    %get3A_1638 = arith.constant 208 : index
    %get3A_1639 = tpu.vector_load %arg10[%get3A_1638] {strides = array<i32>} : memref<640xf32, #tpu.memory_space<vmem>>, vector<16xf32>,
    %gt3A_1640 = arith.constant 5.000000e-01 : f32
    %gt3A_1641 = vector.broadcast %gt3A_1640 : f32 to vector<16xf32>
    %gt3A_1642 = arith.cmpf ogt, %get3A_1639, %gt3A_1641 : vector<16xf32>
    %or3A_1643 = arith.ori %ge3A_1637, %gt3A_1642 : vector<16xi1>
    %gather3A_1644 = tpu.vector_load_idx %arg16[%select_n3A_1634] : memref<208xf32, #tpu.memory_space<vmem>>[vector<16xi32>], vector<16xf32>,
    %gather3A_1645 = tpu.vector_load_idx %arg17[%select_n3A_1634] : memref<208xf32, #tpu.memory_space<vmem>>[vector<16xi32>], vector<16xf32>,
    %gather3A_1646 = tpu.vector_load_idx %arg18[%select_n3A_1634] : memref<208xf32, #tpu.memory_space<vmem>>[vector<16xi32>], vector<16xf32>,
    %gather3A_1647 = tpu.vector_load_idx %arg19[%select_n3A_1634] : memref<208xf32, #tpu.memory_space<vmem>>[vector<16xi32>], vector<16xf32>,
    %gather3A_1648 = tpu.vector_load_idx %arg20[%select_n3A_1634] : memref<200xi32, #tpu.memory_space<vmem>>[vector<16xi32>], vector<16xi32>,
    %add3A_1649 = arith.constant 208 : i32
    %add3A_1650 = vector.broadcast %add3A_1649 : i32 to vector<16xi32>
    %add3A_1651 = arith.addi %iota3A, %add3A_1650 : vector<16xi32>
    %mul3A_1652 = arith.constant 4 : i32
    %mul3A_1653 = vector.broadcast %mul3A_1652 : i32 to vector<16xi32>
    %mul3A_1654 = arith.muli %add3A_1651, %mul3A_1653 : vector<16xi32>
    %gather3A_1655 = tpu.vector_load_idx %arg13[%mul3A_1654] : memref<2560xf32, #tpu.memory_space<vmem>>[vector<16xi32>], vector<16xf32>,
    %add3A_1656 = arith.constant 1 : i32
    %add3A_1657 = vector.broadcast %add3A_1656 : i32 to vector<16xi32>
    %add3A_1658 = arith.addi %mul3A_1654, %add3A_1657 : vector<16xi32>
    %gather3A_1659 = tpu.vector_load_idx %arg13[%add3A_1658] : memref<2560xf32, #tpu.memory_space<vmem>>[vector<16xi32>], vector<16xf32>,
    %add3A_1660 = arith.constant 2 : i32
    %add3A_1661 = vector.broadcast %add3A_1660 : i32 to vector<16xi32>
    %add3A_1662 = arith.addi %mul3A_1654, %add3A_1661 : vector<16xi32>
    %gather3A_1663 = tpu.vector_load_idx %arg13[%add3A_1662] : memref<2560xf32, #tpu.memory_space<vmem>>[vector<16xi32>], vector<16xf32>,
    %add3A_1664 = arith.constant 3 : i32
    %add3A_1665 = vector.broadcast %add3A_1664 : i32 to vector<16xi32>
    %add3A_1666 = arith.addi %mul3A_1654, %add3A_1665 : vector<16xi32>
    %gather3A_1667 = tpu.vector_load_idx %arg13[%add3A_1666] : memref<2560xf32, #tpu.memory_space<vmem>>[vector<16xi32>], vector<16xf32>,
    %add3A_1668 = arith.addf %gather3A_1655, %gather3A_1663 : vector<16xf32>
    %mul3A_1669 = arith.constant 5.000000e-01 : f32
    %mul3A_1670 = vector.broadcast %mul3A_1669 : f32 to vector<16xf32>
    %mul3A_1671 = arith.mulf %mul3A_1670, %add3A_1668 : vector<16xf32>
    %select_n3A_1672 = arith.select %or3A_1643, %gather3A_1644, %mul3A_1671 : vector<16xi1>, vector<16xf32>
    %add3A_1673 = arith.addf %gather3A_1659, %gather3A_1667 : vector<16xf32>
    %mul3A_1674 = arith.constant 5.000000e-01 : f32
    %mul3A_1675 = vector.broadcast %mul3A_1674 : f32 to vector<16xf32>
    %mul3A_1676 = arith.mulf %mul3A_1675, %add3A_1673 : vector<16xf32>
    %select_n3A_1677 = arith.select %or3A_1643, %gather3A_1645, %mul3A_1676 : vector<16xi1>, vector<16xf32>
    %sub3A_1678 = arith.subf %gather3A_1663, %gather3A_1655 : vector<16xf32>
    %select_n3A_1679 = arith.select %or3A_1643, %gather3A_1646, %sub3A_1678 : vector<16xi1>, vector<16xf32>
    %sub3A_1680 = arith.subf %gather3A_1667, %gather3A_1659 : vector<16xf32>
    %select_n3A_1681 = arith.select %or3A_1643, %gather3A_1647, %sub3A_1680 : vector<16xi1>, vector<16xf32>
    %jit3A_1682 = arith.constant 0 : i32
    %broadcast_in_dim3A_1683 = vector.broadcast %jit3A_1682 : i32 to vector<16xi32>
    %select_n3A_1684 = arith.select %or3A_1643, %gather3A_1648, %broadcast_in_dim3A_1683 : vector<16xi1>, vector<16xi32>
    %swap3A_1685 = arith.constant 208 : index
    %swap3A_1686 = tpu.vector_load %arg22[%swap3A_1685] {strides = array<i32>} : memref<640xi32, #tpu.memory_space<vmem>>, vector<16xi32>,
    tpu.vector_store %arg22[%swap3A_1685], %select_n3A_1684 {strides = array<i32>} : memref<640xi32, #tpu.memory_space<vmem>>, vector<16xi32>,
    %add3A_1687 = arith.constant 208 : i32
    %add3A_1688 = vector.broadcast %add3A_1687 : i32 to vector<16xi32>
    %add3A_1689 = arith.addi %iota3A, %add3A_1688 : vector<16xi32>
    tpu.vector_store_idx %arg21[%add3A_1689, %broadcast_in_dim3A_696], %select_n3A_1672 : memref<640x4xf32, #tpu.memory_space<vmem>>[vector<16xi32>, vector<16xi32>], vector<16xf32>,
    %add3A_1690 = arith.constant 1 : i32
    %add3A_1691 = vector.broadcast %add3A_1690 : i32 to vector<16xi32>
    %add3A_1692 = arith.addi %broadcast_in_dim3A_696, %add3A_1691 : vector<16xi32>
    tpu.vector_store_idx %arg21[%add3A_1689, %add3A_1692], %select_n3A_1677 : memref<640x4xf32, #tpu.memory_space<vmem>>[vector<16xi32>, vector<16xi32>], vector<16xf32>,
    %add3A_1693 = arith.constant 2 : i32
    %add3A_1694 = vector.broadcast %add3A_1693 : i32 to vector<16xi32>
    %add3A_1695 = arith.addi %broadcast_in_dim3A_696, %add3A_1694 : vector<16xi32>
    tpu.vector_store_idx %arg21[%add3A_1689, %add3A_1695], %select_n3A_1679 : memref<640x4xf32, #tpu.memory_space<vmem>>[vector<16xi32>, vector<16xi32>], vector<16xf32>,
    %add3A_1696 = arith.constant 3 : i32
    %add3A_1697 = vector.broadcast %add3A_1696 : i32 to vector<16xi32>
    %add3A_1698 = arith.addi %broadcast_in_dim3A_696, %add3A_1697 : vector<16xi32>
    tpu.vector_store_idx %arg21[%add3A_1689, %add3A_1698], %select_n3A_1681 : memref<640x4xf32, #tpu.memory_space<vmem>>[vector<16xi32>, vector<16xi32>], vector<16xf32>,
    %get3A_1699 = arith.constant 224 : index
    %get3A_1700 = tpu.vector_load %arg12[%get3A_1699] {strides = array<i32>} : memref<640xi32, #tpu.memory_space<vmem>>, vector<16xi32>,
    %ge3A_1701 = arith.constant 0 : i32
    %ge3A_1702 = vector.broadcast %ge3A_1701 : i32 to vector<16xi32>
    %ge3A_1703 = arith.cmpi sge, %get3A_1700, %ge3A_1702 : vector<16xi32>
    %get3A_1704 = arith.constant 224 : index
    %get3A_1705 = tpu.vector_load %arg11[%get3A_1704] {strides = array<i32>} : memref<640xi32, #tpu.memory_space<vmem>>, vector<16xi32>,
    %select_n3A_1706 = arith.select %ge3A_1703, %get3A_1700, %get3A_1705 : vector<16xi1>, vector<16xi32>
    %ge3A_1707 = arith.constant 0 : i32
    %ge3A_1708 = vector.broadcast %ge3A_1707 : i32 to vector<16xi32>
    %ge3A_1709 = arith.cmpi sge, %get3A_1700, %ge3A_1708 : vector<16xi32>
    %get3A_1710 = arith.constant 224 : index
    %get3A_1711 = tpu.vector_load %arg10[%get3A_1710] {strides = array<i32>} : memref<640xf32, #tpu.memory_space<vmem>>, vector<16xf32>,
    %gt3A_1712 = arith.constant 5.000000e-01 : f32
    %gt3A_1713 = vector.broadcast %gt3A_1712 : f32 to vector<16xf32>
    %gt3A_1714 = arith.cmpf ogt, %get3A_1711, %gt3A_1713 : vector<16xf32>
    %or3A_1715 = arith.ori %ge3A_1709, %gt3A_1714 : vector<16xi1>
    %gather3A_1716 = tpu.vector_load_idx %arg16[%select_n3A_1706] : memref<208xf32, #tpu.memory_space<vmem>>[vector<16xi32>], vector<16xf32>,
    %gather3A_1717 = tpu.vector_load_idx %arg17[%select_n3A_1706] : memref<208xf32, #tpu.memory_space<vmem>>[vector<16xi32>], vector<16xf32>,
    %gather3A_1718 = tpu.vector_load_idx %arg18[%select_n3A_1706] : memref<208xf32, #tpu.memory_space<vmem>>[vector<16xi32>], vector<16xf32>,
    %gather3A_1719 = tpu.vector_load_idx %arg19[%select_n3A_1706] : memref<208xf32, #tpu.memory_space<vmem>>[vector<16xi32>], vector<16xf32>,
    %gather3A_1720 = tpu.vector_load_idx %arg20[%select_n3A_1706] : memref<200xi32, #tpu.memory_space<vmem>>[vector<16xi32>], vector<16xi32>,
    %add3A_1721 = arith.constant 224 : i32
    %add3A_1722 = vector.broadcast %add3A_1721 : i32 to vector<16xi32>
    %add3A_1723 = arith.addi %iota3A, %add3A_1722 : vector<16xi32>
    %mul3A_1724 = arith.constant 4 : i32
    %mul3A_1725 = vector.broadcast %mul3A_1724 : i32 to vector<16xi32>
    %mul3A_1726 = arith.muli %add3A_1723, %mul3A_1725 : vector<16xi32>
    %gather3A_1727 = tpu.vector_load_idx %arg13[%mul3A_1726] : memref<2560xf32, #tpu.memory_space<vmem>>[vector<16xi32>], vector<16xf32>,
    %add3A_1728 = arith.constant 1 : i32
    %add3A_1729 = vector.broadcast %add3A_1728 : i32 to vector<16xi32>
    %add3A_1730 = arith.addi %mul3A_1726, %add3A_1729 : vector<16xi32>
    %gather3A_1731 = tpu.vector_load_idx %arg13[%add3A_1730] : memref<2560xf32, #tpu.memory_space<vmem>>[vector<16xi32>], vector<16xf32>,
    %add3A_1732 = arith.constant 2 : i32
    %add3A_1733 = vector.broadcast %add3A_1732 : i32 to vector<16xi32>
    %add3A_1734 = arith.addi %mul3A_1726, %add3A_1733 : vector<16xi32>
    %gather3A_1735 = tpu.vector_load_idx %arg13[%add3A_1734] : memref<2560xf32, #tpu.memory_space<vmem>>[vector<16xi32>], vector<16xf32>,
    %add3A_1736 = arith.constant 3 : i32
    %add3A_1737 = vector.broadcast %add3A_1736 : i32 to vector<16xi32>
    %add3A_1738 = arith.addi %mul3A_1726, %add3A_1737 : vector<16xi32>
    %gather3A_1739 = tpu.vector_load_idx %arg13[%add3A_1738] : memref<2560xf32, #tpu.memory_space<vmem>>[vector<16xi32>], vector<16xf32>,
    %add3A_1740 = arith.addf %gather3A_1727, %gather3A_1735 : vector<16xf32>
    %mul3A_1741 = arith.constant 5.000000e-01 : f32
    %mul3A_1742 = vector.broadcast %mul3A_1741 : f32 to vector<16xf32>
    %mul3A_1743 = arith.mulf %mul3A_1742, %add3A_1740 : vector<16xf32>
    %select_n3A_1744 = arith.select %or3A_1715, %gather3A_1716, %mul3A_1743 : vector<16xi1>, vector<16xf32>
    %add3A_1745 = arith.addf %gather3A_1731, %gather3A_1739 : vector<16xf32>
    %mul3A_1746 = arith.constant 5.000000e-01 : f32
    %mul3A_1747 = vector.broadcast %mul3A_1746 : f32 to vector<16xf32>
    %mul3A_1748 = arith.mulf %mul3A_1747, %add3A_1745 : vector<16xf32>
    %select_n3A_1749 = arith.select %or3A_1715, %gather3A_1717, %mul3A_1748 : vector<16xi1>, vector<16xf32>
    %sub3A_1750 = arith.subf %gather3A_1735, %gather3A_1727 : vector<16xf32>
    %select_n3A_1751 = arith.select %or3A_1715, %gather3A_1718, %sub3A_1750 : vector<16xi1>, vector<16xf32>
    %sub3A_1752 = arith.subf %gather3A_1739, %gather3A_1731 : vector<16xf32>
    %select_n3A_1753 = arith.select %or3A_1715, %gather3A_1719, %sub3A_1752 : vector<16xi1>, vector<16xf32>
    %jit3A_1754 = arith.constant 0 : i32
    %broadcast_in_dim3A_1755 = vector.broadcast %jit3A_1754 : i32 to vector<16xi32>
    %select_n3A_1756 = arith.select %or3A_1715, %gather3A_1720, %broadcast_in_dim3A_1755 : vector<16xi1>, vector<16xi32>
    %swap3A_1757 = arith.constant 224 : index
    %swap3A_1758 = tpu.vector_load %arg22[%swap3A_1757] {strides = array<i32>} : memref<640xi32, #tpu.memory_space<vmem>>, vector<16xi32>,
    tpu.vector_store %arg22[%swap3A_1757], %select_n3A_1756 {strides = array<i32>} : memref<640xi32, #tpu.memory_space<vmem>>, vector<16xi32>,
    %add3A_1759 = arith.constant 224 : i32
    %add3A_1760 = vector.broadcast %add3A_1759 : i32 to vector<16xi32>
    %add3A_1761 = arith.addi %iota3A, %add3A_1760 : vector<16xi32>
    tpu.vector_store_idx %arg21[%add3A_1761, %broadcast_in_dim3A_696], %select_n3A_1744 : memref<640x4xf32, #tpu.memory_space<vmem>>[vector<16xi32>, vector<16xi32>], vector<16xf32>,
    %add3A_1762 = arith.constant 1 : i32
    %add3A_1763 = vector.broadcast %add3A_1762 : i32 to vector<16xi32>
    %add3A_1764 = arith.addi %broadcast_in_dim3A_696, %add3A_1763 : vector<16xi32>
    tpu.vector_store_idx %arg21[%add3A_1761, %add3A_1764], %select_n3A_1749 : memref<640x4xf32, #tpu.memory_space<vmem>>[vector<16xi32>, vector<16xi32>], vector<16xf32>,
    %add3A_1765 = arith.constant 2 : i32
    %add3A_1766 = vector.broadcast %add3A_1765 : i32 to vector<16xi32>
    %add3A_1767 = arith.addi %broadcast_in_dim3A_696, %add3A_1766 : vector<16xi32>
    tpu.vector_store_idx %arg21[%add3A_1761, %add3A_1767], %select_n3A_1751 : memref<640x4xf32, #tpu.memory_space<vmem>>[vector<16xi32>, vector<16xi32>], vector<16xf32>,
    %add3A_1768 = arith.constant 3 : i32
    %add3A_1769 = vector.broadcast %add3A_1768 : i32 to vector<16xi32>
    %add3A_1770 = arith.addi %broadcast_in_dim3A_696, %add3A_1769 : vector<16xi32>
    tpu.vector_store_idx %arg21[%add3A_1761, %add3A_1770], %select_n3A_1753 : memref<640x4xf32, #tpu.memory_space<vmem>>[vector<16xi32>, vector<16xi32>], vector<16xf32>,
    %get3A_1771 = arith.constant 240 : index
    %get3A_1772 = tpu.vector_load %arg12[%get3A_1771] {strides = array<i32>} : memref<640xi32, #tpu.memory_space<vmem>>, vector<16xi32>,
    %ge3A_1773 = arith.constant 0 : i32
    %ge3A_1774 = vector.broadcast %ge3A_1773 : i32 to vector<16xi32>
    %ge3A_1775 = arith.cmpi sge, %get3A_1772, %ge3A_1774 : vector<16xi32>
    %get3A_1776 = arith.constant 240 : index
    %get3A_1777 = tpu.vector_load %arg11[%get3A_1776] {strides = array<i32>} : memref<640xi32, #tpu.memory_space<vmem>>, vector<16xi32>,
    %select_n3A_1778 = arith.select %ge3A_1775, %get3A_1772, %get3A_1777 : vector<16xi1>, vector<16xi32>
    %ge3A_1779 = arith.constant 0 : i32
    %ge3A_1780 = vector.broadcast %ge3A_1779 : i32 to vector<16xi32>
    %ge3A_1781 = arith.cmpi sge, %get3A_1772, %ge3A_1780 : vector<16xi32>
    %get3A_1782 = arith.constant 240 : index
    %get3A_1783 = tpu.vector_load %arg10[%get3A_1782] {strides = array<i32>} : memref<640xf32, #tpu.memory_space<vmem>>, vector<16xf32>,
    %gt3A_1784 = arith.constant 5.000000e-01 : f32
    %gt3A_1785 = vector.broadcast %gt3A_1784 : f32 to vector<16xf32>
    %gt3A_1786 = arith.cmpf ogt, %get3A_1783, %gt3A_1785 : vector<16xf32>
    %or3A_1787 = arith.ori %ge3A_1781, %gt3A_1786 : vector<16xi1>
    %gather3A_1788 = tpu.vector_load_idx %arg16[%select_n3A_1778] : memref<208xf32, #tpu.memory_space<vmem>>[vector<16xi32>], vector<16xf32>,
    %gather3A_1789 = tpu.vector_load_idx %arg17[%select_n3A_1778] : memref<208xf32, #tpu.memory_space<vmem>>[vector<16xi32>], vector<16xf32>,
    %gather3A_1790 = tpu.vector_load_idx %arg18[%select_n3A_1778] : memref<208xf32, #tpu.memory_space<vmem>>[vector<16xi32>], vector<16xf32>,
    %gather3A_1791 = tpu.vector_load_idx %arg19[%select_n3A_1778] : memref<208xf32, #tpu.memory_space<vmem>>[vector<16xi32>], vector<16xf32>,
    %gather3A_1792 = tpu.vector_load_idx %arg20[%select_n3A_1778] : memref<200xi32, #tpu.memory_space<vmem>>[vector<16xi32>], vector<16xi32>,
    %add3A_1793 = arith.constant 240 : i32
    %add3A_1794 = vector.broadcast %add3A_1793 : i32 to vector<16xi32>
    %add3A_1795 = arith.addi %iota3A, %add3A_1794 : vector<16xi32>
    %mul3A_1796 = arith.constant 4 : i32
    %mul3A_1797 = vector.broadcast %mul3A_1796 : i32 to vector<16xi32>
    %mul3A_1798 = arith.muli %add3A_1795, %mul3A_1797 : vector<16xi32>
    %gather3A_1799 = tpu.vector_load_idx %arg13[%mul3A_1798] : memref<2560xf32, #tpu.memory_space<vmem>>[vector<16xi32>], vector<16xf32>,
    %add3A_1800 = arith.constant 1 : i32
    %add3A_1801 = vector.broadcast %add3A_1800 : i32 to vector<16xi32>
    %add3A_1802 = arith.addi %mul3A_1798, %add3A_1801 : vector<16xi32>
    %gather3A_1803 = tpu.vector_load_idx %arg13[%add3A_1802] : memref<2560xf32, #tpu.memory_space<vmem>>[vector<16xi32>], vector<16xf32>,
    %add3A_1804 = arith.constant 2 : i32
    %add3A_1805 = vector.broadcast %add3A_1804 : i32 to vector<16xi32>
    %add3A_1806 = arith.addi %mul3A_1798, %add3A_1805 : vector<16xi32>
    %gather3A_1807 = tpu.vector_load_idx %arg13[%add3A_1806] : memref<2560xf32, #tpu.memory_space<vmem>>[vector<16xi32>], vector<16xf32>,
    %add3A_1808 = arith.constant 3 : i32
    %add3A_1809 = vector.broadcast %add3A_1808 : i32 to vector<16xi32>
    %add3A_1810 = arith.addi %mul3A_1798, %add3A_1809 : vector<16xi32>
    %gather3A_1811 = tpu.vector_load_idx %arg13[%add3A_1810] : memref<2560xf32, #tpu.memory_space<vmem>>[vector<16xi32>], vector<16xf32>,
    %add3A_1812 = arith.addf %gather3A_1799, %gather3A_1807 : vector<16xf32>
    %mul3A_1813 = arith.constant 5.000000e-01 : f32
    %mul3A_1814 = vector.broadcast %mul3A_1813 : f32 to vector<16xf32>
    %mul3A_1815 = arith.mulf %mul3A_1814, %add3A_1812 : vector<16xf32>
    %select_n3A_1816 = arith.select %or3A_1787, %gather3A_1788, %mul3A_1815 : vector<16xi1>, vector<16xf32>
    %add3A_1817 = arith.addf %gather3A_1803, %gather3A_1811 : vector<16xf32>
    %mul3A_1818 = arith.constant 5.000000e-01 : f32
    %mul3A_1819 = vector.broadcast %mul3A_1818 : f32 to vector<16xf32>
    %mul3A_1820 = arith.mulf %mul3A_1819, %add3A_1817 : vector<16xf32>
    %select_n3A_1821 = arith.select %or3A_1787, %gather3A_1789, %mul3A_1820 : vector<16xi1>, vector<16xf32>
    %sub3A_1822 = arith.subf %gather3A_1807, %gather3A_1799 : vector<16xf32>
    %select_n3A_1823 = arith.select %or3A_1787, %gather3A_1790, %sub3A_1822 : vector<16xi1>, vector<16xf32>
    %sub3A_1824 = arith.subf %gather3A_1811, %gather3A_1803 : vector<16xf32>
    %select_n3A_1825 = arith.select %or3A_1787, %gather3A_1791, %sub3A_1824 : vector<16xi1>, vector<16xf32>
    %jit3A_1826 = arith.constant 0 : i32
    %broadcast_in_dim3A_1827 = vector.broadcast %jit3A_1826 : i32 to vector<16xi32>
    %select_n3A_1828 = arith.select %or3A_1787, %gather3A_1792, %broadcast_in_dim3A_1827 : vector<16xi1>, vector<16xi32>
    %swap3A_1829 = arith.constant 240 : index
    %swap3A_1830 = tpu.vector_load %arg22[%swap3A_1829] {strides = array<i32>} : memref<640xi32, #tpu.memory_space<vmem>>, vector<16xi32>,
    tpu.vector_store %arg22[%swap3A_1829], %select_n3A_1828 {strides = array<i32>} : memref<640xi32, #tpu.memory_space<vmem>>, vector<16xi32>,
    %add3A_1831 = arith.constant 240 : i32
    %add3A_1832 = vector.broadcast %add3A_1831 : i32 to vector<16xi32>
    %add3A_1833 = arith.addi %iota3A, %add3A_1832 : vector<16xi32>
    tpu.vector_store_idx %arg21[%add3A_1833, %broadcast_in_dim3A_696], %select_n3A_1816 : memref<640x4xf32, #tpu.memory_space<vmem>>[vector<16xi32>, vector<16xi32>], vector<16xf32>,
    %add3A_1834 = arith.constant 1 : i32
    %add3A_1835 = vector.broadcast %add3A_1834 : i32 to vector<16xi32>
    %add3A_1836 = arith.addi %broadcast_in_dim3A_696, %add3A_1835 : vector<16xi32>
    tpu.vector_store_idx %arg21[%add3A_1833, %add3A_1836], %select_n3A_1821 : memref<640x4xf32, #tpu.memory_space<vmem>>[vector<16xi32>, vector<16xi32>], vector<16xf32>,
    %add3A_1837 = arith.constant 2 : i32
    %add3A_1838 = vector.broadcast %add3A_1837 : i32 to vector<16xi32>
    %add3A_1839 = arith.addi %broadcast_in_dim3A_696, %add3A_1838 : vector<16xi32>
    tpu.vector_store_idx %arg21[%add3A_1833, %add3A_1839], %select_n3A_1823 : memref<640x4xf32, #tpu.memory_space<vmem>>[vector<16xi32>, vector<16xi32>], vector<16xf32>,
    %add3A_1840 = arith.constant 3 : i32
    %add3A_1841 = vector.broadcast %add3A_1840 : i32 to vector<16xi32>
    %add3A_1842 = arith.addi %broadcast_in_dim3A_696, %add3A_1841 : vector<16xi32>
    tpu.vector_store_idx %arg21[%add3A_1833, %add3A_1842], %select_n3A_1825 : memref<640x4xf32, #tpu.memory_space<vmem>>[vector<16xi32>, vector<16xi32>], vector<16xf32>,
    %get3A_1843 = arith.constant 256 : index
    %get3A_1844 = tpu.vector_load %arg12[%get3A_1843] {strides = array<i32>} : memref<640xi32, #tpu.memory_space<vmem>>, vector<16xi32>,
    %ge3A_1845 = arith.constant 0 : i32
    %ge3A_1846 = vector.broadcast %ge3A_1845 : i32 to vector<16xi32>
    %ge3A_1847 = arith.cmpi sge, %get3A_1844, %ge3A_1846 : vector<16xi32>
    %get3A_1848 = arith.constant 256 : index
    %get3A_1849 = tpu.vector_load %arg11[%get3A_1848] {strides = array<i32>} : memref<640xi32, #tpu.memory_space<vmem>>, vector<16xi32>,
    %select_n3A_1850 = arith.select %ge3A_1847, %get3A_1844, %get3A_1849 : vector<16xi1>, vector<16xi32>
    %ge3A_1851 = arith.constant 0 : i32
    %ge3A_1852 = vector.broadcast %ge3A_1851 : i32 to vector<16xi32>
    %ge3A_1853 = arith.cmpi sge, %get3A_1844, %ge3A_1852 : vector<16xi32>
    %get3A_1854 = arith.constant 256 : index
    %get3A_1855 = tpu.vector_load %arg10[%get3A_1854] {strides = array<i32>} : memref<640xf32, #tpu.memory_space<vmem>>, vector<16xf32>,
    %gt3A_1856 = arith.constant 5.000000e-01 : f32
    %gt3A_1857 = vector.broadcast %gt3A_1856 : f32 to vector<16xf32>
    %gt3A_1858 = arith.cmpf ogt, %get3A_1855, %gt3A_1857 : vector<16xf32>
    %or3A_1859 = arith.ori %ge3A_1853, %gt3A_1858 : vector<16xi1>
    %gather3A_1860 = tpu.vector_load_idx %arg16[%select_n3A_1850] : memref<208xf32, #tpu.memory_space<vmem>>[vector<16xi32>], vector<16xf32>,
    %gather3A_1861 = tpu.vector_load_idx %arg17[%select_n3A_1850] : memref<208xf32, #tpu.memory_space<vmem>>[vector<16xi32>], vector<16xf32>,
    %gather3A_1862 = tpu.vector_load_idx %arg18[%select_n3A_1850] : memref<208xf32, #tpu.memory_space<vmem>>[vector<16xi32>], vector<16xf32>,
    %gather3A_1863 = tpu.vector_load_idx %arg19[%select_n3A_1850] : memref<208xf32, #tpu.memory_space<vmem>>[vector<16xi32>], vector<16xf32>,
    %gather3A_1864 = tpu.vector_load_idx %arg20[%select_n3A_1850] : memref<200xi32, #tpu.memory_space<vmem>>[vector<16xi32>], vector<16xi32>,
    %add3A_1865 = arith.constant 256 : i32
    %add3A_1866 = vector.broadcast %add3A_1865 : i32 to vector<16xi32>
    %add3A_1867 = arith.addi %iota3A, %add3A_1866 : vector<16xi32>
    %mul3A_1868 = arith.constant 4 : i32
    %mul3A_1869 = vector.broadcast %mul3A_1868 : i32 to vector<16xi32>
    %mul3A_1870 = arith.muli %add3A_1867, %mul3A_1869 : vector<16xi32>
    %gather3A_1871 = tpu.vector_load_idx %arg13[%mul3A_1870] : memref<2560xf32, #tpu.memory_space<vmem>>[vector<16xi32>], vector<16xf32>,
    %add3A_1872 = arith.constant 1 : i32
    %add3A_1873 = vector.broadcast %add3A_1872 : i32 to vector<16xi32>
    %add3A_1874 = arith.addi %mul3A_1870, %add3A_1873 : vector<16xi32>
    %gather3A_1875 = tpu.vector_load_idx %arg13[%add3A_1874] : memref<2560xf32, #tpu.memory_space<vmem>>[vector<16xi32>], vector<16xf32>,
    %add3A_1876 = arith.constant 2 : i32
    %add3A_1877 = vector.broadcast %add3A_1876 : i32 to vector<16xi32>
    %add3A_1878 = arith.addi %mul3A_1870, %add3A_1877 : vector<16xi32>
    %gather3A_1879 = tpu.vector_load_idx %arg13[%add3A_1878] : memref<2560xf32, #tpu.memory_space<vmem>>[vector<16xi32>], vector<16xf32>,
    %add3A_1880 = arith.constant 3 : i32
    %add3A_1881 = vector.broadcast %add3A_1880 : i32 to vector<16xi32>
    %add3A_1882 = arith.addi %mul3A_1870, %add3A_1881 : vector<16xi32>
    %gather3A_1883 = tpu.vector_load_idx %arg13[%add3A_1882] : memref<2560xf32, #tpu.memory_space<vmem>>[vector<16xi32>], vector<16xf32>,
    %add3A_1884 = arith.addf %gather3A_1871, %gather3A_1879 : vector<16xf32>
    %mul3A_1885 = arith.constant 5.000000e-01 : f32
    %mul3A_1886 = vector.broadcast %mul3A_1885 : f32 to vector<16xf32>
    %mul3A_1887 = arith.mulf %mul3A_1886, %add3A_1884 : vector<16xf32>
    %select_n3A_1888 = arith.select %or3A_1859, %gather3A_1860, %mul3A_1887 : vector<16xi1>, vector<16xf32>
    %add3A_1889 = arith.addf %gather3A_1875, %gather3A_1883 : vector<16xf32>
    %mul3A_1890 = arith.constant 5.000000e-01 : f32
    %mul3A_1891 = vector.broadcast %mul3A_1890 : f32 to vector<16xf32>
    %mul3A_1892 = arith.mulf %mul3A_1891, %add3A_1889 : vector<16xf32>
    %select_n3A_1893 = arith.select %or3A_1859, %gather3A_1861, %mul3A_1892 : vector<16xi1>, vector<16xf32>
    %sub3A_1894 = arith.subf %gather3A_1879, %gather3A_1871 : vector<16xf32>
    %select_n3A_1895 = arith.select %or3A_1859, %gather3A_1862, %sub3A_1894 : vector<16xi1>, vector<16xf32>
    %sub3A_1896 = arith.subf %gather3A_1883, %gather3A_1875 : vector<16xf32>
    %select_n3A_1897 = arith.select %or3A_1859, %gather3A_1863, %sub3A_1896 : vector<16xi1>, vector<16xf32>
    %jit3A_1898 = arith.constant 0 : i32
    %broadcast_in_dim3A_1899 = vector.broadcast %jit3A_1898 : i32 to vector<16xi32>
    %select_n3A_1900 = arith.select %or3A_1859, %gather3A_1864, %broadcast_in_dim3A_1899 : vector<16xi1>, vector<16xi32>
    %swap3A_1901 = arith.constant 256 : index
    %swap3A_1902 = tpu.vector_load %arg22[%swap3A_1901] {strides = array<i32>} : memref<640xi32, #tpu.memory_space<vmem>>, vector<16xi32>,
    tpu.vector_store %arg22[%swap3A_1901], %select_n3A_1900 {strides = array<i32>} : memref<640xi32, #tpu.memory_space<vmem>>, vector<16xi32>,
    %add3A_1903 = arith.constant 256 : i32
    %add3A_1904 = vector.broadcast %add3A_1903 : i32 to vector<16xi32>
    %add3A_1905 = arith.addi %iota3A, %add3A_1904 : vector<16xi32>
    tpu.vector_store_idx %arg21[%add3A_1905, %broadcast_in_dim3A_696], %select_n3A_1888 : memref<640x4xf32, #tpu.memory_space<vmem>>[vector<16xi32>, vector<16xi32>], vector<16xf32>,
    %add3A_1906 = arith.constant 1 : i32
    %add3A_1907 = vector.broadcast %add3A_1906 : i32 to vector<16xi32>
    %add3A_1908 = arith.addi %broadcast_in_dim3A_696, %add3A_1907 : vector<16xi32>
    tpu.vector_store_idx %arg21[%add3A_1905, %add3A_1908], %select_n3A_1893 : memref<640x4xf32, #tpu.memory_space<vmem>>[vector<16xi32>, vector<16xi32>], vector<16xf32>,
    %add3A_1909 = arith.constant 2 : i32
    %add3A_1910 = vector.broadcast %add3A_1909 : i32 to vector<16xi32>
    %add3A_1911 = arith.addi %broadcast_in_dim3A_696, %add3A_1910 : vector<16xi32>
    tpu.vector_store_idx %arg21[%add3A_1905, %add3A_1911], %select_n3A_1895 : memref<640x4xf32, #tpu.memory_space<vmem>>[vector<16xi32>, vector<16xi32>], vector<16xf32>,
    %add3A_1912 = arith.constant 3 : i32
    %add3A_1913 = vector.broadcast %add3A_1912 : i32 to vector<16xi32>
    %add3A_1914 = arith.addi %broadcast_in_dim3A_696, %add3A_1913 : vector<16xi32>
    tpu.vector_store_idx %arg21[%add3A_1905, %add3A_1914], %select_n3A_1897 : memref<640x4xf32, #tpu.memory_space<vmem>>[vector<16xi32>, vector<16xi32>], vector<16xf32>,
    %get3A_1915 = arith.constant 272 : index
    %get3A_1916 = tpu.vector_load %arg12[%get3A_1915] {strides = array<i32>} : memref<640xi32, #tpu.memory_space<vmem>>, vector<16xi32>,
    %ge3A_1917 = arith.constant 0 : i32
    %ge3A_1918 = vector.broadcast %ge3A_1917 : i32 to vector<16xi32>
    %ge3A_1919 = arith.cmpi sge, %get3A_1916, %ge3A_1918 : vector<16xi32>
    %get3A_1920 = arith.constant 272 : index
    %get3A_1921 = tpu.vector_load %arg11[%get3A_1920] {strides = array<i32>} : memref<640xi32, #tpu.memory_space<vmem>>, vector<16xi32>,
    %select_n3A_1922 = arith.select %ge3A_1919, %get3A_1916, %get3A_1921 : vector<16xi1>, vector<16xi32>
    %ge3A_1923 = arith.constant 0 : i32
    %ge3A_1924 = vector.broadcast %ge3A_1923 : i32 to vector<16xi32>
    %ge3A_1925 = arith.cmpi sge, %get3A_1916, %ge3A_1924 : vector<16xi32>
    %get3A_1926 = arith.constant 272 : index
    %get3A_1927 = tpu.vector_load %arg10[%get3A_1926] {strides = array<i32>} : memref<640xf32, #tpu.memory_space<vmem>>, vector<16xf32>,
    %gt3A_1928 = arith.constant 5.000000e-01 : f32
    %gt3A_1929 = vector.broadcast %gt3A_1928 : f32 to vector<16xf32>
    %gt3A_1930 = arith.cmpf ogt, %get3A_1927, %gt3A_1929 : vector<16xf32>
    %or3A_1931 = arith.ori %ge3A_1925, %gt3A_1930 : vector<16xi1>
    %gather3A_1932 = tpu.vector_load_idx %arg16[%select_n3A_1922] : memref<208xf32, #tpu.memory_space<vmem>>[vector<16xi32>], vector<16xf32>,
    %gather3A_1933 = tpu.vector_load_idx %arg17[%select_n3A_1922] : memref<208xf32, #tpu.memory_space<vmem>>[vector<16xi32>], vector<16xf32>,
    %gather3A_1934 = tpu.vector_load_idx %arg18[%select_n3A_1922] : memref<208xf32, #tpu.memory_space<vmem>>[vector<16xi32>], vector<16xf32>,
    %gather3A_1935 = tpu.vector_load_idx %arg19[%select_n3A_1922] : memref<208xf32, #tpu.memory_space<vmem>>[vector<16xi32>], vector<16xf32>,
    %gather3A_1936 = tpu.vector_load_idx %arg20[%select_n3A_1922] : memref<200xi32, #tpu.memory_space<vmem>>[vector<16xi32>], vector<16xi32>,
    %add3A_1937 = arith.constant 272 : i32
    %add3A_1938 = vector.broadcast %add3A_1937 : i32 to vector<16xi32>
    %add3A_1939 = arith.addi %iota3A, %add3A_1938 : vector<16xi32>
    %mul3A_1940 = arith.constant 4 : i32
    %mul3A_1941 = vector.broadcast %mul3A_1940 : i32 to vector<16xi32>
    %mul3A_1942 = arith.muli %add3A_1939, %mul3A_1941 : vector<16xi32>
    %gather3A_1943 = tpu.vector_load_idx %arg13[%mul3A_1942] : memref<2560xf32, #tpu.memory_space<vmem>>[vector<16xi32>], vector<16xf32>,
    %add3A_1944 = arith.constant 1 : i32
    %add3A_1945 = vector.broadcast %add3A_1944 : i32 to vector<16xi32>
    %add3A_1946 = arith.addi %mul3A_1942, %add3A_1945 : vector<16xi32>
    %gather3A_1947 = tpu.vector_load_idx %arg13[%add3A_1946] : memref<2560xf32, #tpu.memory_space<vmem>>[vector<16xi32>], vector<16xf32>,
    %add3A_1948 = arith.constant 2 : i32
    %add3A_1949 = vector.broadcast %add3A_1948 : i32 to vector<16xi32>
    %add3A_1950 = arith.addi %mul3A_1942, %add3A_1949 : vector<16xi32>
    %gather3A_1951 = tpu.vector_load_idx %arg13[%add3A_1950] : memref<2560xf32, #tpu.memory_space<vmem>>[vector<16xi32>], vector<16xf32>,
    %add3A_1952 = arith.constant 3 : i32
    %add3A_1953 = vector.broadcast %add3A_1952 : i32 to vector<16xi32>
    %add3A_1954 = arith.addi %mul3A_1942, %add3A_1953 : vector<16xi32>
    %gather3A_1955 = tpu.vector_load_idx %arg13[%add3A_1954] : memref<2560xf32, #tpu.memory_space<vmem>>[vector<16xi32>], vector<16xf32>,
    %add3A_1956 = arith.addf %gather3A_1943, %gather3A_1951 : vector<16xf32>
    %mul3A_1957 = arith.constant 5.000000e-01 : f32
    %mul3A_1958 = vector.broadcast %mul3A_1957 : f32 to vector<16xf32>
    %mul3A_1959 = arith.mulf %mul3A_1958, %add3A_1956 : vector<16xf32>
    %select_n3A_1960 = arith.select %or3A_1931, %gather3A_1932, %mul3A_1959 : vector<16xi1>, vector<16xf32>
    %add3A_1961 = arith.addf %gather3A_1947, %gather3A_1955 : vector<16xf32>
    %mul3A_1962 = arith.constant 5.000000e-01 : f32
    %mul3A_1963 = vector.broadcast %mul3A_1962 : f32 to vector<16xf32>
    %mul3A_1964 = arith.mulf %mul3A_1963, %add3A_1961 : vector<16xf32>
    %select_n3A_1965 = arith.select %or3A_1931, %gather3A_1933, %mul3A_1964 : vector<16xi1>, vector<16xf32>
    %sub3A_1966 = arith.subf %gather3A_1951, %gather3A_1943 : vector<16xf32>
    %select_n3A_1967 = arith.select %or3A_1931, %gather3A_1934, %sub3A_1966 : vector<16xi1>, vector<16xf32>
    %sub3A_1968 = arith.subf %gather3A_1955, %gather3A_1947 : vector<16xf32>
    %select_n3A_1969 = arith.select %or3A_1931, %gather3A_1935, %sub3A_1968 : vector<16xi1>, vector<16xf32>
    %jit3A_1970 = arith.constant 0 : i32
    %broadcast_in_dim3A_1971 = vector.broadcast %jit3A_1970 : i32 to vector<16xi32>
    %select_n3A_1972 = arith.select %or3A_1931, %gather3A_1936, %broadcast_in_dim3A_1971 : vector<16xi1>, vector<16xi32>
    %swap3A_1973 = arith.constant 272 : index
    %swap3A_1974 = tpu.vector_load %arg22[%swap3A_1973] {strides = array<i32>} : memref<640xi32, #tpu.memory_space<vmem>>, vector<16xi32>,
    tpu.vector_store %arg22[%swap3A_1973], %select_n3A_1972 {strides = array<i32>} : memref<640xi32, #tpu.memory_space<vmem>>, vector<16xi32>,
    %add3A_1975 = arith.constant 272 : i32
    %add3A_1976 = vector.broadcast %add3A_1975 : i32 to vector<16xi32>
    %add3A_1977 = arith.addi %iota3A, %add3A_1976 : vector<16xi32>
    tpu.vector_store_idx %arg21[%add3A_1977, %broadcast_in_dim3A_696], %select_n3A_1960 : memref<640x4xf32, #tpu.memory_space<vmem>>[vector<16xi32>, vector<16xi32>], vector<16xf32>,
    %add3A_1978 = arith.constant 1 : i32
    %add3A_1979 = vector.broadcast %add3A_1978 : i32 to vector<16xi32>
    %add3A_1980 = arith.addi %broadcast_in_dim3A_696, %add3A_1979 : vector<16xi32>
    tpu.vector_store_idx %arg21[%add3A_1977, %add3A_1980], %select_n3A_1965 : memref<640x4xf32, #tpu.memory_space<vmem>>[vector<16xi32>, vector<16xi32>], vector<16xf32>,
    %add3A_1981 = arith.constant 2 : i32
    %add3A_1982 = vector.broadcast %add3A_1981 : i32 to vector<16xi32>
    %add3A_1983 = arith.addi %broadcast_in_dim3A_696, %add3A_1982 : vector<16xi32>
    tpu.vector_store_idx %arg21[%add3A_1977, %add3A_1983], %select_n3A_1967 : memref<640x4xf32, #tpu.memory_space<vmem>>[vector<16xi32>, vector<16xi32>], vector<16xf32>,
    %add3A_1984 = arith.constant 3 : i32
    %add3A_1985 = vector.broadcast %add3A_1984 : i32 to vector<16xi32>
    %add3A_1986 = arith.addi %broadcast_in_dim3A_696, %add3A_1985 : vector<16xi32>
    tpu.vector_store_idx %arg21[%add3A_1977, %add3A_1986], %select_n3A_1969 : memref<640x4xf32, #tpu.memory_space<vmem>>[vector<16xi32>, vector<16xi32>], vector<16xf32>,
    %get3A_1987 = arith.constant 288 : index
    %get3A_1988 = tpu.vector_load %arg12[%get3A_1987] {strides = array<i32>} : memref<640xi32, #tpu.memory_space<vmem>>, vector<16xi32>,
    %ge3A_1989 = arith.constant 0 : i32
    %ge3A_1990 = vector.broadcast %ge3A_1989 : i32 to vector<16xi32>
    %ge3A_1991 = arith.cmpi sge, %get3A_1988, %ge3A_1990 : vector<16xi32>
    %get3A_1992 = arith.constant 288 : index
    %get3A_1993 = tpu.vector_load %arg11[%get3A_1992] {strides = array<i32>} : memref<640xi32, #tpu.memory_space<vmem>>, vector<16xi32>,
    %select_n3A_1994 = arith.select %ge3A_1991, %get3A_1988, %get3A_1993 : vector<16xi1>, vector<16xi32>
    %ge3A_1995 = arith.constant 0 : i32
    %ge3A_1996 = vector.broadcast %ge3A_1995 : i32 to vector<16xi32>
    %ge3A_1997 = arith.cmpi sge, %get3A_1988, %ge3A_1996 : vector<16xi32>
    %get3A_1998 = arith.constant 288 : index
    %get3A_1999 = tpu.vector_load %arg10[%get3A_1998] {strides = array<i32>} : memref<640xf32, #tpu.memory_space<vmem>>, vector<16xf32>,
    %gt3A_2000 = arith.constant 5.000000e-01 : f32
    %gt3A_2001 = vector.broadcast %gt3A_2000 : f32 to vector<16xf32>
    %gt3A_2002 = arith.cmpf ogt, %get3A_1999, %gt3A_2001 : vector<16xf32>
    %or3A_2003 = arith.ori %ge3A_1997, %gt3A_2002 : vector<16xi1>
    %gather3A_2004 = tpu.vector_load_idx %arg16[%select_n3A_1994] : memref<208xf32, #tpu.memory_space<vmem>>[vector<16xi32>], vector<16xf32>,
    %gather3A_2005 = tpu.vector_load_idx %arg17[%select_n3A_1994] : memref<208xf32, #tpu.memory_space<vmem>>[vector<16xi32>], vector<16xf32>,
    %gather3A_2006 = tpu.vector_load_idx %arg18[%select_n3A_1994] : memref<208xf32, #tpu.memory_space<vmem>>[vector<16xi32>], vector<16xf32>,
    %gather3A_2007 = tpu.vector_load_idx %arg19[%select_n3A_1994] : memref<208xf32, #tpu.memory_space<vmem>>[vector<16xi32>], vector<16xf32>,
    %gather3A_2008 = tpu.vector_load_idx %arg20[%select_n3A_1994] : memref<200xi32, #tpu.memory_space<vmem>>[vector<16xi32>], vector<16xi32>,
    %add3A_2009 = arith.constant 288 : i32
    %add3A_2010 = vector.broadcast %add3A_2009 : i32 to vector<16xi32>
    %add3A_2011 = arith.addi %iota3A, %add3A_2010 : vector<16xi32>
    %mul3A_2012 = arith.constant 4 : i32
    %mul3A_2013 = vector.broadcast %mul3A_2012 : i32 to vector<16xi32>
    %mul3A_2014 = arith.muli %add3A_2011, %mul3A_2013 : vector<16xi32>
    %gather3A_2015 = tpu.vector_load_idx %arg13[%mul3A_2014] : memref<2560xf32, #tpu.memory_space<vmem>>[vector<16xi32>], vector<16xf32>,
    %add3A_2016 = arith.constant 1 : i32
    %add3A_2017 = vector.broadcast %add3A_2016 : i32 to vector<16xi32>
    %add3A_2018 = arith.addi %mul3A_2014, %add3A_2017 : vector<16xi32>
    %gather3A_2019 = tpu.vector_load_idx %arg13[%add3A_2018] : memref<2560xf32, #tpu.memory_space<vmem>>[vector<16xi32>], vector<16xf32>,
    %add3A_2020 = arith.constant 2 : i32
    %add3A_2021 = vector.broadcast %add3A_2020 : i32 to vector<16xi32>
    %add3A_2022 = arith.addi %mul3A_2014, %add3A_2021 : vector<16xi32>
    %gather3A_2023 = tpu.vector_load_idx %arg13[%add3A_2022] : memref<2560xf32, #tpu.memory_space<vmem>>[vector<16xi32>], vector<16xf32>,
    %add3A_2024 = arith.constant 3 : i32
    %add3A_2025 = vector.broadcast %add3A_2024 : i32 to vector<16xi32>
    %add3A_2026 = arith.addi %mul3A_2014, %add3A_2025 : vector<16xi32>
    %gather3A_2027 = tpu.vector_load_idx %arg13[%add3A_2026] : memref<2560xf32, #tpu.memory_space<vmem>>[vector<16xi32>], vector<16xf32>,
    %add3A_2028 = arith.addf %gather3A_2015, %gather3A_2023 : vector<16xf32>
    %mul3A_2029 = arith.constant 5.000000e-01 : f32
    %mul3A_2030 = vector.broadcast %mul3A_2029 : f32 to vector<16xf32>
    %mul3A_2031 = arith.mulf %mul3A_2030, %add3A_2028 : vector<16xf32>
    %select_n3A_2032 = arith.select %or3A_2003, %gather3A_2004, %mul3A_2031 : vector<16xi1>, vector<16xf32>
    %add3A_2033 = arith.addf %gather3A_2019, %gather3A_2027 : vector<16xf32>
    %mul3A_2034 = arith.constant 5.000000e-01 : f32
    %mul3A_2035 = vector.broadcast %mul3A_2034 : f32 to vector<16xf32>
    %mul3A_2036 = arith.mulf %mul3A_2035, %add3A_2033 : vector<16xf32>
    %select_n3A_2037 = arith.select %or3A_2003, %gather3A_2005, %mul3A_2036 : vector<16xi1>, vector<16xf32>
    %sub3A_2038 = arith.subf %gather3A_2023, %gather3A_2015 : vector<16xf32>
    %select_n3A_2039 = arith.select %or3A_2003, %gather3A_2006, %sub3A_2038 : vector<16xi1>, vector<16xf32>
    %sub3A_2040 = arith.subf %gather3A_2027, %gather3A_2019 : vector<16xf32>
    %select_n3A_2041 = arith.select %or3A_2003, %gather3A_2007, %sub3A_2040 : vector<16xi1>, vector<16xf32>
    %jit3A_2042 = arith.constant 0 : i32
    %broadcast_in_dim3A_2043 = vector.broadcast %jit3A_2042 : i32 to vector<16xi32>
    %select_n3A_2044 = arith.select %or3A_2003, %gather3A_2008, %broadcast_in_dim3A_2043 : vector<16xi1>, vector<16xi32>
    %swap3A_2045 = arith.constant 288 : index
    %swap3A_2046 = tpu.vector_load %arg22[%swap3A_2045] {strides = array<i32>} : memref<640xi32, #tpu.memory_space<vmem>>, vector<16xi32>,
    tpu.vector_store %arg22[%swap3A_2045], %select_n3A_2044 {strides = array<i32>} : memref<640xi32, #tpu.memory_space<vmem>>, vector<16xi32>,
    %add3A_2047 = arith.constant 288 : i32
    %add3A_2048 = vector.broadcast %add3A_2047 : i32 to vector<16xi32>
    %add3A_2049 = arith.addi %iota3A, %add3A_2048 : vector<16xi32>
    tpu.vector_store_idx %arg21[%add3A_2049, %broadcast_in_dim3A_696], %select_n3A_2032 : memref<640x4xf32, #tpu.memory_space<vmem>>[vector<16xi32>, vector<16xi32>], vector<16xf32>,
    %add3A_2050 = arith.constant 1 : i32
    %add3A_2051 = vector.broadcast %add3A_2050 : i32 to vector<16xi32>
    %add3A_2052 = arith.addi %broadcast_in_dim3A_696, %add3A_2051 : vector<16xi32>
    tpu.vector_store_idx %arg21[%add3A_2049, %add3A_2052], %select_n3A_2037 : memref<640x4xf32, #tpu.memory_space<vmem>>[vector<16xi32>, vector<16xi32>], vector<16xf32>,
    %add3A_2053 = arith.constant 2 : i32
    %add3A_2054 = vector.broadcast %add3A_2053 : i32 to vector<16xi32>
    %add3A_2055 = arith.addi %broadcast_in_dim3A_696, %add3A_2054 : vector<16xi32>
    tpu.vector_store_idx %arg21[%add3A_2049, %add3A_2055], %select_n3A_2039 : memref<640x4xf32, #tpu.memory_space<vmem>>[vector<16xi32>, vector<16xi32>], vector<16xf32>,
    %add3A_2056 = arith.constant 3 : i32
    %add3A_2057 = vector.broadcast %add3A_2056 : i32 to vector<16xi32>
    %add3A_2058 = arith.addi %broadcast_in_dim3A_696, %add3A_2057 : vector<16xi32>
    tpu.vector_store_idx %arg21[%add3A_2049, %add3A_2058], %select_n3A_2041 : memref<640x4xf32, #tpu.memory_space<vmem>>[vector<16xi32>, vector<16xi32>], vector<16xf32>,
    %get3A_2059 = arith.constant 304 : index
    %get3A_2060 = tpu.vector_load %arg12[%get3A_2059] {strides = array<i32>} : memref<640xi32, #tpu.memory_space<vmem>>, vector<16xi32>,
    %ge3A_2061 = arith.constant 0 : i32
    %ge3A_2062 = vector.broadcast %ge3A_2061 : i32 to vector<16xi32>
    %ge3A_2063 = arith.cmpi sge, %get3A_2060, %ge3A_2062 : vector<16xi32>
    %get3A_2064 = arith.constant 304 : index
    %get3A_2065 = tpu.vector_load %arg11[%get3A_2064] {strides = array<i32>} : memref<640xi32, #tpu.memory_space<vmem>>, vector<16xi32>,
    %select_n3A_2066 = arith.select %ge3A_2063, %get3A_2060, %get3A_2065 : vector<16xi1>, vector<16xi32>
    %ge3A_2067 = arith.constant 0 : i32
    %ge3A_2068 = vector.broadcast %ge3A_2067 : i32 to vector<16xi32>
    %ge3A_2069 = arith.cmpi sge, %get3A_2060, %ge3A_2068 : vector<16xi32>
    %get3A_2070 = arith.constant 304 : index
    %get3A_2071 = tpu.vector_load %arg10[%get3A_2070] {strides = array<i32>} : memref<640xf32, #tpu.memory_space<vmem>>, vector<16xf32>,
    %gt3A_2072 = arith.constant 5.000000e-01 : f32
    %gt3A_2073 = vector.broadcast %gt3A_2072 : f32 to vector<16xf32>
    %gt3A_2074 = arith.cmpf ogt, %get3A_2071, %gt3A_2073 : vector<16xf32>
    %or3A_2075 = arith.ori %ge3A_2069, %gt3A_2074 : vector<16xi1>
    %gather3A_2076 = tpu.vector_load_idx %arg16[%select_n3A_2066] : memref<208xf32, #tpu.memory_space<vmem>>[vector<16xi32>], vector<16xf32>,
    %gather3A_2077 = tpu.vector_load_idx %arg17[%select_n3A_2066] : memref<208xf32, #tpu.memory_space<vmem>>[vector<16xi32>], vector<16xf32>,
    %gather3A_2078 = tpu.vector_load_idx %arg18[%select_n3A_2066] : memref<208xf32, #tpu.memory_space<vmem>>[vector<16xi32>], vector<16xf32>,
    %gather3A_2079 = tpu.vector_load_idx %arg19[%select_n3A_2066] : memref<208xf32, #tpu.memory_space<vmem>>[vector<16xi32>], vector<16xf32>,
    %gather3A_2080 = tpu.vector_load_idx %arg20[%select_n3A_2066] : memref<200xi32, #tpu.memory_space<vmem>>[vector<16xi32>], vector<16xi32>,
    %add3A_2081 = arith.constant 304 : i32
    %add3A_2082 = vector.broadcast %add3A_2081 : i32 to vector<16xi32>
    %add3A_2083 = arith.addi %iota3A, %add3A_2082 : vector<16xi32>
    %mul3A_2084 = arith.constant 4 : i32
    %mul3A_2085 = vector.broadcast %mul3A_2084 : i32 to vector<16xi32>
    %mul3A_2086 = arith.muli %add3A_2083, %mul3A_2085 : vector<16xi32>
    %gather3A_2087 = tpu.vector_load_idx %arg13[%mul3A_2086] : memref<2560xf32, #tpu.memory_space<vmem>>[vector<16xi32>], vector<16xf32>,
    %add3A_2088 = arith.constant 1 : i32
    %add3A_2089 = vector.broadcast %add3A_2088 : i32 to vector<16xi32>
    %add3A_2090 = arith.addi %mul3A_2086, %add3A_2089 : vector<16xi32>
    %gather3A_2091 = tpu.vector_load_idx %arg13[%add3A_2090] : memref<2560xf32, #tpu.memory_space<vmem>>[vector<16xi32>], vector<16xf32>,
    %add3A_2092 = arith.constant 2 : i32
    %add3A_2093 = vector.broadcast %add3A_2092 : i32 to vector<16xi32>
    %add3A_2094 = arith.addi %mul3A_2086, %add3A_2093 : vector<16xi32>
    %gather3A_2095 = tpu.vector_load_idx %arg13[%add3A_2094] : memref<2560xf32, #tpu.memory_space<vmem>>[vector<16xi32>], vector<16xf32>,
    %add3A_2096 = arith.constant 3 : i32
    %add3A_2097 = vector.broadcast %add3A_2096 : i32 to vector<16xi32>
    %add3A_2098 = arith.addi %mul3A_2086, %add3A_2097 : vector<16xi32>
    %gather3A_2099 = tpu.vector_load_idx %arg13[%add3A_2098] : memref<2560xf32, #tpu.memory_space<vmem>>[vector<16xi32>], vector<16xf32>,
    %add3A_2100 = arith.addf %gather3A_2087, %gather3A_2095 : vector<16xf32>
    %mul3A_2101 = arith.constant 5.000000e-01 : f32
    %mul3A_2102 = vector.broadcast %mul3A_2101 : f32 to vector<16xf32>
    %mul3A_2103 = arith.mulf %mul3A_2102, %add3A_2100 : vector<16xf32>
    %select_n3A_2104 = arith.select %or3A_2075, %gather3A_2076, %mul3A_2103 : vector<16xi1>, vector<16xf32>
    %add3A_2105 = arith.addf %gather3A_2091, %gather3A_2099 : vector<16xf32>
    %mul3A_2106 = arith.constant 5.000000e-01 : f32
    %mul3A_2107 = vector.broadcast %mul3A_2106 : f32 to vector<16xf32>
    %mul3A_2108 = arith.mulf %mul3A_2107, %add3A_2105 : vector<16xf32>
    %select_n3A_2109 = arith.select %or3A_2075, %gather3A_2077, %mul3A_2108 : vector<16xi1>, vector<16xf32>
    %sub3A_2110 = arith.subf %gather3A_2095, %gather3A_2087 : vector<16xf32>
    %select_n3A_2111 = arith.select %or3A_2075, %gather3A_2078, %sub3A_2110 : vector<16xi1>, vector<16xf32>
    %sub3A_2112 = arith.subf %gather3A_2099, %gather3A_2091 : vector<16xf32>
    %select_n3A_2113 = arith.select %or3A_2075, %gather3A_2079, %sub3A_2112 : vector<16xi1>, vector<16xf32>
    %jit3A_2114 = arith.constant 0 : i32
    %broadcast_in_dim3A_2115 = vector.broadcast %jit3A_2114 : i32 to vector<16xi32>
    %select_n3A_2116 = arith.select %or3A_2075, %gather3A_2080, %broadcast_in_dim3A_2115 : vector<16xi1>, vector<16xi32>
    %swap3A_2117 = arith.constant 304 : index
    %swap3A_2118 = tpu.vector_load %arg22[%swap3A_2117] {strides = array<i32>} : memref<640xi32, #tpu.memory_space<vmem>>, vector<16xi32>,
    tpu.vector_store %arg22[%swap3A_2117], %select_n3A_2116 {strides = array<i32>} : memref<640xi32, #tpu.memory_space<vmem>>, vector<16xi32>,
    %add3A_2119 = arith.constant 304 : i32
    %add3A_2120 = vector.broadcast %add3A_2119 : i32 to vector<16xi32>
    %add3A_2121 = arith.addi %iota3A, %add3A_2120 : vector<16xi32>
    tpu.vector_store_idx %arg21[%add3A_2121, %broadcast_in_dim3A_696], %select_n3A_2104 : memref<640x4xf32, #tpu.memory_space<vmem>>[vector<16xi32>, vector<16xi32>], vector<16xf32>,
    %add3A_2122 = arith.constant 1 : i32
    %add3A_2123 = vector.broadcast %add3A_2122 : i32 to vector<16xi32>
    %add3A_2124 = arith.addi %broadcast_in_dim3A_696, %add3A_2123 : vector<16xi32>
    tpu.vector_store_idx %arg21[%add3A_2121, %add3A_2124], %select_n3A_2109 : memref<640x4xf32, #tpu.memory_space<vmem>>[vector<16xi32>, vector<16xi32>], vector<16xf32>,
    %add3A_2125 = arith.constant 2 : i32
    %add3A_2126 = vector.broadcast %add3A_2125 : i32 to vector<16xi32>
    %add3A_2127 = arith.addi %broadcast_in_dim3A_696, %add3A_2126 : vector<16xi32>
    tpu.vector_store_idx %arg21[%add3A_2121, %add3A_2127], %select_n3A_2111 : memref<640x4xf32, #tpu.memory_space<vmem>>[vector<16xi32>, vector<16xi32>], vector<16xf32>,
    %add3A_2128 = arith.constant 3 : i32
    %add3A_2129 = vector.broadcast %add3A_2128 : i32 to vector<16xi32>
    %add3A_2130 = arith.addi %broadcast_in_dim3A_696, %add3A_2129 : vector<16xi32>
    tpu.vector_store_idx %arg21[%add3A_2121, %add3A_2130], %select_n3A_2113 : memref<640x4xf32, #tpu.memory_space<vmem>>[vector<16xi32>, vector<16xi32>], vector<16xf32>,
    %get3A_2131 = arith.constant 320 : index
    %get3A_2132 = tpu.vector_load %arg12[%get3A_2131] {strides = array<i32>} : memref<640xi32, #tpu.memory_space<vmem>>, vector<16xi32>,
    %ge3A_2133 = arith.constant 0 : i32
    %ge3A_2134 = vector.broadcast %ge3A_2133 : i32 to vector<16xi32>
    %ge3A_2135 = arith.cmpi sge, %get3A_2132, %ge3A_2134 : vector<16xi32>
    %get3A_2136 = arith.constant 320 : index
    %get3A_2137 = tpu.vector_load %arg11[%get3A_2136] {strides = array<i32>} : memref<640xi32, #tpu.memory_space<vmem>>, vector<16xi32>,
    %select_n3A_2138 = arith.select %ge3A_2135, %get3A_2132, %get3A_2137 : vector<16xi1>, vector<16xi32>
    %ge3A_2139 = arith.constant 0 : i32
    %ge3A_2140 = vector.broadcast %ge3A_2139 : i32 to vector<16xi32>
    %ge3A_2141 = arith.cmpi sge, %get3A_2132, %ge3A_2140 : vector<16xi32>
    %get3A_2142 = arith.constant 320 : index
    %get3A_2143 = tpu.vector_load %arg10[%get3A_2142] {strides = array<i32>} : memref<640xf32, #tpu.memory_space<vmem>>, vector<16xf32>,
    %gt3A_2144 = arith.constant 5.000000e-01 : f32
    %gt3A_2145 = vector.broadcast %gt3A_2144 : f32 to vector<16xf32>
    %gt3A_2146 = arith.cmpf ogt, %get3A_2143, %gt3A_2145 : vector<16xf32>
    %or3A_2147 = arith.ori %ge3A_2141, %gt3A_2146 : vector<16xi1>
    %gather3A_2148 = tpu.vector_load_idx %arg16[%select_n3A_2138] : memref<208xf32, #tpu.memory_space<vmem>>[vector<16xi32>], vector<16xf32>,
    %gather3A_2149 = tpu.vector_load_idx %arg17[%select_n3A_2138] : memref<208xf32, #tpu.memory_space<vmem>>[vector<16xi32>], vector<16xf32>,
    %gather3A_2150 = tpu.vector_load_idx %arg18[%select_n3A_2138] : memref<208xf32, #tpu.memory_space<vmem>>[vector<16xi32>], vector<16xf32>,
    %gather3A_2151 = tpu.vector_load_idx %arg19[%select_n3A_2138] : memref<208xf32, #tpu.memory_space<vmem>>[vector<16xi32>], vector<16xf32>,
    %gather3A_2152 = tpu.vector_load_idx %arg20[%select_n3A_2138] : memref<200xi32, #tpu.memory_space<vmem>>[vector<16xi32>], vector<16xi32>,
    %add3A_2153 = arith.constant 320 : i32
    %add3A_2154 = vector.broadcast %add3A_2153 : i32 to vector<16xi32>
    %add3A_2155 = arith.addi %iota3A, %add3A_2154 : vector<16xi32>
    %mul3A_2156 = arith.constant 4 : i32
    %mul3A_2157 = vector.broadcast %mul3A_2156 : i32 to vector<16xi32>
    %mul3A_2158 = arith.muli %add3A_2155, %mul3A_2157 : vector<16xi32>
    %gather3A_2159 = tpu.vector_load_idx %arg13[%mul3A_2158] : memref<2560xf32, #tpu.memory_space<vmem>>[vector<16xi32>], vector<16xf32>,
    %add3A_2160 = arith.constant 1 : i32
    %add3A_2161 = vector.broadcast %add3A_2160 : i32 to vector<16xi32>
    %add3A_2162 = arith.addi %mul3A_2158, %add3A_2161 : vector<16xi32>
    %gather3A_2163 = tpu.vector_load_idx %arg13[%add3A_2162] : memref<2560xf32, #tpu.memory_space<vmem>>[vector<16xi32>], vector<16xf32>,
    %add3A_2164 = arith.constant 2 : i32
    %add3A_2165 = vector.broadcast %add3A_2164 : i32 to vector<16xi32>
    %add3A_2166 = arith.addi %mul3A_2158, %add3A_2165 : vector<16xi32>
    %gather3A_2167 = tpu.vector_load_idx %arg13[%add3A_2166] : memref<2560xf32, #tpu.memory_space<vmem>>[vector<16xi32>], vector<16xf32>,
    %add3A_2168 = arith.constant 3 : i32
    %add3A_2169 = vector.broadcast %add3A_2168 : i32 to vector<16xi32>
    %add3A_2170 = arith.addi %mul3A_2158, %add3A_2169 : vector<16xi32>
    %gather3A_2171 = tpu.vector_load_idx %arg13[%add3A_2170] : memref<2560xf32, #tpu.memory_space<vmem>>[vector<16xi32>], vector<16xf32>,
    %add3A_2172 = arith.addf %gather3A_2159, %gather3A_2167 : vector<16xf32>
    %mul3A_2173 = arith.constant 5.000000e-01 : f32
    %mul3A_2174 = vector.broadcast %mul3A_2173 : f32 to vector<16xf32>
    %mul3A_2175 = arith.mulf %mul3A_2174, %add3A_2172 : vector<16xf32>
    %select_n3A_2176 = arith.select %or3A_2147, %gather3A_2148, %mul3A_2175 : vector<16xi1>, vector<16xf32>
    %add3A_2177 = arith.addf %gather3A_2163, %gather3A_2171 : vector<16xf32>
    %mul3A_2178 = arith.constant 5.000000e-01 : f32
    %mul3A_2179 = vector.broadcast %mul3A_2178 : f32 to vector<16xf32>
    %mul3A_2180 = arith.mulf %mul3A_2179, %add3A_2177 : vector<16xf32>
    %select_n3A_2181 = arith.select %or3A_2147, %gather3A_2149, %mul3A_2180 : vector<16xi1>, vector<16xf32>
    %sub3A_2182 = arith.subf %gather3A_2167, %gather3A_2159 : vector<16xf32>
    %select_n3A_2183 = arith.select %or3A_2147, %gather3A_2150, %sub3A_2182 : vector<16xi1>, vector<16xf32>
    %sub3A_2184 = arith.subf %gather3A_2171, %gather3A_2163 : vector<16xf32>
    %select_n3A_2185 = arith.select %or3A_2147, %gather3A_2151, %sub3A_2184 : vector<16xi1>, vector<16xf32>
    %jit3A_2186 = arith.constant 0 : i32
    %broadcast_in_dim3A_2187 = vector.broadcast %jit3A_2186 : i32 to vector<16xi32>
    %select_n3A_2188 = arith.select %or3A_2147, %gather3A_2152, %broadcast_in_dim3A_2187 : vector<16xi1>, vector<16xi32>
    %swap3A_2189 = arith.constant 320 : index
    %swap3A_2190 = tpu.vector_load %arg22[%swap3A_2189] {strides = array<i32>} : memref<640xi32, #tpu.memory_space<vmem>>, vector<16xi32>,
    tpu.vector_store %arg22[%swap3A_2189], %select_n3A_2188 {strides = array<i32>} : memref<640xi32, #tpu.memory_space<vmem>>, vector<16xi32>,
    %add3A_2191 = arith.constant 320 : i32
    %add3A_2192 = vector.broadcast %add3A_2191 : i32 to vector<16xi32>
    %add3A_2193 = arith.addi %iota3A, %add3A_2192 : vector<16xi32>
    tpu.vector_store_idx %arg21[%add3A_2193, %broadcast_in_dim3A_696], %select_n3A_2176 : memref<640x4xf32, #tpu.memory_space<vmem>>[vector<16xi32>, vector<16xi32>], vector<16xf32>,
    %add3A_2194 = arith.constant 1 : i32
    %add3A_2195 = vector.broadcast %add3A_2194 : i32 to vector<16xi32>
    %add3A_2196 = arith.addi %broadcast_in_dim3A_696, %add3A_2195 : vector<16xi32>
    tpu.vector_store_idx %arg21[%add3A_2193, %add3A_2196], %select_n3A_2181 : memref<640x4xf32, #tpu.memory_space<vmem>>[vector<16xi32>, vector<16xi32>], vector<16xf32>,
    %add3A_2197 = arith.constant 2 : i32
    %add3A_2198 = vector.broadcast %add3A_2197 : i32 to vector<16xi32>
    %add3A_2199 = arith.addi %broadcast_in_dim3A_696, %add3A_2198 : vector<16xi32>
    tpu.vector_store_idx %arg21[%add3A_2193, %add3A_2199], %select_n3A_2183 : memref<640x4xf32, #tpu.memory_space<vmem>>[vector<16xi32>, vector<16xi32>], vector<16xf32>,
    %add3A_2200 = arith.constant 3 : i32
    %add3A_2201 = vector.broadcast %add3A_2200 : i32 to vector<16xi32>
    %add3A_2202 = arith.addi %broadcast_in_dim3A_696, %add3A_2201 : vector<16xi32>
    tpu.vector_store_idx %arg21[%add3A_2193, %add3A_2202], %select_n3A_2185 : memref<640x4xf32, #tpu.memory_space<vmem>>[vector<16xi32>, vector<16xi32>], vector<16xf32>,
    %get3A_2203 = arith.constant 336 : index
    %get3A_2204 = tpu.vector_load %arg12[%get3A_2203] {strides = array<i32>} : memref<640xi32, #tpu.memory_space<vmem>>, vector<16xi32>,
    %ge3A_2205 = arith.constant 0 : i32
    %ge3A_2206 = vector.broadcast %ge3A_2205 : i32 to vector<16xi32>
    %ge3A_2207 = arith.cmpi sge, %get3A_2204, %ge3A_2206 : vector<16xi32>
    %get3A_2208 = arith.constant 336 : index
    %get3A_2209 = tpu.vector_load %arg11[%get3A_2208] {strides = array<i32>} : memref<640xi32, #tpu.memory_space<vmem>>, vector<16xi32>,
    %select_n3A_2210 = arith.select %ge3A_2207, %get3A_2204, %get3A_2209 : vector<16xi1>, vector<16xi32>
    %ge3A_2211 = arith.constant 0 : i32
    %ge3A_2212 = vector.broadcast %ge3A_2211 : i32 to vector<16xi32>
    %ge3A_2213 = arith.cmpi sge, %get3A_2204, %ge3A_2212 : vector<16xi32>
    %get3A_2214 = arith.constant 336 : index
    %get3A_2215 = tpu.vector_load %arg10[%get3A_2214] {strides = array<i32>} : memref<640xf32, #tpu.memory_space<vmem>>, vector<16xf32>,
    %gt3A_2216 = arith.constant 5.000000e-01 : f32
    %gt3A_2217 = vector.broadcast %gt3A_2216 : f32 to vector<16xf32>
    %gt3A_2218 = arith.cmpf ogt, %get3A_2215, %gt3A_2217 : vector<16xf32>
    %or3A_2219 = arith.ori %ge3A_2213, %gt3A_2218 : vector<16xi1>
    %gather3A_2220 = tpu.vector_load_idx %arg16[%select_n3A_2210] : memref<208xf32, #tpu.memory_space<vmem>>[vector<16xi32>], vector<16xf32>,
    %gather3A_2221 = tpu.vector_load_idx %arg17[%select_n3A_2210] : memref<208xf32, #tpu.memory_space<vmem>>[vector<16xi32>], vector<16xf32>,
    %gather3A_2222 = tpu.vector_load_idx %arg18[%select_n3A_2210] : memref<208xf32, #tpu.memory_space<vmem>>[vector<16xi32>], vector<16xf32>,
    %gather3A_2223 = tpu.vector_load_idx %arg19[%select_n3A_2210] : memref<208xf32, #tpu.memory_space<vmem>>[vector<16xi32>], vector<16xf32>,
    %gather3A_2224 = tpu.vector_load_idx %arg20[%select_n3A_2210] : memref<200xi32, #tpu.memory_space<vmem>>[vector<16xi32>], vector<16xi32>,
    %add3A_2225 = arith.constant 336 : i32
    %add3A_2226 = vector.broadcast %add3A_2225 : i32 to vector<16xi32>
    %add3A_2227 = arith.addi %iota3A, %add3A_2226 : vector<16xi32>
    %mul3A_2228 = arith.constant 4 : i32
    %mul3A_2229 = vector.broadcast %mul3A_2228 : i32 to vector<16xi32>
    %mul3A_2230 = arith.muli %add3A_2227, %mul3A_2229 : vector<16xi32>
    %gather3A_2231 = tpu.vector_load_idx %arg13[%mul3A_2230] : memref<2560xf32, #tpu.memory_space<vmem>>[vector<16xi32>], vector<16xf32>,
    %add3A_2232 = arith.constant 1 : i32
    %add3A_2233 = vector.broadcast %add3A_2232 : i32 to vector<16xi32>
    %add3A_2234 = arith.addi %mul3A_2230, %add3A_2233 : vector<16xi32>
    %gather3A_2235 = tpu.vector_load_idx %arg13[%add3A_2234] : memref<2560xf32, #tpu.memory_space<vmem>>[vector<16xi32>], vector<16xf32>,
    %add3A_2236 = arith.constant 2 : i32
    %add3A_2237 = vector.broadcast %add3A_2236 : i32 to vector<16xi32>
    %add3A_2238 = arith.addi %mul3A_2230, %add3A_2237 : vector<16xi32>
    %gather3A_2239 = tpu.vector_load_idx %arg13[%add3A_2238] : memref<2560xf32, #tpu.memory_space<vmem>>[vector<16xi32>], vector<16xf32>,
    %add3A_2240 = arith.constant 3 : i32
    %add3A_2241 = vector.broadcast %add3A_2240 : i32 to vector<16xi32>
    %add3A_2242 = arith.addi %mul3A_2230, %add3A_2241 : vector<16xi32>
    %gather3A_2243 = tpu.vector_load_idx %arg13[%add3A_2242] : memref<2560xf32, #tpu.memory_space<vmem>>[vector<16xi32>], vector<16xf32>,
    %add3A_2244 = arith.addf %gather3A_2231, %gather3A_2239 : vector<16xf32>
    %mul3A_2245 = arith.constant 5.000000e-01 : f32
    %mul3A_2246 = vector.broadcast %mul3A_2245 : f32 to vector<16xf32>
    %mul3A_2247 = arith.mulf %mul3A_2246, %add3A_2244 : vector<16xf32>
    %select_n3A_2248 = arith.select %or3A_2219, %gather3A_2220, %mul3A_2247 : vector<16xi1>, vector<16xf32>
    %add3A_2249 = arith.addf %gather3A_2235, %gather3A_2243 : vector<16xf32>
    %mul3A_2250 = arith.constant 5.000000e-01 : f32
    %mul3A_2251 = vector.broadcast %mul3A_2250 : f32 to vector<16xf32>
    %mul3A_2252 = arith.mulf %mul3A_2251, %add3A_2249 : vector<16xf32>
    %select_n3A_2253 = arith.select %or3A_2219, %gather3A_2221, %mul3A_2252 : vector<16xi1>, vector<16xf32>
    %sub3A_2254 = arith.subf %gather3A_2239, %gather3A_2231 : vector<16xf32>
    %select_n3A_2255 = arith.select %or3A_2219, %gather3A_2222, %sub3A_2254 : vector<16xi1>, vector<16xf32>
    %sub3A_2256 = arith.subf %gather3A_2243, %gather3A_2235 : vector<16xf32>
    %select_n3A_2257 = arith.select %or3A_2219, %gather3A_2223, %sub3A_2256 : vector<16xi1>, vector<16xf32>
    %jit3A_2258 = arith.constant 0 : i32
    %broadcast_in_dim3A_2259 = vector.broadcast %jit3A_2258 : i32 to vector<16xi32>
    %select_n3A_2260 = arith.select %or3A_2219, %gather3A_2224, %broadcast_in_dim3A_2259 : vector<16xi1>, vector<16xi32>
    %swap3A_2261 = arith.constant 336 : index
    %swap3A_2262 = tpu.vector_load %arg22[%swap3A_2261] {strides = array<i32>} : memref<640xi32, #tpu.memory_space<vmem>>, vector<16xi32>,
    tpu.vector_store %arg22[%swap3A_2261], %select_n3A_2260 {strides = array<i32>} : memref<640xi32, #tpu.memory_space<vmem>>, vector<16xi32>,
    %add3A_2263 = arith.constant 336 : i32
    %add3A_2264 = vector.broadcast %add3A_2263 : i32 to vector<16xi32>
    %add3A_2265 = arith.addi %iota3A, %add3A_2264 : vector<16xi32>
    tpu.vector_store_idx %arg21[%add3A_2265, %broadcast_in_dim3A_696], %select_n3A_2248 : memref<640x4xf32, #tpu.memory_space<vmem>>[vector<16xi32>, vector<16xi32>], vector<16xf32>,
    %add3A_2266 = arith.constant 1 : i32
    %add3A_2267 = vector.broadcast %add3A_2266 : i32 to vector<16xi32>
    %add3A_2268 = arith.addi %broadcast_in_dim3A_696, %add3A_2267 : vector<16xi32>
    tpu.vector_store_idx %arg21[%add3A_2265, %add3A_2268], %select_n3A_2253 : memref<640x4xf32, #tpu.memory_space<vmem>>[vector<16xi32>, vector<16xi32>], vector<16xf32>,
    %add3A_2269 = arith.constant 2 : i32
    %add3A_2270 = vector.broadcast %add3A_2269 : i32 to vector<16xi32>
    %add3A_2271 = arith.addi %broadcast_in_dim3A_696, %add3A_2270 : vector<16xi32>
    tpu.vector_store_idx %arg21[%add3A_2265, %add3A_2271], %select_n3A_2255 : memref<640x4xf32, #tpu.memory_space<vmem>>[vector<16xi32>, vector<16xi32>], vector<16xf32>,
    %add3A_2272 = arith.constant 3 : i32
    %add3A_2273 = vector.broadcast %add3A_2272 : i32 to vector<16xi32>
    %add3A_2274 = arith.addi %broadcast_in_dim3A_696, %add3A_2273 : vector<16xi32>
    tpu.vector_store_idx %arg21[%add3A_2265, %add3A_2274], %select_n3A_2257 : memref<640x4xf32, #tpu.memory_space<vmem>>[vector<16xi32>, vector<16xi32>], vector<16xf32>,
    %get3A_2275 = arith.constant 352 : index
    %get3A_2276 = tpu.vector_load %arg12[%get3A_2275] {strides = array<i32>} : memref<640xi32, #tpu.memory_space<vmem>>, vector<16xi32>,
    %ge3A_2277 = arith.constant 0 : i32
    %ge3A_2278 = vector.broadcast %ge3A_2277 : i32 to vector<16xi32>
    %ge3A_2279 = arith.cmpi sge, %get3A_2276, %ge3A_2278 : vector<16xi32>
    %get3A_2280 = arith.constant 352 : index
    %get3A_2281 = tpu.vector_load %arg11[%get3A_2280] {strides = array<i32>} : memref<640xi32, #tpu.memory_space<vmem>>, vector<16xi32>,
    %select_n3A_2282 = arith.select %ge3A_2279, %get3A_2276, %get3A_2281 : vector<16xi1>, vector<16xi32>
    %ge3A_2283 = arith.constant 0 : i32
    %ge3A_2284 = vector.broadcast %ge3A_2283 : i32 to vector<16xi32>
    %ge3A_2285 = arith.cmpi sge, %get3A_2276, %ge3A_2284 : vector<16xi32>
    %get3A_2286 = arith.constant 352 : index
    %get3A_2287 = tpu.vector_load %arg10[%get3A_2286] {strides = array<i32>} : memref<640xf32, #tpu.memory_space<vmem>>, vector<16xf32>,
    %gt3A_2288 = arith.constant 5.000000e-01 : f32
    %gt3A_2289 = vector.broadcast %gt3A_2288 : f32 to vector<16xf32>
    %gt3A_2290 = arith.cmpf ogt, %get3A_2287, %gt3A_2289 : vector<16xf32>
    %or3A_2291 = arith.ori %ge3A_2285, %gt3A_2290 : vector<16xi1>
    %gather3A_2292 = tpu.vector_load_idx %arg16[%select_n3A_2282] : memref<208xf32, #tpu.memory_space<vmem>>[vector<16xi32>], vector<16xf32>,
    %gather3A_2293 = tpu.vector_load_idx %arg17[%select_n3A_2282] : memref<208xf32, #tpu.memory_space<vmem>>[vector<16xi32>], vector<16xf32>,
    %gather3A_2294 = tpu.vector_load_idx %arg18[%select_n3A_2282] : memref<208xf32, #tpu.memory_space<vmem>>[vector<16xi32>], vector<16xf32>,
    %gather3A_2295 = tpu.vector_load_idx %arg19[%select_n3A_2282] : memref<208xf32, #tpu.memory_space<vmem>>[vector<16xi32>], vector<16xf32>,
    %gather3A_2296 = tpu.vector_load_idx %arg20[%select_n3A_2282] : memref<200xi32, #tpu.memory_space<vmem>>[vector<16xi32>], vector<16xi32>,
    %add3A_2297 = arith.constant 352 : i32
    %add3A_2298 = vector.broadcast %add3A_2297 : i32 to vector<16xi32>
    %add3A_2299 = arith.addi %iota3A, %add3A_2298 : vector<16xi32>
    %mul3A_2300 = arith.constant 4 : i32
    %mul3A_2301 = vector.broadcast %mul3A_2300 : i32 to vector<16xi32>
    %mul3A_2302 = arith.muli %add3A_2299, %mul3A_2301 : vector<16xi32>
    %gather3A_2303 = tpu.vector_load_idx %arg13[%mul3A_2302] : memref<2560xf32, #tpu.memory_space<vmem>>[vector<16xi32>], vector<16xf32>,
    %add3A_2304 = arith.constant 1 : i32
    %add3A_2305 = vector.broadcast %add3A_2304 : i32 to vector<16xi32>
    %add3A_2306 = arith.addi %mul3A_2302, %add3A_2305 : vector<16xi32>
    %gather3A_2307 = tpu.vector_load_idx %arg13[%add3A_2306] : memref<2560xf32, #tpu.memory_space<vmem>>[vector<16xi32>], vector<16xf32>,
    %add3A_2308 = arith.constant 2 : i32
    %add3A_2309 = vector.broadcast %add3A_2308 : i32 to vector<16xi32>
    %add3A_2310 = arith.addi %mul3A_2302, %add3A_2309 : vector<16xi32>
    %gather3A_2311 = tpu.vector_load_idx %arg13[%add3A_2310] : memref<2560xf32, #tpu.memory_space<vmem>>[vector<16xi32>], vector<16xf32>,
    %add3A_2312 = arith.constant 3 : i32
    %add3A_2313 = vector.broadcast %add3A_2312 : i32 to vector<16xi32>
    %add3A_2314 = arith.addi %mul3A_2302, %add3A_2313 : vector<16xi32>
    %gather3A_2315 = tpu.vector_load_idx %arg13[%add3A_2314] : memref<2560xf32, #tpu.memory_space<vmem>>[vector<16xi32>], vector<16xf32>,
    %add3A_2316 = arith.addf %gather3A_2303, %gather3A_2311 : vector<16xf32>
    %mul3A_2317 = arith.constant 5.000000e-01 : f32
    %mul3A_2318 = vector.broadcast %mul3A_2317 : f32 to vector<16xf32>
    %mul3A_2319 = arith.mulf %mul3A_2318, %add3A_2316 : vector<16xf32>
    %select_n3A_2320 = arith.select %or3A_2291, %gather3A_2292, %mul3A_2319 : vector<16xi1>, vector<16xf32>
    %add3A_2321 = arith.addf %gather3A_2307, %gather3A_2315 : vector<16xf32>
    %mul3A_2322 = arith.constant 5.000000e-01 : f32
    %mul3A_2323 = vector.broadcast %mul3A_2322 : f32 to vector<16xf32>
    %mul3A_2324 = arith.mulf %mul3A_2323, %add3A_2321 : vector<16xf32>
    %select_n3A_2325 = arith.select %or3A_2291, %gather3A_2293, %mul3A_2324 : vector<16xi1>, vector<16xf32>
    %sub3A_2326 = arith.subf %gather3A_2311, %gather3A_2303 : vector<16xf32>
    %select_n3A_2327 = arith.select %or3A_2291, %gather3A_2294, %sub3A_2326 : vector<16xi1>, vector<16xf32>
    %sub3A_2328 = arith.subf %gather3A_2315, %gather3A_2307 : vector<16xf32>
    %select_n3A_2329 = arith.select %or3A_2291, %gather3A_2295, %sub3A_2328 : vector<16xi1>, vector<16xf32>
    %jit3A_2330 = arith.constant 0 : i32
    %broadcast_in_dim3A_2331 = vector.broadcast %jit3A_2330 : i32 to vector<16xi32>
    %select_n3A_2332 = arith.select %or3A_2291, %gather3A_2296, %broadcast_in_dim3A_2331 : vector<16xi1>, vector<16xi32>
    %swap3A_2333 = arith.constant 352 : index
    %swap3A_2334 = tpu.vector_load %arg22[%swap3A_2333] {strides = array<i32>} : memref<640xi32, #tpu.memory_space<vmem>>, vector<16xi32>,
    tpu.vector_store %arg22[%swap3A_2333], %select_n3A_2332 {strides = array<i32>} : memref<640xi32, #tpu.memory_space<vmem>>, vector<16xi32>,
    %add3A_2335 = arith.constant 352 : i32
    %add3A_2336 = vector.broadcast %add3A_2335 : i32 to vector<16xi32>
    %add3A_2337 = arith.addi %iota3A, %add3A_2336 : vector<16xi32>
    tpu.vector_store_idx %arg21[%add3A_2337, %broadcast_in_dim3A_696], %select_n3A_2320 : memref<640x4xf32, #tpu.memory_space<vmem>>[vector<16xi32>, vector<16xi32>], vector<16xf32>,
    %add3A_2338 = arith.constant 1 : i32
    %add3A_2339 = vector.broadcast %add3A_2338 : i32 to vector<16xi32>
    %add3A_2340 = arith.addi %broadcast_in_dim3A_696, %add3A_2339 : vector<16xi32>
    tpu.vector_store_idx %arg21[%add3A_2337, %add3A_2340], %select_n3A_2325 : memref<640x4xf32, #tpu.memory_space<vmem>>[vector<16xi32>, vector<16xi32>], vector<16xf32>,
    %add3A_2341 = arith.constant 2 : i32
    %add3A_2342 = vector.broadcast %add3A_2341 : i32 to vector<16xi32>
    %add3A_2343 = arith.addi %broadcast_in_dim3A_696, %add3A_2342 : vector<16xi32>
    tpu.vector_store_idx %arg21[%add3A_2337, %add3A_2343], %select_n3A_2327 : memref<640x4xf32, #tpu.memory_space<vmem>>[vector<16xi32>, vector<16xi32>], vector<16xf32>,
    %add3A_2344 = arith.constant 3 : i32
    %add3A_2345 = vector.broadcast %add3A_2344 : i32 to vector<16xi32>
    %add3A_2346 = arith.addi %broadcast_in_dim3A_696, %add3A_2345 : vector<16xi32>
    tpu.vector_store_idx %arg21[%add3A_2337, %add3A_2346], %select_n3A_2329 : memref<640x4xf32, #tpu.memory_space<vmem>>[vector<16xi32>, vector<16xi32>], vector<16xf32>,
    %get3A_2347 = arith.constant 368 : index
    %get3A_2348 = tpu.vector_load %arg12[%get3A_2347] {strides = array<i32>} : memref<640xi32, #tpu.memory_space<vmem>>, vector<16xi32>,
    %ge3A_2349 = arith.constant 0 : i32
    %ge3A_2350 = vector.broadcast %ge3A_2349 : i32 to vector<16xi32>
    %ge3A_2351 = arith.cmpi sge, %get3A_2348, %ge3A_2350 : vector<16xi32>
    %get3A_2352 = arith.constant 368 : index
    %get3A_2353 = tpu.vector_load %arg11[%get3A_2352] {strides = array<i32>} : memref<640xi32, #tpu.memory_space<vmem>>, vector<16xi32>,
    %select_n3A_2354 = arith.select %ge3A_2351, %get3A_2348, %get3A_2353 : vector<16xi1>, vector<16xi32>
    %ge3A_2355 = arith.constant 0 : i32
    %ge3A_2356 = vector.broadcast %ge3A_2355 : i32 to vector<16xi32>
    %ge3A_2357 = arith.cmpi sge, %get3A_2348, %ge3A_2356 : vector<16xi32>
    %get3A_2358 = arith.constant 368 : index
    %get3A_2359 = tpu.vector_load %arg10[%get3A_2358] {strides = array<i32>} : memref<640xf32, #tpu.memory_space<vmem>>, vector<16xf32>,
    %gt3A_2360 = arith.constant 5.000000e-01 : f32
    %gt3A_2361 = vector.broadcast %gt3A_2360 : f32 to vector<16xf32>
    %gt3A_2362 = arith.cmpf ogt, %get3A_2359, %gt3A_2361 : vector<16xf32>
    %or3A_2363 = arith.ori %ge3A_2357, %gt3A_2362 : vector<16xi1>
    %gather3A_2364 = tpu.vector_load_idx %arg16[%select_n3A_2354] : memref<208xf32, #tpu.memory_space<vmem>>[vector<16xi32>], vector<16xf32>,
    %gather3A_2365 = tpu.vector_load_idx %arg17[%select_n3A_2354] : memref<208xf32, #tpu.memory_space<vmem>>[vector<16xi32>], vector<16xf32>,
    %gather3A_2366 = tpu.vector_load_idx %arg18[%select_n3A_2354] : memref<208xf32, #tpu.memory_space<vmem>>[vector<16xi32>], vector<16xf32>,
    %gather3A_2367 = tpu.vector_load_idx %arg19[%select_n3A_2354] : memref<208xf32, #tpu.memory_space<vmem>>[vector<16xi32>], vector<16xf32>,
    %gather3A_2368 = tpu.vector_load_idx %arg20[%select_n3A_2354] : memref<200xi32, #tpu.memory_space<vmem>>[vector<16xi32>], vector<16xi32>,
    %add3A_2369 = arith.constant 368 : i32
    %add3A_2370 = vector.broadcast %add3A_2369 : i32 to vector<16xi32>
    %add3A_2371 = arith.addi %iota3A, %add3A_2370 : vector<16xi32>
    %mul3A_2372 = arith.constant 4 : i32
    %mul3A_2373 = vector.broadcast %mul3A_2372 : i32 to vector<16xi32>
    %mul3A_2374 = arith.muli %add3A_2371, %mul3A_2373 : vector<16xi32>
    %gather3A_2375 = tpu.vector_load_idx %arg13[%mul3A_2374] : memref<2560xf32, #tpu.memory_space<vmem>>[vector<16xi32>], vector<16xf32>,
    %add3A_2376 = arith.constant 1 : i32
    %add3A_2377 = vector.broadcast %add3A_2376 : i32 to vector<16xi32>
    %add3A_2378 = arith.addi %mul3A_2374, %add3A_2377 : vector<16xi32>
    %gather3A_2379 = tpu.vector_load_idx %arg13[%add3A_2378] : memref<2560xf32, #tpu.memory_space<vmem>>[vector<16xi32>], vector<16xf32>,
    %add3A_2380 = arith.constant 2 : i32
    %add3A_2381 = vector.broadcast %add3A_2380 : i32 to vector<16xi32>
    %add3A_2382 = arith.addi %mul3A_2374, %add3A_2381 : vector<16xi32>
    %gather3A_2383 = tpu.vector_load_idx %arg13[%add3A_2382] : memref<2560xf32, #tpu.memory_space<vmem>>[vector<16xi32>], vector<16xf32>,
    %add3A_2384 = arith.constant 3 : i32
    %add3A_2385 = vector.broadcast %add3A_2384 : i32 to vector<16xi32>
    %add3A_2386 = arith.addi %mul3A_2374, %add3A_2385 : vector<16xi32>
    %gather3A_2387 = tpu.vector_load_idx %arg13[%add3A_2386] : memref<2560xf32, #tpu.memory_space<vmem>>[vector<16xi32>], vector<16xf32>,
    %add3A_2388 = arith.addf %gather3A_2375, %gather3A_2383 : vector<16xf32>
    %mul3A_2389 = arith.constant 5.000000e-01 : f32
    %mul3A_2390 = vector.broadcast %mul3A_2389 : f32 to vector<16xf32>
    %mul3A_2391 = arith.mulf %mul3A_2390, %add3A_2388 : vector<16xf32>
    %select_n3A_2392 = arith.select %or3A_2363, %gather3A_2364, %mul3A_2391 : vector<16xi1>, vector<16xf32>
    %add3A_2393 = arith.addf %gather3A_2379, %gather3A_2387 : vector<16xf32>
    %mul3A_2394 = arith.constant 5.000000e-01 : f32
    %mul3A_2395 = vector.broadcast %mul3A_2394 : f32 to vector<16xf32>
    %mul3A_2396 = arith.mulf %mul3A_2395, %add3A_2393 : vector<16xf32>
    %select_n3A_2397 = arith.select %or3A_2363, %gather3A_2365, %mul3A_2396 : vector<16xi1>, vector<16xf32>
    %sub3A_2398 = arith.subf %gather3A_2383, %gather3A_2375 : vector<16xf32>
    %select_n3A_2399 = arith.select %or3A_2363, %gather3A_2366, %sub3A_2398 : vector<16xi1>, vector<16xf32>
    %sub3A_2400 = arith.subf %gather3A_2387, %gather3A_2379 : vector<16xf32>
    %select_n3A_2401 = arith.select %or3A_2363, %gather3A_2367, %sub3A_2400 : vector<16xi1>, vector<16xf32>
    %jit3A_2402 = arith.constant 0 : i32
    %broadcast_in_dim3A_2403 = vector.broadcast %jit3A_2402 : i32 to vector<16xi32>
    %select_n3A_2404 = arith.select %or3A_2363, %gather3A_2368, %broadcast_in_dim3A_2403 : vector<16xi1>, vector<16xi32>
    %swap3A_2405 = arith.constant 368 : index
    %swap3A_2406 = tpu.vector_load %arg22[%swap3A_2405] {strides = array<i32>} : memref<640xi32, #tpu.memory_space<vmem>>, vector<16xi32>,
    tpu.vector_store %arg22[%swap3A_2405], %select_n3A_2404 {strides = array<i32>} : memref<640xi32, #tpu.memory_space<vmem>>, vector<16xi32>,
    %add3A_2407 = arith.constant 368 : i32
    %add3A_2408 = vector.broadcast %add3A_2407 : i32 to vector<16xi32>
    %add3A_2409 = arith.addi %iota3A, %add3A_2408 : vector<16xi32>
    tpu.vector_store_idx %arg21[%add3A_2409, %broadcast_in_dim3A_696], %select_n3A_2392 : memref<640x4xf32, #tpu.memory_space<vmem>>[vector<16xi32>, vector<16xi32>], vector<16xf32>,
    %add3A_2410 = arith.constant 1 : i32
    %add3A_2411 = vector.broadcast %add3A_2410 : i32 to vector<16xi32>
    %add3A_2412 = arith.addi %broadcast_in_dim3A_696, %add3A_2411 : vector<16xi32>
    tpu.vector_store_idx %arg21[%add3A_2409, %add3A_2412], %select_n3A_2397 : memref<640x4xf32, #tpu.memory_space<vmem>>[vector<16xi32>, vector<16xi32>], vector<16xf32>,
    %add3A_2413 = arith.constant 2 : i32
    %add3A_2414 = vector.broadcast %add3A_2413 : i32 to vector<16xi32>
    %add3A_2415 = arith.addi %broadcast_in_dim3A_696, %add3A_2414 : vector<16xi32>
    tpu.vector_store_idx %arg21[%add3A_2409, %add3A_2415], %select_n3A_2399 : memref<640x4xf32, #tpu.memory_space<vmem>>[vector<16xi32>, vector<16xi32>], vector<16xf32>,
    %add3A_2416 = arith.constant 3 : i32
    %add3A_2417 = vector.broadcast %add3A_2416 : i32 to vector<16xi32>
    %add3A_2418 = arith.addi %broadcast_in_dim3A_696, %add3A_2417 : vector<16xi32>
    tpu.vector_store_idx %arg21[%add3A_2409, %add3A_2418], %select_n3A_2401 : memref<640x4xf32, #tpu.memory_space<vmem>>[vector<16xi32>, vector<16xi32>], vector<16xf32>,
    %get3A_2419 = arith.constant 384 : index
    %get3A_2420 = tpu.vector_load %arg12[%get3A_2419] {strides = array<i32>} : memref<640xi32, #tpu.memory_space<vmem>>, vector<16xi32>,
    %ge3A_2421 = arith.constant 0 : i32
    %ge3A_2422 = vector.broadcast %ge3A_2421 : i32 to vector<16xi32>
    %ge3A_2423 = arith.cmpi sge, %get3A_2420, %ge3A_2422 : vector<16xi32>
    %get3A_2424 = arith.constant 384 : index
    %get3A_2425 = tpu.vector_load %arg11[%get3A_2424] {strides = array<i32>} : memref<640xi32, #tpu.memory_space<vmem>>, vector<16xi32>,
    %select_n3A_2426 = arith.select %ge3A_2423, %get3A_2420, %get3A_2425 : vector<16xi1>, vector<16xi32>
    %ge3A_2427 = arith.constant 0 : i32
    %ge3A_2428 = vector.broadcast %ge3A_2427 : i32 to vector<16xi32>
    %ge3A_2429 = arith.cmpi sge, %get3A_2420, %ge3A_2428 : vector<16xi32>
    %get3A_2430 = arith.constant 384 : index
    %get3A_2431 = tpu.vector_load %arg10[%get3A_2430] {strides = array<i32>} : memref<640xf32, #tpu.memory_space<vmem>>, vector<16xf32>,
    %gt3A_2432 = arith.constant 5.000000e-01 : f32
    %gt3A_2433 = vector.broadcast %gt3A_2432 : f32 to vector<16xf32>
    %gt3A_2434 = arith.cmpf ogt, %get3A_2431, %gt3A_2433 : vector<16xf32>
    %or3A_2435 = arith.ori %ge3A_2429, %gt3A_2434 : vector<16xi1>
    %gather3A_2436 = tpu.vector_load_idx %arg16[%select_n3A_2426] : memref<208xf32, #tpu.memory_space<vmem>>[vector<16xi32>], vector<16xf32>,
    %gather3A_2437 = tpu.vector_load_idx %arg17[%select_n3A_2426] : memref<208xf32, #tpu.memory_space<vmem>>[vector<16xi32>], vector<16xf32>,
    %gather3A_2438 = tpu.vector_load_idx %arg18[%select_n3A_2426] : memref<208xf32, #tpu.memory_space<vmem>>[vector<16xi32>], vector<16xf32>,
    %gather3A_2439 = tpu.vector_load_idx %arg19[%select_n3A_2426] : memref<208xf32, #tpu.memory_space<vmem>>[vector<16xi32>], vector<16xf32>,
    %gather3A_2440 = tpu.vector_load_idx %arg20[%select_n3A_2426] : memref<200xi32, #tpu.memory_space<vmem>>[vector<16xi32>], vector<16xi32>,
    %add3A_2441 = arith.constant 384 : i32
    %add3A_2442 = vector.broadcast %add3A_2441 : i32 to vector<16xi32>
    %add3A_2443 = arith.addi %iota3A, %add3A_2442 : vector<16xi32>
    %mul3A_2444 = arith.constant 4 : i32
    %mul3A_2445 = vector.broadcast %mul3A_2444 : i32 to vector<16xi32>
    %mul3A_2446 = arith.muli %add3A_2443, %mul3A_2445 : vector<16xi32>
    %gather3A_2447 = tpu.vector_load_idx %arg13[%mul3A_2446] : memref<2560xf32, #tpu.memory_space<vmem>>[vector<16xi32>], vector<16xf32>,
    %add3A_2448 = arith.constant 1 : i32
    %add3A_2449 = vector.broadcast %add3A_2448 : i32 to vector<16xi32>
    %add3A_2450 = arith.addi %mul3A_2446, %add3A_2449 : vector<16xi32>
    %gather3A_2451 = tpu.vector_load_idx %arg13[%add3A_2450] : memref<2560xf32, #tpu.memory_space<vmem>>[vector<16xi32>], vector<16xf32>,
    %add3A_2452 = arith.constant 2 : i32
    %add3A_2453 = vector.broadcast %add3A_2452 : i32 to vector<16xi32>
    %add3A_2454 = arith.addi %mul3A_2446, %add3A_2453 : vector<16xi32>
    %gather3A_2455 = tpu.vector_load_idx %arg13[%add3A_2454] : memref<2560xf32, #tpu.memory_space<vmem>>[vector<16xi32>], vector<16xf32>,
    %add3A_2456 = arith.constant 3 : i32
    %add3A_2457 = vector.broadcast %add3A_2456 : i32 to vector<16xi32>
    %add3A_2458 = arith.addi %mul3A_2446, %add3A_2457 : vector<16xi32>
    %gather3A_2459 = tpu.vector_load_idx %arg13[%add3A_2458] : memref<2560xf32, #tpu.memory_space<vmem>>[vector<16xi32>], vector<16xf32>,
    %add3A_2460 = arith.addf %gather3A_2447, %gather3A_2455 : vector<16xf32>
    %mul3A_2461 = arith.constant 5.000000e-01 : f32
    %mul3A_2462 = vector.broadcast %mul3A_2461 : f32 to vector<16xf32>
    %mul3A_2463 = arith.mulf %mul3A_2462, %add3A_2460 : vector<16xf32>
    %select_n3A_2464 = arith.select %or3A_2435, %gather3A_2436, %mul3A_2463 : vector<16xi1>, vector<16xf32>
    %add3A_2465 = arith.addf %gather3A_2451, %gather3A_2459 : vector<16xf32>
    %mul3A_2466 = arith.constant 5.000000e-01 : f32
    %mul3A_2467 = vector.broadcast %mul3A_2466 : f32 to vector<16xf32>
    %mul3A_2468 = arith.mulf %mul3A_2467, %add3A_2465 : vector<16xf32>
    %select_n3A_2469 = arith.select %or3A_2435, %gather3A_2437, %mul3A_2468 : vector<16xi1>, vector<16xf32>
    %sub3A_2470 = arith.subf %gather3A_2455, %gather3A_2447 : vector<16xf32>
    %select_n3A_2471 = arith.select %or3A_2435, %gather3A_2438, %sub3A_2470 : vector<16xi1>, vector<16xf32>
    %sub3A_2472 = arith.subf %gather3A_2459, %gather3A_2451 : vector<16xf32>
    %select_n3A_2473 = arith.select %or3A_2435, %gather3A_2439, %sub3A_2472 : vector<16xi1>, vector<16xf32>
    %jit3A_2474 = arith.constant 0 : i32
    %broadcast_in_dim3A_2475 = vector.broadcast %jit3A_2474 : i32 to vector<16xi32>
    %select_n3A_2476 = arith.select %or3A_2435, %gather3A_2440, %broadcast_in_dim3A_2475 : vector<16xi1>, vector<16xi32>
    %swap3A_2477 = arith.constant 384 : index
    %swap3A_2478 = tpu.vector_load %arg22[%swap3A_2477] {strides = array<i32>} : memref<640xi32, #tpu.memory_space<vmem>>, vector<16xi32>,
    tpu.vector_store %arg22[%swap3A_2477], %select_n3A_2476 {strides = array<i32>} : memref<640xi32, #tpu.memory_space<vmem>>, vector<16xi32>,
    %add3A_2479 = arith.constant 384 : i32
    %add3A_2480 = vector.broadcast %add3A_2479 : i32 to vector<16xi32>
    %add3A_2481 = arith.addi %iota3A, %add3A_2480 : vector<16xi32>
    tpu.vector_store_idx %arg21[%add3A_2481, %broadcast_in_dim3A_696], %select_n3A_2464 : memref<640x4xf32, #tpu.memory_space<vmem>>[vector<16xi32>, vector<16xi32>], vector<16xf32>,
    %add3A_2482 = arith.constant 1 : i32
    %add3A_2483 = vector.broadcast %add3A_2482 : i32 to vector<16xi32>
    %add3A_2484 = arith.addi %broadcast_in_dim3A_696, %add3A_2483 : vector<16xi32>
    tpu.vector_store_idx %arg21[%add3A_2481, %add3A_2484], %select_n3A_2469 : memref<640x4xf32, #tpu.memory_space<vmem>>[vector<16xi32>, vector<16xi32>], vector<16xf32>,
    %add3A_2485 = arith.constant 2 : i32
    %add3A_2486 = vector.broadcast %add3A_2485 : i32 to vector<16xi32>
    %add3A_2487 = arith.addi %broadcast_in_dim3A_696, %add3A_2486 : vector<16xi32>
    tpu.vector_store_idx %arg21[%add3A_2481, %add3A_2487], %select_n3A_2471 : memref<640x4xf32, #tpu.memory_space<vmem>>[vector<16xi32>, vector<16xi32>], vector<16xf32>,
    %add3A_2488 = arith.constant 3 : i32
    %add3A_2489 = vector.broadcast %add3A_2488 : i32 to vector<16xi32>
    %add3A_2490 = arith.addi %broadcast_in_dim3A_696, %add3A_2489 : vector<16xi32>
    tpu.vector_store_idx %arg21[%add3A_2481, %add3A_2490], %select_n3A_2473 : memref<640x4xf32, #tpu.memory_space<vmem>>[vector<16xi32>, vector<16xi32>], vector<16xf32>,
    %get3A_2491 = arith.constant 400 : index
    %get3A_2492 = tpu.vector_load %arg12[%get3A_2491] {strides = array<i32>} : memref<640xi32, #tpu.memory_space<vmem>>, vector<16xi32>,
    %ge3A_2493 = arith.constant 0 : i32
    %ge3A_2494 = vector.broadcast %ge3A_2493 : i32 to vector<16xi32>
    %ge3A_2495 = arith.cmpi sge, %get3A_2492, %ge3A_2494 : vector<16xi32>
    %get3A_2496 = arith.constant 400 : index
    %get3A_2497 = tpu.vector_load %arg11[%get3A_2496] {strides = array<i32>} : memref<640xi32, #tpu.memory_space<vmem>>, vector<16xi32>,
    %select_n3A_2498 = arith.select %ge3A_2495, %get3A_2492, %get3A_2497 : vector<16xi1>, vector<16xi32>
    %ge3A_2499 = arith.constant 0 : i32
    %ge3A_2500 = vector.broadcast %ge3A_2499 : i32 to vector<16xi32>
    %ge3A_2501 = arith.cmpi sge, %get3A_2492, %ge3A_2500 : vector<16xi32>
    %get3A_2502 = arith.constant 400 : index
    %get3A_2503 = tpu.vector_load %arg10[%get3A_2502] {strides = array<i32>} : memref<640xf32, #tpu.memory_space<vmem>>, vector<16xf32>,
    %gt3A_2504 = arith.constant 5.000000e-01 : f32
    %gt3A_2505 = vector.broadcast %gt3A_2504 : f32 to vector<16xf32>
    %gt3A_2506 = arith.cmpf ogt, %get3A_2503, %gt3A_2505 : vector<16xf32>
    %or3A_2507 = arith.ori %ge3A_2501, %gt3A_2506 : vector<16xi1>
    %gather3A_2508 = tpu.vector_load_idx %arg16[%select_n3A_2498] : memref<208xf32, #tpu.memory_space<vmem>>[vector<16xi32>], vector<16xf32>,
    %gather3A_2509 = tpu.vector_load_idx %arg17[%select_n3A_2498] : memref<208xf32, #tpu.memory_space<vmem>>[vector<16xi32>], vector<16xf32>,
    %gather3A_2510 = tpu.vector_load_idx %arg18[%select_n3A_2498] : memref<208xf32, #tpu.memory_space<vmem>>[vector<16xi32>], vector<16xf32>,
    %gather3A_2511 = tpu.vector_load_idx %arg19[%select_n3A_2498] : memref<208xf32, #tpu.memory_space<vmem>>[vector<16xi32>], vector<16xf32>,
    %gather3A_2512 = tpu.vector_load_idx %arg20[%select_n3A_2498] : memref<200xi32, #tpu.memory_space<vmem>>[vector<16xi32>], vector<16xi32>,
    %add3A_2513 = arith.constant 400 : i32
    %add3A_2514 = vector.broadcast %add3A_2513 : i32 to vector<16xi32>
    %add3A_2515 = arith.addi %iota3A, %add3A_2514 : vector<16xi32>
    %mul3A_2516 = arith.constant 4 : i32
    %mul3A_2517 = vector.broadcast %mul3A_2516 : i32 to vector<16xi32>
    %mul3A_2518 = arith.muli %add3A_2515, %mul3A_2517 : vector<16xi32>
    %gather3A_2519 = tpu.vector_load_idx %arg13[%mul3A_2518] : memref<2560xf32, #tpu.memory_space<vmem>>[vector<16xi32>], vector<16xf32>,
    %add3A_2520 = arith.constant 1 : i32
    %add3A_2521 = vector.broadcast %add3A_2520 : i32 to vector<16xi32>
    %add3A_2522 = arith.addi %mul3A_2518, %add3A_2521 : vector<16xi32>
    %gather3A_2523 = tpu.vector_load_idx %arg13[%add3A_2522] : memref<2560xf32, #tpu.memory_space<vmem>>[vector<16xi32>], vector<16xf32>,
    %add3A_2524 = arith.constant 2 : i32
    %add3A_2525 = vector.broadcast %add3A_2524 : i32 to vector<16xi32>
    %add3A_2526 = arith.addi %mul3A_2518, %add3A_2525 : vector<16xi32>
    %gather3A_2527 = tpu.vector_load_idx %arg13[%add3A_2526] : memref<2560xf32, #tpu.memory_space<vmem>>[vector<16xi32>], vector<16xf32>,
    %add3A_2528 = arith.constant 3 : i32
    %add3A_2529 = vector.broadcast %add3A_2528 : i32 to vector<16xi32>
    %add3A_2530 = arith.addi %mul3A_2518, %add3A_2529 : vector<16xi32>
    %gather3A_2531 = tpu.vector_load_idx %arg13[%add3A_2530] : memref<2560xf32, #tpu.memory_space<vmem>>[vector<16xi32>], vector<16xf32>,
    %add3A_2532 = arith.addf %gather3A_2519, %gather3A_2527 : vector<16xf32>
    %mul3A_2533 = arith.constant 5.000000e-01 : f32
    %mul3A_2534 = vector.broadcast %mul3A_2533 : f32 to vector<16xf32>
    %mul3A_2535 = arith.mulf %mul3A_2534, %add3A_2532 : vector<16xf32>
    %select_n3A_2536 = arith.select %or3A_2507, %gather3A_2508, %mul3A_2535 : vector<16xi1>, vector<16xf32>
    %add3A_2537 = arith.addf %gather3A_2523, %gather3A_2531 : vector<16xf32>
    %mul3A_2538 = arith.constant 5.000000e-01 : f32
    %mul3A_2539 = vector.broadcast %mul3A_2538 : f32 to vector<16xf32>
    %mul3A_2540 = arith.mulf %mul3A_2539, %add3A_2537 : vector<16xf32>
    %select_n3A_2541 = arith.select %or3A_2507, %gather3A_2509, %mul3A_2540 : vector<16xi1>, vector<16xf32>
    %sub3A_2542 = arith.subf %gather3A_2527, %gather3A_2519 : vector<16xf32>
    %select_n3A_2543 = arith.select %or3A_2507, %gather3A_2510, %sub3A_2542 : vector<16xi1>, vector<16xf32>
    %sub3A_2544 = arith.subf %gather3A_2531, %gather3A_2523 : vector<16xf32>
    %select_n3A_2545 = arith.select %or3A_2507, %gather3A_2511, %sub3A_2544 : vector<16xi1>, vector<16xf32>
    %jit3A_2546 = arith.constant 0 : i32
    %broadcast_in_dim3A_2547 = vector.broadcast %jit3A_2546 : i32 to vector<16xi32>
    %select_n3A_2548 = arith.select %or3A_2507, %gather3A_2512, %broadcast_in_dim3A_2547 : vector<16xi1>, vector<16xi32>
    %swap3A_2549 = arith.constant 400 : index
    %swap3A_2550 = tpu.vector_load %arg22[%swap3A_2549] {strides = array<i32>} : memref<640xi32, #tpu.memory_space<vmem>>, vector<16xi32>,
    tpu.vector_store %arg22[%swap3A_2549], %select_n3A_2548 {strides = array<i32>} : memref<640xi32, #tpu.memory_space<vmem>>, vector<16xi32>,
    %add3A_2551 = arith.constant 400 : i32
    %add3A_2552 = vector.broadcast %add3A_2551 : i32 to vector<16xi32>
    %add3A_2553 = arith.addi %iota3A, %add3A_2552 : vector<16xi32>
    tpu.vector_store_idx %arg21[%add3A_2553, %broadcast_in_dim3A_696], %select_n3A_2536 : memref<640x4xf32, #tpu.memory_space<vmem>>[vector<16xi32>, vector<16xi32>], vector<16xf32>,
    %add3A_2554 = arith.constant 1 : i32
    %add3A_2555 = vector.broadcast %add3A_2554 : i32 to vector<16xi32>
    %add3A_2556 = arith.addi %broadcast_in_dim3A_696, %add3A_2555 : vector<16xi32>
    tpu.vector_store_idx %arg21[%add3A_2553, %add3A_2556], %select_n3A_2541 : memref<640x4xf32, #tpu.memory_space<vmem>>[vector<16xi32>, vector<16xi32>], vector<16xf32>,
    %add3A_2557 = arith.constant 2 : i32
    %add3A_2558 = vector.broadcast %add3A_2557 : i32 to vector<16xi32>
    %add3A_2559 = arith.addi %broadcast_in_dim3A_696, %add3A_2558 : vector<16xi32>
    tpu.vector_store_idx %arg21[%add3A_2553, %add3A_2559], %select_n3A_2543 : memref<640x4xf32, #tpu.memory_space<vmem>>[vector<16xi32>, vector<16xi32>], vector<16xf32>,
    %add3A_2560 = arith.constant 3 : i32
    %add3A_2561 = vector.broadcast %add3A_2560 : i32 to vector<16xi32>
    %add3A_2562 = arith.addi %broadcast_in_dim3A_696, %add3A_2561 : vector<16xi32>
    tpu.vector_store_idx %arg21[%add3A_2553, %add3A_2562], %select_n3A_2545 : memref<640x4xf32, #tpu.memory_space<vmem>>[vector<16xi32>, vector<16xi32>], vector<16xf32>,
    %get3A_2563 = arith.constant 416 : index
    %get3A_2564 = tpu.vector_load %arg12[%get3A_2563] {strides = array<i32>} : memref<640xi32, #tpu.memory_space<vmem>>, vector<16xi32>,
    %ge3A_2565 = arith.constant 0 : i32
    %ge3A_2566 = vector.broadcast %ge3A_2565 : i32 to vector<16xi32>
    %ge3A_2567 = arith.cmpi sge, %get3A_2564, %ge3A_2566 : vector<16xi32>
    %get3A_2568 = arith.constant 416 : index
    %get3A_2569 = tpu.vector_load %arg11[%get3A_2568] {strides = array<i32>} : memref<640xi32, #tpu.memory_space<vmem>>, vector<16xi32>,
    %select_n3A_2570 = arith.select %ge3A_2567, %get3A_2564, %get3A_2569 : vector<16xi1>, vector<16xi32>
    %ge3A_2571 = arith.constant 0 : i32
    %ge3A_2572 = vector.broadcast %ge3A_2571 : i32 to vector<16xi32>
    %ge3A_2573 = arith.cmpi sge, %get3A_2564, %ge3A_2572 : vector<16xi32>
    %get3A_2574 = arith.constant 416 : index
    %get3A_2575 = tpu.vector_load %arg10[%get3A_2574] {strides = array<i32>} : memref<640xf32, #tpu.memory_space<vmem>>, vector<16xf32>,
    %gt3A_2576 = arith.constant 5.000000e-01 : f32
    %gt3A_2577 = vector.broadcast %gt3A_2576 : f32 to vector<16xf32>
    %gt3A_2578 = arith.cmpf ogt, %get3A_2575, %gt3A_2577 : vector<16xf32>
    %or3A_2579 = arith.ori %ge3A_2573, %gt3A_2578 : vector<16xi1>
    %gather3A_2580 = tpu.vector_load_idx %arg16[%select_n3A_2570] : memref<208xf32, #tpu.memory_space<vmem>>[vector<16xi32>], vector<16xf32>,
    %gather3A_2581 = tpu.vector_load_idx %arg17[%select_n3A_2570] : memref<208xf32, #tpu.memory_space<vmem>>[vector<16xi32>], vector<16xf32>,
    %gather3A_2582 = tpu.vector_load_idx %arg18[%select_n3A_2570] : memref<208xf32, #tpu.memory_space<vmem>>[vector<16xi32>], vector<16xf32>,
    %gather3A_2583 = tpu.vector_load_idx %arg19[%select_n3A_2570] : memref<208xf32, #tpu.memory_space<vmem>>[vector<16xi32>], vector<16xf32>,
    %gather3A_2584 = tpu.vector_load_idx %arg20[%select_n3A_2570] : memref<200xi32, #tpu.memory_space<vmem>>[vector<16xi32>], vector<16xi32>,
    %add3A_2585 = arith.constant 416 : i32
    %add3A_2586 = vector.broadcast %add3A_2585 : i32 to vector<16xi32>
    %add3A_2587 = arith.addi %iota3A, %add3A_2586 : vector<16xi32>
    %mul3A_2588 = arith.constant 4 : i32
    %mul3A_2589 = vector.broadcast %mul3A_2588 : i32 to vector<16xi32>
    %mul3A_2590 = arith.muli %add3A_2587, %mul3A_2589 : vector<16xi32>
    %gather3A_2591 = tpu.vector_load_idx %arg13[%mul3A_2590] : memref<2560xf32, #tpu.memory_space<vmem>>[vector<16xi32>], vector<16xf32>,
    %add3A_2592 = arith.constant 1 : i32
    %add3A_2593 = vector.broadcast %add3A_2592 : i32 to vector<16xi32>
    %add3A_2594 = arith.addi %mul3A_2590, %add3A_2593 : vector<16xi32>
    %gather3A_2595 = tpu.vector_load_idx %arg13[%add3A_2594] : memref<2560xf32, #tpu.memory_space<vmem>>[vector<16xi32>], vector<16xf32>,
    %add3A_2596 = arith.constant 2 : i32
    %add3A_2597 = vector.broadcast %add3A_2596 : i32 to vector<16xi32>
    %add3A_2598 = arith.addi %mul3A_2590, %add3A_2597 : vector<16xi32>
    %gather3A_2599 = tpu.vector_load_idx %arg13[%add3A_2598] : memref<2560xf32, #tpu.memory_space<vmem>>[vector<16xi32>], vector<16xf32>,
    %add3A_2600 = arith.constant 3 : i32
    %add3A_2601 = vector.broadcast %add3A_2600 : i32 to vector<16xi32>
    %add3A_2602 = arith.addi %mul3A_2590, %add3A_2601 : vector<16xi32>
    %gather3A_2603 = tpu.vector_load_idx %arg13[%add3A_2602] : memref<2560xf32, #tpu.memory_space<vmem>>[vector<16xi32>], vector<16xf32>,
    %add3A_2604 = arith.addf %gather3A_2591, %gather3A_2599 : vector<16xf32>
    %mul3A_2605 = arith.constant 5.000000e-01 : f32
    %mul3A_2606 = vector.broadcast %mul3A_2605 : f32 to vector<16xf32>
    %mul3A_2607 = arith.mulf %mul3A_2606, %add3A_2604 : vector<16xf32>
    %select_n3A_2608 = arith.select %or3A_2579, %gather3A_2580, %mul3A_2607 : vector<16xi1>, vector<16xf32>
    %add3A_2609 = arith.addf %gather3A_2595, %gather3A_2603 : vector<16xf32>
    %mul3A_2610 = arith.constant 5.000000e-01 : f32
    %mul3A_2611 = vector.broadcast %mul3A_2610 : f32 to vector<16xf32>
    %mul3A_2612 = arith.mulf %mul3A_2611, %add3A_2609 : vector<16xf32>
    %select_n3A_2613 = arith.select %or3A_2579, %gather3A_2581, %mul3A_2612 : vector<16xi1>, vector<16xf32>
    %sub3A_2614 = arith.subf %gather3A_2599, %gather3A_2591 : vector<16xf32>
    %select_n3A_2615 = arith.select %or3A_2579, %gather3A_2582, %sub3A_2614 : vector<16xi1>, vector<16xf32>
    %sub3A_2616 = arith.subf %gather3A_2603, %gather3A_2595 : vector<16xf32>
    %select_n3A_2617 = arith.select %or3A_2579, %gather3A_2583, %sub3A_2616 : vector<16xi1>, vector<16xf32>
    %jit3A_2618 = arith.constant 0 : i32
    %broadcast_in_dim3A_2619 = vector.broadcast %jit3A_2618 : i32 to vector<16xi32>
    %select_n3A_2620 = arith.select %or3A_2579, %gather3A_2584, %broadcast_in_dim3A_2619 : vector<16xi1>, vector<16xi32>
    %swap3A_2621 = arith.constant 416 : index
    %swap3A_2622 = tpu.vector_load %arg22[%swap3A_2621] {strides = array<i32>} : memref<640xi32, #tpu.memory_space<vmem>>, vector<16xi32>,
    tpu.vector_store %arg22[%swap3A_2621], %select_n3A_2620 {strides = array<i32>} : memref<640xi32, #tpu.memory_space<vmem>>, vector<16xi32>,
    %add3A_2623 = arith.constant 416 : i32
    %add3A_2624 = vector.broadcast %add3A_2623 : i32 to vector<16xi32>
    %add3A_2625 = arith.addi %iota3A, %add3A_2624 : vector<16xi32>
    tpu.vector_store_idx %arg21[%add3A_2625, %broadcast_in_dim3A_696], %select_n3A_2608 : memref<640x4xf32, #tpu.memory_space<vmem>>[vector<16xi32>, vector<16xi32>], vector<16xf32>,
    %add3A_2626 = arith.constant 1 : i32
    %add3A_2627 = vector.broadcast %add3A_2626 : i32 to vector<16xi32>
    %add3A_2628 = arith.addi %broadcast_in_dim3A_696, %add3A_2627 : vector<16xi32>
    tpu.vector_store_idx %arg21[%add3A_2625, %add3A_2628], %select_n3A_2613 : memref<640x4xf32, #tpu.memory_space<vmem>>[vector<16xi32>, vector<16xi32>], vector<16xf32>,
    %add3A_2629 = arith.constant 2 : i32
    %add3A_2630 = vector.broadcast %add3A_2629 : i32 to vector<16xi32>
    %add3A_2631 = arith.addi %broadcast_in_dim3A_696, %add3A_2630 : vector<16xi32>
    tpu.vector_store_idx %arg21[%add3A_2625, %add3A_2631], %select_n3A_2615 : memref<640x4xf32, #tpu.memory_space<vmem>>[vector<16xi32>, vector<16xi32>], vector<16xf32>,
    %add3A_2632 = arith.constant 3 : i32
    %add3A_2633 = vector.broadcast %add3A_2632 : i32 to vector<16xi32>
    %add3A_2634 = arith.addi %broadcast_in_dim3A_696, %add3A_2633 : vector<16xi32>
    tpu.vector_store_idx %arg21[%add3A_2625, %add3A_2634], %select_n3A_2617 : memref<640x4xf32, #tpu.memory_space<vmem>>[vector<16xi32>, vector<16xi32>], vector<16xf32>,
    %get3A_2635 = arith.constant 432 : index
    %get3A_2636 = tpu.vector_load %arg12[%get3A_2635] {strides = array<i32>} : memref<640xi32, #tpu.memory_space<vmem>>, vector<16xi32>,
    %ge3A_2637 = arith.constant 0 : i32
    %ge3A_2638 = vector.broadcast %ge3A_2637 : i32 to vector<16xi32>
    %ge3A_2639 = arith.cmpi sge, %get3A_2636, %ge3A_2638 : vector<16xi32>
    %get3A_2640 = arith.constant 432 : index
    %get3A_2641 = tpu.vector_load %arg11[%get3A_2640] {strides = array<i32>} : memref<640xi32, #tpu.memory_space<vmem>>, vector<16xi32>,
    %select_n3A_2642 = arith.select %ge3A_2639, %get3A_2636, %get3A_2641 : vector<16xi1>, vector<16xi32>
    %ge3A_2643 = arith.constant 0 : i32
    %ge3A_2644 = vector.broadcast %ge3A_2643 : i32 to vector<16xi32>
    %ge3A_2645 = arith.cmpi sge, %get3A_2636, %ge3A_2644 : vector<16xi32>
    %get3A_2646 = arith.constant 432 : index
    %get3A_2647 = tpu.vector_load %arg10[%get3A_2646] {strides = array<i32>} : memref<640xf32, #tpu.memory_space<vmem>>, vector<16xf32>,
    %gt3A_2648 = arith.constant 5.000000e-01 : f32
    %gt3A_2649 = vector.broadcast %gt3A_2648 : f32 to vector<16xf32>
    %gt3A_2650 = arith.cmpf ogt, %get3A_2647, %gt3A_2649 : vector<16xf32>
    %or3A_2651 = arith.ori %ge3A_2645, %gt3A_2650 : vector<16xi1>
    %gather3A_2652 = tpu.vector_load_idx %arg16[%select_n3A_2642] : memref<208xf32, #tpu.memory_space<vmem>>[vector<16xi32>], vector<16xf32>,
    %gather3A_2653 = tpu.vector_load_idx %arg17[%select_n3A_2642] : memref<208xf32, #tpu.memory_space<vmem>>[vector<16xi32>], vector<16xf32>,
    %gather3A_2654 = tpu.vector_load_idx %arg18[%select_n3A_2642] : memref<208xf32, #tpu.memory_space<vmem>>[vector<16xi32>], vector<16xf32>,
    %gather3A_2655 = tpu.vector_load_idx %arg19[%select_n3A_2642] : memref<208xf32, #tpu.memory_space<vmem>>[vector<16xi32>], vector<16xf32>,
    %gather3A_2656 = tpu.vector_load_idx %arg20[%select_n3A_2642] : memref<200xi32, #tpu.memory_space<vmem>>[vector<16xi32>], vector<16xi32>,
    %add3A_2657 = arith.constant 432 : i32
    %add3A_2658 = vector.broadcast %add3A_2657 : i32 to vector<16xi32>
    %add3A_2659 = arith.addi %iota3A, %add3A_2658 : vector<16xi32>
    %mul3A_2660 = arith.constant 4 : i32
    %mul3A_2661 = vector.broadcast %mul3A_2660 : i32 to vector<16xi32>
    %mul3A_2662 = arith.muli %add3A_2659, %mul3A_2661 : vector<16xi32>
    %gather3A_2663 = tpu.vector_load_idx %arg13[%mul3A_2662] : memref<2560xf32, #tpu.memory_space<vmem>>[vector<16xi32>], vector<16xf32>,
    %add3A_2664 = arith.constant 1 : i32
    %add3A_2665 = vector.broadcast %add3A_2664 : i32 to vector<16xi32>
    %add3A_2666 = arith.addi %mul3A_2662, %add3A_2665 : vector<16xi32>
    %gather3A_2667 = tpu.vector_load_idx %arg13[%add3A_2666] : memref<2560xf32, #tpu.memory_space<vmem>>[vector<16xi32>], vector<16xf32>,
    %add3A_2668 = arith.constant 2 : i32
    %add3A_2669 = vector.broadcast %add3A_2668 : i32 to vector<16xi32>
    %add3A_2670 = arith.addi %mul3A_2662, %add3A_2669 : vector<16xi32>
    %gather3A_2671 = tpu.vector_load_idx %arg13[%add3A_2670] : memref<2560xf32, #tpu.memory_space<vmem>>[vector<16xi32>], vector<16xf32>,
    %add3A_2672 = arith.constant 3 : i32
    %add3A_2673 = vector.broadcast %add3A_2672 : i32 to vector<16xi32>
    %add3A_2674 = arith.addi %mul3A_2662, %add3A_2673 : vector<16xi32>
    %gather3A_2675 = tpu.vector_load_idx %arg13[%add3A_2674] : memref<2560xf32, #tpu.memory_space<vmem>>[vector<16xi32>], vector<16xf32>,
    %add3A_2676 = arith.addf %gather3A_2663, %gather3A_2671 : vector<16xf32>
    %mul3A_2677 = arith.constant 5.000000e-01 : f32
    %mul3A_2678 = vector.broadcast %mul3A_2677 : f32 to vector<16xf32>
    %mul3A_2679 = arith.mulf %mul3A_2678, %add3A_2676 : vector<16xf32>
    %select_n3A_2680 = arith.select %or3A_2651, %gather3A_2652, %mul3A_2679 : vector<16xi1>, vector<16xf32>
    %add3A_2681 = arith.addf %gather3A_2667, %gather3A_2675 : vector<16xf32>
    %mul3A_2682 = arith.constant 5.000000e-01 : f32
    %mul3A_2683 = vector.broadcast %mul3A_2682 : f32 to vector<16xf32>
    %mul3A_2684 = arith.mulf %mul3A_2683, %add3A_2681 : vector<16xf32>
    %select_n3A_2685 = arith.select %or3A_2651, %gather3A_2653, %mul3A_2684 : vector<16xi1>, vector<16xf32>
    %sub3A_2686 = arith.subf %gather3A_2671, %gather3A_2663 : vector<16xf32>
    %select_n3A_2687 = arith.select %or3A_2651, %gather3A_2654, %sub3A_2686 : vector<16xi1>, vector<16xf32>
    %sub3A_2688 = arith.subf %gather3A_2675, %gather3A_2667 : vector<16xf32>
    %select_n3A_2689 = arith.select %or3A_2651, %gather3A_2655, %sub3A_2688 : vector<16xi1>, vector<16xf32>
    %jit3A_2690 = arith.constant 0 : i32
    %broadcast_in_dim3A_2691 = vector.broadcast %jit3A_2690 : i32 to vector<16xi32>
    %select_n3A_2692 = arith.select %or3A_2651, %gather3A_2656, %broadcast_in_dim3A_2691 : vector<16xi1>, vector<16xi32>
    %swap3A_2693 = arith.constant 432 : index
    %swap3A_2694 = tpu.vector_load %arg22[%swap3A_2693] {strides = array<i32>} : memref<640xi32, #tpu.memory_space<vmem>>, vector<16xi32>,
    tpu.vector_store %arg22[%swap3A_2693], %select_n3A_2692 {strides = array<i32>} : memref<640xi32, #tpu.memory_space<vmem>>, vector<16xi32>,
    %add3A_2695 = arith.constant 432 : i32
    %add3A_2696 = vector.broadcast %add3A_2695 : i32 to vector<16xi32>
    %add3A_2697 = arith.addi %iota3A, %add3A_2696 : vector<16xi32>
    tpu.vector_store_idx %arg21[%add3A_2697, %broadcast_in_dim3A_696], %select_n3A_2680 : memref<640x4xf32, #tpu.memory_space<vmem>>[vector<16xi32>, vector<16xi32>], vector<16xf32>,
    %add3A_2698 = arith.constant 1 : i32
    %add3A_2699 = vector.broadcast %add3A_2698 : i32 to vector<16xi32>
    %add3A_2700 = arith.addi %broadcast_in_dim3A_696, %add3A_2699 : vector<16xi32>
    tpu.vector_store_idx %arg21[%add3A_2697, %add3A_2700], %select_n3A_2685 : memref<640x4xf32, #tpu.memory_space<vmem>>[vector<16xi32>, vector<16xi32>], vector<16xf32>,
    %add3A_2701 = arith.constant 2 : i32
    %add3A_2702 = vector.broadcast %add3A_2701 : i32 to vector<16xi32>
    %add3A_2703 = arith.addi %broadcast_in_dim3A_696, %add3A_2702 : vector<16xi32>
    tpu.vector_store_idx %arg21[%add3A_2697, %add3A_2703], %select_n3A_2687 : memref<640x4xf32, #tpu.memory_space<vmem>>[vector<16xi32>, vector<16xi32>], vector<16xf32>,
    %add3A_2704 = arith.constant 3 : i32
    %add3A_2705 = vector.broadcast %add3A_2704 : i32 to vector<16xi32>
    %add3A_2706 = arith.addi %broadcast_in_dim3A_696, %add3A_2705 : vector<16xi32>
    tpu.vector_store_idx %arg21[%add3A_2697, %add3A_2706], %select_n3A_2689 : memref<640x4xf32, #tpu.memory_space<vmem>>[vector<16xi32>, vector<16xi32>], vector<16xf32>,
    %get3A_2707 = arith.constant 448 : index
    %get3A_2708 = tpu.vector_load %arg12[%get3A_2707] {strides = array<i32>} : memref<640xi32, #tpu.memory_space<vmem>>, vector<16xi32>,
    %ge3A_2709 = arith.constant 0 : i32
    %ge3A_2710 = vector.broadcast %ge3A_2709 : i32 to vector<16xi32>
    %ge3A_2711 = arith.cmpi sge, %get3A_2708, %ge3A_2710 : vector<16xi32>
    %get3A_2712 = arith.constant 448 : index
    %get3A_2713 = tpu.vector_load %arg11[%get3A_2712] {strides = array<i32>} : memref<640xi32, #tpu.memory_space<vmem>>, vector<16xi32>,
    %select_n3A_2714 = arith.select %ge3A_2711, %get3A_2708, %get3A_2713 : vector<16xi1>, vector<16xi32>
    %ge3A_2715 = arith.constant 0 : i32
    %ge3A_2716 = vector.broadcast %ge3A_2715 : i32 to vector<16xi32>
    %ge3A_2717 = arith.cmpi sge, %get3A_2708, %ge3A_2716 : vector<16xi32>
    %get3A_2718 = arith.constant 448 : index
    %get3A_2719 = tpu.vector_load %arg10[%get3A_2718] {strides = array<i32>} : memref<640xf32, #tpu.memory_space<vmem>>, vector<16xf32>,
    %gt3A_2720 = arith.constant 5.000000e-01 : f32
    %gt3A_2721 = vector.broadcast %gt3A_2720 : f32 to vector<16xf32>
    %gt3A_2722 = arith.cmpf ogt, %get3A_2719, %gt3A_2721 : vector<16xf32>
    %or3A_2723 = arith.ori %ge3A_2717, %gt3A_2722 : vector<16xi1>
    %gather3A_2724 = tpu.vector_load_idx %arg16[%select_n3A_2714] : memref<208xf32, #tpu.memory_space<vmem>>[vector<16xi32>], vector<16xf32>,
    %gather3A_2725 = tpu.vector_load_idx %arg17[%select_n3A_2714] : memref<208xf32, #tpu.memory_space<vmem>>[vector<16xi32>], vector<16xf32>,
    %gather3A_2726 = tpu.vector_load_idx %arg18[%select_n3A_2714] : memref<208xf32, #tpu.memory_space<vmem>>[vector<16xi32>], vector<16xf32>,
    %gather3A_2727 = tpu.vector_load_idx %arg19[%select_n3A_2714] : memref<208xf32, #tpu.memory_space<vmem>>[vector<16xi32>], vector<16xf32>,
    %gather3A_2728 = tpu.vector_load_idx %arg20[%select_n3A_2714] : memref<200xi32, #tpu.memory_space<vmem>>[vector<16xi32>], vector<16xi32>,
    %add3A_2729 = arith.constant 448 : i32
    %add3A_2730 = vector.broadcast %add3A_2729 : i32 to vector<16xi32>
    %add3A_2731 = arith.addi %iota3A, %add3A_2730 : vector<16xi32>
    %mul3A_2732 = arith.constant 4 : i32
    %mul3A_2733 = vector.broadcast %mul3A_2732 : i32 to vector<16xi32>
    %mul3A_2734 = arith.muli %add3A_2731, %mul3A_2733 : vector<16xi32>
    %gather3A_2735 = tpu.vector_load_idx %arg13[%mul3A_2734] : memref<2560xf32, #tpu.memory_space<vmem>>[vector<16xi32>], vector<16xf32>,
    %add3A_2736 = arith.constant 1 : i32
    %add3A_2737 = vector.broadcast %add3A_2736 : i32 to vector<16xi32>
    %add3A_2738 = arith.addi %mul3A_2734, %add3A_2737 : vector<16xi32>
    %gather3A_2739 = tpu.vector_load_idx %arg13[%add3A_2738] : memref<2560xf32, #tpu.memory_space<vmem>>[vector<16xi32>], vector<16xf32>,
    %add3A_2740 = arith.constant 2 : i32
    %add3A_2741 = vector.broadcast %add3A_2740 : i32 to vector<16xi32>
    %add3A_2742 = arith.addi %mul3A_2734, %add3A_2741 : vector<16xi32>
    %gather3A_2743 = tpu.vector_load_idx %arg13[%add3A_2742] : memref<2560xf32, #tpu.memory_space<vmem>>[vector<16xi32>], vector<16xf32>,
    %add3A_2744 = arith.constant 3 : i32
    %add3A_2745 = vector.broadcast %add3A_2744 : i32 to vector<16xi32>
    %add3A_2746 = arith.addi %mul3A_2734, %add3A_2745 : vector<16xi32>
    %gather3A_2747 = tpu.vector_load_idx %arg13[%add3A_2746] : memref<2560xf32, #tpu.memory_space<vmem>>[vector<16xi32>], vector<16xf32>,
    %add3A_2748 = arith.addf %gather3A_2735, %gather3A_2743 : vector<16xf32>
    %mul3A_2749 = arith.constant 5.000000e-01 : f32
    %mul3A_2750 = vector.broadcast %mul3A_2749 : f32 to vector<16xf32>
    %mul3A_2751 = arith.mulf %mul3A_2750, %add3A_2748 : vector<16xf32>
    %select_n3A_2752 = arith.select %or3A_2723, %gather3A_2724, %mul3A_2751 : vector<16xi1>, vector<16xf32>
    %add3A_2753 = arith.addf %gather3A_2739, %gather3A_2747 : vector<16xf32>
    %mul3A_2754 = arith.constant 5.000000e-01 : f32
    %mul3A_2755 = vector.broadcast %mul3A_2754 : f32 to vector<16xf32>
    %mul3A_2756 = arith.mulf %mul3A_2755, %add3A_2753 : vector<16xf32>
    %select_n3A_2757 = arith.select %or3A_2723, %gather3A_2725, %mul3A_2756 : vector<16xi1>, vector<16xf32>
    %sub3A_2758 = arith.subf %gather3A_2743, %gather3A_2735 : vector<16xf32>
    %select_n3A_2759 = arith.select %or3A_2723, %gather3A_2726, %sub3A_2758 : vector<16xi1>, vector<16xf32>
    %sub3A_2760 = arith.subf %gather3A_2747, %gather3A_2739 : vector<16xf32>
    %select_n3A_2761 = arith.select %or3A_2723, %gather3A_2727, %sub3A_2760 : vector<16xi1>, vector<16xf32>
    %jit3A_2762 = arith.constant 0 : i32
    %broadcast_in_dim3A_2763 = vector.broadcast %jit3A_2762 : i32 to vector<16xi32>
    %select_n3A_2764 = arith.select %or3A_2723, %gather3A_2728, %broadcast_in_dim3A_2763 : vector<16xi1>, vector<16xi32>
    %swap3A_2765 = arith.constant 448 : index
    %swap3A_2766 = tpu.vector_load %arg22[%swap3A_2765] {strides = array<i32>} : memref<640xi32, #tpu.memory_space<vmem>>, vector<16xi32>,
    tpu.vector_store %arg22[%swap3A_2765], %select_n3A_2764 {strides = array<i32>} : memref<640xi32, #tpu.memory_space<vmem>>, vector<16xi32>,
    %add3A_2767 = arith.constant 448 : i32
    %add3A_2768 = vector.broadcast %add3A_2767 : i32 to vector<16xi32>
    %add3A_2769 = arith.addi %iota3A, %add3A_2768 : vector<16xi32>
    tpu.vector_store_idx %arg21[%add3A_2769, %broadcast_in_dim3A_696], %select_n3A_2752 : memref<640x4xf32, #tpu.memory_space<vmem>>[vector<16xi32>, vector<16xi32>], vector<16xf32>,
    %add3A_2770 = arith.constant 1 : i32
    %add3A_2771 = vector.broadcast %add3A_2770 : i32 to vector<16xi32>
    %add3A_2772 = arith.addi %broadcast_in_dim3A_696, %add3A_2771 : vector<16xi32>
    tpu.vector_store_idx %arg21[%add3A_2769, %add3A_2772], %select_n3A_2757 : memref<640x4xf32, #tpu.memory_space<vmem>>[vector<16xi32>, vector<16xi32>], vector<16xf32>,
    %add3A_2773 = arith.constant 2 : i32
    %add3A_2774 = vector.broadcast %add3A_2773 : i32 to vector<16xi32>
    %add3A_2775 = arith.addi %broadcast_in_dim3A_696, %add3A_2774 : vector<16xi32>
    tpu.vector_store_idx %arg21[%add3A_2769, %add3A_2775], %select_n3A_2759 : memref<640x4xf32, #tpu.memory_space<vmem>>[vector<16xi32>, vector<16xi32>], vector<16xf32>,
    %add3A_2776 = arith.constant 3 : i32
    %add3A_2777 = vector.broadcast %add3A_2776 : i32 to vector<16xi32>
    %add3A_2778 = arith.addi %broadcast_in_dim3A_696, %add3A_2777 : vector<16xi32>
    tpu.vector_store_idx %arg21[%add3A_2769, %add3A_2778], %select_n3A_2761 : memref<640x4xf32, #tpu.memory_space<vmem>>[vector<16xi32>, vector<16xi32>], vector<16xf32>,
    %get3A_2779 = arith.constant 464 : index
    %get3A_2780 = tpu.vector_load %arg12[%get3A_2779] {strides = array<i32>} : memref<640xi32, #tpu.memory_space<vmem>>, vector<16xi32>,
    %ge3A_2781 = arith.constant 0 : i32
    %ge3A_2782 = vector.broadcast %ge3A_2781 : i32 to vector<16xi32>
    %ge3A_2783 = arith.cmpi sge, %get3A_2780, %ge3A_2782 : vector<16xi32>
    %get3A_2784 = arith.constant 464 : index
    %get3A_2785 = tpu.vector_load %arg11[%get3A_2784] {strides = array<i32>} : memref<640xi32, #tpu.memory_space<vmem>>, vector<16xi32>,
    %select_n3A_2786 = arith.select %ge3A_2783, %get3A_2780, %get3A_2785 : vector<16xi1>, vector<16xi32>
    %ge3A_2787 = arith.constant 0 : i32
    %ge3A_2788 = vector.broadcast %ge3A_2787 : i32 to vector<16xi32>
    %ge3A_2789 = arith.cmpi sge, %get3A_2780, %ge3A_2788 : vector<16xi32>
    %get3A_2790 = arith.constant 464 : index
    %get3A_2791 = tpu.vector_load %arg10[%get3A_2790] {strides = array<i32>} : memref<640xf32, #tpu.memory_space<vmem>>, vector<16xf32>,
    %gt3A_2792 = arith.constant 5.000000e-01 : f32
    %gt3A_2793 = vector.broadcast %gt3A_2792 : f32 to vector<16xf32>
    %gt3A_2794 = arith.cmpf ogt, %get3A_2791, %gt3A_2793 : vector<16xf32>
    %or3A_2795 = arith.ori %ge3A_2789, %gt3A_2794 : vector<16xi1>
    %gather3A_2796 = tpu.vector_load_idx %arg16[%select_n3A_2786] : memref<208xf32, #tpu.memory_space<vmem>>[vector<16xi32>], vector<16xf32>,
    %gather3A_2797 = tpu.vector_load_idx %arg17[%select_n3A_2786] : memref<208xf32, #tpu.memory_space<vmem>>[vector<16xi32>], vector<16xf32>,
    %gather3A_2798 = tpu.vector_load_idx %arg18[%select_n3A_2786] : memref<208xf32, #tpu.memory_space<vmem>>[vector<16xi32>], vector<16xf32>,
    %gather3A_2799 = tpu.vector_load_idx %arg19[%select_n3A_2786] : memref<208xf32, #tpu.memory_space<vmem>>[vector<16xi32>], vector<16xf32>,
    %gather3A_2800 = tpu.vector_load_idx %arg20[%select_n3A_2786] : memref<200xi32, #tpu.memory_space<vmem>>[vector<16xi32>], vector<16xi32>,
    %add3A_2801 = arith.constant 464 : i32
    %add3A_2802 = vector.broadcast %add3A_2801 : i32 to vector<16xi32>
    %add3A_2803 = arith.addi %iota3A, %add3A_2802 : vector<16xi32>
    %mul3A_2804 = arith.constant 4 : i32
    %mul3A_2805 = vector.broadcast %mul3A_2804 : i32 to vector<16xi32>
    %mul3A_2806 = arith.muli %add3A_2803, %mul3A_2805 : vector<16xi32>
    %gather3A_2807 = tpu.vector_load_idx %arg13[%mul3A_2806] : memref<2560xf32, #tpu.memory_space<vmem>>[vector<16xi32>], vector<16xf32>,
    %add3A_2808 = arith.constant 1 : i32
    %add3A_2809 = vector.broadcast %add3A_2808 : i32 to vector<16xi32>
    %add3A_2810 = arith.addi %mul3A_2806, %add3A_2809 : vector<16xi32>
    %gather3A_2811 = tpu.vector_load_idx %arg13[%add3A_2810] : memref<2560xf32, #tpu.memory_space<vmem>>[vector<16xi32>], vector<16xf32>,
    %add3A_2812 = arith.constant 2 : i32
    %add3A_2813 = vector.broadcast %add3A_2812 : i32 to vector<16xi32>
    %add3A_2814 = arith.addi %mul3A_2806, %add3A_2813 : vector<16xi32>
    %gather3A_2815 = tpu.vector_load_idx %arg13[%add3A_2814] : memref<2560xf32, #tpu.memory_space<vmem>>[vector<16xi32>], vector<16xf32>,
    %add3A_2816 = arith.constant 3 : i32
    %add3A_2817 = vector.broadcast %add3A_2816 : i32 to vector<16xi32>
    %add3A_2818 = arith.addi %mul3A_2806, %add3A_2817 : vector<16xi32>
    %gather3A_2819 = tpu.vector_load_idx %arg13[%add3A_2818] : memref<2560xf32, #tpu.memory_space<vmem>>[vector<16xi32>], vector<16xf32>,
    %add3A_2820 = arith.addf %gather3A_2807, %gather3A_2815 : vector<16xf32>
    %mul3A_2821 = arith.constant 5.000000e-01 : f32
    %mul3A_2822 = vector.broadcast %mul3A_2821 : f32 to vector<16xf32>
    %mul3A_2823 = arith.mulf %mul3A_2822, %add3A_2820 : vector<16xf32>
    %select_n3A_2824 = arith.select %or3A_2795, %gather3A_2796, %mul3A_2823 : vector<16xi1>, vector<16xf32>
    %add3A_2825 = arith.addf %gather3A_2811, %gather3A_2819 : vector<16xf32>
    %mul3A_2826 = arith.constant 5.000000e-01 : f32
    %mul3A_2827 = vector.broadcast %mul3A_2826 : f32 to vector<16xf32>
    %mul3A_2828 = arith.mulf %mul3A_2827, %add3A_2825 : vector<16xf32>
    %select_n3A_2829 = arith.select %or3A_2795, %gather3A_2797, %mul3A_2828 : vector<16xi1>, vector<16xf32>
    %sub3A_2830 = arith.subf %gather3A_2815, %gather3A_2807 : vector<16xf32>
    %select_n3A_2831 = arith.select %or3A_2795, %gather3A_2798, %sub3A_2830 : vector<16xi1>, vector<16xf32>
    %sub3A_2832 = arith.subf %gather3A_2819, %gather3A_2811 : vector<16xf32>
    %select_n3A_2833 = arith.select %or3A_2795, %gather3A_2799, %sub3A_2832 : vector<16xi1>, vector<16xf32>
    %jit3A_2834 = arith.constant 0 : i32
    %broadcast_in_dim3A_2835 = vector.broadcast %jit3A_2834 : i32 to vector<16xi32>
    %select_n3A_2836 = arith.select %or3A_2795, %gather3A_2800, %broadcast_in_dim3A_2835 : vector<16xi1>, vector<16xi32>
    %swap3A_2837 = arith.constant 464 : index
    %swap3A_2838 = tpu.vector_load %arg22[%swap3A_2837] {strides = array<i32>} : memref<640xi32, #tpu.memory_space<vmem>>, vector<16xi32>,
    tpu.vector_store %arg22[%swap3A_2837], %select_n3A_2836 {strides = array<i32>} : memref<640xi32, #tpu.memory_space<vmem>>, vector<16xi32>,
    %add3A_2839 = arith.constant 464 : i32
    %add3A_2840 = vector.broadcast %add3A_2839 : i32 to vector<16xi32>
    %add3A_2841 = arith.addi %iota3A, %add3A_2840 : vector<16xi32>
    tpu.vector_store_idx %arg21[%add3A_2841, %broadcast_in_dim3A_696], %select_n3A_2824 : memref<640x4xf32, #tpu.memory_space<vmem>>[vector<16xi32>, vector<16xi32>], vector<16xf32>,
    %add3A_2842 = arith.constant 1 : i32
    %add3A_2843 = vector.broadcast %add3A_2842 : i32 to vector<16xi32>
    %add3A_2844 = arith.addi %broadcast_in_dim3A_696, %add3A_2843 : vector<16xi32>
    tpu.vector_store_idx %arg21[%add3A_2841, %add3A_2844], %select_n3A_2829 : memref<640x4xf32, #tpu.memory_space<vmem>>[vector<16xi32>, vector<16xi32>], vector<16xf32>,
    %add3A_2845 = arith.constant 2 : i32
    %add3A_2846 = vector.broadcast %add3A_2845 : i32 to vector<16xi32>
    %add3A_2847 = arith.addi %broadcast_in_dim3A_696, %add3A_2846 : vector<16xi32>
    tpu.vector_store_idx %arg21[%add3A_2841, %add3A_2847], %select_n3A_2831 : memref<640x4xf32, #tpu.memory_space<vmem>>[vector<16xi32>, vector<16xi32>], vector<16xf32>,
    %add3A_2848 = arith.constant 3 : i32
    %add3A_2849 = vector.broadcast %add3A_2848 : i32 to vector<16xi32>
    %add3A_2850 = arith.addi %broadcast_in_dim3A_696, %add3A_2849 : vector<16xi32>
    tpu.vector_store_idx %arg21[%add3A_2841, %add3A_2850], %select_n3A_2833 : memref<640x4xf32, #tpu.memory_space<vmem>>[vector<16xi32>, vector<16xi32>], vector<16xf32>,
    %get3A_2851 = arith.constant 480 : index
    %get3A_2852 = tpu.vector_load %arg12[%get3A_2851] {strides = array<i32>} : memref<640xi32, #tpu.memory_space<vmem>>, vector<16xi32>,
    %ge3A_2853 = arith.constant 0 : i32
    %ge3A_2854 = vector.broadcast %ge3A_2853 : i32 to vector<16xi32>
    %ge3A_2855 = arith.cmpi sge, %get3A_2852, %ge3A_2854 : vector<16xi32>
    %get3A_2856 = arith.constant 480 : index
    %get3A_2857 = tpu.vector_load %arg11[%get3A_2856] {strides = array<i32>} : memref<640xi32, #tpu.memory_space<vmem>>, vector<16xi32>,
    %select_n3A_2858 = arith.select %ge3A_2855, %get3A_2852, %get3A_2857 : vector<16xi1>, vector<16xi32>
    %ge3A_2859 = arith.constant 0 : i32
    %ge3A_2860 = vector.broadcast %ge3A_2859 : i32 to vector<16xi32>
    %ge3A_2861 = arith.cmpi sge, %get3A_2852, %ge3A_2860 : vector<16xi32>
    %get3A_2862 = arith.constant 480 : index
    %get3A_2863 = tpu.vector_load %arg10[%get3A_2862] {strides = array<i32>} : memref<640xf32, #tpu.memory_space<vmem>>, vector<16xf32>,
    %gt3A_2864 = arith.constant 5.000000e-01 : f32
    %gt3A_2865 = vector.broadcast %gt3A_2864 : f32 to vector<16xf32>
    %gt3A_2866 = arith.cmpf ogt, %get3A_2863, %gt3A_2865 : vector<16xf32>
    %or3A_2867 = arith.ori %ge3A_2861, %gt3A_2866 : vector<16xi1>
    %gather3A_2868 = tpu.vector_load_idx %arg16[%select_n3A_2858] : memref<208xf32, #tpu.memory_space<vmem>>[vector<16xi32>], vector<16xf32>,
    %gather3A_2869 = tpu.vector_load_idx %arg17[%select_n3A_2858] : memref<208xf32, #tpu.memory_space<vmem>>[vector<16xi32>], vector<16xf32>,
    %gather3A_2870 = tpu.vector_load_idx %arg18[%select_n3A_2858] : memref<208xf32, #tpu.memory_space<vmem>>[vector<16xi32>], vector<16xf32>,
    %gather3A_2871 = tpu.vector_load_idx %arg19[%select_n3A_2858] : memref<208xf32, #tpu.memory_space<vmem>>[vector<16xi32>], vector<16xf32>,
    %gather3A_2872 = tpu.vector_load_idx %arg20[%select_n3A_2858] : memref<200xi32, #tpu.memory_space<vmem>>[vector<16xi32>], vector<16xi32>,
    %add3A_2873 = arith.constant 480 : i32
    %add3A_2874 = vector.broadcast %add3A_2873 : i32 to vector<16xi32>
    %add3A_2875 = arith.addi %iota3A, %add3A_2874 : vector<16xi32>
    %mul3A_2876 = arith.constant 4 : i32
    %mul3A_2877 = vector.broadcast %mul3A_2876 : i32 to vector<16xi32>
    %mul3A_2878 = arith.muli %add3A_2875, %mul3A_2877 : vector<16xi32>
    %gather3A_2879 = tpu.vector_load_idx %arg13[%mul3A_2878] : memref<2560xf32, #tpu.memory_space<vmem>>[vector<16xi32>], vector<16xf32>,
    %add3A_2880 = arith.constant 1 : i32
    %add3A_2881 = vector.broadcast %add3A_2880 : i32 to vector<16xi32>
    %add3A_2882 = arith.addi %mul3A_2878, %add3A_2881 : vector<16xi32>
    %gather3A_2883 = tpu.vector_load_idx %arg13[%add3A_2882] : memref<2560xf32, #tpu.memory_space<vmem>>[vector<16xi32>], vector<16xf32>,
    %add3A_2884 = arith.constant 2 : i32
    %add3A_2885 = vector.broadcast %add3A_2884 : i32 to vector<16xi32>
    %add3A_2886 = arith.addi %mul3A_2878, %add3A_2885 : vector<16xi32>
    %gather3A_2887 = tpu.vector_load_idx %arg13[%add3A_2886] : memref<2560xf32, #tpu.memory_space<vmem>>[vector<16xi32>], vector<16xf32>,
    %add3A_2888 = arith.constant 3 : i32
    %add3A_2889 = vector.broadcast %add3A_2888 : i32 to vector<16xi32>
    %add3A_2890 = arith.addi %mul3A_2878, %add3A_2889 : vector<16xi32>
    %gather3A_2891 = tpu.vector_load_idx %arg13[%add3A_2890] : memref<2560xf32, #tpu.memory_space<vmem>>[vector<16xi32>], vector<16xf32>,
    %add3A_2892 = arith.addf %gather3A_2879, %gather3A_2887 : vector<16xf32>
    %mul3A_2893 = arith.constant 5.000000e-01 : f32
    %mul3A_2894 = vector.broadcast %mul3A_2893 : f32 to vector<16xf32>
    %mul3A_2895 = arith.mulf %mul3A_2894, %add3A_2892 : vector<16xf32>
    %select_n3A_2896 = arith.select %or3A_2867, %gather3A_2868, %mul3A_2895 : vector<16xi1>, vector<16xf32>
    %add3A_2897 = arith.addf %gather3A_2883, %gather3A_2891 : vector<16xf32>
    %mul3A_2898 = arith.constant 5.000000e-01 : f32
    %mul3A_2899 = vector.broadcast %mul3A_2898 : f32 to vector<16xf32>
    %mul3A_2900 = arith.mulf %mul3A_2899, %add3A_2897 : vector<16xf32>
    %select_n3A_2901 = arith.select %or3A_2867, %gather3A_2869, %mul3A_2900 : vector<16xi1>, vector<16xf32>
    %sub3A_2902 = arith.subf %gather3A_2887, %gather3A_2879 : vector<16xf32>
    %select_n3A_2903 = arith.select %or3A_2867, %gather3A_2870, %sub3A_2902 : vector<16xi1>, vector<16xf32>
    %sub3A_2904 = arith.subf %gather3A_2891, %gather3A_2883 : vector<16xf32>
    %select_n3A_2905 = arith.select %or3A_2867, %gather3A_2871, %sub3A_2904 : vector<16xi1>, vector<16xf32>
    %jit3A_2906 = arith.constant 0 : i32
    %broadcast_in_dim3A_2907 = vector.broadcast %jit3A_2906 : i32 to vector<16xi32>
    %select_n3A_2908 = arith.select %or3A_2867, %gather3A_2872, %broadcast_in_dim3A_2907 : vector<16xi1>, vector<16xi32>
    %swap3A_2909 = arith.constant 480 : index
    %swap3A_2910 = tpu.vector_load %arg22[%swap3A_2909] {strides = array<i32>} : memref<640xi32, #tpu.memory_space<vmem>>, vector<16xi32>,
    tpu.vector_store %arg22[%swap3A_2909], %select_n3A_2908 {strides = array<i32>} : memref<640xi32, #tpu.memory_space<vmem>>, vector<16xi32>,
    %add3A_2911 = arith.constant 480 : i32
    %add3A_2912 = vector.broadcast %add3A_2911 : i32 to vector<16xi32>
    %add3A_2913 = arith.addi %iota3A, %add3A_2912 : vector<16xi32>
    tpu.vector_store_idx %arg21[%add3A_2913, %broadcast_in_dim3A_696], %select_n3A_2896 : memref<640x4xf32, #tpu.memory_space<vmem>>[vector<16xi32>, vector<16xi32>], vector<16xf32>,
    %add3A_2914 = arith.constant 1 : i32
    %add3A_2915 = vector.broadcast %add3A_2914 : i32 to vector<16xi32>
    %add3A_2916 = arith.addi %broadcast_in_dim3A_696, %add3A_2915 : vector<16xi32>
    tpu.vector_store_idx %arg21[%add3A_2913, %add3A_2916], %select_n3A_2901 : memref<640x4xf32, #tpu.memory_space<vmem>>[vector<16xi32>, vector<16xi32>], vector<16xf32>,
    %add3A_2917 = arith.constant 2 : i32
    %add3A_2918 = vector.broadcast %add3A_2917 : i32 to vector<16xi32>
    %add3A_2919 = arith.addi %broadcast_in_dim3A_696, %add3A_2918 : vector<16xi32>
    tpu.vector_store_idx %arg21[%add3A_2913, %add3A_2919], %select_n3A_2903 : memref<640x4xf32, #tpu.memory_space<vmem>>[vector<16xi32>, vector<16xi32>], vector<16xf32>,
    %add3A_2920 = arith.constant 3 : i32
    %add3A_2921 = vector.broadcast %add3A_2920 : i32 to vector<16xi32>
    %add3A_2922 = arith.addi %broadcast_in_dim3A_696, %add3A_2921 : vector<16xi32>
    tpu.vector_store_idx %arg21[%add3A_2913, %add3A_2922], %select_n3A_2905 : memref<640x4xf32, #tpu.memory_space<vmem>>[vector<16xi32>, vector<16xi32>], vector<16xf32>,
    %get3A_2923 = arith.constant 496 : index
    %get3A_2924 = tpu.vector_load %arg12[%get3A_2923] {strides = array<i32>} : memref<640xi32, #tpu.memory_space<vmem>>, vector<16xi32>,
    %ge3A_2925 = arith.constant 0 : i32
    %ge3A_2926 = vector.broadcast %ge3A_2925 : i32 to vector<16xi32>
    %ge3A_2927 = arith.cmpi sge, %get3A_2924, %ge3A_2926 : vector<16xi32>
    %get3A_2928 = arith.constant 496 : index
    %get3A_2929 = tpu.vector_load %arg11[%get3A_2928] {strides = array<i32>} : memref<640xi32, #tpu.memory_space<vmem>>, vector<16xi32>,
    %select_n3A_2930 = arith.select %ge3A_2927, %get3A_2924, %get3A_2929 : vector<16xi1>, vector<16xi32>
    %ge3A_2931 = arith.constant 0 : i32
    %ge3A_2932 = vector.broadcast %ge3A_2931 : i32 to vector<16xi32>
    %ge3A_2933 = arith.cmpi sge, %get3A_2924, %ge3A_2932 : vector<16xi32>
    %get3A_2934 = arith.constant 496 : index
    %get3A_2935 = tpu.vector_load %arg10[%get3A_2934] {strides = array<i32>} : memref<640xf32, #tpu.memory_space<vmem>>, vector<16xf32>,
    %gt3A_2936 = arith.constant 5.000000e-01 : f32
    %gt3A_2937 = vector.broadcast %gt3A_2936 : f32 to vector<16xf32>
    %gt3A_2938 = arith.cmpf ogt, %get3A_2935, %gt3A_2937 : vector<16xf32>
    %or3A_2939 = arith.ori %ge3A_2933, %gt3A_2938 : vector<16xi1>
    %gather3A_2940 = tpu.vector_load_idx %arg16[%select_n3A_2930] : memref<208xf32, #tpu.memory_space<vmem>>[vector<16xi32>], vector<16xf32>,
    %gather3A_2941 = tpu.vector_load_idx %arg17[%select_n3A_2930] : memref<208xf32, #tpu.memory_space<vmem>>[vector<16xi32>], vector<16xf32>,
    %gather3A_2942 = tpu.vector_load_idx %arg18[%select_n3A_2930] : memref<208xf32, #tpu.memory_space<vmem>>[vector<16xi32>], vector<16xf32>,
    %gather3A_2943 = tpu.vector_load_idx %arg19[%select_n3A_2930] : memref<208xf32, #tpu.memory_space<vmem>>[vector<16xi32>], vector<16xf32>,
    %gather3A_2944 = tpu.vector_load_idx %arg20[%select_n3A_2930] : memref<200xi32, #tpu.memory_space<vmem>>[vector<16xi32>], vector<16xi32>,
    %add3A_2945 = arith.constant 496 : i32
    %add3A_2946 = vector.broadcast %add3A_2945 : i32 to vector<16xi32>
    %add3A_2947 = arith.addi %iota3A, %add3A_2946 : vector<16xi32>
    %mul3A_2948 = arith.constant 4 : i32
    %mul3A_2949 = vector.broadcast %mul3A_2948 : i32 to vector<16xi32>
    %mul3A_2950 = arith.muli %add3A_2947, %mul3A_2949 : vector<16xi32>
    %gather3A_2951 = tpu.vector_load_idx %arg13[%mul3A_2950] : memref<2560xf32, #tpu.memory_space<vmem>>[vector<16xi32>], vector<16xf32>,
    %add3A_2952 = arith.constant 1 : i32
    %add3A_2953 = vector.broadcast %add3A_2952 : i32 to vector<16xi32>
    %add3A_2954 = arith.addi %mul3A_2950, %add3A_2953 : vector<16xi32>
    %gather3A_2955 = tpu.vector_load_idx %arg13[%add3A_2954] : memref<2560xf32, #tpu.memory_space<vmem>>[vector<16xi32>], vector<16xf32>,
    %add3A_2956 = arith.constant 2 : i32
    %add3A_2957 = vector.broadcast %add3A_2956 : i32 to vector<16xi32>
    %add3A_2958 = arith.addi %mul3A_2950, %add3A_2957 : vector<16xi32>
    %gather3A_2959 = tpu.vector_load_idx %arg13[%add3A_2958] : memref<2560xf32, #tpu.memory_space<vmem>>[vector<16xi32>], vector<16xf32>,
    %add3A_2960 = arith.constant 3 : i32
    %add3A_2961 = vector.broadcast %add3A_2960 : i32 to vector<16xi32>
    %add3A_2962 = arith.addi %mul3A_2950, %add3A_2961 : vector<16xi32>
    %gather3A_2963 = tpu.vector_load_idx %arg13[%add3A_2962] : memref<2560xf32, #tpu.memory_space<vmem>>[vector<16xi32>], vector<16xf32>,
    %add3A_2964 = arith.addf %gather3A_2951, %gather3A_2959 : vector<16xf32>
    %mul3A_2965 = arith.constant 5.000000e-01 : f32
    %mul3A_2966 = vector.broadcast %mul3A_2965 : f32 to vector<16xf32>
    %mul3A_2967 = arith.mulf %mul3A_2966, %add3A_2964 : vector<16xf32>
    %select_n3A_2968 = arith.select %or3A_2939, %gather3A_2940, %mul3A_2967 : vector<16xi1>, vector<16xf32>
    %add3A_2969 = arith.addf %gather3A_2955, %gather3A_2963 : vector<16xf32>
    %mul3A_2970 = arith.constant 5.000000e-01 : f32
    %mul3A_2971 = vector.broadcast %mul3A_2970 : f32 to vector<16xf32>
    %mul3A_2972 = arith.mulf %mul3A_2971, %add3A_2969 : vector<16xf32>
    %select_n3A_2973 = arith.select %or3A_2939, %gather3A_2941, %mul3A_2972 : vector<16xi1>, vector<16xf32>
    %sub3A_2974 = arith.subf %gather3A_2959, %gather3A_2951 : vector<16xf32>
    %select_n3A_2975 = arith.select %or3A_2939, %gather3A_2942, %sub3A_2974 : vector<16xi1>, vector<16xf32>
    %sub3A_2976 = arith.subf %gather3A_2963, %gather3A_2955 : vector<16xf32>
    %select_n3A_2977 = arith.select %or3A_2939, %gather3A_2943, %sub3A_2976 : vector<16xi1>, vector<16xf32>
    %jit3A_2978 = arith.constant 0 : i32
    %broadcast_in_dim3A_2979 = vector.broadcast %jit3A_2978 : i32 to vector<16xi32>
    %select_n3A_2980 = arith.select %or3A_2939, %gather3A_2944, %broadcast_in_dim3A_2979 : vector<16xi1>, vector<16xi32>
    %swap3A_2981 = arith.constant 496 : index
    %swap3A_2982 = tpu.vector_load %arg22[%swap3A_2981] {strides = array<i32>} : memref<640xi32, #tpu.memory_space<vmem>>, vector<16xi32>,
    tpu.vector_store %arg22[%swap3A_2981], %select_n3A_2980 {strides = array<i32>} : memref<640xi32, #tpu.memory_space<vmem>>, vector<16xi32>,
    %add3A_2983 = arith.constant 496 : i32
    %add3A_2984 = vector.broadcast %add3A_2983 : i32 to vector<16xi32>
    %add3A_2985 = arith.addi %iota3A, %add3A_2984 : vector<16xi32>
    tpu.vector_store_idx %arg21[%add3A_2985, %broadcast_in_dim3A_696], %select_n3A_2968 : memref<640x4xf32, #tpu.memory_space<vmem>>[vector<16xi32>, vector<16xi32>], vector<16xf32>,
    %add3A_2986 = arith.constant 1 : i32
    %add3A_2987 = vector.broadcast %add3A_2986 : i32 to vector<16xi32>
    %add3A_2988 = arith.addi %broadcast_in_dim3A_696, %add3A_2987 : vector<16xi32>
    tpu.vector_store_idx %arg21[%add3A_2985, %add3A_2988], %select_n3A_2973 : memref<640x4xf32, #tpu.memory_space<vmem>>[vector<16xi32>, vector<16xi32>], vector<16xf32>,
    %add3A_2989 = arith.constant 2 : i32
    %add3A_2990 = vector.broadcast %add3A_2989 : i32 to vector<16xi32>
    %add3A_2991 = arith.addi %broadcast_in_dim3A_696, %add3A_2990 : vector<16xi32>
    tpu.vector_store_idx %arg21[%add3A_2985, %add3A_2991], %select_n3A_2975 : memref<640x4xf32, #tpu.memory_space<vmem>>[vector<16xi32>, vector<16xi32>], vector<16xf32>,
    %add3A_2992 = arith.constant 3 : i32
    %add3A_2993 = vector.broadcast %add3A_2992 : i32 to vector<16xi32>
    %add3A_2994 = arith.addi %broadcast_in_dim3A_696, %add3A_2993 : vector<16xi32>
    tpu.vector_store_idx %arg21[%add3A_2985, %add3A_2994], %select_n3A_2977 : memref<640x4xf32, #tpu.memory_space<vmem>>[vector<16xi32>, vector<16xi32>], vector<16xf32>,
    %get3A_2995 = arith.constant 512 : index
    %get3A_2996 = tpu.vector_load %arg12[%get3A_2995] {strides = array<i32>} : memref<640xi32, #tpu.memory_space<vmem>>, vector<16xi32>,
    %ge3A_2997 = arith.constant 0 : i32
    %ge3A_2998 = vector.broadcast %ge3A_2997 : i32 to vector<16xi32>
    %ge3A_2999 = arith.cmpi sge, %get3A_2996, %ge3A_2998 : vector<16xi32>
    %get3A_3000 = arith.constant 512 : index
    %get3A_3001 = tpu.vector_load %arg11[%get3A_3000] {strides = array<i32>} : memref<640xi32, #tpu.memory_space<vmem>>, vector<16xi32>,
    %select_n3A_3002 = arith.select %ge3A_2999, %get3A_2996, %get3A_3001 : vector<16xi1>, vector<16xi32>
    %ge3A_3003 = arith.constant 0 : i32
    %ge3A_3004 = vector.broadcast %ge3A_3003 : i32 to vector<16xi32>
    %ge3A_3005 = arith.cmpi sge, %get3A_2996, %ge3A_3004 : vector<16xi32>
    %get3A_3006 = arith.constant 512 : index
    %get3A_3007 = tpu.vector_load %arg10[%get3A_3006] {strides = array<i32>} : memref<640xf32, #tpu.memory_space<vmem>>, vector<16xf32>,
    %gt3A_3008 = arith.constant 5.000000e-01 : f32
    %gt3A_3009 = vector.broadcast %gt3A_3008 : f32 to vector<16xf32>
    %gt3A_3010 = arith.cmpf ogt, %get3A_3007, %gt3A_3009 : vector<16xf32>
    %or3A_3011 = arith.ori %ge3A_3005, %gt3A_3010 : vector<16xi1>
    %gather3A_3012 = tpu.vector_load_idx %arg16[%select_n3A_3002] : memref<208xf32, #tpu.memory_space<vmem>>[vector<16xi32>], vector<16xf32>,
    %gather3A_3013 = tpu.vector_load_idx %arg17[%select_n3A_3002] : memref<208xf32, #tpu.memory_space<vmem>>[vector<16xi32>], vector<16xf32>,
    %gather3A_3014 = tpu.vector_load_idx %arg18[%select_n3A_3002] : memref<208xf32, #tpu.memory_space<vmem>>[vector<16xi32>], vector<16xf32>,
    %gather3A_3015 = tpu.vector_load_idx %arg19[%select_n3A_3002] : memref<208xf32, #tpu.memory_space<vmem>>[vector<16xi32>], vector<16xf32>,
    %gather3A_3016 = tpu.vector_load_idx %arg20[%select_n3A_3002] : memref<200xi32, #tpu.memory_space<vmem>>[vector<16xi32>], vector<16xi32>,
    %add3A_3017 = arith.constant 512 : i32
    %add3A_3018 = vector.broadcast %add3A_3017 : i32 to vector<16xi32>
    %add3A_3019 = arith.addi %iota3A, %add3A_3018 : vector<16xi32>
    %mul3A_3020 = arith.constant 4 : i32
    %mul3A_3021 = vector.broadcast %mul3A_3020 : i32 to vector<16xi32>
    %mul3A_3022 = arith.muli %add3A_3019, %mul3A_3021 : vector<16xi32>
    %gather3A_3023 = tpu.vector_load_idx %arg13[%mul3A_3022] : memref<2560xf32, #tpu.memory_space<vmem>>[vector<16xi32>], vector<16xf32>,
    %add3A_3024 = arith.constant 1 : i32
    %add3A_3025 = vector.broadcast %add3A_3024 : i32 to vector<16xi32>
    %add3A_3026 = arith.addi %mul3A_3022, %add3A_3025 : vector<16xi32>
    %gather3A_3027 = tpu.vector_load_idx %arg13[%add3A_3026] : memref<2560xf32, #tpu.memory_space<vmem>>[vector<16xi32>], vector<16xf32>,
    %add3A_3028 = arith.constant 2 : i32
    %add3A_3029 = vector.broadcast %add3A_3028 : i32 to vector<16xi32>
    %add3A_3030 = arith.addi %mul3A_3022, %add3A_3029 : vector<16xi32>
    %gather3A_3031 = tpu.vector_load_idx %arg13[%add3A_3030] : memref<2560xf32, #tpu.memory_space<vmem>>[vector<16xi32>], vector<16xf32>,
    %add3A_3032 = arith.constant 3 : i32
    %add3A_3033 = vector.broadcast %add3A_3032 : i32 to vector<16xi32>
    %add3A_3034 = arith.addi %mul3A_3022, %add3A_3033 : vector<16xi32>
    %gather3A_3035 = tpu.vector_load_idx %arg13[%add3A_3034] : memref<2560xf32, #tpu.memory_space<vmem>>[vector<16xi32>], vector<16xf32>,
    %add3A_3036 = arith.addf %gather3A_3023, %gather3A_3031 : vector<16xf32>
    %mul3A_3037 = arith.constant 5.000000e-01 : f32
    %mul3A_3038 = vector.broadcast %mul3A_3037 : f32 to vector<16xf32>
    %mul3A_3039 = arith.mulf %mul3A_3038, %add3A_3036 : vector<16xf32>
    %select_n3A_3040 = arith.select %or3A_3011, %gather3A_3012, %mul3A_3039 : vector<16xi1>, vector<16xf32>
    %add3A_3041 = arith.addf %gather3A_3027, %gather3A_3035 : vector<16xf32>
    %mul3A_3042 = arith.constant 5.000000e-01 : f32
    %mul3A_3043 = vector.broadcast %mul3A_3042 : f32 to vector<16xf32>
    %mul3A_3044 = arith.mulf %mul3A_3043, %add3A_3041 : vector<16xf32>
    %select_n3A_3045 = arith.select %or3A_3011, %gather3A_3013, %mul3A_3044 : vector<16xi1>, vector<16xf32>
    %sub3A_3046 = arith.subf %gather3A_3031, %gather3A_3023 : vector<16xf32>
    %select_n3A_3047 = arith.select %or3A_3011, %gather3A_3014, %sub3A_3046 : vector<16xi1>, vector<16xf32>
    %sub3A_3048 = arith.subf %gather3A_3035, %gather3A_3027 : vector<16xf32>
    %select_n3A_3049 = arith.select %or3A_3011, %gather3A_3015, %sub3A_3048 : vector<16xi1>, vector<16xf32>
    %jit3A_3050 = arith.constant 0 : i32
    %broadcast_in_dim3A_3051 = vector.broadcast %jit3A_3050 : i32 to vector<16xi32>
    %select_n3A_3052 = arith.select %or3A_3011, %gather3A_3016, %broadcast_in_dim3A_3051 : vector<16xi1>, vector<16xi32>
    %swap3A_3053 = arith.constant 512 : index
    %swap3A_3054 = tpu.vector_load %arg22[%swap3A_3053] {strides = array<i32>} : memref<640xi32, #tpu.memory_space<vmem>>, vector<16xi32>,
    tpu.vector_store %arg22[%swap3A_3053], %select_n3A_3052 {strides = array<i32>} : memref<640xi32, #tpu.memory_space<vmem>>, vector<16xi32>,
    %add3A_3055 = arith.constant 512 : i32
    %add3A_3056 = vector.broadcast %add3A_3055 : i32 to vector<16xi32>
    %add3A_3057 = arith.addi %iota3A, %add3A_3056 : vector<16xi32>
    tpu.vector_store_idx %arg21[%add3A_3057, %broadcast_in_dim3A_696], %select_n3A_3040 : memref<640x4xf32, #tpu.memory_space<vmem>>[vector<16xi32>, vector<16xi32>], vector<16xf32>,
    %add3A_3058 = arith.constant 1 : i32
    %add3A_3059 = vector.broadcast %add3A_3058 : i32 to vector<16xi32>
    %add3A_3060 = arith.addi %broadcast_in_dim3A_696, %add3A_3059 : vector<16xi32>
    tpu.vector_store_idx %arg21[%add3A_3057, %add3A_3060], %select_n3A_3045 : memref<640x4xf32, #tpu.memory_space<vmem>>[vector<16xi32>, vector<16xi32>], vector<16xf32>,
    %add3A_3061 = arith.constant 2 : i32
    %add3A_3062 = vector.broadcast %add3A_3061 : i32 to vector<16xi32>
    %add3A_3063 = arith.addi %broadcast_in_dim3A_696, %add3A_3062 : vector<16xi32>
    tpu.vector_store_idx %arg21[%add3A_3057, %add3A_3063], %select_n3A_3047 : memref<640x4xf32, #tpu.memory_space<vmem>>[vector<16xi32>, vector<16xi32>], vector<16xf32>,
    %add3A_3064 = arith.constant 3 : i32
    %add3A_3065 = vector.broadcast %add3A_3064 : i32 to vector<16xi32>
    %add3A_3066 = arith.addi %broadcast_in_dim3A_696, %add3A_3065 : vector<16xi32>
    tpu.vector_store_idx %arg21[%add3A_3057, %add3A_3066], %select_n3A_3049 : memref<640x4xf32, #tpu.memory_space<vmem>>[vector<16xi32>, vector<16xi32>], vector<16xf32>,
    %get3A_3067 = arith.constant 528 : index
    %get3A_3068 = tpu.vector_load %arg12[%get3A_3067] {strides = array<i32>} : memref<640xi32, #tpu.memory_space<vmem>>, vector<16xi32>,
    %ge3A_3069 = arith.constant 0 : i32
    %ge3A_3070 = vector.broadcast %ge3A_3069 : i32 to vector<16xi32>
    %ge3A_3071 = arith.cmpi sge, %get3A_3068, %ge3A_3070 : vector<16xi32>
    %get3A_3072 = arith.constant 528 : index
    %get3A_3073 = tpu.vector_load %arg11[%get3A_3072] {strides = array<i32>} : memref<640xi32, #tpu.memory_space<vmem>>, vector<16xi32>,
    %select_n3A_3074 = arith.select %ge3A_3071, %get3A_3068, %get3A_3073 : vector<16xi1>, vector<16xi32>
    %ge3A_3075 = arith.constant 0 : i32
    %ge3A_3076 = vector.broadcast %ge3A_3075 : i32 to vector<16xi32>
    %ge3A_3077 = arith.cmpi sge, %get3A_3068, %ge3A_3076 : vector<16xi32>
    %get3A_3078 = arith.constant 528 : index
    %get3A_3079 = tpu.vector_load %arg10[%get3A_3078] {strides = array<i32>} : memref<640xf32, #tpu.memory_space<vmem>>, vector<16xf32>,
    %gt3A_3080 = arith.constant 5.000000e-01 : f32
    %gt3A_3081 = vector.broadcast %gt3A_3080 : f32 to vector<16xf32>
    %gt3A_3082 = arith.cmpf ogt, %get3A_3079, %gt3A_3081 : vector<16xf32>
    %or3A_3083 = arith.ori %ge3A_3077, %gt3A_3082 : vector<16xi1>
    %gather3A_3084 = tpu.vector_load_idx %arg16[%select_n3A_3074] : memref<208xf32, #tpu.memory_space<vmem>>[vector<16xi32>], vector<16xf32>,
    %gather3A_3085 = tpu.vector_load_idx %arg17[%select_n3A_3074] : memref<208xf32, #tpu.memory_space<vmem>>[vector<16xi32>], vector<16xf32>,
    %gather3A_3086 = tpu.vector_load_idx %arg18[%select_n3A_3074] : memref<208xf32, #tpu.memory_space<vmem>>[vector<16xi32>], vector<16xf32>,
    %gather3A_3087 = tpu.vector_load_idx %arg19[%select_n3A_3074] : memref<208xf32, #tpu.memory_space<vmem>>[vector<16xi32>], vector<16xf32>,
    %gather3A_3088 = tpu.vector_load_idx %arg20[%select_n3A_3074] : memref<200xi32, #tpu.memory_space<vmem>>[vector<16xi32>], vector<16xi32>,
    %add3A_3089 = arith.constant 528 : i32
    %add3A_3090 = vector.broadcast %add3A_3089 : i32 to vector<16xi32>
    %add3A_3091 = arith.addi %iota3A, %add3A_3090 : vector<16xi32>
    %mul3A_3092 = arith.constant 4 : i32
    %mul3A_3093 = vector.broadcast %mul3A_3092 : i32 to vector<16xi32>
    %mul3A_3094 = arith.muli %add3A_3091, %mul3A_3093 : vector<16xi32>
    %gather3A_3095 = tpu.vector_load_idx %arg13[%mul3A_3094] : memref<2560xf32, #tpu.memory_space<vmem>>[vector<16xi32>], vector<16xf32>,
    %add3A_3096 = arith.constant 1 : i32
    %add3A_3097 = vector.broadcast %add3A_3096 : i32 to vector<16xi32>
    %add3A_3098 = arith.addi %mul3A_3094, %add3A_3097 : vector<16xi32>
    %gather3A_3099 = tpu.vector_load_idx %arg13[%add3A_3098] : memref<2560xf32, #tpu.memory_space<vmem>>[vector<16xi32>], vector<16xf32>,
    %add3A_3100 = arith.constant 2 : i32
    %add3A_3101 = vector.broadcast %add3A_3100 : i32 to vector<16xi32>
    %add3A_3102 = arith.addi %mul3A_3094, %add3A_3101 : vector<16xi32>
    %gather3A_3103 = tpu.vector_load_idx %arg13[%add3A_3102] : memref<2560xf32, #tpu.memory_space<vmem>>[vector<16xi32>], vector<16xf32>,
    %add3A_3104 = arith.constant 3 : i32
    %add3A_3105 = vector.broadcast %add3A_3104 : i32 to vector<16xi32>
    %add3A_3106 = arith.addi %mul3A_3094, %add3A_3105 : vector<16xi32>
    %gather3A_3107 = tpu.vector_load_idx %arg13[%add3A_3106] : memref<2560xf32, #tpu.memory_space<vmem>>[vector<16xi32>], vector<16xf32>,
    %add3A_3108 = arith.addf %gather3A_3095, %gather3A_3103 : vector<16xf32>
    %mul3A_3109 = arith.constant 5.000000e-01 : f32
    %mul3A_3110 = vector.broadcast %mul3A_3109 : f32 to vector<16xf32>
    %mul3A_3111 = arith.mulf %mul3A_3110, %add3A_3108 : vector<16xf32>
    %select_n3A_3112 = arith.select %or3A_3083, %gather3A_3084, %mul3A_3111 : vector<16xi1>, vector<16xf32>
    %add3A_3113 = arith.addf %gather3A_3099, %gather3A_3107 : vector<16xf32>
    %mul3A_3114 = arith.constant 5.000000e-01 : f32
    %mul3A_3115 = vector.broadcast %mul3A_3114 : f32 to vector<16xf32>
    %mul3A_3116 = arith.mulf %mul3A_3115, %add3A_3113 : vector<16xf32>
    %select_n3A_3117 = arith.select %or3A_3083, %gather3A_3085, %mul3A_3116 : vector<16xi1>, vector<16xf32>
    %sub3A_3118 = arith.subf %gather3A_3103, %gather3A_3095 : vector<16xf32>
    %select_n3A_3119 = arith.select %or3A_3083, %gather3A_3086, %sub3A_3118 : vector<16xi1>, vector<16xf32>
    %sub3A_3120 = arith.subf %gather3A_3107, %gather3A_3099 : vector<16xf32>
    %select_n3A_3121 = arith.select %or3A_3083, %gather3A_3087, %sub3A_3120 : vector<16xi1>, vector<16xf32>
    %jit3A_3122 = arith.constant 0 : i32
    %broadcast_in_dim3A_3123 = vector.broadcast %jit3A_3122 : i32 to vector<16xi32>
    %select_n3A_3124 = arith.select %or3A_3083, %gather3A_3088, %broadcast_in_dim3A_3123 : vector<16xi1>, vector<16xi32>
    %swap3A_3125 = arith.constant 528 : index
    %swap3A_3126 = tpu.vector_load %arg22[%swap3A_3125] {strides = array<i32>} : memref<640xi32, #tpu.memory_space<vmem>>, vector<16xi32>,
    tpu.vector_store %arg22[%swap3A_3125], %select_n3A_3124 {strides = array<i32>} : memref<640xi32, #tpu.memory_space<vmem>>, vector<16xi32>,
    %add3A_3127 = arith.constant 528 : i32
    %add3A_3128 = vector.broadcast %add3A_3127 : i32 to vector<16xi32>
    %add3A_3129 = arith.addi %iota3A, %add3A_3128 : vector<16xi32>
    tpu.vector_store_idx %arg21[%add3A_3129, %broadcast_in_dim3A_696], %select_n3A_3112 : memref<640x4xf32, #tpu.memory_space<vmem>>[vector<16xi32>, vector<16xi32>], vector<16xf32>,
    %add3A_3130 = arith.constant 1 : i32
    %add3A_3131 = vector.broadcast %add3A_3130 : i32 to vector<16xi32>
    %add3A_3132 = arith.addi %broadcast_in_dim3A_696, %add3A_3131 : vector<16xi32>
    tpu.vector_store_idx %arg21[%add3A_3129, %add3A_3132], %select_n3A_3117 : memref<640x4xf32, #tpu.memory_space<vmem>>[vector<16xi32>, vector<16xi32>], vector<16xf32>,
    %add3A_3133 = arith.constant 2 : i32
    %add3A_3134 = vector.broadcast %add3A_3133 : i32 to vector<16xi32>
    %add3A_3135 = arith.addi %broadcast_in_dim3A_696, %add3A_3134 : vector<16xi32>
    tpu.vector_store_idx %arg21[%add3A_3129, %add3A_3135], %select_n3A_3119 : memref<640x4xf32, #tpu.memory_space<vmem>>[vector<16xi32>, vector<16xi32>], vector<16xf32>,
    %add3A_3136 = arith.constant 3 : i32
    %add3A_3137 = vector.broadcast %add3A_3136 : i32 to vector<16xi32>
    %add3A_3138 = arith.addi %broadcast_in_dim3A_696, %add3A_3137 : vector<16xi32>
    tpu.vector_store_idx %arg21[%add3A_3129, %add3A_3138], %select_n3A_3121 : memref<640x4xf32, #tpu.memory_space<vmem>>[vector<16xi32>, vector<16xi32>], vector<16xf32>,
    %get3A_3139 = arith.constant 544 : index
    %get3A_3140 = tpu.vector_load %arg12[%get3A_3139] {strides = array<i32>} : memref<640xi32, #tpu.memory_space<vmem>>, vector<16xi32>,
    %ge3A_3141 = arith.constant 0 : i32
    %ge3A_3142 = vector.broadcast %ge3A_3141 : i32 to vector<16xi32>
    %ge3A_3143 = arith.cmpi sge, %get3A_3140, %ge3A_3142 : vector<16xi32>
    %get3A_3144 = arith.constant 544 : index
    %get3A_3145 = tpu.vector_load %arg11[%get3A_3144] {strides = array<i32>} : memref<640xi32, #tpu.memory_space<vmem>>, vector<16xi32>,
    %select_n3A_3146 = arith.select %ge3A_3143, %get3A_3140, %get3A_3145 : vector<16xi1>, vector<16xi32>
    %ge3A_3147 = arith.constant 0 : i32
    %ge3A_3148 = vector.broadcast %ge3A_3147 : i32 to vector<16xi32>
    %ge3A_3149 = arith.cmpi sge, %get3A_3140, %ge3A_3148 : vector<16xi32>
    %get3A_3150 = arith.constant 544 : index
    %get3A_3151 = tpu.vector_load %arg10[%get3A_3150] {strides = array<i32>} : memref<640xf32, #tpu.memory_space<vmem>>, vector<16xf32>,
    %gt3A_3152 = arith.constant 5.000000e-01 : f32
    %gt3A_3153 = vector.broadcast %gt3A_3152 : f32 to vector<16xf32>
    %gt3A_3154 = arith.cmpf ogt, %get3A_3151, %gt3A_3153 : vector<16xf32>
    %or3A_3155 = arith.ori %ge3A_3149, %gt3A_3154 : vector<16xi1>
    %gather3A_3156 = tpu.vector_load_idx %arg16[%select_n3A_3146] : memref<208xf32, #tpu.memory_space<vmem>>[vector<16xi32>], vector<16xf32>,
    %gather3A_3157 = tpu.vector_load_idx %arg17[%select_n3A_3146] : memref<208xf32, #tpu.memory_space<vmem>>[vector<16xi32>], vector<16xf32>,
    %gather3A_3158 = tpu.vector_load_idx %arg18[%select_n3A_3146] : memref<208xf32, #tpu.memory_space<vmem>>[vector<16xi32>], vector<16xf32>,
    %gather3A_3159 = tpu.vector_load_idx %arg19[%select_n3A_3146] : memref<208xf32, #tpu.memory_space<vmem>>[vector<16xi32>], vector<16xf32>,
    %gather3A_3160 = tpu.vector_load_idx %arg20[%select_n3A_3146] : memref<200xi32, #tpu.memory_space<vmem>>[vector<16xi32>], vector<16xi32>,
    %add3A_3161 = arith.constant 544 : i32
    %add3A_3162 = vector.broadcast %add3A_3161 : i32 to vector<16xi32>
    %add3A_3163 = arith.addi %iota3A, %add3A_3162 : vector<16xi32>
    %mul3A_3164 = arith.constant 4 : i32
    %mul3A_3165 = vector.broadcast %mul3A_3164 : i32 to vector<16xi32>
    %mul3A_3166 = arith.muli %add3A_3163, %mul3A_3165 : vector<16xi32>
    %gather3A_3167 = tpu.vector_load_idx %arg13[%mul3A_3166] : memref<2560xf32, #tpu.memory_space<vmem>>[vector<16xi32>], vector<16xf32>,
    %add3A_3168 = arith.constant 1 : i32
    %add3A_3169 = vector.broadcast %add3A_3168 : i32 to vector<16xi32>
    %add3A_3170 = arith.addi %mul3A_3166, %add3A_3169 : vector<16xi32>
    %gather3A_3171 = tpu.vector_load_idx %arg13[%add3A_3170] : memref<2560xf32, #tpu.memory_space<vmem>>[vector<16xi32>], vector<16xf32>,
    %add3A_3172 = arith.constant 2 : i32
    %add3A_3173 = vector.broadcast %add3A_3172 : i32 to vector<16xi32>
    %add3A_3174 = arith.addi %mul3A_3166, %add3A_3173 : vector<16xi32>
    %gather3A_3175 = tpu.vector_load_idx %arg13[%add3A_3174] : memref<2560xf32, #tpu.memory_space<vmem>>[vector<16xi32>], vector<16xf32>,
    %add3A_3176 = arith.constant 3 : i32
    %add3A_3177 = vector.broadcast %add3A_3176 : i32 to vector<16xi32>
    %add3A_3178 = arith.addi %mul3A_3166, %add3A_3177 : vector<16xi32>
    %gather3A_3179 = tpu.vector_load_idx %arg13[%add3A_3178] : memref<2560xf32, #tpu.memory_space<vmem>>[vector<16xi32>], vector<16xf32>,
    %add3A_3180 = arith.addf %gather3A_3167, %gather3A_3175 : vector<16xf32>
    %mul3A_3181 = arith.constant 5.000000e-01 : f32
    %mul3A_3182 = vector.broadcast %mul3A_3181 : f32 to vector<16xf32>
    %mul3A_3183 = arith.mulf %mul3A_3182, %add3A_3180 : vector<16xf32>
    %select_n3A_3184 = arith.select %or3A_3155, %gather3A_3156, %mul3A_3183 : vector<16xi1>, vector<16xf32>
    %add3A_3185 = arith.addf %gather3A_3171, %gather3A_3179 : vector<16xf32>
    %mul3A_3186 = arith.constant 5.000000e-01 : f32
    %mul3A_3187 = vector.broadcast %mul3A_3186 : f32 to vector<16xf32>
    %mul3A_3188 = arith.mulf %mul3A_3187, %add3A_3185 : vector<16xf32>
    %select_n3A_3189 = arith.select %or3A_3155, %gather3A_3157, %mul3A_3188 : vector<16xi1>, vector<16xf32>
    %sub3A_3190 = arith.subf %gather3A_3175, %gather3A_3167 : vector<16xf32>
    %select_n3A_3191 = arith.select %or3A_3155, %gather3A_3158, %sub3A_3190 : vector<16xi1>, vector<16xf32>
    %sub3A_3192 = arith.subf %gather3A_3179, %gather3A_3171 : vector<16xf32>
    %select_n3A_3193 = arith.select %or3A_3155, %gather3A_3159, %sub3A_3192 : vector<16xi1>, vector<16xf32>
    %jit3A_3194 = arith.constant 0 : i32
    %broadcast_in_dim3A_3195 = vector.broadcast %jit3A_3194 : i32 to vector<16xi32>
    %select_n3A_3196 = arith.select %or3A_3155, %gather3A_3160, %broadcast_in_dim3A_3195 : vector<16xi1>, vector<16xi32>
    %swap3A_3197 = arith.constant 544 : index
    %swap3A_3198 = tpu.vector_load %arg22[%swap3A_3197] {strides = array<i32>} : memref<640xi32, #tpu.memory_space<vmem>>, vector<16xi32>,
    tpu.vector_store %arg22[%swap3A_3197], %select_n3A_3196 {strides = array<i32>} : memref<640xi32, #tpu.memory_space<vmem>>, vector<16xi32>,
    %add3A_3199 = arith.constant 544 : i32
    %add3A_3200 = vector.broadcast %add3A_3199 : i32 to vector<16xi32>
    %add3A_3201 = arith.addi %iota3A, %add3A_3200 : vector<16xi32>
    tpu.vector_store_idx %arg21[%add3A_3201, %broadcast_in_dim3A_696], %select_n3A_3184 : memref<640x4xf32, #tpu.memory_space<vmem>>[vector<16xi32>, vector<16xi32>], vector<16xf32>,
    %add3A_3202 = arith.constant 1 : i32
    %add3A_3203 = vector.broadcast %add3A_3202 : i32 to vector<16xi32>
    %add3A_3204 = arith.addi %broadcast_in_dim3A_696, %add3A_3203 : vector<16xi32>
    tpu.vector_store_idx %arg21[%add3A_3201, %add3A_3204], %select_n3A_3189 : memref<640x4xf32, #tpu.memory_space<vmem>>[vector<16xi32>, vector<16xi32>], vector<16xf32>,
    %add3A_3205 = arith.constant 2 : i32
    %add3A_3206 = vector.broadcast %add3A_3205 : i32 to vector<16xi32>
    %add3A_3207 = arith.addi %broadcast_in_dim3A_696, %add3A_3206 : vector<16xi32>
    tpu.vector_store_idx %arg21[%add3A_3201, %add3A_3207], %select_n3A_3191 : memref<640x4xf32, #tpu.memory_space<vmem>>[vector<16xi32>, vector<16xi32>], vector<16xf32>,
    %add3A_3208 = arith.constant 3 : i32
    %add3A_3209 = vector.broadcast %add3A_3208 : i32 to vector<16xi32>
    %add3A_3210 = arith.addi %broadcast_in_dim3A_696, %add3A_3209 : vector<16xi32>
    tpu.vector_store_idx %arg21[%add3A_3201, %add3A_3210], %select_n3A_3193 : memref<640x4xf32, #tpu.memory_space<vmem>>[vector<16xi32>, vector<16xi32>], vector<16xf32>,
    %get3A_3211 = arith.constant 560 : index
    %get3A_3212 = tpu.vector_load %arg12[%get3A_3211] {strides = array<i32>} : memref<640xi32, #tpu.memory_space<vmem>>, vector<16xi32>,
    %ge3A_3213 = arith.constant 0 : i32
    %ge3A_3214 = vector.broadcast %ge3A_3213 : i32 to vector<16xi32>
    %ge3A_3215 = arith.cmpi sge, %get3A_3212, %ge3A_3214 : vector<16xi32>
    %get3A_3216 = arith.constant 560 : index
    %get3A_3217 = tpu.vector_load %arg11[%get3A_3216] {strides = array<i32>} : memref<640xi32, #tpu.memory_space<vmem>>, vector<16xi32>,
    %select_n3A_3218 = arith.select %ge3A_3215, %get3A_3212, %get3A_3217 : vector<16xi1>, vector<16xi32>
    %ge3A_3219 = arith.constant 0 : i32
    %ge3A_3220 = vector.broadcast %ge3A_3219 : i32 to vector<16xi32>
    %ge3A_3221 = arith.cmpi sge, %get3A_3212, %ge3A_3220 : vector<16xi32>
    %get3A_3222 = arith.constant 560 : index
    %get3A_3223 = tpu.vector_load %arg10[%get3A_3222] {strides = array<i32>} : memref<640xf32, #tpu.memory_space<vmem>>, vector<16xf32>,
    %gt3A_3224 = arith.constant 5.000000e-01 : f32
    %gt3A_3225 = vector.broadcast %gt3A_3224 : f32 to vector<16xf32>
    %gt3A_3226 = arith.cmpf ogt, %get3A_3223, %gt3A_3225 : vector<16xf32>
    %or3A_3227 = arith.ori %ge3A_3221, %gt3A_3226 : vector<16xi1>
    %gather3A_3228 = tpu.vector_load_idx %arg16[%select_n3A_3218] : memref<208xf32, #tpu.memory_space<vmem>>[vector<16xi32>], vector<16xf32>,
    %gather3A_3229 = tpu.vector_load_idx %arg17[%select_n3A_3218] : memref<208xf32, #tpu.memory_space<vmem>>[vector<16xi32>], vector<16xf32>,
    %gather3A_3230 = tpu.vector_load_idx %arg18[%select_n3A_3218] : memref<208xf32, #tpu.memory_space<vmem>>[vector<16xi32>], vector<16xf32>,
    %gather3A_3231 = tpu.vector_load_idx %arg19[%select_n3A_3218] : memref<208xf32, #tpu.memory_space<vmem>>[vector<16xi32>], vector<16xf32>,
    %gather3A_3232 = tpu.vector_load_idx %arg20[%select_n3A_3218] : memref<200xi32, #tpu.memory_space<vmem>>[vector<16xi32>], vector<16xi32>,
    %add3A_3233 = arith.constant 560 : i32
    %add3A_3234 = vector.broadcast %add3A_3233 : i32 to vector<16xi32>
    %add3A_3235 = arith.addi %iota3A, %add3A_3234 : vector<16xi32>
    %mul3A_3236 = arith.constant 4 : i32
    %mul3A_3237 = vector.broadcast %mul3A_3236 : i32 to vector<16xi32>
    %mul3A_3238 = arith.muli %add3A_3235, %mul3A_3237 : vector<16xi32>
    %gather3A_3239 = tpu.vector_load_idx %arg13[%mul3A_3238] : memref<2560xf32, #tpu.memory_space<vmem>>[vector<16xi32>], vector<16xf32>,
    %add3A_3240 = arith.constant 1 : i32
    %add3A_3241 = vector.broadcast %add3A_3240 : i32 to vector<16xi32>
    %add3A_3242 = arith.addi %mul3A_3238, %add3A_3241 : vector<16xi32>
    %gather3A_3243 = tpu.vector_load_idx %arg13[%add3A_3242] : memref<2560xf32, #tpu.memory_space<vmem>>[vector<16xi32>], vector<16xf32>,
    %add3A_3244 = arith.constant 2 : i32
    %add3A_3245 = vector.broadcast %add3A_3244 : i32 to vector<16xi32>
    %add3A_3246 = arith.addi %mul3A_3238, %add3A_3245 : vector<16xi32>
    %gather3A_3247 = tpu.vector_load_idx %arg13[%add3A_3246] : memref<2560xf32, #tpu.memory_space<vmem>>[vector<16xi32>], vector<16xf32>,
    %add3A_3248 = arith.constant 3 : i32
    %add3A_3249 = vector.broadcast %add3A_3248 : i32 to vector<16xi32>
    %add3A_3250 = arith.addi %mul3A_3238, %add3A_3249 : vector<16xi32>
    %gather3A_3251 = tpu.vector_load_idx %arg13[%add3A_3250] : memref<2560xf32, #tpu.memory_space<vmem>>[vector<16xi32>], vector<16xf32>,
    %add3A_3252 = arith.addf %gather3A_3239, %gather3A_3247 : vector<16xf32>
    %mul3A_3253 = arith.constant 5.000000e-01 : f32
    %mul3A_3254 = vector.broadcast %mul3A_3253 : f32 to vector<16xf32>
    %mul3A_3255 = arith.mulf %mul3A_3254, %add3A_3252 : vector<16xf32>
    %select_n3A_3256 = arith.select %or3A_3227, %gather3A_3228, %mul3A_3255 : vector<16xi1>, vector<16xf32>
    %add3A_3257 = arith.addf %gather3A_3243, %gather3A_3251 : vector<16xf32>
    %mul3A_3258 = arith.constant 5.000000e-01 : f32
    %mul3A_3259 = vector.broadcast %mul3A_3258 : f32 to vector<16xf32>
    %mul3A_3260 = arith.mulf %mul3A_3259, %add3A_3257 : vector<16xf32>
    %select_n3A_3261 = arith.select %or3A_3227, %gather3A_3229, %mul3A_3260 : vector<16xi1>, vector<16xf32>
    %sub3A_3262 = arith.subf %gather3A_3247, %gather3A_3239 : vector<16xf32>
    %select_n3A_3263 = arith.select %or3A_3227, %gather3A_3230, %sub3A_3262 : vector<16xi1>, vector<16xf32>
    %sub3A_3264 = arith.subf %gather3A_3251, %gather3A_3243 : vector<16xf32>
    %select_n3A_3265 = arith.select %or3A_3227, %gather3A_3231, %sub3A_3264 : vector<16xi1>, vector<16xf32>
    %jit3A_3266 = arith.constant 0 : i32
    %broadcast_in_dim3A_3267 = vector.broadcast %jit3A_3266 : i32 to vector<16xi32>
    %select_n3A_3268 = arith.select %or3A_3227, %gather3A_3232, %broadcast_in_dim3A_3267 : vector<16xi1>, vector<16xi32>
    %swap3A_3269 = arith.constant 560 : index
    %swap3A_3270 = tpu.vector_load %arg22[%swap3A_3269] {strides = array<i32>} : memref<640xi32, #tpu.memory_space<vmem>>, vector<16xi32>,
    tpu.vector_store %arg22[%swap3A_3269], %select_n3A_3268 {strides = array<i32>} : memref<640xi32, #tpu.memory_space<vmem>>, vector<16xi32>,
    %add3A_3271 = arith.constant 560 : i32
    %add3A_3272 = vector.broadcast %add3A_3271 : i32 to vector<16xi32>
    %add3A_3273 = arith.addi %iota3A, %add3A_3272 : vector<16xi32>
    tpu.vector_store_idx %arg21[%add3A_3273, %broadcast_in_dim3A_696], %select_n3A_3256 : memref<640x4xf32, #tpu.memory_space<vmem>>[vector<16xi32>, vector<16xi32>], vector<16xf32>,
    %add3A_3274 = arith.constant 1 : i32
    %add3A_3275 = vector.broadcast %add3A_3274 : i32 to vector<16xi32>
    %add3A_3276 = arith.addi %broadcast_in_dim3A_696, %add3A_3275 : vector<16xi32>
    tpu.vector_store_idx %arg21[%add3A_3273, %add3A_3276], %select_n3A_3261 : memref<640x4xf32, #tpu.memory_space<vmem>>[vector<16xi32>, vector<16xi32>], vector<16xf32>,
    %add3A_3277 = arith.constant 2 : i32
    %add3A_3278 = vector.broadcast %add3A_3277 : i32 to vector<16xi32>
    %add3A_3279 = arith.addi %broadcast_in_dim3A_696, %add3A_3278 : vector<16xi32>
    tpu.vector_store_idx %arg21[%add3A_3273, %add3A_3279], %select_n3A_3263 : memref<640x4xf32, #tpu.memory_space<vmem>>[vector<16xi32>, vector<16xi32>], vector<16xf32>,
    %add3A_3280 = arith.constant 3 : i32
    %add3A_3281 = vector.broadcast %add3A_3280 : i32 to vector<16xi32>
    %add3A_3282 = arith.addi %broadcast_in_dim3A_696, %add3A_3281 : vector<16xi32>
    tpu.vector_store_idx %arg21[%add3A_3273, %add3A_3282], %select_n3A_3265 : memref<640x4xf32, #tpu.memory_space<vmem>>[vector<16xi32>, vector<16xi32>], vector<16xf32>,
    %get3A_3283 = arith.constant 576 : index
    %get3A_3284 = tpu.vector_load %arg12[%get3A_3283] {strides = array<i32>} : memref<640xi32, #tpu.memory_space<vmem>>, vector<16xi32>,
    %ge3A_3285 = arith.constant 0 : i32
    %ge3A_3286 = vector.broadcast %ge3A_3285 : i32 to vector<16xi32>
    %ge3A_3287 = arith.cmpi sge, %get3A_3284, %ge3A_3286 : vector<16xi32>
    %get3A_3288 = arith.constant 576 : index
    %get3A_3289 = tpu.vector_load %arg11[%get3A_3288] {strides = array<i32>} : memref<640xi32, #tpu.memory_space<vmem>>, vector<16xi32>,
    %select_n3A_3290 = arith.select %ge3A_3287, %get3A_3284, %get3A_3289 : vector<16xi1>, vector<16xi32>
    %ge3A_3291 = arith.constant 0 : i32
    %ge3A_3292 = vector.broadcast %ge3A_3291 : i32 to vector<16xi32>
    %ge3A_3293 = arith.cmpi sge, %get3A_3284, %ge3A_3292 : vector<16xi32>
    %get3A_3294 = arith.constant 576 : index
    %get3A_3295 = tpu.vector_load %arg10[%get3A_3294] {strides = array<i32>} : memref<640xf32, #tpu.memory_space<vmem>>, vector<16xf32>,
    %gt3A_3296 = arith.constant 5.000000e-01 : f32
    %gt3A_3297 = vector.broadcast %gt3A_3296 : f32 to vector<16xf32>
    %gt3A_3298 = arith.cmpf ogt, %get3A_3295, %gt3A_3297 : vector<16xf32>
    %or3A_3299 = arith.ori %ge3A_3293, %gt3A_3298 : vector<16xi1>
    %gather3A_3300 = tpu.vector_load_idx %arg16[%select_n3A_3290] : memref<208xf32, #tpu.memory_space<vmem>>[vector<16xi32>], vector<16xf32>,
    %gather3A_3301 = tpu.vector_load_idx %arg17[%select_n3A_3290] : memref<208xf32, #tpu.memory_space<vmem>>[vector<16xi32>], vector<16xf32>,
    %gather3A_3302 = tpu.vector_load_idx %arg18[%select_n3A_3290] : memref<208xf32, #tpu.memory_space<vmem>>[vector<16xi32>], vector<16xf32>,
    %gather3A_3303 = tpu.vector_load_idx %arg19[%select_n3A_3290] : memref<208xf32, #tpu.memory_space<vmem>>[vector<16xi32>], vector<16xf32>,
    %gather3A_3304 = tpu.vector_load_idx %arg20[%select_n3A_3290] : memref<200xi32, #tpu.memory_space<vmem>>[vector<16xi32>], vector<16xi32>,
    %add3A_3305 = arith.constant 576 : i32
    %add3A_3306 = vector.broadcast %add3A_3305 : i32 to vector<16xi32>
    %add3A_3307 = arith.addi %iota3A, %add3A_3306 : vector<16xi32>
    %mul3A_3308 = arith.constant 4 : i32
    %mul3A_3309 = vector.broadcast %mul3A_3308 : i32 to vector<16xi32>
    %mul3A_3310 = arith.muli %add3A_3307, %mul3A_3309 : vector<16xi32>
    %gather3A_3311 = tpu.vector_load_idx %arg13[%mul3A_3310] : memref<2560xf32, #tpu.memory_space<vmem>>[vector<16xi32>], vector<16xf32>,
    %add3A_3312 = arith.constant 1 : i32
    %add3A_3313 = vector.broadcast %add3A_3312 : i32 to vector<16xi32>
    %add3A_3314 = arith.addi %mul3A_3310, %add3A_3313 : vector<16xi32>
    %gather3A_3315 = tpu.vector_load_idx %arg13[%add3A_3314] : memref<2560xf32, #tpu.memory_space<vmem>>[vector<16xi32>], vector<16xf32>,
    %add3A_3316 = arith.constant 2 : i32
    %add3A_3317 = vector.broadcast %add3A_3316 : i32 to vector<16xi32>
    %add3A_3318 = arith.addi %mul3A_3310, %add3A_3317 : vector<16xi32>
    %gather3A_3319 = tpu.vector_load_idx %arg13[%add3A_3318] : memref<2560xf32, #tpu.memory_space<vmem>>[vector<16xi32>], vector<16xf32>,
    %add3A_3320 = arith.constant 3 : i32
    %add3A_3321 = vector.broadcast %add3A_3320 : i32 to vector<16xi32>
    %add3A_3322 = arith.addi %mul3A_3310, %add3A_3321 : vector<16xi32>
    %gather3A_3323 = tpu.vector_load_idx %arg13[%add3A_3322] : memref<2560xf32, #tpu.memory_space<vmem>>[vector<16xi32>], vector<16xf32>,
    %add3A_3324 = arith.addf %gather3A_3311, %gather3A_3319 : vector<16xf32>
    %mul3A_3325 = arith.constant 5.000000e-01 : f32
    %mul3A_3326 = vector.broadcast %mul3A_3325 : f32 to vector<16xf32>
    %mul3A_3327 = arith.mulf %mul3A_3326, %add3A_3324 : vector<16xf32>
    %select_n3A_3328 = arith.select %or3A_3299, %gather3A_3300, %mul3A_3327 : vector<16xi1>, vector<16xf32>
    %add3A_3329 = arith.addf %gather3A_3315, %gather3A_3323 : vector<16xf32>
    %mul3A_3330 = arith.constant 5.000000e-01 : f32
    %mul3A_3331 = vector.broadcast %mul3A_3330 : f32 to vector<16xf32>
    %mul3A_3332 = arith.mulf %mul3A_3331, %add3A_3329 : vector<16xf32>
    %select_n3A_3333 = arith.select %or3A_3299, %gather3A_3301, %mul3A_3332 : vector<16xi1>, vector<16xf32>
    %sub3A_3334 = arith.subf %gather3A_3319, %gather3A_3311 : vector<16xf32>
    %select_n3A_3335 = arith.select %or3A_3299, %gather3A_3302, %sub3A_3334 : vector<16xi1>, vector<16xf32>
    %sub3A_3336 = arith.subf %gather3A_3323, %gather3A_3315 : vector<16xf32>
    %select_n3A_3337 = arith.select %or3A_3299, %gather3A_3303, %sub3A_3336 : vector<16xi1>, vector<16xf32>
    %jit3A_3338 = arith.constant 0 : i32
    %broadcast_in_dim3A_3339 = vector.broadcast %jit3A_3338 : i32 to vector<16xi32>
    %select_n3A_3340 = arith.select %or3A_3299, %gather3A_3304, %broadcast_in_dim3A_3339 : vector<16xi1>, vector<16xi32>
    %swap3A_3341 = arith.constant 576 : index
    %swap3A_3342 = tpu.vector_load %arg22[%swap3A_3341] {strides = array<i32>} : memref<640xi32, #tpu.memory_space<vmem>>, vector<16xi32>,
    tpu.vector_store %arg22[%swap3A_3341], %select_n3A_3340 {strides = array<i32>} : memref<640xi32, #tpu.memory_space<vmem>>, vector<16xi32>,
    %add3A_3343 = arith.constant 576 : i32
    %add3A_3344 = vector.broadcast %add3A_3343 : i32 to vector<16xi32>
    %add3A_3345 = arith.addi %iota3A, %add3A_3344 : vector<16xi32>
    tpu.vector_store_idx %arg21[%add3A_3345, %broadcast_in_dim3A_696], %select_n3A_3328 : memref<640x4xf32, #tpu.memory_space<vmem>>[vector<16xi32>, vector<16xi32>], vector<16xf32>,
    %add3A_3346 = arith.constant 1 : i32
    %add3A_3347 = vector.broadcast %add3A_3346 : i32 to vector<16xi32>
    %add3A_3348 = arith.addi %broadcast_in_dim3A_696, %add3A_3347 : vector<16xi32>
    tpu.vector_store_idx %arg21[%add3A_3345, %add3A_3348], %select_n3A_3333 : memref<640x4xf32, #tpu.memory_space<vmem>>[vector<16xi32>, vector<16xi32>], vector<16xf32>,
    %add3A_3349 = arith.constant 2 : i32
    %add3A_3350 = vector.broadcast %add3A_3349 : i32 to vector<16xi32>
    %add3A_3351 = arith.addi %broadcast_in_dim3A_696, %add3A_3350 : vector<16xi32>
    tpu.vector_store_idx %arg21[%add3A_3345, %add3A_3351], %select_n3A_3335 : memref<640x4xf32, #tpu.memory_space<vmem>>[vector<16xi32>, vector<16xi32>], vector<16xf32>,
    %add3A_3352 = arith.constant 3 : i32
    %add3A_3353 = vector.broadcast %add3A_3352 : i32 to vector<16xi32>
    %add3A_3354 = arith.addi %broadcast_in_dim3A_696, %add3A_3353 : vector<16xi32>
    tpu.vector_store_idx %arg21[%add3A_3345, %add3A_3354], %select_n3A_3337 : memref<640x4xf32, #tpu.memory_space<vmem>>[vector<16xi32>, vector<16xi32>], vector<16xf32>,
    %get3A_3355 = arith.constant 592 : index
    %get3A_3356 = tpu.vector_load %arg12[%get3A_3355] {strides = array<i32>} : memref<640xi32, #tpu.memory_space<vmem>>, vector<16xi32>,
    %ge3A_3357 = arith.constant 0 : i32
    %ge3A_3358 = vector.broadcast %ge3A_3357 : i32 to vector<16xi32>
    %ge3A_3359 = arith.cmpi sge, %get3A_3356, %ge3A_3358 : vector<16xi32>
    %get3A_3360 = arith.constant 592 : index
    %get3A_3361 = tpu.vector_load %arg11[%get3A_3360] {strides = array<i32>} : memref<640xi32, #tpu.memory_space<vmem>>, vector<16xi32>,
    %select_n3A_3362 = arith.select %ge3A_3359, %get3A_3356, %get3A_3361 : vector<16xi1>, vector<16xi32>
    %ge3A_3363 = arith.constant 0 : i32
    %ge3A_3364 = vector.broadcast %ge3A_3363 : i32 to vector<16xi32>
    %ge3A_3365 = arith.cmpi sge, %get3A_3356, %ge3A_3364 : vector<16xi32>
    %get3A_3366 = arith.constant 592 : index
    %get3A_3367 = tpu.vector_load %arg10[%get3A_3366] {strides = array<i32>} : memref<640xf32, #tpu.memory_space<vmem>>, vector<16xf32>,
    %gt3A_3368 = arith.constant 5.000000e-01 : f32
    %gt3A_3369 = vector.broadcast %gt3A_3368 : f32 to vector<16xf32>
    %gt3A_3370 = arith.cmpf ogt, %get3A_3367, %gt3A_3369 : vector<16xf32>
    %or3A_3371 = arith.ori %ge3A_3365, %gt3A_3370 : vector<16xi1>
    %gather3A_3372 = tpu.vector_load_idx %arg16[%select_n3A_3362] : memref<208xf32, #tpu.memory_space<vmem>>[vector<16xi32>], vector<16xf32>,
    %gather3A_3373 = tpu.vector_load_idx %arg17[%select_n3A_3362] : memref<208xf32, #tpu.memory_space<vmem>>[vector<16xi32>], vector<16xf32>,
    %gather3A_3374 = tpu.vector_load_idx %arg18[%select_n3A_3362] : memref<208xf32, #tpu.memory_space<vmem>>[vector<16xi32>], vector<16xf32>,
    %gather3A_3375 = tpu.vector_load_idx %arg19[%select_n3A_3362] : memref<208xf32, #tpu.memory_space<vmem>>[vector<16xi32>], vector<16xf32>,
    %gather3A_3376 = tpu.vector_load_idx %arg20[%select_n3A_3362] : memref<200xi32, #tpu.memory_space<vmem>>[vector<16xi32>], vector<16xi32>,
    %add3A_3377 = arith.constant 592 : i32
    %add3A_3378 = vector.broadcast %add3A_3377 : i32 to vector<16xi32>
    %add3A_3379 = arith.addi %iota3A, %add3A_3378 : vector<16xi32>
    %mul3A_3380 = arith.constant 4 : i32
    %mul3A_3381 = vector.broadcast %mul3A_3380 : i32 to vector<16xi32>
    %mul3A_3382 = arith.muli %add3A_3379, %mul3A_3381 : vector<16xi32>
    %gather3A_3383 = tpu.vector_load_idx %arg13[%mul3A_3382] : memref<2560xf32, #tpu.memory_space<vmem>>[vector<16xi32>], vector<16xf32>,
    %add3A_3384 = arith.constant 1 : i32
    %add3A_3385 = vector.broadcast %add3A_3384 : i32 to vector<16xi32>
    %add3A_3386 = arith.addi %mul3A_3382, %add3A_3385 : vector<16xi32>
    %gather3A_3387 = tpu.vector_load_idx %arg13[%add3A_3386] : memref<2560xf32, #tpu.memory_space<vmem>>[vector<16xi32>], vector<16xf32>,
    %add3A_3388 = arith.constant 2 : i32
    %add3A_3389 = vector.broadcast %add3A_3388 : i32 to vector<16xi32>
    %add3A_3390 = arith.addi %mul3A_3382, %add3A_3389 : vector<16xi32>
    %gather3A_3391 = tpu.vector_load_idx %arg13[%add3A_3390] : memref<2560xf32, #tpu.memory_space<vmem>>[vector<16xi32>], vector<16xf32>,
    %add3A_3392 = arith.constant 3 : i32
    %add3A_3393 = vector.broadcast %add3A_3392 : i32 to vector<16xi32>
    %add3A_3394 = arith.addi %mul3A_3382, %add3A_3393 : vector<16xi32>
    %gather3A_3395 = tpu.vector_load_idx %arg13[%add3A_3394] : memref<2560xf32, #tpu.memory_space<vmem>>[vector<16xi32>], vector<16xf32>,
    %add3A_3396 = arith.addf %gather3A_3383, %gather3A_3391 : vector<16xf32>
    %mul3A_3397 = arith.constant 5.000000e-01 : f32
    %mul3A_3398 = vector.broadcast %mul3A_3397 : f32 to vector<16xf32>
    %mul3A_3399 = arith.mulf %mul3A_3398, %add3A_3396 : vector<16xf32>
    %select_n3A_3400 = arith.select %or3A_3371, %gather3A_3372, %mul3A_3399 : vector<16xi1>, vector<16xf32>
    %add3A_3401 = arith.addf %gather3A_3387, %gather3A_3395 : vector<16xf32>
    %mul3A_3402 = arith.constant 5.000000e-01 : f32
    %mul3A_3403 = vector.broadcast %mul3A_3402 : f32 to vector<16xf32>
    %mul3A_3404 = arith.mulf %mul3A_3403, %add3A_3401 : vector<16xf32>
    %select_n3A_3405 = arith.select %or3A_3371, %gather3A_3373, %mul3A_3404 : vector<16xi1>, vector<16xf32>
    %sub3A_3406 = arith.subf %gather3A_3391, %gather3A_3383 : vector<16xf32>
    %select_n3A_3407 = arith.select %or3A_3371, %gather3A_3374, %sub3A_3406 : vector<16xi1>, vector<16xf32>
    %sub3A_3408 = arith.subf %gather3A_3395, %gather3A_3387 : vector<16xf32>
    %select_n3A_3409 = arith.select %or3A_3371, %gather3A_3375, %sub3A_3408 : vector<16xi1>, vector<16xf32>
    %jit3A_3410 = arith.constant 0 : i32
    %broadcast_in_dim3A_3411 = vector.broadcast %jit3A_3410 : i32 to vector<16xi32>
    %select_n3A_3412 = arith.select %or3A_3371, %gather3A_3376, %broadcast_in_dim3A_3411 : vector<16xi1>, vector<16xi32>
    %swap3A_3413 = arith.constant 592 : index
    %swap3A_3414 = tpu.vector_load %arg22[%swap3A_3413] {strides = array<i32>} : memref<640xi32, #tpu.memory_space<vmem>>, vector<16xi32>,
    tpu.vector_store %arg22[%swap3A_3413], %select_n3A_3412 {strides = array<i32>} : memref<640xi32, #tpu.memory_space<vmem>>, vector<16xi32>,
    %add3A_3415 = arith.constant 592 : i32
    %add3A_3416 = vector.broadcast %add3A_3415 : i32 to vector<16xi32>
    %add3A_3417 = arith.addi %iota3A, %add3A_3416 : vector<16xi32>
    tpu.vector_store_idx %arg21[%add3A_3417, %broadcast_in_dim3A_696], %select_n3A_3400 : memref<640x4xf32, #tpu.memory_space<vmem>>[vector<16xi32>, vector<16xi32>], vector<16xf32>,
    %add3A_3418 = arith.constant 1 : i32
    %add3A_3419 = vector.broadcast %add3A_3418 : i32 to vector<16xi32>
    %add3A_3420 = arith.addi %broadcast_in_dim3A_696, %add3A_3419 : vector<16xi32>
    tpu.vector_store_idx %arg21[%add3A_3417, %add3A_3420], %select_n3A_3405 : memref<640x4xf32, #tpu.memory_space<vmem>>[vector<16xi32>, vector<16xi32>], vector<16xf32>,
    %add3A_3421 = arith.constant 2 : i32
    %add3A_3422 = vector.broadcast %add3A_3421 : i32 to vector<16xi32>
    %add3A_3423 = arith.addi %broadcast_in_dim3A_696, %add3A_3422 : vector<16xi32>
    tpu.vector_store_idx %arg21[%add3A_3417, %add3A_3423], %select_n3A_3407 : memref<640x4xf32, #tpu.memory_space<vmem>>[vector<16xi32>, vector<16xi32>], vector<16xf32>,
    %add3A_3424 = arith.constant 3 : i32
    %add3A_3425 = vector.broadcast %add3A_3424 : i32 to vector<16xi32>
    %add3A_3426 = arith.addi %broadcast_in_dim3A_696, %add3A_3425 : vector<16xi32>
    tpu.vector_store_idx %arg21[%add3A_3417, %add3A_3426], %select_n3A_3409 : memref<640x4xf32, #tpu.memory_space<vmem>>[vector<16xi32>, vector<16xi32>], vector<16xf32>,
    %get3A_3427 = arith.constant 608 : index
    %get3A_3428 = tpu.vector_load %arg12[%get3A_3427] {strides = array<i32>} : memref<640xi32, #tpu.memory_space<vmem>>, vector<16xi32>,
    %ge3A_3429 = arith.constant 0 : i32
    %ge3A_3430 = vector.broadcast %ge3A_3429 : i32 to vector<16xi32>
    %ge3A_3431 = arith.cmpi sge, %get3A_3428, %ge3A_3430 : vector<16xi32>
    %get3A_3432 = arith.constant 608 : index
    %get3A_3433 = tpu.vector_load %arg11[%get3A_3432] {strides = array<i32>} : memref<640xi32, #tpu.memory_space<vmem>>, vector<16xi32>,
    %select_n3A_3434 = arith.select %ge3A_3431, %get3A_3428, %get3A_3433 : vector<16xi1>, vector<16xi32>
    %ge3A_3435 = arith.constant 0 : i32
    %ge3A_3436 = vector.broadcast %ge3A_3435 : i32 to vector<16xi32>
    %ge3A_3437 = arith.cmpi sge, %get3A_3428, %ge3A_3436 : vector<16xi32>
    %get3A_3438 = arith.constant 608 : index
    %get3A_3439 = tpu.vector_load %arg10[%get3A_3438] {strides = array<i32>} : memref<640xf32, #tpu.memory_space<vmem>>, vector<16xf32>,
    %gt3A_3440 = arith.constant 5.000000e-01 : f32
    %gt3A_3441 = vector.broadcast %gt3A_3440 : f32 to vector<16xf32>
    %gt3A_3442 = arith.cmpf ogt, %get3A_3439, %gt3A_3441 : vector<16xf32>
    %or3A_3443 = arith.ori %ge3A_3437, %gt3A_3442 : vector<16xi1>
    %gather3A_3444 = tpu.vector_load_idx %arg16[%select_n3A_3434] : memref<208xf32, #tpu.memory_space<vmem>>[vector<16xi32>], vector<16xf32>,
    %gather3A_3445 = tpu.vector_load_idx %arg17[%select_n3A_3434] : memref<208xf32, #tpu.memory_space<vmem>>[vector<16xi32>], vector<16xf32>,
    %gather3A_3446 = tpu.vector_load_idx %arg18[%select_n3A_3434] : memref<208xf32, #tpu.memory_space<vmem>>[vector<16xi32>], vector<16xf32>,
    %gather3A_3447 = tpu.vector_load_idx %arg19[%select_n3A_3434] : memref<208xf32, #tpu.memory_space<vmem>>[vector<16xi32>], vector<16xf32>,
    %gather3A_3448 = tpu.vector_load_idx %arg20[%select_n3A_3434] : memref<200xi32, #tpu.memory_space<vmem>>[vector<16xi32>], vector<16xi32>,
    %add3A_3449 = arith.constant 608 : i32
    %add3A_3450 = vector.broadcast %add3A_3449 : i32 to vector<16xi32>
    %add3A_3451 = arith.addi %iota3A, %add3A_3450 : vector<16xi32>
    %mul3A_3452 = arith.constant 4 : i32
    %mul3A_3453 = vector.broadcast %mul3A_3452 : i32 to vector<16xi32>
    %mul3A_3454 = arith.muli %add3A_3451, %mul3A_3453 : vector<16xi32>
    %gather3A_3455 = tpu.vector_load_idx %arg13[%mul3A_3454] : memref<2560xf32, #tpu.memory_space<vmem>>[vector<16xi32>], vector<16xf32>,
    %add3A_3456 = arith.constant 1 : i32
    %add3A_3457 = vector.broadcast %add3A_3456 : i32 to vector<16xi32>
    %add3A_3458 = arith.addi %mul3A_3454, %add3A_3457 : vector<16xi32>
    %gather3A_3459 = tpu.vector_load_idx %arg13[%add3A_3458] : memref<2560xf32, #tpu.memory_space<vmem>>[vector<16xi32>], vector<16xf32>,
    %add3A_3460 = arith.constant 2 : i32
    %add3A_3461 = vector.broadcast %add3A_3460 : i32 to vector<16xi32>
    %add3A_3462 = arith.addi %mul3A_3454, %add3A_3461 : vector<16xi32>
    %gather3A_3463 = tpu.vector_load_idx %arg13[%add3A_3462] : memref<2560xf32, #tpu.memory_space<vmem>>[vector<16xi32>], vector<16xf32>,
    %add3A_3464 = arith.constant 3 : i32
    %add3A_3465 = vector.broadcast %add3A_3464 : i32 to vector<16xi32>
    %add3A_3466 = arith.addi %mul3A_3454, %add3A_3465 : vector<16xi32>
    %gather3A_3467 = tpu.vector_load_idx %arg13[%add3A_3466] : memref<2560xf32, #tpu.memory_space<vmem>>[vector<16xi32>], vector<16xf32>,
    %add3A_3468 = arith.addf %gather3A_3455, %gather3A_3463 : vector<16xf32>
    %mul3A_3469 = arith.constant 5.000000e-01 : f32
    %mul3A_3470 = vector.broadcast %mul3A_3469 : f32 to vector<16xf32>
    %mul3A_3471 = arith.mulf %mul3A_3470, %add3A_3468 : vector<16xf32>
    %select_n3A_3472 = arith.select %or3A_3443, %gather3A_3444, %mul3A_3471 : vector<16xi1>, vector<16xf32>
    %add3A_3473 = arith.addf %gather3A_3459, %gather3A_3467 : vector<16xf32>
    %mul3A_3474 = arith.constant 5.000000e-01 : f32
    %mul3A_3475 = vector.broadcast %mul3A_3474 : f32 to vector<16xf32>
    %mul3A_3476 = arith.mulf %mul3A_3475, %add3A_3473 : vector<16xf32>
    %select_n3A_3477 = arith.select %or3A_3443, %gather3A_3445, %mul3A_3476 : vector<16xi1>, vector<16xf32>
    %sub3A_3478 = arith.subf %gather3A_3463, %gather3A_3455 : vector<16xf32>
    %select_n3A_3479 = arith.select %or3A_3443, %gather3A_3446, %sub3A_3478 : vector<16xi1>, vector<16xf32>
    %sub3A_3480 = arith.subf %gather3A_3467, %gather3A_3459 : vector<16xf32>
    %select_n3A_3481 = arith.select %or3A_3443, %gather3A_3447, %sub3A_3480 : vector<16xi1>, vector<16xf32>
    %jit3A_3482 = arith.constant 0 : i32
    %broadcast_in_dim3A_3483 = vector.broadcast %jit3A_3482 : i32 to vector<16xi32>
    %select_n3A_3484 = arith.select %or3A_3443, %gather3A_3448, %broadcast_in_dim3A_3483 : vector<16xi1>, vector<16xi32>
    %swap3A_3485 = arith.constant 608 : index
    %swap3A_3486 = tpu.vector_load %arg22[%swap3A_3485] {strides = array<i32>} : memref<640xi32, #tpu.memory_space<vmem>>, vector<16xi32>,
    tpu.vector_store %arg22[%swap3A_3485], %select_n3A_3484 {strides = array<i32>} : memref<640xi32, #tpu.memory_space<vmem>>, vector<16xi32>,
    %add3A_3487 = arith.constant 608 : i32
    %add3A_3488 = vector.broadcast %add3A_3487 : i32 to vector<16xi32>
    %add3A_3489 = arith.addi %iota3A, %add3A_3488 : vector<16xi32>
    tpu.vector_store_idx %arg21[%add3A_3489, %broadcast_in_dim3A_696], %select_n3A_3472 : memref<640x4xf32, #tpu.memory_space<vmem>>[vector<16xi32>, vector<16xi32>], vector<16xf32>,
    %add3A_3490 = arith.constant 1 : i32
    %add3A_3491 = vector.broadcast %add3A_3490 : i32 to vector<16xi32>
    %add3A_3492 = arith.addi %broadcast_in_dim3A_696, %add3A_3491 : vector<16xi32>
    tpu.vector_store_idx %arg21[%add3A_3489, %add3A_3492], %select_n3A_3477 : memref<640x4xf32, #tpu.memory_space<vmem>>[vector<16xi32>, vector<16xi32>], vector<16xf32>,
    %add3A_3493 = arith.constant 2 : i32
    %add3A_3494 = vector.broadcast %add3A_3493 : i32 to vector<16xi32>
    %add3A_3495 = arith.addi %broadcast_in_dim3A_696, %add3A_3494 : vector<16xi32>
    tpu.vector_store_idx %arg21[%add3A_3489, %add3A_3495], %select_n3A_3479 : memref<640x4xf32, #tpu.memory_space<vmem>>[vector<16xi32>, vector<16xi32>], vector<16xf32>,
    %add3A_3496 = arith.constant 3 : i32
    %add3A_3497 = vector.broadcast %add3A_3496 : i32 to vector<16xi32>
    %add3A_3498 = arith.addi %broadcast_in_dim3A_696, %add3A_3497 : vector<16xi32>
    tpu.vector_store_idx %arg21[%add3A_3489, %add3A_3498], %select_n3A_3481 : memref<640x4xf32, #tpu.memory_space<vmem>>[vector<16xi32>, vector<16xi32>], vector<16xf32>,
    %get3A_3499 = arith.constant 624 : index
    %get3A_3500 = tpu.vector_load %arg12[%get3A_3499] {strides = array<i32>} : memref<640xi32, #tpu.memory_space<vmem>>, vector<16xi32>,
    %ge3A_3501 = arith.constant 0 : i32
    %ge3A_3502 = vector.broadcast %ge3A_3501 : i32 to vector<16xi32>
    %ge3A_3503 = arith.cmpi sge, %get3A_3500, %ge3A_3502 : vector<16xi32>
    %get3A_3504 = arith.constant 624 : index
    %get3A_3505 = tpu.vector_load %arg11[%get3A_3504] {strides = array<i32>} : memref<640xi32, #tpu.memory_space<vmem>>, vector<16xi32>,
    %select_n3A_3506 = arith.select %ge3A_3503, %get3A_3500, %get3A_3505 : vector<16xi1>, vector<16xi32>
    %ge3A_3507 = arith.constant 0 : i32
    %ge3A_3508 = vector.broadcast %ge3A_3507 : i32 to vector<16xi32>
    %ge3A_3509 = arith.cmpi sge, %get3A_3500, %ge3A_3508 : vector<16xi32>
    %get3A_3510 = arith.constant 624 : index
    %get3A_3511 = tpu.vector_load %arg10[%get3A_3510] {strides = array<i32>} : memref<640xf32, #tpu.memory_space<vmem>>, vector<16xf32>,
    %gt3A_3512 = arith.constant 5.000000e-01 : f32
    %gt3A_3513 = vector.broadcast %gt3A_3512 : f32 to vector<16xf32>
    %gt3A_3514 = arith.cmpf ogt, %get3A_3511, %gt3A_3513 : vector<16xf32>
    %or3A_3515 = arith.ori %ge3A_3509, %gt3A_3514 : vector<16xi1>
    %gather3A_3516 = tpu.vector_load_idx %arg16[%select_n3A_3506] : memref<208xf32, #tpu.memory_space<vmem>>[vector<16xi32>], vector<16xf32>,
    %gather3A_3517 = tpu.vector_load_idx %arg17[%select_n3A_3506] : memref<208xf32, #tpu.memory_space<vmem>>[vector<16xi32>], vector<16xf32>,
    %gather3A_3518 = tpu.vector_load_idx %arg18[%select_n3A_3506] : memref<208xf32, #tpu.memory_space<vmem>>[vector<16xi32>], vector<16xf32>,
    %gather3A_3519 = tpu.vector_load_idx %arg19[%select_n3A_3506] : memref<208xf32, #tpu.memory_space<vmem>>[vector<16xi32>], vector<16xf32>,
    %gather3A_3520 = tpu.vector_load_idx %arg20[%select_n3A_3506] : memref<200xi32, #tpu.memory_space<vmem>>[vector<16xi32>], vector<16xi32>,
    %add3A_3521 = arith.constant 624 : i32
    %add3A_3522 = vector.broadcast %add3A_3521 : i32 to vector<16xi32>
    %add3A_3523 = arith.addi %iota3A, %add3A_3522 : vector<16xi32>
    %mul3A_3524 = arith.constant 4 : i32
    %mul3A_3525 = vector.broadcast %mul3A_3524 : i32 to vector<16xi32>
    %mul3A_3526 = arith.muli %add3A_3523, %mul3A_3525 : vector<16xi32>
    %gather3A_3527 = tpu.vector_load_idx %arg13[%mul3A_3526] : memref<2560xf32, #tpu.memory_space<vmem>>[vector<16xi32>], vector<16xf32>,
    %add3A_3528 = arith.constant 1 : i32
    %add3A_3529 = vector.broadcast %add3A_3528 : i32 to vector<16xi32>
    %add3A_3530 = arith.addi %mul3A_3526, %add3A_3529 : vector<16xi32>
    %gather3A_3531 = tpu.vector_load_idx %arg13[%add3A_3530] : memref<2560xf32, #tpu.memory_space<vmem>>[vector<16xi32>], vector<16xf32>,
    %add3A_3532 = arith.constant 2 : i32
    %add3A_3533 = vector.broadcast %add3A_3532 : i32 to vector<16xi32>
    %add3A_3534 = arith.addi %mul3A_3526, %add3A_3533 : vector<16xi32>
    %gather3A_3535 = tpu.vector_load_idx %arg13[%add3A_3534] : memref<2560xf32, #tpu.memory_space<vmem>>[vector<16xi32>], vector<16xf32>,
    %add3A_3536 = arith.constant 3 : i32
    %add3A_3537 = vector.broadcast %add3A_3536 : i32 to vector<16xi32>
    %add3A_3538 = arith.addi %mul3A_3526, %add3A_3537 : vector<16xi32>
    %gather3A_3539 = tpu.vector_load_idx %arg13[%add3A_3538] : memref<2560xf32, #tpu.memory_space<vmem>>[vector<16xi32>], vector<16xf32>,
    %add3A_3540 = arith.addf %gather3A_3527, %gather3A_3535 : vector<16xf32>
    %mul3A_3541 = arith.constant 5.000000e-01 : f32
    %mul3A_3542 = vector.broadcast %mul3A_3541 : f32 to vector<16xf32>
    %mul3A_3543 = arith.mulf %mul3A_3542, %add3A_3540 : vector<16xf32>
    %select_n3A_3544 = arith.select %or3A_3515, %gather3A_3516, %mul3A_3543 : vector<16xi1>, vector<16xf32>
    %add3A_3545 = arith.addf %gather3A_3531, %gather3A_3539 : vector<16xf32>
    %mul3A_3546 = arith.constant 5.000000e-01 : f32
    %mul3A_3547 = vector.broadcast %mul3A_3546 : f32 to vector<16xf32>
    %mul3A_3548 = arith.mulf %mul3A_3547, %add3A_3545 : vector<16xf32>
    %select_n3A_3549 = arith.select %or3A_3515, %gather3A_3517, %mul3A_3548 : vector<16xi1>, vector<16xf32>
    %sub3A_3550 = arith.subf %gather3A_3535, %gather3A_3527 : vector<16xf32>
    %select_n3A_3551 = arith.select %or3A_3515, %gather3A_3518, %sub3A_3550 : vector<16xi1>, vector<16xf32>
    %sub3A_3552 = arith.subf %gather3A_3539, %gather3A_3531 : vector<16xf32>
    %select_n3A_3553 = arith.select %or3A_3515, %gather3A_3519, %sub3A_3552 : vector<16xi1>, vector<16xf32>
    %jit3A_3554 = arith.constant 0 : i32
    %broadcast_in_dim3A_3555 = vector.broadcast %jit3A_3554 : i32 to vector<16xi32>
    %select_n3A_3556 = arith.select %or3A_3515, %gather3A_3520, %broadcast_in_dim3A_3555 : vector<16xi1>, vector<16xi32>
    %swap3A_3557 = arith.constant 624 : index
    %swap3A_3558 = tpu.vector_load %arg22[%swap3A_3557] {strides = array<i32>} : memref<640xi32, #tpu.memory_space<vmem>>, vector<16xi32>,
    tpu.vector_store %arg22[%swap3A_3557], %select_n3A_3556 {strides = array<i32>} : memref<640xi32, #tpu.memory_space<vmem>>, vector<16xi32>,
    %add3A_3559 = arith.constant 624 : i32
    %add3A_3560 = vector.broadcast %add3A_3559 : i32 to vector<16xi32>
    %add3A_3561 = arith.addi %iota3A, %add3A_3560 : vector<16xi32>
    tpu.vector_store_idx %arg21[%add3A_3561, %broadcast_in_dim3A_696], %select_n3A_3544 : memref<640x4xf32, #tpu.memory_space<vmem>>[vector<16xi32>, vector<16xi32>], vector<16xf32>,
    %add3A_3562 = arith.constant 1 : i32
    %add3A_3563 = vector.broadcast %add3A_3562 : i32 to vector<16xi32>
    %add3A_3564 = arith.addi %broadcast_in_dim3A_696, %add3A_3563 : vector<16xi32>
    tpu.vector_store_idx %arg21[%add3A_3561, %add3A_3564], %select_n3A_3549 : memref<640x4xf32, #tpu.memory_space<vmem>>[vector<16xi32>, vector<16xi32>], vector<16xf32>,
    %add3A_3565 = arith.constant 2 : i32
    %add3A_3566 = vector.broadcast %add3A_3565 : i32 to vector<16xi32>
    %add3A_3567 = arith.addi %broadcast_in_dim3A_696, %add3A_3566 : vector<16xi32>
    tpu.vector_store_idx %arg21[%add3A_3561, %add3A_3567], %select_n3A_3551 : memref<640x4xf32, #tpu.memory_space<vmem>>[vector<16xi32>, vector<16xi32>], vector<16xf32>,
    %add3A_3568 = arith.constant 3 : i32
    %add3A_3569 = vector.broadcast %add3A_3568 : i32 to vector<16xi32>
    %add3A_3570 = arith.addi %broadcast_in_dim3A_696, %add3A_3569 : vector<16xi32>
    tpu.vector_store_idx %arg21[%add3A_3561, %add3A_3570], %select_n3A_3553 : memref<640x4xf32, #tpu.memory_space<vmem>>[vector<16xi32>, vector<16xi32>], vector<16xf32>,
    "tpu.region"() ({
      %run_scoped3A = tpu.sem_alloc : memref<!tpu.dma_semaphore, #tpu.memory_space<semaphore_mem>>
      %dma_start3A_3571 = arith.constant 0 : i32
      %dma_start3A_3572 = tpu.memref_slice %arg8[%mul3A_2, %dma_start3A_3571] : memref<20480x4xf32, #tpu.memory_space<hbm>> -> memref<640x4xf32, #tpu.memory_space<hbm>>
      %dma_start3A_3573 = arith.constant 0 : i32
      %dma_start3A_3574 = tpu.memref_slice %arg8[%mul3A_2, %dma_start3A_3573] : memref<20480x4xf32, #tpu.memory_space<hbm>> -> memref<640x4xf32, #tpu.memory_space<hbm>>
      tpu.enqueue_dma source(%arg21 : memref<640x4xf32, #tpu.memory_space<vmem>>) target(%dma_start3A_3574 : memref<640x4xf32, #tpu.memory_space<hbm>>) target_semaphore(%run_scoped3A : memref<!tpu.dma_semaphore, #tpu.memory_space<semaphore_mem>>)
      %dma_wait3A_3575 = arith.constant 0 : i32
      %dma_wait3A_3576 = tpu.memref_slice %arg8[%mul3A_2, %dma_wait3A_3575] : memref<20480x4xf32, #tpu.memory_space<hbm>> -> memref<640x4xf32, #tpu.memory_space<hbm>>
      %dma_wait3A_3577 = arith.constant 0 : i32
      %dma_wait3A_3578 = tpu.memref_slice %arg8[%mul3A_2, %dma_wait3A_3577] : memref<20480x4xf32, #tpu.memory_space<hbm>> -> memref<640x4xf32, #tpu.memory_space<hbm>>
      tpu.wait_dma2 semaphore(%run_scoped3A : memref<!tpu.dma_semaphore, #tpu.memory_space<semaphore_mem>>) src(%arg21 : memref<640x4xf32, #tpu.memory_space<vmem>>) dst(%dma_wait3A_3578 : memref<640x4xf32, #tpu.memory_space<hbm>>)
      tpu.yield
    }) : () -> ()
    "tpu.region"() ({
      %run_scoped3A = tpu.sem_alloc : memref<!tpu.dma_semaphore, #tpu.memory_space<semaphore_mem>>
      %dma_start3A_3571 = tpu.memref_slice %arg9[%mul3A_2] : memref<20480xi32, #tpu.memory_space<hbm>> -> memref<640xi32, #tpu.memory_space<hbm>>
      %dma_start3A_3572 = tpu.memref_slice %arg9[%mul3A_2] : memref<20480xi32, #tpu.memory_space<hbm>> -> memref<640xi32, #tpu.memory_space<hbm>>
      tpu.enqueue_dma source(%arg22 : memref<640xi32, #tpu.memory_space<vmem>>) target(%dma_start3A_3572 : memref<640xi32, #tpu.memory_space<hbm>>) target_semaphore(%run_scoped3A : memref<!tpu.dma_semaphore, #tpu.memory_space<semaphore_mem>>)
      %dma_wait3A_3573 = tpu.memref_slice %arg9[%mul3A_2] : memref<20480xi32, #tpu.memory_space<hbm>> -> memref<640xi32, #tpu.memory_space<hbm>>
      %dma_wait3A_3574 = tpu.memref_slice %arg9[%mul3A_2] : memref<20480xi32, #tpu.memory_space<hbm>> -> memref<640xi32, #tpu.memory_space<hbm>>
      tpu.wait_dma2 semaphore(%run_scoped3A : memref<!tpu.dma_semaphore, #tpu.memory_space<semaphore_mem>>) src(%arg22 : memref<640xi32, #tpu.memory_space<vmem>>) dst(%dma_wait3A_3574 : memref<640xi32, #tpu.memory_space<hbm>>)
      tpu.yield
    }) : () -> ()
    return
  }
}

module attributes {stable_mosaic.version = 14 : i64} {
  func.func @_stage1_body(%arg0: i32, %arg1: memref<200x4xf32, #tpu.memory_space<vmem>>, %arg2: memref<4x2048xf32, #tpu.memory_space<vmem>>, %arg3: memref<1x2048xf32, #tpu.memory_space<vmem>>, %arg4: memref<1x2048xi32, #tpu.memory_space<vmem>>, %arg5: memref<208x1xi32, #tpu.memory_space<vmem>>, %arg6: memref<200x128xf32, #tpu.memory_space<vmem>>, %arg7: memref<200x128xi32, #tpu.memory_space<vmem>>, %arg8: memref<5x200x2048xf32, #tpu.memory_space<vmem>>) attributes {dimension_semantics = [#tpu.dimension_semantics<arbitrary>], iteration_bounds = array<i64: 10>, scalar_prefetch = 0 : i64, scratch_operands = 3 : i64, tpu.core_type = #tpu.core_type<tc>, window_params = [{pipeline_mode = #tpu.pipeline_mode<synchronous>, transform_indices = @transform_0, window_bounds = array<i64: 200, 4>}, {transform_indices = @transform_1, window_bounds = array<i64: 4, 2048>}, {transform_indices = @transform_2, window_bounds = array<i64: 1, 2048>}, {transform_indices = @transform_3, window_bounds = array<i64: 1, 2048>}, {pipeline_mode = #tpu.pipeline_mode<synchronous>, transform_indices = @transform_4, window_bounds = array<i64: 208, 1>}]} {
    %eq3A = arith.constant 0 : i32
    %eq3A_0 = arith.cmpi eq, %arg0, %eq3A : i32
    %convert_element_type3A = arith.extui %eq3A_0 : i1 to i32
    %cond3A = arith.constant 0 : i32
    %cond3A_1 = arith.cmpi ne, %convert_element_type3A, %cond3A : i32
    scf.if %cond3A_1 {
      %broadcast_in_dim3A_110 = arith.constant 1.000000e+00 : f32
      %broadcast_in_dim3A_111 = vector.broadcast %broadcast_in_dim3A_110 : f32 to vector<200x2048xf32>
      %get3A_112 = arith.constant 0 : index
      %get3A_113 = arith.constant 0 : index
      %get3A_114 = vector.load %arg1[%get3A_112, %get3A_113] : memref<200x4xf32, #tpu.memory_space<vmem>>, vector<200x1xf32>
      %mul3A_115 = vector.broadcast %get3A_114 : vector<200x1xf32> to vector<200x2048xf32>
      %mul3A_116 = arith.mulf %mul3A_115, %broadcast_in_dim3A_111 : vector<200x2048xf32>
      %get3A_117 = arith.constant 0 : index
      %get3A_118 = arith.constant 1 : index
      %get3A_119 = vector.load %arg1[%get3A_117, %get3A_118] : memref<200x4xf32, #tpu.memory_space<vmem>>, vector<200x1xf32>
      %mul3A_120 = vector.broadcast %get3A_119 : vector<200x1xf32> to vector<200x2048xf32>
      %mul3A_121 = arith.mulf %mul3A_120, %broadcast_in_dim3A_111 : vector<200x2048xf32>
      %get3A_122 = arith.constant 0 : index
      %get3A_123 = arith.constant 2 : index
      %get3A_124 = vector.load %arg1[%get3A_122, %get3A_123] : memref<200x4xf32, #tpu.memory_space<vmem>>, vector<200x1xf32>
      %mul3A_125 = vector.broadcast %get3A_124 : vector<200x1xf32> to vector<200x2048xf32>
      %mul3A_126 = arith.mulf %mul3A_125, %broadcast_in_dim3A_111 : vector<200x2048xf32>
      %get3A_127 = arith.constant 0 : index
      %get3A_128 = arith.constant 3 : index
      %get3A_129 = vector.load %arg1[%get3A_127, %get3A_128] : memref<200x4xf32, #tpu.memory_space<vmem>>, vector<200x1xf32>
      %mul3A_130 = vector.broadcast %get3A_129 : vector<200x1xf32> to vector<200x2048xf32>
      %mul3A_131 = arith.mulf %mul3A_130, %broadcast_in_dim3A_111 : vector<200x2048xf32>
      %swap3A_132 = arith.constant 0 : index
      %swap3A_133 = arith.constant 0 : index
      %swap3A_134 = arith.constant 0 : index
      %swap3A_135 = vector.load %arg8[%swap3A_132, %swap3A_133, %swap3A_134] : memref<5x200x2048xf32, #tpu.memory_space<vmem>>, vector<1x200x2048xf32>
      %swap3A_136 = vector.shape_cast %swap3A_135 : vector<1x200x2048xf32> to vector<200x2048xf32>
      %swap3A_137 = vector.shape_cast %mul3A_116 : vector<200x2048xf32> to vector<1x200x2048xf32>
      tpu.vector_store %arg8[%swap3A_132, %swap3A_133, %swap3A_134], %swap3A_137 {strides = array<i32>} : memref<5x200x2048xf32, #tpu.memory_space<vmem>>, vector<1x200x2048xf32>,
      %swap3A_138 = arith.constant 1 : index
      %swap3A_139 = arith.constant 0 : index
      %swap3A_140 = arith.constant 0 : index
      %swap3A_141 = vector.load %arg8[%swap3A_138, %swap3A_139, %swap3A_140] : memref<5x200x2048xf32, #tpu.memory_space<vmem>>, vector<1x200x2048xf32>
      %swap3A_142 = vector.shape_cast %swap3A_141 : vector<1x200x2048xf32> to vector<200x2048xf32>
      %swap3A_143 = vector.shape_cast %mul3A_121 : vector<200x2048xf32> to vector<1x200x2048xf32>
      tpu.vector_store %arg8[%swap3A_138, %swap3A_139, %swap3A_140], %swap3A_143 {strides = array<i32>} : memref<5x200x2048xf32, #tpu.memory_space<vmem>>, vector<1x200x2048xf32>,
      %swap3A_144 = arith.constant 2 : index
      %swap3A_145 = arith.constant 0 : index
      %swap3A_146 = arith.constant 0 : index
      %swap3A_147 = vector.load %arg8[%swap3A_144, %swap3A_145, %swap3A_146] : memref<5x200x2048xf32, #tpu.memory_space<vmem>>, vector<1x200x2048xf32>
      %swap3A_148 = vector.shape_cast %swap3A_147 : vector<1x200x2048xf32> to vector<200x2048xf32>
      %swap3A_149 = vector.shape_cast %mul3A_126 : vector<200x2048xf32> to vector<1x200x2048xf32>
      tpu.vector_store %arg8[%swap3A_144, %swap3A_145, %swap3A_146], %swap3A_149 {strides = array<i32>} : memref<5x200x2048xf32, #tpu.memory_space<vmem>>, vector<1x200x2048xf32>,
      %swap3A_150 = arith.constant 3 : index
      %swap3A_151 = arith.constant 0 : index
      %swap3A_152 = arith.constant 0 : index
      %swap3A_153 = vector.load %arg8[%swap3A_150, %swap3A_151, %swap3A_152] : memref<5x200x2048xf32, #tpu.memory_space<vmem>>, vector<1x200x2048xf32>
      %swap3A_154 = vector.shape_cast %swap3A_153 : vector<1x200x2048xf32> to vector<200x2048xf32>
      %swap3A_155 = vector.shape_cast %mul3A_131 : vector<200x2048xf32> to vector<1x200x2048xf32>
      tpu.vector_store %arg8[%swap3A_150, %swap3A_151, %swap3A_152], %swap3A_155 {strides = array<i32>} : memref<5x200x2048xf32, #tpu.memory_space<vmem>>, vector<1x200x2048xf32>,
      %sub3A_156 = arith.subf %mul3A_126, %mul3A_116 : vector<200x2048xf32>
      %sub3A_157 = arith.subf %mul3A_131, %mul3A_121 : vector<200x2048xf32>
      %mul3A_158 = arith.mulf %sub3A_156, %sub3A_157 : vector<200x2048xf32>
      %swap3A_159 = arith.constant 4 : index
      %swap3A_160 = arith.constant 0 : index
      %swap3A_161 = arith.constant 0 : index
      %swap3A_162 = vector.load %arg8[%swap3A_159, %swap3A_160, %swap3A_161] : memref<5x200x2048xf32, #tpu.memory_space<vmem>>, vector<1x200x2048xf32>
      %swap3A_163 = vector.shape_cast %swap3A_162 : vector<1x200x2048xf32> to vector<200x2048xf32>
      %swap3A_164 = vector.shape_cast %mul3A_158 : vector<200x2048xf32> to vector<1x200x2048xf32>
      tpu.vector_store %arg8[%swap3A_159, %swap3A_160, %swap3A_161], %swap3A_164 {strides = array<i32>} : memref<5x200x2048xf32, #tpu.memory_space<vmem>>, vector<1x200x2048xf32>,
    } else {
    }
    %get3A = arith.constant 0 : index
    %get3A_2 = arith.constant 0 : index
    %get3A_3 = arith.constant 0 : index
    %get3A_4 = vector.load %arg8[%get3A, %get3A_2, %get3A_3] : memref<5x200x2048xf32, #tpu.memory_space<vmem>>, vector<1x200x2048xf32>
    %get3A_5 = vector.shape_cast %get3A_4 : vector<1x200x2048xf32> to vector<200x2048xf32>
    %get3A_6 = arith.constant 1 : index
    %get3A_7 = arith.constant 0 : index
    %get3A_8 = arith.constant 0 : index
    %get3A_9 = vector.load %arg8[%get3A_6, %get3A_7, %get3A_8] : memref<5x200x2048xf32, #tpu.memory_space<vmem>>, vector<1x200x2048xf32>
    %get3A_10 = vector.shape_cast %get3A_9 : vector<1x200x2048xf32> to vector<200x2048xf32>
    %get3A_11 = arith.constant 2 : index
    %get3A_12 = arith.constant 0 : index
    %get3A_13 = arith.constant 0 : index
    %get3A_14 = vector.load %arg8[%get3A_11, %get3A_12, %get3A_13] : memref<5x200x2048xf32, #tpu.memory_space<vmem>>, vector<1x200x2048xf32>
    %get3A_15 = vector.shape_cast %get3A_14 : vector<1x200x2048xf32> to vector<200x2048xf32>
    %get3A_16 = arith.constant 3 : index
    %get3A_17 = arith.constant 0 : index
    %get3A_18 = arith.constant 0 : index
    %get3A_19 = vector.load %arg8[%get3A_16, %get3A_17, %get3A_18] : memref<5x200x2048xf32, #tpu.memory_space<vmem>>, vector<1x200x2048xf32>
    %get3A_20 = vector.shape_cast %get3A_19 : vector<1x200x2048xf32> to vector<200x2048xf32>
    %get3A_21 = arith.constant 4 : index
    %get3A_22 = arith.constant 0 : index
    %get3A_23 = arith.constant 0 : index
    %get3A_24 = vector.load %arg8[%get3A_21, %get3A_22, %get3A_23] : memref<5x200x2048xf32, #tpu.memory_space<vmem>>, vector<1x200x2048xf32>
    %get3A_25 = vector.shape_cast %get3A_24 : vector<1x200x2048xf32> to vector<200x2048xf32>
    %get3A_26 = arith.constant 0 : index
    %get3A_27 = arith.constant 0 : index
    %get3A_28 = vector.load %arg2[%get3A_26, %get3A_27] : memref<4x2048xf32, #tpu.memory_space<vmem>>, vector<1x2048xf32>
    %get3A_29 = arith.constant 1 : index
    %get3A_30 = arith.constant 0 : index
    %get3A_31 = vector.load %arg2[%get3A_29, %get3A_30] : memref<4x2048xf32, #tpu.memory_space<vmem>>, vector<1x2048xf32>
    %get3A_32 = arith.constant 2 : index
    %get3A_33 = arith.constant 0 : index
    %get3A_34 = vector.load %arg2[%get3A_32, %get3A_33] : memref<4x2048xf32, #tpu.memory_space<vmem>>, vector<1x2048xf32>
    %get3A_35 = arith.constant 3 : index
    %get3A_36 = arith.constant 0 : index
    %get3A_37 = vector.load %arg2[%get3A_35, %get3A_36] : memref<4x2048xf32, #tpu.memory_space<vmem>>, vector<1x2048xf32>
    %min3A = vector.broadcast %get3A_34 : vector<1x2048xf32> to vector<200x2048xf32>
    %min3A_38 = arith.minimumf %get3A_15, %min3A : vector<200x2048xf32>
    %max3A = vector.broadcast %get3A_28 : vector<1x2048xf32> to vector<200x2048xf32>
    %max3A_39 = arith.maximumf %get3A_5, %max3A : vector<200x2048xf32>
    %sub3A = arith.subf %min3A_38, %max3A_39 : vector<200x2048xf32>
    %max3A_40 = arith.constant 0.000000e+00 : f32
    %max3A_41 = vector.broadcast %max3A_40 : f32 to vector<200x2048xf32>
    %max3A_42 = arith.maximumf %sub3A, %max3A_41 : vector<200x2048xf32>
    %min3A_43 = vector.broadcast %get3A_37 : vector<1x2048xf32> to vector<200x2048xf32>
    %min3A_44 = arith.minimumf %get3A_20, %min3A_43 : vector<200x2048xf32>
    %max3A_45 = vector.broadcast %get3A_31 : vector<1x2048xf32> to vector<200x2048xf32>
    %max3A_46 = arith.maximumf %get3A_10, %max3A_45 : vector<200x2048xf32>
    %sub3A_47 = arith.subf %min3A_44, %max3A_46 : vector<200x2048xf32>
    %max3A_48 = arith.constant 0.000000e+00 : f32
    %max3A_49 = vector.broadcast %max3A_48 : f32 to vector<200x2048xf32>
    %max3A_50 = arith.maximumf %sub3A_47, %max3A_49 : vector<200x2048xf32>
    %mul3A = arith.mulf %max3A_42, %max3A_50 : vector<200x2048xf32>
    %sub3A_51 = arith.subf %get3A_34, %get3A_28 : vector<1x2048xf32>
    %sub3A_52 = arith.subf %get3A_37, %get3A_31 : vector<1x2048xf32>
    %mul3A_53 = arith.mulf %sub3A_51, %sub3A_52 : vector<1x2048xf32>
    %add3A = vector.broadcast %mul3A_53 : vector<1x2048xf32> to vector<200x2048xf32>
    %add3A_54 = arith.addf %get3A_25, %add3A : vector<200x2048xf32>
    %sub3A_55 = arith.subf %add3A_54, %mul3A : vector<200x2048xf32>
    %div3A = arith.divf %mul3A, %sub3A_55 : vector<200x2048xf32>
    %iota3A = tpu.iota {dimensions = array<i32: 0>} : vector<200x2048xi32>
    %iota3A_56 = tpu.iota {dimensions = array<i32: 1>} : vector<200x2048xi32>
    %mul3A_57 = arith.constant 2048 : i32
    %mul3A_58 = arith.muli %arg0, %mul3A_57 : i32
    %add3A_59 = vector.broadcast %mul3A_58 : i32 to vector<200x2048xi32>
    %add3A_60 = arith.addi %iota3A_56, %add3A_59 : vector<200x2048xi32>
    %reduce_max3A = arith.constant dense<0xFF800000> : vector<2048xf32>
    %reduce_max3A_61 = vector.multi_reduction <maximumf>, %div3A, %reduce_max3A [0] : vector<200x2048xf32> to vector<2048xf32>
    %broadcast_in_dim3A = vector.shape_cast %reduce_max3A_61 : vector<2048xf32> to vector<1x2048xf32>
    %eq3A_62 = vector.broadcast %broadcast_in_dim3A : vector<1x2048xf32> to vector<200x2048xf32>
    %eq3A_63 = arith.cmpf oeq, %div3A, %eq3A_62 : vector<200x2048xf32>
    %jit3A = arith.constant 1073741824 : i32
    %broadcast_in_dim3A_64 = vector.broadcast %jit3A : i32 to vector<200x2048xi32>
    %select_n3A = arith.select %eq3A_63, %iota3A, %broadcast_in_dim3A_64 : vector<200x2048xi1>, vector<200x2048xi32>
    %reduce_min3A = arith.constant dense<2147483647> : vector<2048xi32>
    %reduce_min3A_65 = vector.multi_reduction <minsi>, %select_n3A, %reduce_min3A [0] : vector<200x2048xi32> to vector<2048xi32>
    %broadcast_in_dim3A_66 = vector.shape_cast %reduce_min3A_65 : vector<2048xi32> to vector<1x2048xi32>
    %swap3A = arith.constant 0 : index
    %swap3A_67 = arith.constant 0 : index
    %swap3A_68 = vector.load %arg3[%swap3A, %swap3A_67] : memref<1x2048xf32, #tpu.memory_space<vmem>>, vector<1x2048xf32>
    tpu.vector_store %arg3[%swap3A, %swap3A_67], %broadcast_in_dim3A {strides = array<i32>} : memref<1x2048xf32, #tpu.memory_space<vmem>>, vector<1x2048xf32>,
    %swap3A_69 = arith.constant 0 : index
    %swap3A_70 = arith.constant 0 : index
    %swap3A_71 = vector.load %arg4[%swap3A_69, %swap3A_70] : memref<1x2048xi32, #tpu.memory_space<vmem>>, vector<1x2048xi32>
    tpu.vector_store %arg4[%swap3A_69, %swap3A_70], %broadcast_in_dim3A_66 {strides = array<i32>} : memref<1x2048xi32, #tpu.memory_space<vmem>>, vector<1x2048xi32>,
    %reduce_max3A_72 = arith.constant dense<0xFF800000> : vector<200xf32>
    %reduce_max3A_73 = vector.multi_reduction <maximumf>, %div3A, %reduce_max3A_72 [1] : vector<200x2048xf32> to vector<200xf32>
    %broadcast_in_dim3A_74 = vector.shape_cast %reduce_max3A_73 : vector<200xf32> to vector<200x1xf32>
    %eq3A_75 = vector.broadcast %broadcast_in_dim3A_74 : vector<200x1xf32> to vector<200x2048xf32>
    %eq3A_76 = arith.cmpf oeq, %div3A, %eq3A_75 : vector<200x2048xf32>
    %jit3A_77 = arith.constant 1073741824 : i32
    %broadcast_in_dim3A_78 = vector.broadcast %jit3A_77 : i32 to vector<200x2048xi32>
    %select_n3A_79 = arith.select %eq3A_76, %add3A_60, %broadcast_in_dim3A_78 : vector<200x2048xi1>, vector<200x2048xi32>
    %reduce_min3A_80 = arith.constant dense<2147483647> : vector<200xi32>
    %reduce_min3A_81 = vector.multi_reduction <minsi>, %select_n3A_79, %reduce_min3A_80 [1] : vector<200x2048xi32> to vector<200xi32>
    %broadcast_in_dim3A_82 = vector.shape_cast %reduce_min3A_81 : vector<200xi32> to vector<200x1xi32>
    %eq3A_83 = arith.constant 0 : i32
    %eq3A_84 = arith.cmpi eq, %arg0, %eq3A_83 : i32
    %convert_element_type3A_85 = arith.extui %eq3A_84 : i1 to i32
    %cond3A_86 = arith.constant 0 : i32
    %cond3A_87 = arith.cmpi ne, %convert_element_type3A_85, %cond3A_86 : i32
    scf.if %cond3A_87 {
      %broadcast_in_dim3A_110 = arith.constant -1.000000e+00 : f32
      %broadcast_in_dim3A_111 = vector.broadcast %broadcast_in_dim3A_110 : f32 to vector<200x1xf32>
      %swap3A_112 = arith.constant 0 : index
      %swap3A_113 = arith.constant 0 : index
      %swap3A_114 = vector.load %arg6[%swap3A_112, %swap3A_113] : memref<200x128xf32, #tpu.memory_space<vmem>>, vector<200x1xf32>
      tpu.vector_store %arg6[%swap3A_112, %swap3A_113], %broadcast_in_dim3A_111 {strides = array<i32>} : memref<200x128xf32, #tpu.memory_space<vmem>>, vector<200x1xf32>,
    } else {
    }
    %get3A_88 = arith.constant 0 : index
    %get3A_89 = arith.constant 0 : index
    %get3A_90 = vector.load %arg6[%get3A_88, %get3A_89] : memref<200x128xf32, #tpu.memory_space<vmem>>, vector<200x1xf32>
    %gt3A = arith.cmpf ogt, %broadcast_in_dim3A_74, %get3A_90 : vector<200x1xf32>
    %select_n3A_91 = arith.select %gt3A, %broadcast_in_dim3A_74, %get3A_90 : vector<200x1xi1>, vector<200x1xf32>
    %swap3A_92 = arith.constant 0 : index
    %swap3A_93 = arith.constant 0 : index
    %swap3A_94 = vector.load %arg6[%swap3A_92, %swap3A_93] : memref<200x128xf32, #tpu.memory_space<vmem>>, vector<200x1xf32>
    tpu.vector_store %arg6[%swap3A_92, %swap3A_93], %select_n3A_91 {strides = array<i32>} : memref<200x128xf32, #tpu.memory_space<vmem>>, vector<200x1xf32>,
    %eq3A_95 = arith.constant 0 : i32
    %eq3A_96 = arith.cmpi eq, %arg0, %eq3A_95 : i32
    %convert_element_type3A_97 = arith.extui %eq3A_96 : i1 to i32
    %cond3A_98 = arith.constant 0 : i32
    %cond3A_99 = arith.cmpi ne, %convert_element_type3A_97, %cond3A_98 : i32
    scf.if %cond3A_99 {
      %swap3A_110 = arith.constant 0 : index
      %swap3A_111 = arith.constant 0 : index
      %swap3A_112 = vector.load %arg7[%swap3A_110, %swap3A_111] : memref<200x128xi32, #tpu.memory_space<vmem>>, vector<200x1xi32>
      tpu.vector_store %arg7[%swap3A_110, %swap3A_111], %broadcast_in_dim3A_82 {strides = array<i32>} : memref<200x128xi32, #tpu.memory_space<vmem>>, vector<200x1xi32>,
    } else {
    }
    %gt3A_100 = arith.constant 0 : i32
    %gt3A_101 = arith.cmpi sgt, %arg0, %gt3A_100 : i32
    %convert_element_type3A_102 = arith.extui %gt3A_101 : i1 to i32
    %cond3A_103 = arith.constant 0 : i32
    %cond3A_104 = arith.cmpi ne, %convert_element_type3A_102, %cond3A_103 : i32
    scf.if %cond3A_104 {
      %get3A_110 = arith.constant 0 : index
      %get3A_111 = arith.constant 0 : index
      %get3A_112 = vector.load %arg7[%get3A_110, %get3A_111] : memref<200x128xi32, #tpu.memory_space<vmem>>, vector<200x1xi32>
      %select_n3A_113 = arith.select %gt3A, %broadcast_in_dim3A_82, %get3A_112 : vector<200x1xi1>, vector<200x1xi32>
      %swap3A_114 = arith.constant 0 : index
      %swap3A_115 = arith.constant 0 : index
      %swap3A_116 = vector.load %arg7[%swap3A_114, %swap3A_115] : memref<200x128xi32, #tpu.memory_space<vmem>>, vector<200x1xi32>
      tpu.vector_store %arg7[%swap3A_114, %swap3A_115], %select_n3A_113 {strides = array<i32>} : memref<200x128xi32, #tpu.memory_space<vmem>>, vector<200x1xi32>,
    } else {
    }
    %eq3A_105 = arith.constant 9 : i32
    %eq3A_106 = arith.cmpi eq, %arg0, %eq3A_105 : i32
    %convert_element_type3A_107 = arith.extui %eq3A_106 : i1 to i32
    %cond3A_108 = arith.constant 0 : i32
    %cond3A_109 = arith.cmpi ne, %convert_element_type3A_107, %cond3A_108 : i32
    scf.if %cond3A_109 {
      %get3A_110 = arith.constant 0 : index
      %get3A_111 = arith.constant 0 : index
      %get3A_112 = vector.load %arg7[%get3A_110, %get3A_111] : memref<200x128xi32, #tpu.memory_space<vmem>>, vector<200x1xi32>
      %swap3A_113 = arith.constant 0 : index
      %swap3A_114 = arith.constant 0 : index
      %swap3A_115 = vector.load %arg5[%swap3A_113, %swap3A_114] : memref<208x1xi32, #tpu.memory_space<vmem>>, vector<200x1xi32>
      tpu.vector_store %arg5[%swap3A_113, %swap3A_114], %get3A_112 {strides = array<i32>} : memref<208x1xi32, #tpu.memory_space<vmem>>, vector<200x1xi32>,
      %broadcast_in_dim3A_116 = arith.constant -1 : i32
      %broadcast_in_dim3A_117 = vector.broadcast %broadcast_in_dim3A_116 : i32 to vector<8x1xi32>
      %swap3A_118 = arith.constant 200 : index
      %swap3A_119 = arith.constant 0 : index
      %swap3A_120 = vector.load %arg5[%swap3A_118, %swap3A_119] : memref<208x1xi32, #tpu.memory_space<vmem>>, vector<8x1xi32>
      tpu.vector_store %arg5[%swap3A_118, %swap3A_119], %broadcast_in_dim3A_117 {strides = array<i32>} : memref<208x1xi32, #tpu.memory_space<vmem>>, vector<8x1xi32>,
    } else {
    }
    return
  }
  func.func @transform_0(%arg0: i32) -> (i32, i32) {
    %c0_i32 = arith.constant 0 : i32
    %c0_i32_0 = arith.constant 0 : i32
    %c0_i32_1 = arith.constant 0 : i32
    return %c0_i32, %c0_i32_0 : i32, i32
  }
  func.func @transform_1(%arg0: i32) -> (i32, i32) {
    %c0_i32 = arith.constant 0 : i32
    %c0_i32_0 = arith.constant 0 : i32
    return %c0_i32, %arg0 : i32, i32
  }
  func.func @transform_2(%arg0: i32) -> (i32, i32) {
    %c0_i32 = arith.constant 0 : i32
    %c0_i32_0 = arith.constant 0 : i32
    return %c0_i32, %arg0 : i32, i32
  }
  func.func @transform_3(%arg0: i32) -> (i32, i32) {
    %c0_i32 = arith.constant 0 : i32
    %c0_i32_0 = arith.constant 0 : i32
    return %c0_i32, %arg0 : i32, i32
  }
  func.func @transform_4(%arg0: i32) -> (i32, i32) {
    %c0_i32 = arith.constant 0 : i32
    %c0_i32_0 = arith.constant 0 : i32
    %c0_i32_1 = arith.constant 0 : i32
    return %c0_i32, %c0_i32_0 : i32, i32
  }
}

</mosaic_0001>

<sc_bundles>
// kernel: _run.4.cloned.1.call-start
scs
__scs_entry_jumppad:
0x0: {  	(pc) =	sbr.rel $0x88, $3  }
0x1: {  	(tag) =	ssettag $0x0;
	lr =	simm.s32 $0x1  }
0x2: {  	[smem:$0x3F9D] =	sst lr;
	_ =	strace $0xD0000000  }
0x3: {  	_ = 	snop  }
0x4: {  	_ = 	snop  }
0x5: {  	_ = 	snop  }
0x6: {  	_ = 	snop  }
0x7: {  	_ = 	snop  }
__scs_overlays_trampoline_lowered:
0x8: {  	[smem:$0x3FAC] =	sst s0  }
0x9: {  	[smem:$0x3FAD] =	sst s1  }
0xa: {  	[smem:$0x3FAE] =	sst s2  }
0xb: {  	[smem:$0x3FAF] =	sst s3  }
0xc: {  	[smem:$0x3FB0] =	sst s4  }
0xd: {  	[smem:$0x3FB1] =	sst s5  }
0xe: {  	[smem:$0x3FB2] =	sst s6  }
0xf: {  	[smem:$0x3FB3] =	sst s7  }
0x10: {  	[smem:$0x3FB4] =	sst s8  }
0x11: {  	[smem:$0x3FB5] =	sst s9;
	s0 =	simm.s32 @!p0 $0x0  }
0x12: {  	s1 =	sld [smem:$0x3F9B];
	s0 =	simm.s32 @p0 $0x1  }
0x13: {  	[smem:$0x3FB6] =	sst s0;
	s0 =	simm.s32 @!p1 $0x0  }
0x14: {  	s2 =	sld [smem:$0x3F9A];
	s0 =	simm.s32 @p1 $0x1  }
0x15: {  	[smem:$0x3FB7] =	sst s0;
	s0 =	simm.s32 @!p2 $0x0  }
0x16: {  	s3 =	sld [smem:$0x3FDB];
	s0 =	simm.s32 @p2 $0x1  }
0x17: {  	s4 =	simm.s32 $0x1BF5;
	[smem:$0x3FB9] =	sst s0  }
0x18: {  	s0 =	sld [smem:$0x3F9C];
	_ =	swait.ge [sflag:s4], $0x0  }
0x19: {  	s7 =	sld [smem:$0x3F9D]  }
0x1a: {  	s8 =	sadd.s32 $0xFFFFE003, lr  }
0x1b: {  	s9 =	sadd.s32 $0xFFFFFEF7, lr;
	s5 =	simm.s32 $0xFFFFFFFF;
	p2 =	slt.u32 s8, $0xFFFFF086  }
0x1c: {  	p1 =	slt.u32 s9, $0xF7A;
	s5 =	simm.s32 @!p2 $0x0  }
0x1d: {  	s5 =	simm.s32 @p1 $0x1;
	p0 =	seq.s32 s7, s2  }
0x1e: {  	s7 =	smul.u32 @!p0 $0xF7A, s2;
	p2 =	seq.s32 @!p0 s5, $0x0  }
0x1f: {  	s9 =	smul.u32 $0xF7A, s1;
	s8 =	simm.s32 @!p0 $0x1BF5;
	p2 =	por !p2, p0  }
0x20: {  	[sflag:s8] =	ssyncset.s32 @!p0 $0xFFFFF086;
	s6 =	sadd.s32 @!p0 s3, s7;
	s7 =	simm.s32 @!p0 $0x108  }
0x21: {  	s3 =	sadd.s32 s3, s9;
	s6 =	sadd.s32 @!p0 $0x88, s6;
	s7 =	simm.s32 @p2 $0x1082  }
0x22: {  	[simem:s7], [sflag:s8] =	dma.local @!p0 [hbm:s6], $0xF7A  }
0x23: {  	s9 =	sor.u32 $0xD0000000, s2;
	s6 =	simm.s32 $0x108;
	_ =	swait.ge @!p0 [sflag:s8], $0x0  }
0x24: {  	s3 =	sadd.s32 $0x88, s3;
	s6 =	simm.s32 @!p1 $0x1082;
	[sflag:s4] =	ssyncset.s32 $0xFFFFF086  }
0x25: {  	[simem:s6], [sflag:s4] =	dma.local [hbm:s3], $0xF7A  }
0x26: {  	[smem:$0x3F9D] =	sst s1;
	(tag) =	ssettag s2;
	_ =	strace s9  }
0x27: {  	s1 =	sld [smem:$0x3FAD]  }
0x28: {  	s2 =	sld [smem:$0x3FAE]  }
0x29: {  	s4 =	sld [smem:$0x3FB0]  }
0x2a: {  	p0 =	seq.s32 s5, $0x0;
	s5 =	sld [smem:$0x3FB1]  }
0x2b: {  	s6 =	sld [smem:$0x3FB2]  }
0x2c: {  	s7 =	sld [smem:$0x3FB3]  }
0x2d: {  	s3 =	simm.s32 $0x108;
	s8 =	sld [smem:$0x3FB4]  }
0x2e: {  	s3 =	simm.s32 @!p0 $0x1082;
	s9 =	sld [smem:$0x3FB5]  }
0x2f: {  	lr =	sadd.s32 s0, s3;
	s0 =	sld [smem:$0x3FAC]  }
0x30: {  	s3 =	sld [smem:$0x3FAF]  }
0x31: {  	[smem:$0x3FB8] =	sst s10  }
0x32: {  	s10 =	sld [smem:$0x3FB6];
	_ =	sdelay $0x3  }
0x33: {  	p0 =	seq.s32 s10, $0x1;
	s10 =	sld [smem:$0x3FB8];
	_ =	sdelay $0x3  }
0x34: {  	[smem:$0x3FB8] =	sst s10  }
0x35: {  	s10 =	sld [smem:$0x3FB7];
	_ =	sdelay $0x3  }
0x36: {  	p1 =	seq.s32 s10, $0x1;
	s10 =	sld [smem:$0x3FB8];
	_ =	sdelay $0x3  }
0x37: {  	[smem:$0x3FB8] =	sst s10  }
0x38: {  	s10 =	sld [smem:$0x3FB9]  }
0x39: {  	_ = 	snop;
	(pc) =	sbr.ind lr, $3  }
0x3a: {  	_ = 	snop  }
0x3b: {  	_ = 	snop  }
0x3c: {  	p2 =	seq.s32 s10, $0x1;
	s10 =	sld [smem:$0x3FB8]  }
0x3d: {  	_ =	shalt  }
0x3e: {  	_ =	shalt  }
0x3f: {  	_ =	shalt  }
0x40: {  	_ =	shalt  }
0x41: {  	_ =	shalt  }
0x42: {  	_ =	shalt  }
0x43: {  	_ =	shalt  }
0x44: {  	_ =	shalt  }
0x45: {  	_ =	shalt  }
0x46: {  	_ =	shalt  }
0x47: {  	_ =	shalt  }
0x48: {  	_ =	shalt  }
0x49: {  	_ =	shalt  }
0x4a: {  	_ =	shalt  }
0x4b: {  	_ =	shalt  }
0x4c: {  	_ =	shalt  }
0x4d: {  	_ =	shalt  }
0x4e: {  	_ =	shalt  }
0x4f: {  	_ =	shalt  }
0x50: {  	_ =	shalt  }
0x51: {  	_ =	shalt  }
0x52: {  	_ =	shalt  }
0x53: {  	_ =	shalt  }
0x54: {  	_ =	shalt  }
0x55: {  	_ =	shalt  }
0x56: {  	_ =	shalt  }
0x57: {  	_ =	shalt  }
0x58: {  	_ =	shalt  }
0x59: {  	_ =	shalt  }
0x5a: {  	_ =	shalt  }
0x5b: {  	_ =	shalt  }
0x5c: {  	_ =	shalt  }
0x5d: {  	_ =	shalt  }
0x5e: {  	_ =	shalt  }
0x5f: {  	_ =	shalt  }
0x60: {  	_ =	shalt  }
0x61: {  	_ =	shalt  }
0x62: {  	_ =	shalt  }
0x63: {  	_ =	shalt  }
0x64: {  	_ =	shalt  }
0x65: {  	_ =	shalt  }
0x66: {  	_ =	shalt  }
0x67: {  	_ =	shalt  }
0x68: {  	_ =	shalt  }
0x69: {  	_ =	shalt  }
0x6a: {  	_ =	shalt  }
0x6b: {  	_ =	shalt  }
0x6c: {  	_ =	shalt  }
0x6d: {  	_ =	shalt  }
0x6e: {  	_ =	shalt  }
0x6f: {  	_ =	shalt  }
0x70: {  	_ =	shalt  }
0x71: {  	_ =	shalt  }
0x72: {  	_ =	shalt  }
0x73: {  	_ =	shalt  }
0x74: {  	_ =	shalt  }
0x75: {  	_ =	shalt  }
0x76: {  	_ =	shalt  }
0x77: {  	_ =	shalt  }
0x78: {  	_ =	shalt  }
0x79: {  	_ =	shalt  }
0x7a: {  	_ =	shalt  }
0x7b: {  	_ =	shalt  }
0x7c: {  	_ =	shalt  }
0x7d: {  	_ =	shalt  }
0x7e: {  	_ =	shalt  }
0x7f: {  	_ =	shalt  }
0x80: {  	_ =	shalt  }
0x81: {  	_ =	shalt  }
0x82: {  	_ =	shalt  }
0x83: {  	_ =	shalt  }
0x84: {  	_ =	shalt  }
0x85: {  	_ =	shalt  }
0x86: {  	_ =	shalt  }
0x87: {  	_ =	shalt  }
.Lfunc_end0:
.L_simem_size_0:
called_computation_lowered:
.L_overlay_start_0:
0x88: {  	s2 =	sld [smem:$0x3FD9]  }
0x89: {  	s3 =	sld [smem:$0x3FFE];
	_ =	sdelay $0x1  }
0x8a: {  	s1 =	srdreg.scid  }
0x8b: {  	s0 =	sand.u32 $0x1, s1  }
0x8c: {  	s14 =	sshll.u32 s0, $0xA;
	s2 =	sadd.s32 s3, s2  }
0x8d: {  	s2 =	sadd.s32 s2, s14  }
0x8e: {  	[smem:$0x3FC4] =	sst s2  }
0x8f: {  	_ = 	snop  }
0x90: {  	s2 =	sld [smem:$0x3FD0];
	_ =	sdelay $0x2  }
0x91: {  	s4 =	simm.s32 $0xA;
	s5 =	simm.s32 $0x10;
	s15 =	sld [smem:$0x3FC7]  }
0x92: {  	[smem:s5], [sflag:s4] =	dma.local [hbm:s2], $0x1  }
0x93: {  	_ =	swait.eq [sflag:s4], $0x1  }
0x94: {  	s16 =	sld [smem:$0x10];
	[sflag:s4] =	ssyncset.done $0x0  }
0x95: {  	s17 =	sld [smem:$0x11];
	[sflag:s4] =	ssyncadd.s32 $0xFFFFFFFF  }
0x96: {  	s18 =	sld [smem:$0x12];
	(tm) =	ssettm $0x1  }
0x97: {  	s6 =	sld [smem:$0x3FFB];
	_ =	sdelay $0x3  }
0x98: {  	_ =	strace s6  }
0x99: {  	s6 =	sld [smem:$0x3FFC];
	_ =	sdelay $0x3  }
0x9a: {  	_ =	strace s6  }
0x9b: {  	s6 =	sld [smem:$0x3FFD];
	_ =	sdelay $0x3  }
0x9c: {  	_ =	strace s6  }
0x9d: {  	_ =	strace $0x8FFFFFFF  }
0x9e: {  	s19 =	sld [smem:$0x3FDB];
	_ =	sdelay $0x1  }
0x9f: {  	s7 =	simm.s32 $_scs_section_size  }
0xa0: {  	s8 =	simm.s32 $_size__tile_overlayer_lowered;
	s9 =	simm.s32 $_tile_overlayer_lowered  }
0xa1: {  	s22 =	simm.s32 $0x1BFF;
	s21 =	sshll.u32 s9, $0x1;
	s6 =	sadd.s32 s7, s19  }
0xa2: {  	s10 =	simm.s32 $0x0;
	s20 =	sshll.u32 s8, $0x1;
	s8 =	sadd.s32 s21, s6  }
0xa3: {  	[timem:s10], [sflag:s22] =	dma.local [hbm:s8], s20  }
0xa4: {  	_ =	swait.ge [sflag:s22], s20  }
0xa5: {  	s7 =	ssub.s32 $0x0, s20;
	[sflag:s22] =	ssyncset.done $0x0  }
0xa6: {  	[sflag:s22] =	ssyncadd.s32 s7;
	_ =	sdelay $0x1  }
0xa7: {  	s23 =	simm.s32 $0x1B8B  }
0xa8: {  	_ =	swait.ge [sflag:s23], $0x1  }
0xa9: {  	[sflag:s23] =	ssyncset.done $0x0  }
0xaa: {  	s25 =	simm.s32 $0x1B8E;
	s24 =	sld [smem:$0x3FFE];
	[sflag:s23] =	ssyncadd.s32 $0xFFFFFFFF  }
0xab: {  	s26 =	simm.s32 $execute0_lowered;
	[smem:$0x3FD2] =	sst s25  }
0xac: {  	s8 =	sshll.u32 s26, $0x1;
	_ =	strace $0x80000046;
	[dreg:$0x1] =	wrdreg $0xFFFFFFFF  }
0xad: {  	s28 =	simm.s32 $_size_execute0_lowered;
	s6 =	sadd.s32 s6, s8;
	[dreg:$0x0] =	wrdreg $0x0  }
0xae: {  	s8 =	sshll.u32 s28, $0x1;
	[dreg:$0x2] =	wrdreg s6  }
0xaf: {  	[dreg:$0x3] =	wrdreg s8  }
0xb0: {  	[dreg:$0x4] =	wrdreg $0xC0  }
0xb1: {  	_ =	task [dreg:s10], $0x5FFFF  }
0xb2: {  	[dreg:$0x1] =	wrdreg $0xFFFFFFFF  }
0xb3: {  	[dreg:$0x0] =	wrdreg $0x60  }
0xb4: {  	[dreg:$0x2] =	wrdreg s17  }
0xb5: {  	[dreg:$0x3] =	wrdreg s24  }
0xb6: {  	[dreg:$0x4] =	wrdreg s15  }
0xb7: {  	[dreg:$0x5] =	wrdreg s16  }
0xb8: {  	[dreg:$0x6] =	wrdreg s18  }
0xb9: {  	[dreg:$0x7] =	wrdreg $0x9  }
0xba: {  	_ =	task.clear_ibuf [dreg:s10], $0x8FFFF;
	_ =	strace $0x90000046  }
0xbb: {  	s29 =	simm.s32 $0x9;
	_ =	strace $0x80000048  }
0xbc: {  	_ =	swait.ge [sflag:s29], $0x1  }
0xbd: {  	[sflag:s29] =	ssyncadd.s32 $0xFFFFFFFF  }
0xbe: {  	_ =	strace $0x90000048  }
0xbf: {  	_ =	sfence  }
0xc0: {  	s30 =	sld [smem:$0x0];
	_ =	sdelay $0x2  }
0xc1: {  	s31 =	sshll.u32 s1, $0xD;
	s1 =	sshrl.u32 s1, $0x2  }
0xc2: {  	s3 =	sand.u32 $0x4000, s31;
	s1 =	sadd.s32 s1, s30  }
0xc3: {  	s0 =	sor.u32 s3, s0;
	s1 =	sshll.u32 s1, $0x11  }
0xc4: {  	s0 =	sor.u32 s1, s0  }
0xc5: {  	s0 =	sadd.s32 $0x8F2B, s0  }
0xc6: {  	[sflag:s0] =	ssyncadd.remote.s32 $0x1  }
0xc7: {  	_ =	sfence.sel $0xFFFF  }
0xc8: {  	[dreg:$0x0] =	wrdreg $0xFFFFFFFF;
	(pc) =	sbr.abs _section_cstart, $3  }
0xc9: {  	[dreg:$0x1] =	wrdreg $0xFFFFFFFF  }
0xca: {  	_ =	task.clear_ibuf [dreg:s10], $0x2FFFF;
	_ =	strace $0x9FFFFFFF  }
0xcb: {  	(tm) =	ssettm $0x7FFFFFFF  }
tec
execute0_lowered:
.L_overlay_start_1:
0x0: {  	(tag) =	ssettag $0x1  }
0x1: {  	v0 =	vlaneseq.u32;
	v42 =	vimm.s32 $0x31C;
	vm0 =	vcmask $0x300  }
0x2: {  	vm3 =	vcmask $0x704;
	vm4 =	vcmask $0xB08;
	vm5 =	vcmask $0xF0C  }
0x3: {  	vm6 =	vcmask $0x1310;
	vm1 =	vcmask $0x1714;
	vm14 =	vcmask $0x1B18  }
0x4: {  	v50 =	vimm.s32 $0x31D;
	v51 =	vimm.s32 $0x31E;
	v52 =	vimm.s32 $0x31F  }
0x5: {  	v53 =	vimm.s32 $0xFFFFFFFF;
	vm2 =	vmmov $0x1;
	vm15 =	vcmask $0x1F1C  }
0x6: {  	vm12 =	vcmask $0x2320;
	vm13 =	vcmask $0x2724;
	vm8 =	vcmask $0x2B28  }
0x7: {  	vm9 =	vcmask $0x2F2C;
	vm10 =	vcmask $0x3330;
	v1 =	vmul.u32 $0x4, v0  }
0x8: {  	v43 =	vsel vm0, $0x300, v42;
	v50 =	vsel vm0, $0x301, v50;
	v51 =	vsel vm0, $0x302, v51  }
0x9: {  	v52 =	vsel vm0, $0x303, v52;
	v44 =	vsel vm3, $0x304, v43;
	v50 =	vsel vm3, $0x305, v50  }
0xa: {  	v51 =	vsel vm3, $0x306, v51;
	v52 =	vsel vm3, $0x307, v52;
	v63 =	vor.u32 $0x1, v1  }
0xb: {  	v0 =	vor.u32 $0x2, v1;
	v3 =	vor.u32 $0x40, v1;
	v4 =	vor.u32 $0x41, v1  }
0xc: {  	v9 =	vor.u32 $0x42, v1;
	v10 =	vor.u32 $0x43, v1;
	v11 =	vor.u32 $0x80, v1  }
0xd: {  	v12 =	vor.u32 $0x81, v1;
	v13 =	vor.u32 $0x82, v1;
	v5 =	vor.u32 $0x241, v1  }
0xe: {  	s6 =	rddreg [dreg:$0x0];
	v14 =	vor.u32 $0x83, v1;
	v15 =	vor.u32 $0xC0, v1;
	[tilespmem:$0x1FF00] =	vst v5;
	v5 =	vsel vm4, $0x308, v44  }
0xf: {  	s7 =	rddreg [dreg:$0x1];
	v16 =	vor.u32 $0xC1, v1;
	v50 =	vsel vm4, $0x309, v50;
	v5 =	vsel vm5, $0x30C, v5  }
0x10: {  	s1 =	rddreg [dreg:$0x2];
	v17 =	vor.u32 $0xC2, v1;
	v50 =	vsel vm5, $0x30D, v50;
	v5 =	vsel vm6, $0x310, v5  }
0x11: {  	s9 =	rddreg [dreg:$0x3];
	v18 =	vor.u32 $0xC3, v1;
	v50 =	vsel vm6, $0x311, v50;
	v49 =	vsel vm1, $0x314, v5  }
0x12: {  	s11 =	rddreg [dreg:$0x4];
	s3 =	simm.s32 $0x0;
	v19 =	vor.u32 $0x100, v1;
	v50 =	vsel vm1, $0x315, v50;
	v5 =	vsel vm14, $0x318, v49  }
0x13: {  	s2 =	srdreg.scid;
	[smem:$0x7FF] =	sst s3;
	v20 =	vor.u32 $0x101, v1;
	v21 =	vor.u32 $0x102, v1;
	[tilespmem:$0x1FF10] =	vst v5;
	v5 =	vsel vm14, $0x319, v50  }
0x14: {  	s8 =	sand.u32 $0x1, s2;
	s2 =	rddreg [dreg:$0x5];
	v22 =	vor.u32 $0x103, v1;
	v23 =	vor.u32 $0x140, v1;
	v44 =	vor.u32 $0x283, v1;
	_ =	strace $0x80000047;
	[tilespmem:$0x1FF20] =	vst v5  }
0x15: {  	v24 =	vor.u32 $0x141, v1;
	v25 =	vor.u32 $0x142, v1;
	v48 =	vor.u32 $0x281, v1;
	[tilespmem:$0x1FF50] =	vst v44  }
0x16: {  	s0 =	stileid.u32;
	v26 =	vor.u32 $0x143, v1;
	v27 =	vor.u32 $0x180, v1;
	v46 =	vor.u32 $0x2C0, v1;
	[tilespmem:$0x1FF60] =	vst v48  }
0x17: {  	s16 =	simm.s32 $0x1;
	s18 =	simm.s32 $0x1600;
	s19 =	simm.s32 $0x1700;
	v28 =	vor.u32 $0x181, v1;
	v29 =	vor.u32 $0x182, v1;
	v45 =	vor.u32 $0x282, v1;
	[tilespmem:$0x1FF70] =	vst v46  }
0x18: {  	s20 =	simm.s32 $0x1800;
	s21 =	simm.s32 $0x1900;
	s30 =	sshll.u32 s0, $0x1;
	v30 =	vor.u32 $0x183, v1;
	v31 =	vor.u32 $0x1C0, v1;
	v47 =	vor.u32 $0x2C1, v1;
	[tilespmem:$0x1FF80] =	vst v45  }
0x19: {  	s22 =	simm.s32 $0x1B00;
	s23 =	simm.s32 $0x2;
	s10 =	sor.u32 s8, s30;
	v32 =	vor.u32 $0x1C1, v1;
	v39 =	vor.u32 $0x240, v1;
	v51 =	vsel vm4, $0x30A, v51;
	[tilespmem:$0x1FF90] =	vst v47  }
0x1a: {  	s24 =	simm.s32 $0x15B00;
	s25 =	simm.s32 $0x0;
	s17 =	smul.u32 $0x280, s10;
	v40 =	vor.u32 $0x2C2, v1;
	v52 =	vsel vm4, $0x30B, v52;
	v51 =	vsel vm5, $0x30E, v51;
	[tilespmem:$0x1FFA0] =	vst v39  }
0x1b: {  	s4 =	sadd.s32 $0x1A00, s7;
	s8 =	ssub.s32 $0x2, s8;
	v41 =	vor.u32 $0x242, v1;
	s14 =	smul.u32 $0x2800, s10;
	v52 =	vsel vm5, $0x30F, v52;
	v51 =	vsel vm6, $0x312, v51;
	[tilespmem:$0x1FFB0] =	vst v40  }
0x1c: {  	s5 =	sadd.s32 $0xE00, s7;
	v42 =	vor.u32 $0x2C3, v1;
	s31 =	sshrl.u32 s8, $0x1;
	s10 =	smul.u32 $0x140, s10;
	v52 =	vsel vm6, $0x313, v52;
	v51 =	vsel vm1, $0x316, v51;
	[tilespmem:$0x1FFC0] =	vst v41  }
0x1d: {  	v33 =	vor.u32 $0x1C2, v1;
	s15 =	ssub.s32 s8, s31;
	s12 =	sshrl.u32 s17, $0x3;
	s14 =	sadd.s32 s14, s7;
	v52 =	vsel vm1, $0x317, v52;
	v5 =	vsel vm14, $0x31A, v51;
	[tilespmem:$0x1FFD0] =	vst v42  }
0x1e: {  	v34 =	vor.u32 $0x1C3, v1;
	s8 =	sadd.s32 s9, s10;
	v54 =	vmov s17;
	s17 =	simm.s32 $0x500;
	s13 =	sadd.s32 s12, s7;
	[tilespmem:$0x1FF30] =	vst v5;
	v5 =	vsel vm14, $0x31B, v52  }
0x1f: {  	v35 =	vor.u32 $0x200, v1;
	v36 =	vor.u32 $0x201, v1;
	s6 =	sadd.s32 s6, s12;
	s9 =	sadd.s32 $0x1C00, s14;
	s10 =	sadd.s32 s11, s12;
	[tilespmem:$0x1FF40] =	vst v5;
	v5 =	vimm.s32 $0x0  }
0x20: {  	v37 =	vor.u32 $0x202, v1;
	v38 =	vor.u32 $0x203, v1;
	s11 =	smax.u32 s15, $0x1;
	s12 =	simm.s32 $0x280;
	s14 =	simm.s32 $0x1280;
	[tilespmem:$0x1FFF0] =	vst v0;
	v5 =	vsel vm2, $0xFFFFFFFF, v5  }
0x21: {  	v2 =	vor.u32 $0x3, v1;
	v61 =	vor.u32 $0x243, v1;
	v62 =	vor.u32 $0x280, v1;
	s15 =	simm.s32 $0x1A00;
	s7 =	sadd.s32 $0x1000, s13;
	s13 =	simm.s32 $0x780;
	[tilespmem:$0x1FFE0] =	vst v5  }
.LBB2_1:
0x22: {  	[tilespmem:s3], [sflag:$0x1] =	stream.linear.gather [hbm4b:s6+s3], $0x280, $0x38;
	[tilespmem:$0x15D80] =	vst v63  }
0x23: {  	_ = 	snop  }
0x24: {  	[tilespmem:s12], [sflag:$0x1] =	stream.linear.gather [hbm4b:s7+s3], $0x280, $0x38;
	[tilespmem:$0x15D80] =	vst v63  }
0x25: {  	_ = 	snop  }
0x26: {  	[tilespmem:s13], [sflag:$0x1] =	stream.linear.gather [hbm4b:s8+s3], $0xA00, $0x38;
	[tilespmem:$0x15D80] =	vst v63  }
0x27: {  	s26 =	simm.s32 $0x1180  }
0x28: {  	[tilespmem:s26], [sflag:$0x1] =	stream.linear.gather [hbm4b:s4+s3], $0x100, $0x38;
	[tilespmem:$0x15D80] =	vst v63  }
0x29: {  	_ = 	snop  }
0x2a: {  	[tilespmem:s14], [sflag:$0x1] =	stream.linear.gather [hbm4b:s5+s3], $0x380, $0x38;
	[tilespmem:$0x15D80] =	vst v63  }
0x2b: {  	_ = 	snop  }
0x2c: {  	[tilespmem:s15], [sflag:$0x1] =	stream.linear.gather [hbm4b:s1+s3], $0x100, $0x38;
	[tilespmem:$0x15D80] =	vst v63  }
0x2d: {  	_ =	swait.ge [sflag:s16], $0x280  }
0x2e: {  	[sflag:s16] =	ssyncset.done $0x0  }
0x2f: {  	[sflag:s16] =	ssyncadd.s32 $0xFFFFFD80  }
0x30: {  	_ =	swait.ge [sflag:s16], $0x280  }
0x31: {  	[sflag:s16] =	ssyncset.done $0x0  }
0x32: {  	[sflag:s16] =	ssyncadd.s32 $0xFFFFFD80  }
0x33: {  	_ =	swait.ge [sflag:s16], $0xA00  }
0x34: {  	[sflag:s16] =	ssyncset.done $0x0  }
0x35: {  	[sflag:s16] =	ssyncadd.s32 $0xFFFFF600  }
0x36: {  	_ =	swait.ge [sflag:s16], $0x100  }
0x37: {  	[sflag:s16] =	ssyncset.done $0x0  }
0x38: {  	[sflag:s16] =	ssyncadd.s32 $0xFFFFFF00  }
0x39: {  	_ =	swait.ge [sflag:s16], $0x380  }
0x3a: {  	[sflag:s16] =	ssyncset.done $0x0  }
0x3b: {  	[sflag:s16] =	ssyncadd.s32 $0xFFFFFC80  }
0x3c: {  	_ =	swait.ge [sflag:s16], $0x100  }
0x3d: {  	[sflag:s16] =	ssyncset.done $0x0  }
0x3e: {  	[sflag:s16] =	ssyncadd.s32 $0xFFFFFF00  }
0x3f: {  	v55 =	vld.idx.msk [tilespmem:v1+s14+$0x0], $0xffff  }
0x40: {  	v56 =	vld.idx.msk [tilespmem:v63+s14+$0x0], $0xffff  }
0x41: {  	v57 =	vld.idx.msk [tilespmem:v0+s14+$0x0], $0xffff  }
0x42: {  	v58 =	vld.idx.msk [tilespmem:v2+s14+$0x0], $0xffff;
	_ =	sdelay $0x3  }
0x43: {  	v59 =	vadd.f32 v57, v55;
	v55 =	vsub.f32 v57, v55  }
0x44: {  	v60 =	vadd.f32 v58, v56;
	v56 =	vsub.f32 v58, v56  }
0x45: {  	v59 =	vmul.f32 $5.000000000e-01, v59;
	[tilespmem:$0x1800] =	vst v55  }
0x46: {  	v6 =	vmov v0;
	v0 =	vmov v9;
	v60 =	vmul.f32 $5.000000000e-01, v60;
	[tilespmem:$0x1900] =	vst v56  }
0x47: {  	v7 =	vmov v2;
	v2 =	vmov v10;
	[tilespmem:$0x1600] =	vst v59  }
0x48: {  	[tilespmem:$0x1700] =	vst v60  }
0x49: {  	v55 =	vld.idx.msk [tilespmem:v3+s14+$0x0], $0xffff  }
0x4a: {  	v56 =	vld.idx.msk [tilespmem:v4+s14+$0x0], $0xffff  }
0x4b: {  	v50 =	vld.idx.msk [tilespmem:v0+s14+$0x0], $0xffff  }
0x4c: {  	v51 =	vld.idx.msk [tilespmem:v2+s14+$0x0], $0xffff;
	_ =	sdelay $0x3  }
0x4d: {  	v43 =	vadd.f32 v50, v55;
	v55 =	vsub.f32 v50, v55  }
0x4e: {  	v10 =	vmovc v0;
	v0 =	vmov v11;
	v49 =	vadd.f32 v51, v56;
	v56 =	vsub.f32 v51, v56  }
0x4f: {  	v11 =	vmov v2;
	v2 =	vmov v12;
	v59 =	vmul.f32 $5.000000000e-01, v43;
	[tilespmem:$0x1810] =	vst v55  }
0x50: {  	v60 =	vmul.f32 $5.000000000e-01, v49;
	[tilespmem:$0x1910] =	vst v56  }
0x51: {  	[tilespmem:$0x1610] =	vst v59  }
0x52: {  	[tilespmem:$0x1710] =	vst v60  }
0x53: {  	v12 =	vmov v0;
	v55 =	vld.idx.msk [tilespmem:v0+s14+$0x0], $0xffff;
	v0 =	vmov v13  }
0x54: {  	v13 =	vmov v2;
	v56 =	vld.idx.msk [tilespmem:v2+s14+$0x0], $0xffff;
	v2 =	vmov v14;
	_ =	sdelay $0x3  }
0x55: {  	v50 =	vld.idx.msk [tilespmem:v0+s14+$0x0], $0xffff  }
0x56: {  	v51 =	vld.idx.msk [tilespmem:v2+s14+$0x0], $0xffff;
	_ =	sdelay $0x3  }
0x57: {  	v43 =	vadd.f32 v50, v55;
	v55 =	vsub.f32 v50, v55  }
0x58: {  	v14 =	vmovc v0;
	v0 =	vmov v15;
	v49 =	vadd.f32 v51, v56;
	v56 =	vsub.f32 v51, v56  }
0x59: {  	v15 =	vmov v2;
	v2 =	vmov v16;
	v59 =	vmul.f32 $5.000000000e-01, v43;
	[tilespmem:$0x1820] =	vst v55  }
0x5a: {  	v60 =	vmul.f32 $5.000000000e-01, v49;
	[tilespmem:$0x1920] =	vst v56  }
0x5b: {  	[tilespmem:$0x1620] =	vst v59  }
0x5c: {  	[tilespmem:$0x1720] =	vst v60  }
0x5d: {  	v16 =	vmov v0;
	v55 =	vld.idx.msk [tilespmem:v0+s14+$0x0], $0xffff;
	v0 =	vmov v17  }
0x5e: {  	v17 =	vmov v2;
	v56 =	vld.idx.msk [tilespmem:v2+s14+$0x0], $0xffff;
	v2 =	vmov v18;
	_ =	sdelay $0x3  }
0x5f: {  	v50 =	vld.idx.msk [tilespmem:v0+s14+$0x0], $0xffff  }
0x60: {  	v51 =	vld.idx.msk [tilespmem:v2+s14+$0x0], $0xffff;
	_ =	sdelay $0x3  }
0x61: {  	v43 =	vadd.f32 v50, v55;
	v55 =	vsub.f32 v50, v55  }
0x62: {  	v18 =	vmovc v0;
	v0 =	vmov v19;
	v49 =	vadd.f32 v51, v56;
	v56 =	vsub.f32 v51, v56  }
0x63: {  	v19 =	vmov v2;
	v2 =	vmov v20;
	v59 =	vmul.f32 $5.000000000e-01, v43;
	[tilespmem:$0x1830] =	vst v55  }
0x64: {  	v60 =	vmul.f32 $5.000000000e-01, v49;
	[tilespmem:$0x1930] =	vst v56  }
0x65: {  	[tilespmem:$0x1630] =	vst v59  }
0x66: {  	[tilespmem:$0x1730] =	vst v60  }
0x67: {  	v20 =	vmov v0;
	v55 =	vld.idx.msk [tilespmem:v0+s14+$0x0], $0xffff;
	v0 =	vmov v21  }
0x68: {  	v21 =	vmov v2;
	v56 =	vld.idx.msk [tilespmem:v2+s14+$0x0], $0xffff;
	v2 =	vmov v22;
	_ =	sdelay $0x3  }
0x69: {  	v50 =	vld.idx.msk [tilespmem:v0+s14+$0x0], $0xffff  }
0x6a: {  	v51 =	vld.idx.msk [tilespmem:v2+s14+$0x0], $0xffff;
	_ =	sdelay $0x3  }
0x6b: {  	v43 =	vadd.f32 v50, v55;
	v55 =	vsub.f32 v50, v55  }
0x6c: {  	v22 =	vmovc v0;
	v0 =	vmov v23;
	v49 =	vadd.f32 v51, v56;
	v56 =	vsub.f32 v51, v56  }
0x6d: {  	v23 =	vmov v2;
	v2 =	vmov v24;
	v59 =	vmul.f32 $5.000000000e-01, v43;
	[tilespmem:$0x1840] =	vst v55  }
0x6e: {  	v60 =	vmul.f32 $5.000000000e-01, v49;
	[tilespmem:$0x1940] =	vst v56  }
0x6f: {  	[tilespmem:$0x1640] =	vst v59  }
0x70: {  	[tilespmem:$0x1740] =	vst v60  }
0x71: {  	v24 =	vmov v0;
	v55 =	vld.idx.msk [tilespmem:v0+s14+$0x0], $0xffff;
	v0 =	vmov v25  }
0x72: {  	v25 =	vmov v2;
	v56 =	vld.idx.msk [tilespmem:v2+s14+$0x0], $0xffff;
	v2 =	vmov v26;
	_ =	sdelay $0x3  }
0x73: {  	v50 =	vld.idx.msk [tilespmem:v0+s14+$0x0], $0xffff  }
0x74: {  	v51 =	vld.idx.msk [tilespmem:v2+s14+$0x0], $0xffff;
	_ =	sdelay $0x3  }
0x75: {  	v43 =	vadd.f32 v50, v55;
	v55 =	vsub.f32 v50, v55  }
0x76: {  	v26 =	vmovc v0;
	v0 =	vmov v27;
	v49 =	vadd.f32 v51, v56;
	v56 =	vsub.f32 v51, v56  }
0x77: {  	v27 =	vmov v2;
	v2 =	vmov v28;
	v59 =	vmul.f32 $5.000000000e-01, v43;
	[tilespmem:$0x1850] =	vst v55  }
0x78: {  	v60 =	vmul.f32 $5.000000000e-01, v49;
	[tilespmem:$0x1950] =	vst v56  }
0x79: {  	[tilespmem:$0x1650] =	vst v59  }
0x7a: {  	[tilespmem:$0x1750] =	vst v60  }
0x7b: {  	v28 =	vmov v0;
	v55 =	vld.idx.msk [tilespmem:v0+s14+$0x0], $0xffff;
	v0 =	vmov v29  }
0x7c: {  	v29 =	vmov v2;
	v56 =	vld.idx.msk [tilespmem:v2+s14+$0x0], $0xffff;
	v2 =	vmov v30;
	_ =	sdelay $0x3  }
0x7d: {  	v50 =	vld.idx.msk [tilespmem:v0+s14+$0x0], $0xffff  }
0x7e: {  	v51 =	vld.idx.msk [tilespmem:v2+s14+$0x0], $0xffff;
	_ =	sdelay $0x3  }
0x7f: {  	v43 =	vadd.f32 v50, v55;
	v55 =	vsub.f32 v50, v55  }
0x80: {  	v30 =	vmovc v0;
	v0 =	vmov v31;
	v49 =	vadd.f32 v51, v56;
	v56 =	vsub.f32 v51, v56  }
0x81: {  	v31 =	vmov v2;
	v2 =	vmov v32;
	v59 =	vmul.f32 $5.000000000e-01, v43;
	[tilespmem:$0x1860] =	vst v55  }
0x82: {  	v60 =	vmul.f32 $5.000000000e-01, v49;
	[tilespmem:$0x1960] =	vst v56  }
0x83: {  	[tilespmem:$0x1660] =	vst v59  }
0x84: {  	[tilespmem:$0x1760] =	vst v60  }
0x85: {  	v32 =	vmov v0;
	v55 =	vld.idx.msk [tilespmem:v0+s14+$0x0], $0xffff;
	v0 =	vmov v33  }
0x86: {  	v33 =	vmov v2;
	v56 =	vld.idx.msk [tilespmem:v2+s14+$0x0], $0xffff;
	v2 =	vmov v34;
	_ =	sdelay $0x3  }
0x87: {  	v50 =	vld.idx.msk [tilespmem:v0+s14+$0x0], $0xffff  }
0x88: {  	v51 =	vld.idx.msk [tilespmem:v2+s14+$0x0], $0xffff;
	_ =	sdelay $0x3  }
0x89: {  	v43 =	vadd.f32 v50, v55;
	v55 =	vsub.f32 v50, v55  }
0x8a: {  	v34 =	vmovc v0;
	v0 =	vmov v35;
	v49 =	vadd.f32 v51, v56;
	v56 =	vsub.f32 v51, v56  }
0x8b: {  	v35 =	vmov v2;
	v2 =	vmov v36;
	v59 =	vmul.f32 $5.000000000e-01, v43;
	[tilespmem:$0x1870] =	vst v55  }
0x8c: {  	v60 =	vmul.f32 $5.000000000e-01, v49;
	[tilespmem:$0x1970] =	vst v56  }
0x8d: {  	[tilespmem:$0x1670] =	vst v59  }
0x8e: {  	[tilespmem:$0x1770] =	vst v60  }
0x8f: {  	v36 =	vmov v0;
	v55 =	vld.idx.msk [tilespmem:v0+s14+$0x0], $0xffff;
	v0 =	vmov v37  }
0x90: {  	v37 =	vmov v2;
	v56 =	vld.idx.msk [tilespmem:v2+s14+$0x0], $0xffff;
	v2 =	vmov v38;
	_ =	sdelay $0x3  }
0x91: {  	v50 =	vld.idx.msk [tilespmem:v0+s14+$0x0], $0xffff  }
0x92: {  	v51 =	vld.idx.msk [tilespmem:v2+s14+$0x0], $0xffff;
	_ =	sdelay $0x3  }
0x93: {  	v38 =	vmovc v0;
	v0 =	vmovc v39;
	v39 =	vmov v2;
	v2 =	vld [tilespmem:$0x1FF00];
	v52 =	vadd.f32 v50, v55;
	v55 =	vsub.f32 v50, v55  }
0x94: {  	v43 =	vadd.f32 v51, v56;
	v56 =	vsub.f32 v51, v56  }
0x95: {  	v59 =	vmul.f32 $5.000000000e-01, v52;
	[tilespmem:$0x1880] =	vst v55  }
0x96: {  	v60 =	vmul.f32 $5.000000000e-01, v43;
	[tilespmem:$0x1980] =	vst v56  }
0x97: {  	[tilespmem:$0x1680] =	vst v59  }
0x98: {  	[tilespmem:$0x1780] =	vst v60  }
0x99: {  	v55 =	vld.idx.msk [tilespmem:v0+s14+$0x0], $0xffff;
	v0 =	vmov v41;
	_ =	sdelay $0x1  }
0x9a: {  	v56 =	vld.idx.msk [tilespmem:v2+s14+$0x0], $0xffff  }
0x9b: {  	v50 =	vld.idx.msk [tilespmem:v61+s14+$0x0], $0xffff;
	_ =	sdelay $0x1  }
0x9c: {  	v49 =	vld.idx.msk [tilespmem:v0+s14+$0x0], $0xffff;
	_ =	sdelay $0x2  }
0x9d: {  	v52 =	vadd.f32 v50, v56  }
0x9e: {  	v56 =	vsub.f32 v50, v56  }
0x9f: {  	v60 =	vmul.f32 $5.000000000e-01, v52;
	v51 =	vadd.f32 v49, v55  }
0xa0: {  	[tilespmem:$0x1990] =	vst v56;
	v55 =	vsub.f32 v49, v55  }
0xa1: {  	[tilespmem:$0x1790] =	vst v60;
	v59 =	vmul.f32 $5.000000000e-01, v51  }
0xa2: {  	v0 =	vmov v44;
	[tilespmem:$0x1890] =	vst v55  }
0xa3: {  	[tilespmem:$0x1690] =	vst v59  }
0xa4: {  	v55 =	vld.idx.msk [tilespmem:v62+s14+$0x0], $0xffff  }
0xa5: {  	v56 =	vld.idx.msk [tilespmem:v48+s14+$0x0], $0xffff  }
0xa6: {  	v49 =	vld.idx.msk [tilespmem:v45+s14+$0x0], $0xffff  }
0xa7: {  	v50 =	vld.idx.msk [tilespmem:v0+s14+$0x0], $0xffff;
	_ =	sdelay $0x3  }
0xa8: {  	v51 =	vadd.f32 v49, v55;
	v55 =	vsub.f32 v49, v55  }
0xa9: {  	v52 =	vadd.f32 v50, v56;
	v56 =	vsub.f32 v50, v56  }
0xaa: {  	v59 =	vmul.f32 $5.000000000e-01, v51;
	[tilespmem:$0x18A0] =	vst v55  }
0xab: {  	v60 =	vmul.f32 $5.000000000e-01, v52;
	[tilespmem:$0x19A0] =	vst v56  }
0xac: {  	[tilespmem:$0x16A0] =	vst v59  }
0xad: {  	[tilespmem:$0x17A0] =	vst v60  }
0xae: {  	v55 =	vld.idx.msk [tilespmem:v46+s14+$0x0], $0xffff  }
0xaf: {  	v56 =	vld.idx.msk [tilespmem:v47+s14+$0x0], $0xffff  }
0xb0: {  	v45 =	vld.idx.msk [tilespmem:v40+s14+$0x0], $0xffff  }
0xb1: {  	v46 =	vld.idx.msk [tilespmem:v42+s14+$0x0], $0xffff;
	_ =	sdelay $0x1  }
0xb2: {  	v0 =	vld [tilespmem:$0x1FF10];
	_ =	sdelay $0x1  }
0xb3: {  	v47 =	vadd.f32 v45, v55;
	v55 =	vsub.f32 v45, v55  }
0xb4: {  	v48 =	vadd.f32 v46, v56;
	v56 =	vsub.f32 v46, v56  }
0xb5: {  	v59 =	vmul.f32 $5.000000000e-01, v47;
	[tilespmem:$0x18B0] =	vst v55  }
0xb6: {  	v60 =	vmul.f32 $5.000000000e-01, v48;
	[tilespmem:$0x19B0] =	vst v56  }
0xb7: {  	[tilespmem:$0x16B0] =	vst v59  }
0xb8: {  	[tilespmem:$0x17B0] =	vst v60  }
0xb9: {  	v55 =	vld.idx.msk [tilespmem:v0+s14+$0x0], $0xffff  }
0xba: {  	v0 =	vld [tilespmem:$0x1FF20];
	_ =	sdelay $0x7  }
0xbb: {  	v56 =	vld.idx.msk [tilespmem:v0+s14+$0x0], $0xffff  }
0xbc: {  	v0 =	vld [tilespmem:$0x1FF30];
	_ =	sdelay $0x7  }
0xbd: {  	v49 =	vld.idx.msk [tilespmem:v0+s14+$0x0], $0xffff  }
0xbe: {  	v0 =	vld [tilespmem:$0x1FF40];
	_ =	sdelay $0x5  }
0xbf: {  	v51 =	vadd.f32 v49, v55;
	v55 =	vsub.f32 v49, v55;
	_ =	sdelay $0x1  }
0xc0: {  	v50 =	vld.idx.msk [tilespmem:v0+s14+$0x0], $0xffff;
	[tilespmem:$0x18C0] =	vst v55  }
0xc1: {  	[tilespmem:$0x500] =	vst v53  }
0xc2: {  	[tilespmem:$0x510] =	vst v53  }
0xc3: {  	[tilespmem:$0x520] =	vst v53  }
0xc4: {  	[tilespmem:$0x530] =	vst v53  }
0xc5: {  	[tilespmem:$0x540] =	vst v53  }
0xc6: {  	[tilespmem:$0x550] =	vst v53  }
0xc7: {  	[tilespmem:$0x560] =	vst v53  }
0xc8: {  	[tilespmem:$0x570] =	vst v53  }
0xc9: {  	[tilespmem:$0x580] =	vst v53  }
0xca: {  	[tilespmem:$0x590] =	vst v53  }
0xcb: {  	[tilespmem:$0x5A0] =	vst v53  }
0xcc: {  	[tilespmem:$0x5B0] =	vst v53  }
0xcd: {  	[tilespmem:$0x5C0] =	vst v53  }
0xce: {  	[tilespmem:$0x5D0] =	vst v53  }
0xcf: {  	[tilespmem:$0x5E0] =	vst v53  }
0xd0: {  	[tilespmem:$0x5F0] =	vst v53  }
0xd1: {  	[tilespmem:$0x600] =	vst v53  }
0xd2: {  	[tilespmem:$0x610] =	vst v53  }
0xd3: {  	[tilespmem:$0x620] =	vst v53  }
0xd4: {  	[tilespmem:$0x630] =	vst v53  }
0xd5: {  	[tilespmem:$0x640] =	vst v53  }
0xd6: {  	[tilespmem:$0x650] =	vst v53  }
0xd7: {  	[tilespmem:$0x660] =	vst v53  }
0xd8: {  	[tilespmem:$0x670] =	vst v53  }
0xd9: {  	[tilespmem:$0x680] =	vst v53  }
0xda: {  	[tilespmem:$0x690] =	vst v53  }
0xdb: {  	[tilespmem:$0x6A0] =	vst v53  }
0xdc: {  	[tilespmem:$0x6B0] =	vst v53  }
0xdd: {  	[tilespmem:$0x6C0] =	vst v53  }
0xde: {  	[tilespmem:$0x6D0] =	vst v53  }
0xdf: {  	[tilespmem:$0x6E0] =	vst v53  }
0xe0: {  	[tilespmem:$0x6F0] =	vst v53  }
0xe1: {  	[tilespmem:$0x700] =	vst v53  }
0xe2: {  	[tilespmem:$0x710] =	vst v53  }
0xe3: {  	[tilespmem:$0x720] =	vst v53  }
0xe4: {  	[tilespmem:$0x730] =	vst v53  }
0xe5: {  	[tilespmem:$0x740] =	vst v53  }
0xe6: {  	[tilespmem:$0x750] =	vst v53  }
0xe7: {  	v59 =	vmul.f32 $5.000000000e-01, v51;
	[tilespmem:$0x760] =	vst v53;
	v52 =	vadd.f32 v50, v56  }
0xe8: {  	[tilespmem:$0x770] =	vst v53;
	v56 =	vsub.f32 v50, v56  }
0xe9: {  	[tilespmem:$0x16C0] =	vst v59;
	v60 =	vmul.f32 $5.000000000e-01, v52  }
0xea: {  	v5 =	vmov v63;
	[tilespmem:$0x19C0] =	vst v56  }
0xeb: {  	v8 =	vmovc v3;
	s28 =	simm.s32 $0xF;
	v9 =	vmovc v4;
	v43 =	vmov v61;
	v41 =	vmov v2;
	v44 =	vmov v62;
	[tilespmem:$0x17C0] =	vst v60  }
.LBB2_2:
0xec: {  	v55 =	vld [tilespmem:s26+$0x0];
	_ =	sdelay $0x4  }
0xed: {  	v55 =	vsub.s32 v55, v54  }
0xee: {  	v56 =	vbroadcast v55, $0x0  }
0xef: {  	v57 =	vbroadcast v55, $0x1;
	v58 =	vbroadcast v55, $0x2  }
0xf0: {  	v0 =	vimm.s32 $0x0;
	v59 =	vbroadcast v55, $0x3;
	v60 =	vbroadcast v55, $0x4  }
0xf1: {  	v2 =	vimm.s32 $0x0;
	v61 =	vbroadcast v55, $0x5;
	v62 =	vbroadcast v55, $0x6  }
0xf2: {  	v4 =	vimm.s32 $0x0;
	v63 =	vbroadcast v55, $0x7;
	v49 =	vbroadcast v55, $0x9  }
0xf3: {  	v50 =	vbroadcast v55, $0xA;
	vm0 =	vgt.s32 v56, $0x0;
	vm1 =	vlt.u32 v56, $0x280  }
0xf4: {  	v51 =	vbroadcast v55, $0xB;
	v56 =	vnsel vm0, $0x0, v56;
	vm0 =	vmand vm1, vm2  }
0xf5: {  	vm1 =	vlt.u32 v57, $0x280;
	vm2 =	vgt.s32 v57, $0x0;
	v0 =	vsel vm0, $0xFFFFFFFF, v0  }
0xf6: {  	vm0 =	vmand vm1, vm3;
	v57 =	vnsel vm2, $0x0, v57;
	[tilespmem:$0x1FE80] =	vst v0;
	v0 =	vimm.s32 $0x0  }
0xf7: {  	vm2 =	vlt.u32 v58, $0x280;
	vm3 =	vgt.s32 v58, $0x0;
	v0 =	vsel vm0, $0xFFFFFFFF, v0  }
0xf8: {  	vm1 =	vlt.u32 v63, $0x280;
	vm0 =	vmand vm2, vm4;
	[tilespmem:$0x1FE90] =	vst v0;
	v0 =	vimm.s32 $0x0  }
0xf9: {  	v58 =	vnsel vm3, $0x0, v58;
	vm4 =	vlt.u32 v59, $0x280;
	v0 =	vsel vm0, $0xFFFFFFFF, v0  }
0xfa: {  	vm3 =	vgt.s32 v59, $0x0;
	vm0 =	vmand vm4, vm5;
	[tilespmem:$0x1FEA0] =	vst v0;
	v0 =	vimm.s32 $0x0  }
0xfb: {  	vm4 =	vlt.u32 v60, $0x280;
	vm5 =	vgt.s32 v60, $0x0;
	v0 =	vsel vm0, $0xFFFFFFFF, v0  }
0xfc: {  	v60 =	vnsel vm5, $0x0, v60;
	vm0 =	vmand vm4, vm6;
	[tilespmem:$0x1FEB0] =	vst v0;
	v0 =	vimm.s32 $0x0  }
0xfd: {  	vm5 =	vgt.s32 v61, $0x0;
	vm6 =	vlt.u32 v61, $0x280;
	v0 =	vsel vm0, $0xFFFFFFFF, v0  }
0xfe: {  	v61 =	vnsel vm5, $0x0, v61;
	vm5 =	vgt.s32 v62, $0x0;
	[tilespmem:$0x1FEC0] =	vst v0;
	v0 =	vbroadcast v55, $0x8  }
0xff: {  	vm0 =	vlt.u32 v62, $0x280;
	v62 =	vnsel vm5, $0x0, v62;
	vm5 =	vgt.s32 v63, $0x0  }
0x100: {  	v59 =	vnsel vm3, $0x0, v59;
	v63 =	vnsel vm5, $0x0, v63;
	vm5 =	vgt.s32 v0, $0x0  }
0x101: {  	vm2 =	vlt.u32 v0, $0x280;
	v0 =	vnsel vm5, $0x0, v0;
	vm5 =	vgt.s32 v49, $0x0  }
0x102: {  	vm3 =	vlt.u32 v49, $0x280;
	v49 =	vnsel vm5, $0x0, v49;
	vm5 =	vgt.s32 v50, $0x0  }
0x103: {  	vm4 =	vlt.u32 v50, $0x280;
	v50 =	vnsel vm5, $0x0, v50;
	vm5 =	vlt.u32 v51, $0x280  }
0x104: {  	v40 =	vimm.s32 $0x0;
	v52 =	vbroadcast v55, $0xC;
	v2 =	vsel vm5, $0xFFFFFFFF, v2  }
0x105: {  	v3 =	vbroadcast v55, $0xE;
	vm7 =	vgt.s32 v51, $0x0;
	[tilespmem:$0x1FED0] =	vst v2;
	v2 =	vbroadcast v55, $0xD  }
0x106: {  	v51 =	vnsel vm7, $0x0, v51;
	vm7 =	vlt.u32 v52, $0x280;
	vm5 =	vgt.s32 v52, $0x0  }
0x107: {  	v47 =	vld [tilespmem:$0x1FE80];
	v52 =	vnsel vm5, $0x0, v52;
	v55 =	vbroadcast v55, $0xF;
	vm5 =	vlt.u32 v2, $0x280  }
0x108: {  	vm11 =	vgt.s32 v3, $0x0;
	v4 =	vsel vm5, $0xFFFFFFFF, v4;
	vm5 =	vgt.s32 v2, $0x0  }
0x109: {  	[tilespmem:$0x1FEE0] =	vst v4;
	v2 =	vnsel vm5, $0x0, v2;
	v4 =	vnsel vm11, $0x0, v3;
	vm5 =	vgt.s32 v55, $0x0  }
0x10a: {  	vm11 =	vlt.u32 v3, $0x280;
	v3 =	vnsel vm5, $0x0, v55;
	vm5 =	vlt.u32 v55, $0x280  }
0x10b: {  	v40 =	vsel vm5, $0xFFFFFFFF, v40;
	vm5 =	vcmask $0x1714  }
0x10c: {  	vm6 =	vmand vm6, vm5;
	vm5 =	vnez.u8 v47  }
0x10d: {  	v56 =	vmin.u32 v56, $0x27F;
	v45 =	vld [tilespmem:$0x1FE90];
	_ =	sdelay $0x2  }
0x10e: {  	s29 =	sadd.s32 $0xFFFFFFF1, s28  }
0x10f: {  	v46 =	vmov s29  }
0x110: {  	[tilespmem:v56+s17+$0x0] =	vst.idx.msk vm5, v46;
	vm5 =	vnez.u8 v45  }
0x111: {  	v57 =	vmin.u32 v57, $0x27F;
	v47 =	vld [tilespmem:$0x1FEA0];
	_ =	sdelay $0x2  }
0x112: {  	s30 =	sadd.s32 $0xFFFFFFF2, s28  }
0x113: {  	v48 =	vmov s30  }
0x114: {  	[tilespmem:v57+s17+$0x0] =	vst.idx.msk vm5, v48;
	vm5 =	vnez.u8 v47  }
0x115: {  	v58 =	vmin.u32 v58, $0x27F;
	v57 =	vmin.u32 v62, $0x27F;
	v62 =	vld [tilespmem:$0x1FEB0];
	_ =	sdelay $0x2  }
0x116: {  	s31 =	sadd.s32 $0xFFFFFFF3, s28  }
0x117: {  	v46 =	vmov s31  }
0x118: {  	[tilespmem:v58+s17+$0x0] =	vst.idx.msk vm5, v46;
	vm5 =	vnez.u8 v62  }
0x119: {  	v59 =	vmin.u32 v59, $0x27F;
	v45 =	vld [tilespmem:$0x1FEC0];
	_ =	sdelay $0x2  }
0x11a: {  	s30 =	sadd.s32 $0xFFFFFFF4, s28  }
0x11b: {  	v48 =	vmov s30  }
0x11c: {  	[tilespmem:v59+s17+$0x0] =	vst.idx.msk vm5, v48;
	vm5 =	vnez.u8 v45  }
0x11d: {  	v60 =	vmin.u32 v60, $0x27F  }
0x11e: {  	vm0 =	vmand vm0, vm14;
	v56 =	vmin.u32 v61, $0x27F;
	v59 =	vld [tilespmem:$0x1FED0]  }
0x11f: {  	vm1 =	vmand vm1, vm15  }
0x120: {  	vm3 =	vmand vm3, vm13;
	vm4 =	vmand vm4, vm8;
	s31 =	sadd.s32 $0xFFFFFFF5, s28;
	v61 =	vmin.u32 v63, $0x27F;
	v62 =	vld [tilespmem:$0x1FEE0]  }
0x121: {  	vm2 =	vmand vm2, vm12;
	v0 =	vmin.u32 v0, $0x27F;
	v63 =	vmov s31;
	s30 =	sadd.s32 $0xFFFFFFF6, s28  }
0x122: {  	v49 =	vmin.u32 v49, $0x27F;
	v50 =	vmin.u32 v50, $0x27F;
	s31 =	sadd.s32 $0xFFFFFFF7, s28;
	v46 =	vmov s30;
	[tilespmem:v60+s17+$0x0] =	vst.idx.msk vm5, v63  }
0x123: {  	v51 =	vmin.u32 v51, $0x27F;
	v47 =	vmov s31;
	s30 =	sadd.s32 $0xFFFFFFF8, s28;
	vm5 =	vnez.u8 v59;
	[tilespmem:v56+s17+$0x0] =	vst.idx.msk vm6, v46  }
0x124: {  	v52 =	vmin.u32 v52, $0x27F;
	v60 =	vmov s30;
	vm6 =	vmand vm5, vm9;
	[tilespmem:v57+s17+$0x0] =	vst.idx.msk vm0, v47  }
0x125: {  	s31 =	sadd.s32 $0xFFFFFFF9, s28;
	vm0 =	vmand vm7, vm10;
	vm7 =	vcmask $0x3734;
	[tilespmem:v61+s17+$0x0] =	vst.idx.msk vm1, v60;
	vm1 =	vnez.u8 v62  }
0x126: {  	[tilespmem:$0x1FEF0] =	vst v40;
	s30 =	sadd.s32 $0xFFFFFFFA, s28;
	v61 =	vmov s31;
	vm1 =	vmand vm1, vm7;
	vm7 =	vcmask $0x3B38  }
0x127: {  	v2 =	vmin.u32 v2, $0x27F;
	v63 =	vld [tilespmem:$0x1FEF0];
	s31 =	sadd.s32 $0xFFFFFFFB, s28;
	[tilespmem:v0+s17+$0x0] =	vst.idx.msk vm2, v61;
	v0 =	vmov s30;
	vm2 =	vmand vm11, vm7  }
0x128: {  	v4 =	vmin.u32 v4, $0x27F;
	s30 =	sadd.s32 $0xFFFFFFFC, s28;
	[tilespmem:v49+s17+$0x0] =	vst.idx.msk vm3, v0;
	v0 =	vmov s31  }
0x129: {  	s31 =	sadd.s32 $0xFFFFFFFD, s28;
	[tilespmem:v50+s17+$0x0] =	vst.idx.msk vm4, v0;
	v0 =	vmov s30  }
0x12a: {  	s30 =	sadd.s32 $0xFFFFFFFE, s28;
	[tilespmem:v51+s17+$0x0] =	vst.idx.msk vm6, v0;
	v0 =	vmov s31  }
0x12b: {  	s31 =	sadd.s32 $0xFFFFFFFF, s28;
	[tilespmem:v52+s17+$0x0] =	vst.idx.msk vm0, v0;
	v0 =	vmov s30  }
0x12c: {  	vm7 =	vcmask $0x3F3C;
	vm3 =	vnez.u8 v63;
	[tilespmem:v2+s17+$0x0] =	vst.idx.msk vm1, v0;
	v0 =	vmov s31  }
0x12d: {  	vm3 =	vmand vm3, vm7;
	[tilespmem:v4+s17+$0x0] =	vst.idx.msk vm2, v0;
	v0 =	vld [tilespmem:$0x1FFE0]  }
0x12e: {  	p0 =	sne.s32 s28, $0xCF;
	v3 =	vmin.u32 v3, $0x27F  }
.Ltmp0:
0x12f: {  	_ = 	snop;
	(pc) =	sbr.rel @p0 .LBB2_2-.Ltmp0, $3  }
0x130: {  	_ =	sdelay $0x1  }
0x131: {  	vm5 =	vcmask $0xF0C;
	vm2 =	vnez.u8 v0;
	v0 =	vmov s28  }
0x132: {  	s26 =	sadd.s32 $0x10, s26;
	vm4 =	vcmask $0xB08;
	vm6 =	vcmask $0x1310;
	s28 =	sadd.s32 $0x10, s28;
	[tilespmem:v3+s17+$0x0] =	vst.idx.msk vm3, v0;
	vm3 =	vcmask $0x704  }
0x133: {  	v0 =	vld [tilespmem:$0x500]  }
0x134: {  	v2 =	vld [tilespmem:$0x280];
	_ =	sdelay $0x3  }
0x135: {  	v3 =	vld [tilespmem:$0x0];
	vm0 =	vgt.s32 v0, $0xFFFFFFFF  }
0x136: {  	v4 =	vld.idx.msk [tilespmem:v5+s13+$0x0], $0xffff;
	v0 =	vsel vm0, v0, v2  }
0x137: {  	v49 =	vld.idx.msk [tilespmem:v6+s13+$0x0], $0xffff  }
0x138: {  	v2 =	vld.idx.msk [tilespmem:v1+s13+$0x0], $0xffff  }
0x139: {  	v50 =	vld.idx.msk [tilespmem:v7+s13+$0x0], $0xffff;
	_ =	sdelay $0x1  }
0x13a: {  	v55 =	vlaneseq.u32;
	v51 =	vld.idx.msk [tilespmem:v0+s15+$0x0], $0xffff  }
0x13b: {  	v55 =	vmul.u32 $0x80, v55;
	v52 =	vld.idx.msk [tilespmem:v0+s18+$0x0], $0xffff  }
0x13c: {  	v56 =	vld.idx.msk [tilespmem:v0+s19+$0x0], $0xffff;
	v57 =	vadd.f32 v49, v2  }
0x13d: {  	v59 =	vor.u32 $0x1, v55;
	vm1 =	vgt.f32 v3, $5.000000000e-01;
	v58 =	vadd.f32 v50, v4;
	v3 =	vld.idx.msk [tilespmem:v0+s20+$0x0], $0xffff  }
0x13e: {  	v60 =	vor.u32 $0x2, v55;
	vm0 =	vmor vm0, vm1;
	v0 =	vld.idx.msk [tilespmem:v0+s21+$0x0], $0xffff;
	v57 =	vmul.f32 $5.000000000e-01, v57  }
0x13f: {  	v61 =	vor.u32 $0x3, v55;
	v58 =	vmul.f32 $5.000000000e-01, v58;
	v51 =	vnsel vm0, $0x0, v51  }
0x140: {  	v2 =	vsub.f32 v49, v2;
	v52 =	vsel vm0, v52, v57;
	[tilespmem:$0x15B00] =	vst v51  }
0x141: {  	v4 =	vsub.f32 v50, v4;
	v40 =	vsel vm0, v56, v58;
	[tilespmem:v55+s22+$0x0] =	vst.idx.msk $0xffff, v52  }
0x142: {  	v2 =	vsel vm0, v3, v2;
	[tilespmem:v59+s22+$0x0] =	vst.idx.msk $0xffff, v40  }
0x143: {  	v0 =	vsel vm0, v0, v4;
	[tilespmem:v60+s22+$0x0] =	vst.idx.msk $0xffff, v2  }
0x144: {  	[tilespmem:v61+s22+$0x0] =	vst.idx.msk $0xffff, v0  }
0x145: {  	v0 =	vld [tilespmem:$0x510]  }
0x146: {  	v2 =	vld [tilespmem:$0x290];
	_ =	sdelay $0x3  }
0x147: {  	v3 =	vld [tilespmem:$0x10];
	vm0 =	vgt.s32 v0, $0xFFFFFFFF  }
0x148: {  	v4 =	vld.idx.msk [tilespmem:v9+s13+$0x0], $0xffff;
	v0 =	vsel vm0, v0, v2  }
0x149: {  	v49 =	vld.idx.msk [tilespmem:v10+s13+$0x0], $0xffff  }
0x14a: {  	v2 =	vld.idx.msk [tilespmem:v8+s13+$0x0], $0xffff  }
0x14b: {  	v50 =	vld.idx.msk [tilespmem:v11+s13+$0x0], $0xffff;
	_ =	sdelay $0x1  }
0x14c: {  	v51 =	vld.idx.msk [tilespmem:v0+s15+$0x0], $0xffff  }
0x14d: {  	v52 =	vld.idx.msk [tilespmem:v0+s18+$0x0], $0xffff  }
0x14e: {  	v45 =	vor.u32 $0x800, v55;
	v56 =	vld.idx.msk [tilespmem:v0+s19+$0x0], $0xffff;
	v42 =	vadd.f32 v49, v2  }
0x14f: {  	v47 =	vor.u32 $0x801, v55;
	vm1 =	vgt.f32 v3, $5.000000000e-01;
	v46 =	vadd.f32 v50, v4;
	v3 =	vld.idx.msk [tilespmem:v0+s20+$0x0], $0xffff  }
0x150: {  	v40 =	vor.u32 $0x802, v55;
	vm0 =	vmor vm0, vm1;
	v0 =	vld.idx.msk [tilespmem:v0+s21+$0x0], $0xffff;
	v57 =	vmul.f32 $5.000000000e-01, v42  }
0x151: {  	v62 =	vor.u32 $0x803, v55;
	v59 =	vmul.f32 $5.000000000e-01, v46;
	v51 =	vnsel vm0, $0x0, v51  }
0x152: {  	v2 =	vsub.f32 v49, v2;
	v52 =	vsel vm0, v52, v57;
	[tilespmem:$0x15B10] =	vst v51  }
0x153: {  	v4 =	vsub.f32 v50, v4;
	v42 =	vsel vm0, v56, v59;
	[tilespmem:v45+s22+$0x0] =	vst.idx.msk $0xffff, v52  }
0x154: {  	v2 =	vsel vm0, v3, v2;
	[tilespmem:v47+s22+$0x0] =	vst.idx.msk $0xffff, v42  }
0x155: {  	v0 =	vsel vm0, v0, v4;
	[tilespmem:v40+s22+$0x0] =	vst.idx.msk $0xffff, v2  }
0x156: {  	[tilespmem:v62+s22+$0x0] =	vst.idx.msk $0xffff, v0  }
0x157: {  	v0 =	vld [tilespmem:$0x520]  }
0x158: {  	v2 =	vld [tilespmem:$0x2A0];
	_ =	sdelay $0x3  }
0x159: {  	v3 =	vld [tilespmem:$0x20];
	vm0 =	vgt.s32 v0, $0xFFFFFFFF  }
0x15a: {  	v4 =	vld.idx.msk [tilespmem:v13+s13+$0x0], $0xffff;
	v0 =	vsel vm0, v0, v2  }
0x15b: {  	v49 =	vld.idx.msk [tilespmem:v14+s13+$0x0], $0xffff  }
0x15c: {  	v2 =	vld.idx.msk [tilespmem:v12+s13+$0x0], $0xffff  }
0x15d: {  	v50 =	vld.idx.msk [tilespmem:v15+s13+$0x0], $0xffff;
	_ =	sdelay $0x1  }
0x15e: {  	v51 =	vld.idx.msk [tilespmem:v0+s15+$0x0], $0xffff  }
0x15f: {  	v52 =	vld.idx.msk [tilespmem:v0+s18+$0x0], $0xffff  }
0x160: {  	v58 =	vor.u32 $0x1000, v55;
	v56 =	vld.idx.msk [tilespmem:v0+s19+$0x0], $0xffff;
	v45 =	vadd.f32 v49, v2  }
0x161: {  	v47 =	vor.u32 $0x1001, v55;
	vm1 =	vgt.f32 v3, $5.000000000e-01;
	v46 =	vadd.f32 v50, v4;
	v3 =	vld.idx.msk [tilespmem:v0+s20+$0x0], $0xffff  }
0x162: {  	v40 =	vor.u32 $0x1002, v55;
	vm0 =	vmor vm0, vm1;
	v0 =	vld.idx.msk [tilespmem:v0+s21+$0x0], $0xffff;
	v57 =	vmul.f32 $5.000000000e-01, v45  }
0x163: {  	v42 =	vor.u32 $0x1003, v55;
	v59 =	vmul.f32 $5.000000000e-01, v46;
	v51 =	vnsel vm0, $0x0, v51  }
0x164: {  	v2 =	vsub.f32 v49, v2;
	v52 =	vsel vm0, v52, v57;
	[tilespmem:$0x15B20] =	vst v51  }
0x165: {  	v4 =	vsub.f32 v50, v4;
	v45 =	vsel vm0, v56, v59;
	[tilespmem:v58+s22+$0x0] =	vst.idx.msk $0xffff, v52  }
0x166: {  	v2 =	vsel vm0, v3, v2;
	[tilespmem:v47+s22+$0x0] =	vst.idx.msk $0xffff, v45  }
0x167: {  	v0 =	vsel vm0, v0, v4;
	[tilespmem:v40+s22+$0x0] =	vst.idx.msk $0xffff, v2  }
0x168: {  	[tilespmem:v42+s22+$0x0] =	vst.idx.msk $0xffff, v0  }
0x169: {  	v0 =	vld [tilespmem:$0x530]  }
0x16a: {  	v2 =	vld [tilespmem:$0x2B0];
	_ =	sdelay $0x3  }
0x16b: {  	v3 =	vld [tilespmem:$0x30];
	vm0 =	vgt.s32 v0, $0xFFFFFFFF  }
0x16c: {  	v4 =	vld.idx.msk [tilespmem:v17+s13+$0x0], $0xffff;
	v0 =	vsel vm0, v0, v2  }
0x16d: {  	v49 =	vld.idx.msk [tilespmem:v18+s13+$0x0], $0xffff  }
0x16e: {  	v2 =	vld.idx.msk [tilespmem:v16+s13+$0x0], $0xffff  }
0x16f: {  	v50 =	vld.idx.msk [tilespmem:v19+s13+$0x0], $0xffff;
	_ =	sdelay $0x1  }
0x170: {  	v51 =	vld.idx.msk [tilespmem:v0+s15+$0x0], $0xffff  }
0x171: {  	v52 =	vld.idx.msk [tilespmem:v0+s18+$0x0], $0xffff  }
0x172: {  	v47 =	vor.u32 $0x1800, v55;
	v56 =	vld.idx.msk [tilespmem:v0+s19+$0x0], $0xffff;
	v46 =	vadd.f32 v49, v2  }
0x173: {  	v40 =	vor.u32 $0x1801, v55;
	vm1 =	vgt.f32 v3, $5.000000000e-01;
	v48 =	vadd.f32 v50, v4;
	v3 =	vld.idx.msk [tilespmem:v0+s20+$0x0], $0xffff  }
0x174: {  	v42 =	vor.u32 $0x1802, v55;
	vm0 =	vmor vm0, vm1;
	v0 =	vld.idx.msk [tilespmem:v0+s21+$0x0], $0xffff;
	v57 =	vmul.f32 $5.000000000e-01, v46  }
0x175: {  	v45 =	vor.u32 $0x1803, v55;
	v59 =	vmul.f32 $5.000000000e-01, v48;
	v51 =	vnsel vm0, $0x0, v51  }
0x176: {  	v2 =	vsub.f32 v49, v2;
	v52 =	vsel vm0, v52, v57;
	[tilespmem:$0x15B30] =	vst v51  }
0x177: {  	v4 =	vsub.f32 v50, v4;
	v46 =	vsel vm0, v56, v59;
	[tilespmem:v47+s22+$0x0] =	vst.idx.msk $0xffff, v52  }
0x178: {  	v2 =	vsel vm0, v3, v2;
	[tilespmem:v40+s22+$0x0] =	vst.idx.msk $0xffff, v46  }
0x179: {  	v0 =	vsel vm0, v0, v4;
	[tilespmem:v42+s22+$0x0] =	vst.idx.msk $0xffff, v2  }
0x17a: {  	[tilespmem:v45+s22+$0x0] =	vst.idx.msk $0xffff, v0  }
0x17b: {  	v0 =	vld [tilespmem:$0x540]  }
0x17c: {  	v2 =	vld [tilespmem:$0x2C0];
	_ =	sdelay $0x3  }
0x17d: {  	v3 =	vld [tilespmem:$0x40];
	vm0 =	vgt.s32 v0, $0xFFFFFFFF  }
0x17e: {  	v4 =	vld.idx.msk [tilespmem:v21+s13+$0x0], $0xffff;
	v0 =	vsel vm0, v0, v2  }
0x17f: {  	v49 =	vld.idx.msk [tilespmem:v22+s13+$0x0], $0xffff  }
0x180: {  	v2 =	vld.idx.msk [tilespmem:v20+s13+$0x0], $0xffff  }
0x181: {  	v50 =	vld.idx.msk [tilespmem:v23+s13+$0x0], $0xffff;
	_ =	sdelay $0x1  }
0x182: {  	v51 =	vld.idx.msk [tilespmem:v0+s15+$0x0], $0xffff  }
0x183: {  	v52 =	vld.idx.msk [tilespmem:v0+s18+$0x0], $0xffff  }
0x184: {  	v58 =	vor.u32 $0x2000, v55;
	v47 =	vld.idx.msk [tilespmem:v0+s19+$0x0], $0xffff;
	v48 =	vadd.f32 v49, v2  }
0x185: {  	v42 =	vor.u32 $0x2001, v55;
	vm1 =	vgt.f32 v3, $5.000000000e-01;
	v40 =	vadd.f32 v50, v4;
	v3 =	vld.idx.msk [tilespmem:v0+s20+$0x0], $0xffff  }
0x186: {  	v45 =	vor.u32 $0x2002, v55;
	vm0 =	vmor vm0, vm1;
	v0 =	vld.idx.msk [tilespmem:v0+s21+$0x0], $0xffff;
	v57 =	vmul.f32 $5.000000000e-01, v48  }
0x187: {  	v46 =	vor.u32 $0x2003, v55;
	v59 =	vmul.f32 $5.000000000e-01, v40;
	v51 =	vnsel vm0, $0x0, v51  }
0x188: {  	v2 =	vsub.f32 v49, v2;
	v52 =	vsel vm0, v52, v57;
	[tilespmem:$0x15B40] =	vst v51  }
0x189: {  	v4 =	vsub.f32 v50, v4;
	v47 =	vsel vm0, v47, v59;
	[tilespmem:v58+s22+$0x0] =	vst.idx.msk $0xffff, v52  }
0x18a: {  	v2 =	vsel vm0, v3, v2;
	[tilespmem:v42+s22+$0x0] =	vst.idx.msk $0xffff, v47  }
0x18b: {  	v0 =	vsel vm0, v0, v4;
	[tilespmem:v45+s22+$0x0] =	vst.idx.msk $0xffff, v2  }
0x18c: {  	[tilespmem:v46+s22+$0x0] =	vst.idx.msk $0xffff, v0  }
0x18d: {  	v0 =	vld [tilespmem:$0x550]  }
0x18e: {  	v2 =	vld [tilespmem:$0x2D0];
	_ =	sdelay $0x3  }
0x18f: {  	v3 =	vld [tilespmem:$0x50];
	vm0 =	vgt.s32 v0, $0xFFFFFFFF  }
0x190: {  	v4 =	vld.idx.msk [tilespmem:v25+s13+$0x0], $0xffff;
	v0 =	vsel vm0, v0, v2  }
0x191: {  	v49 =	vld.idx.msk [tilespmem:v26+s13+$0x0], $0xffff  }
0x192: {  	v2 =	vld.idx.msk [tilespmem:v24+s13+$0x0], $0xffff  }
0x193: {  	v50 =	vld.idx.msk [tilespmem:v27+s13+$0x0], $0xffff;
	_ =	sdelay $0x1  }
0x194: {  	v51 =	vld.idx.msk [tilespmem:v0+s15+$0x0], $0xffff  }
0x195: {  	v52 =	vld.idx.msk [tilespmem:v0+s18+$0x0], $0xffff  }
0x196: {  	v40 =	vor.u32 $0x2800, v55;
	v56 =	vld.idx.msk [tilespmem:v0+s19+$0x0], $0xffff;
	v48 =	vadd.f32 v49, v2  }
0x197: {  	v45 =	vor.u32 $0x2801, v55;
	vm1 =	vgt.f32 v3, $5.000000000e-01;
	v42 =	vadd.f32 v50, v4;
	v3 =	vld.idx.msk [tilespmem:v0+s20+$0x0], $0xffff  }
0x198: {  	v46 =	vor.u32 $0x2802, v55;
	vm0 =	vmor vm0, vm1;
	v0 =	vld.idx.msk [tilespmem:v0+s21+$0x0], $0xffff;
	v57 =	vmul.f32 $5.000000000e-01, v48  }
0x199: {  	v47 =	vor.u32 $0x2803, v55;
	v59 =	vmul.f32 $5.000000000e-01, v42;
	v51 =	vnsel vm0, $0x0, v51  }
0x19a: {  	v2 =	vsub.f32 v49, v2;
	v52 =	vsel vm0, v52, v57;
	[tilespmem:$0x15B50] =	vst v51  }
0x19b: {  	v4 =	vsub.f32 v50, v4;
	v59 =	vsel vm0, v56, v59;
	[tilespmem:v40+s22+$0x0] =	vst.idx.msk $0xffff, v52  }
0x19c: {  	v2 =	vsel vm0, v3, v2;
	[tilespmem:v45+s22+$0x0] =	vst.idx.msk $0xffff, v59  }
0x19d: {  	v0 =	vsel vm0, v0, v4;
	[tilespmem:v46+s22+$0x0] =	vst.idx.msk $0xffff, v2  }
0x19e: {  	[tilespmem:v47+s22+$0x0] =	vst.idx.msk $0xffff, v0  }
0x19f: {  	v0 =	vld [tilespmem:$0x560]  }
0x1a0: {  	v2 =	vld [tilespmem:$0x2E0];
	_ =	sdelay $0x3  }
0x1a1: {  	v3 =	vld [tilespmem:$0x60];
	vm0 =	vgt.s32 v0, $0xFFFFFFFF  }
0x1a2: {  	v4 =	vld.idx.msk [tilespmem:v29+s13+$0x0], $0xffff;
	v0 =	vsel vm0, v0, v2  }
0x1a3: {  	v49 =	vld.idx.msk [tilespmem:v30+s13+$0x0], $0xffff  }
0x1a4: {  	v2 =	vld.idx.msk [tilespmem:v28+s13+$0x0], $0xffff  }
0x1a5: {  	v50 =	vld.idx.msk [tilespmem:v31+s13+$0x0], $0xffff;
	_ =	sdelay $0x1  }
0x1a6: {  	v51 =	vld.idx.msk [tilespmem:v0+s15+$0x0], $0xffff  }
0x1a7: {  	v52 =	vld.idx.msk [tilespmem:v0+s18+$0x0], $0xffff  }
0x1a8: {  	v58 =	vor.u32 $0x3000, v55;
	v56 =	vld.idx.msk [tilespmem:v0+s19+$0x0], $0xffff;
	v40 =	vadd.f32 v49, v2  }
0x1a9: {  	v45 =	vor.u32 $0x3001, v55;
	vm1 =	vgt.f32 v3, $5.000000000e-01;
	v42 =	vadd.f32 v50, v4;
	v3 =	vld.idx.msk [tilespmem:v0+s20+$0x0], $0xffff  }
0x1aa: {  	v46 =	vor.u32 $0x3002, v55;
	vm0 =	vmor vm0, vm1;
	v0 =	vld.idx.msk [tilespmem:v0+s21+$0x0], $0xffff;
	v57 =	vmul.f32 $5.000000000e-01, v40  }
0x1ab: {  	v47 =	vor.u32 $0x3003, v55;
	v59 =	vmul.f32 $5.000000000e-01, v42;
	v51 =	vnsel vm0, $0x0, v51  }
0x1ac: {  	v2 =	vsub.f32 v49, v2;
	v52 =	vsel vm0, v52, v57;
	[tilespmem:$0x15B60] =	vst v51  }
0x1ad: {  	v4 =	vsub.f32 v50, v4;
	v40 =	vsel vm0, v56, v59;
	[tilespmem:v58+s22+$0x0] =	vst.idx.msk $0xffff, v52  }
0x1ae: {  	v2 =	vsel vm0, v3, v2;
	[tilespmem:v45+s22+$0x0] =	vst.idx.msk $0xffff, v40  }
0x1af: {  	v0 =	vsel vm0, v0, v4;
	[tilespmem:v46+s22+$0x0] =	vst.idx.msk $0xffff, v2  }
0x1b0: {  	[tilespmem:v47+s22+$0x0] =	vst.idx.msk $0xffff, v0  }
0x1b1: {  	v0 =	vld [tilespmem:$0x570]  }
0x1b2: {  	v2 =	vld [tilespmem:$0x2F0];
	_ =	sdelay $0x3  }
0x1b3: {  	v3 =	vld [tilespmem:$0x70];
	vm0 =	vgt.s32 v0, $0xFFFFFFFF  }
0x1b4: {  	v4 =	vld.idx.msk [tilespmem:v33+s13+$0x0], $0xffff;
	v0 =	vsel vm0, v0, v2  }
0x1b5: {  	v49 =	vld.idx.msk [tilespmem:v34+s13+$0x0], $0xffff  }
0x1b6: {  	v6 =	vmov v7;
	v7 =	vmov v8;
	v2 =	vld.idx.msk [tilespmem:v32+s13+$0x0], $0xffff  }
0x1b7: {  	v8 =	vmovc v9;
	v9 =	vmovc v10;
	v10 =	vmov v11;
	v11 =	vmov v12;
	v12 =	vmov v13;
	v50 =	vld.idx.msk [tilespmem:v35+s13+$0x0], $0xffff  }
0x1b8: {  	v13 =	vmovc v14;
	v14 =	vmovc v15;
	v15 =	vmov v16;
	v16 =	vmov v17;
	v17 =	vmov v18  }
0x1b9: {  	v18 =	vmovc v19;
	v19 =	vmovc v20;
	v20 =	vmov v21;
	v21 =	vmov v22;
	v22 =	vmov v23;
	v51 =	vld.idx.msk [tilespmem:v0+s15+$0x0], $0xffff  }
0x1ba: {  	v23 =	vmovc v24;
	v24 =	vmovc v25;
	v25 =	vmov v26;
	v26 =	vmov v27;
	v27 =	vmov v28;
	v52 =	vld.idx.msk [tilespmem:v0+s18+$0x0], $0xffff  }
0x1bb: {  	v28 =	vmovc v29;
	v29 =	vmovc v30;
	v30 =	vmov v31;
	v45 =	vor.u32 $0x3800, v55;
	v56 =	vld.idx.msk [tilespmem:v0+s19+$0x0], $0xffff;
	v42 =	vadd.f32 v49, v2  }
0x1bc: {  	v31 =	vmovc v32;
	v47 =	vor.u32 $0x3801, v55;
	vm1 =	vgt.f32 v3, $5.000000000e-01;
	v46 =	vadd.f32 v50, v4;
	v32 =	vmovc v33;
	v3 =	vld.idx.msk [tilespmem:v0+s20+$0x0], $0xffff  }
0x1bd: {  	v33 =	vmovc v34;
	v34 =	vmovc v35;
	vm0 =	vmor vm0, vm1;
	v35 =	vor.u32 $0x3802, v55;
	v0 =	vld.idx.msk [tilespmem:v0+s21+$0x0], $0xffff;
	v57 =	vmul.f32 $5.000000000e-01, v42  }
0x1be: {  	v40 =	vor.u32 $0x3803, v55;
	v59 =	vmul.f32 $5.000000000e-01, v46;
	v51 =	vnsel vm0, $0x0, v51  }
0x1bf: {  	v2 =	vsub.f32 v49, v2;
	v52 =	vsel vm0, v52, v57;
	[tilespmem:$0x15B70] =	vst v51  }
0x1c0: {  	v4 =	vsub.f32 v50, v4;
	v42 =	vsel vm0, v56, v59;
	[tilespmem:v45+s22+$0x0] =	vst.idx.msk $0xffff, v52  }
0x1c1: {  	v2 =	vsel vm0, v3, v2;
	[tilespmem:v47+s22+$0x0] =	vst.idx.msk $0xffff, v42  }
0x1c2: {  	v0 =	vsel vm0, v0, v4;
	[tilespmem:v35+s22+$0x0] =	vst.idx.msk $0xffff, v2  }
0x1c3: {  	[tilespmem:v40+s22+$0x0] =	vst.idx.msk $0xffff, v0  }
0x1c4: {  	v0 =	vld [tilespmem:$0x580]  }
0x1c5: {  	v2 =	vld [tilespmem:$0x300];
	_ =	sdelay $0x3  }
0x1c6: {  	v3 =	vld [tilespmem:$0x80];
	vm0 =	vgt.s32 v0, $0xFFFFFFFF  }
0x1c7: {  	v4 =	vld.idx.msk [tilespmem:v37+s13+$0x0], $0xffff;
	v0 =	vsel vm0, v0, v2  }
0x1c8: {  	v49 =	vld.idx.msk [tilespmem:v38+s13+$0x0], $0xffff  }
0x1c9: {  	v2 =	vld.idx.msk [tilespmem:v36+s13+$0x0], $0xffff  }
0x1ca: {  	v50 =	vld.idx.msk [tilespmem:v39+s13+$0x0], $0xffff;
	_ =	sdelay $0x1  }
0x1cb: {  	v51 =	vld.idx.msk [tilespmem:v0+s15+$0x0], $0xffff  }
0x1cc: {  	v52 =	vld.idx.msk [tilespmem:v0+s18+$0x0], $0xffff  }
0x1cd: {  	v47 =	vor.u32 $0x4000, v55;
	v35 =	vmovc v36;
	vm1 =	vgt.f32 v3, $5.000000000e-01;
	v45 =	vld.idx.msk [tilespmem:v0+s19+$0x0], $0xffff;
	v46 =	vadd.f32 v49, v2  }
0x1ce: {  	v48 =	vadd.f32 v50, v4;
	v36 =	vmovc v37;
	v37 =	vmovc v38;
	v38 =	vmov v39;
	v39 =	vor.u32 $0x4001, v55;
	v3 =	vld.idx.msk [tilespmem:v0+s20+$0x0], $0xffff  }
0x1cf: {  	v40 =	vor.u32 $0x4002, v55;
	vm0 =	vmor vm0, vm1;
	v0 =	vld.idx.msk [tilespmem:v0+s21+$0x0], $0xffff;
	v57 =	vmul.f32 $5.000000000e-01, v46  }
0x1d0: {  	v42 =	vor.u32 $0x4003, v55;
	v59 =	vmul.f32 $5.000000000e-01, v48;
	v51 =	vnsel vm0, $0x0, v51  }
0x1d1: {  	v2 =	vsub.f32 v49, v2;
	v52 =	vsel vm0, v52, v57;
	[tilespmem:$0x15B80] =	vst v51  }
0x1d2: {  	v4 =	vsub.f32 v50, v4;
	v45 =	vsel vm0, v45, v59;
	[tilespmem:v47+s22+$0x0] =	vst.idx.msk $0xffff, v52  }
0x1d3: {  	v2 =	vsel vm0, v3, v2;
	[tilespmem:v39+s22+$0x0] =	vst.idx.msk $0xffff, v45  }
0x1d4: {  	v0 =	vsel vm0, v0, v4;
	[tilespmem:v40+s22+$0x0] =	vst.idx.msk $0xffff, v2  }
0x1d5: {  	v39 =	vld [tilespmem:$0x1FFA0];
	[tilespmem:v42+s22+$0x0] =	vst.idx.msk $0xffff, v0  }
0x1d6: {  	v0 =	vld [tilespmem:$0x590]  }
0x1d7: {  	v4 =	vld.idx.msk [tilespmem:v41+s13+$0x0], $0xffff  }
0x1d8: {  	v41 =	vld [tilespmem:$0x1FFC0]  }
0x1d9: {  	v2 =	vld [tilespmem:$0x310];
	_ =	sdelay $0x3  }
0x1da: {  	vm0 =	vgt.s32 v0, $0xFFFFFFFF  }
0x1db: {  	v3 =	vld [tilespmem:$0x90];
	v0 =	vsel vm0, v0, v2  }
0x1dc: {  	v2 =	vld.idx.msk [tilespmem:v39+s13+$0x0], $0xffff  }
0x1dd: {  	v49 =	vld.idx.msk [tilespmem:v41+s13+$0x0], $0xffff  }
0x1de: {  	v50 =	vld.idx.msk [tilespmem:v43+s13+$0x0], $0xffff;
	_ =	sdelay $0x1  }
0x1df: {  	v51 =	vld.idx.msk [tilespmem:v0+s15+$0x0], $0xffff  }
0x1e0: {  	v52 =	vld.idx.msk [tilespmem:v0+s18+$0x0], $0xffff  }
0x1e1: {  	v47 =	vor.u32 $0x4800, v55;
	v56 =	vld.idx.msk [tilespmem:v0+s19+$0x0], $0xffff;
	v46 =	vadd.f32 v49, v2  }
0x1e2: {  	v42 =	vor.u32 $0x4801, v55;
	vm1 =	vgt.f32 v3, $5.000000000e-01;
	v40 =	vadd.f32 v50, v4;
	v3 =	vld.idx.msk [tilespmem:v0+s20+$0x0], $0xffff  }
0x1e3: {  	v63 =	vmovc v5;
	v5 =	vmovc v43;
	v43 =	vor.u32 $0x4802, v55;
	vm0 =	vmor vm0, vm1;
	v0 =	vld.idx.msk [tilespmem:v0+s21+$0x0], $0xffff;
	v57 =	vmul.f32 $5.000000000e-01, v46  }
0x1e4: {  	v45 =	vor.u32 $0x4803, v55;
	v59 =	vmul.f32 $5.000000000e-01, v40;
	v51 =	vnsel vm0, $0x0, v51  }
0x1e5: {  	v2 =	vsub.f32 v49, v2;
	v52 =	vsel vm0, v52, v57;
	[tilespmem:$0x15B90] =	vst v51  }
0x1e6: {  	v4 =	vsub.f32 v50, v4;
	v46 =	vsel vm0, v56, v59;
	[tilespmem:v47+s22+$0x0] =	vst.idx.msk $0xffff, v52  }
0x1e7: {  	v2 =	vsel vm0, v3, v2;
	[tilespmem:v42+s22+$0x0] =	vst.idx.msk $0xffff, v46  }
0x1e8: {  	v0 =	vsel vm0, v0, v4;
	[tilespmem:v43+s22+$0x0] =	vst.idx.msk $0xffff, v2  }
0x1e9: {  	[tilespmem:v45+s22+$0x0] =	vst.idx.msk $0xffff, v0  }
0x1ea: {  	v0 =	vld [tilespmem:$0x5A0]  }
0x1eb: {  	v2 =	vld [tilespmem:$0x320];
	_ =	sdelay $0x2  }
0x1ec: {  	v48 =	vld [tilespmem:$0x1FF60]  }
0x1ed: {  	v45 =	vld [tilespmem:$0x1FF80];
	vm0 =	vgt.s32 v0, $0xFFFFFFFF  }
0x1ee: {  	v0 =	vsel vm0, v0, v2;
	v2 =	vld.idx.msk [tilespmem:v44+s13+$0x0], $0xffff  }
0x1ef: {  	v43 =	vmov v44;
	v44 =	vld [tilespmem:$0x1FF50];
	_ =	sdelay $0x4  }
0x1f0: {  	v3 =	vld [tilespmem:$0xA0]  }
0x1f1: {  	v4 =	vld.idx.msk [tilespmem:v48+s13+$0x0], $0xffff  }
0x1f2: {  	v49 =	vld.idx.msk [tilespmem:v45+s13+$0x0], $0xffff  }
0x1f3: {  	v50 =	vld.idx.msk [tilespmem:v44+s13+$0x0], $0xffff;
	_ =	sdelay $0x1  }
0x1f4: {  	v51 =	vld.idx.msk [tilespmem:v0+s15+$0x0], $0xffff  }
0x1f5: {  	v52 =	vld.idx.msk [tilespmem:v0+s18+$0x0], $0xffff  }
0x1f6: {  	v58 =	vor.u32 $0x5000, v55;
	v56 =	vld.idx.msk [tilespmem:v0+s19+$0x0], $0xffff;
	v47 =	vadd.f32 v49, v2  }
0x1f7: {  	v42 =	vor.u32 $0x5001, v55;
	vm1 =	vgt.f32 v3, $5.000000000e-01;
	v3 =	vld.idx.msk [tilespmem:v0+s20+$0x0], $0xffff;
	v40 =	vadd.f32 v50, v4  }
0x1f8: {  	v46 =	vor.u32 $0x5002, v55;
	vm0 =	vmor vm0, vm1;
	v0 =	vld.idx.msk [tilespmem:v0+s21+$0x0], $0xffff;
	v57 =	vmul.f32 $5.000000000e-01, v47  }
0x1f9: {  	v47 =	vor.u32 $0x5003, v55;
	v51 =	vnsel vm0, $0x0, v51;
	v59 =	vmul.f32 $5.000000000e-01, v40  }
0x1fa: {  	v2 =	vsub.f32 v49, v2;
	v52 =	vsel vm0, v52, v57;
	[tilespmem:$0x15BA0] =	vst v51  }
0x1fb: {  	[tilespmem:v58+s22+$0x0] =	vst.idx.msk $0xffff, v52;
	v4 =	vsub.f32 v50, v4;
	v57 =	vsel vm0, v56, v59  }
0x1fc: {  	v2 =	vsel vm0, v3, v2;
	[tilespmem:v42+s22+$0x0] =	vst.idx.msk $0xffff, v57  }
0x1fd: {  	v0 =	vsel vm0, v0, v4;
	[tilespmem:v46+s22+$0x0] =	vst.idx.msk $0xffff, v2;
	v46 =	vld [tilespmem:$0x1FF70]  }
0x1fe: {  	[tilespmem:v47+s22+$0x0] =	vst.idx.msk $0xffff, v0  }
0x1ff: {  	v0 =	vld [tilespmem:$0x5B0]  }
0x200: {  	v2 =	vld [tilespmem:$0x330];
	_ =	sdelay $0x3  }
0x201: {  	v3 =	vld [tilespmem:$0xB0];
	vm0 =	vgt.s32 v0, $0xFFFFFFFF  }
0x202: {  	v0 =	vsel vm0, v0, v2;
	v2 =	vld.idx.msk [tilespmem:v46+s13+$0x0], $0xffff  }
0x203: {  	v47 =	vld [tilespmem:$0x1FF90]  }
0x204: {  	v40 =	vld [tilespmem:$0x1FFB0]  }
0x205: {  	v42 =	vld [tilespmem:$0x1FFD0];
	_ =	sdelay $0x5  }
0x206: {  	v4 =	vld.idx.msk [tilespmem:v47+s13+$0x0], $0xffff  }
0x207: {  	v49 =	vld.idx.msk [tilespmem:v40+s13+$0x0], $0xffff  }
0x208: {  	v50 =	vld.idx.msk [tilespmem:v42+s13+$0x0], $0xffff;
	_ =	sdelay $0x1  }
0x209: {  	v51 =	vld.idx.msk [tilespmem:v0+s15+$0x0], $0xffff  }
0x20a: {  	v52 =	vld.idx.msk [tilespmem:v0+s18+$0x0], $0xffff  }
0x20b: {  	v58 =	vor.u32 $0x5800, v55;
	v56 =	vld.idx.msk [tilespmem:v0+s19+$0x0], $0xffff;
	v57 =	vadd.f32 v49, v2  }
0x20c: {  	v60 =	vor.u32 $0x5801, v55;
	vm1 =	vgt.f32 v3, $5.000000000e-01;
	v3 =	vld.idx.msk [tilespmem:v0+s20+$0x0], $0xffff;
	v59 =	vadd.f32 v50, v4  }
0x20d: {  	v61 =	vor.u32 $0x5802, v55;
	vm0 =	vmor vm0, vm1;
	v0 =	vld.idx.msk [tilespmem:v0+s21+$0x0], $0xffff;
	v57 =	vmul.f32 $5.000000000e-01, v57  }
0x20e: {  	v62 =	vor.u32 $0x5803, v55;
	v51 =	vnsel vm0, $0x0, v51;
	v59 =	vmul.f32 $5.000000000e-01, v59  }
0x20f: {  	[tilespmem:$0x15BB0] =	vst v51;
	v2 =	vsub.f32 v49, v2;
	v52 =	vsel vm0, v52, v57  }
0x210: {  	v4 =	vsub.f32 v50, v4;
	v59 =	vsel vm0, v56, v59;
	[tilespmem:v58+s22+$0x0] =	vst.idx.msk $0xffff, v52  }
0x211: {  	v2 =	vsel vm0, v3, v2;
	[tilespmem:v60+s22+$0x0] =	vst.idx.msk $0xffff, v59  }
0x212: {  	v0 =	vsel vm0, v0, v4;
	[tilespmem:v61+s22+$0x0] =	vst.idx.msk $0xffff, v2  }
0x213: {  	[tilespmem:v62+s22+$0x0] =	vst.idx.msk $0xffff, v0  }
0x214: {  	v0 =	vld [tilespmem:$0x5C0]  }
0x215: {  	v3 =	vor.u32 $0x300, v1;
	v2 =	vld [tilespmem:$0x340]  }
0x216: {  	v4 =	vor.u32 $0x301, v1  }
0x217: {  	v60 =	vor.u32 $0x302, v1  }
0x218: {  	v61 =	vor.u32 $0x303, v1  }
0x219: {  	v62 =	vld [tilespmem:$0xC0];
	vm0 =	vgt.s32 v0, $0xFFFFFFFF  }
0x21a: {  	v0 =	vsel vm0, v0, v2;
	v2 =	vld.idx.msk [tilespmem:v3+s13+$0x0], $0xffff  }
0x21b: {  	v3 =	vld.idx.msk [tilespmem:v4+s13+$0x0], $0xffff  }
0x21c: {  	v4 =	vld.idx.msk [tilespmem:v60+s13+$0x0], $0xffff  }
0x21d: {  	v49 =	vld.idx.msk [tilespmem:v61+s13+$0x0], $0xffff;
	_ =	sdelay $0x1  }
0x21e: {  	v50 =	vld.idx.msk [tilespmem:v0+s15+$0x0], $0xffff  }
0x21f: {  	v52 =	vld.idx.msk [tilespmem:v0+s18+$0x0], $0xffff  }
0x220: {  	v58 =	vor.u32 $0x6000, v55;
	v56 =	vld.idx.msk [tilespmem:v0+s19+$0x0], $0xffff;
	v57 =	vadd.f32 v4, v2  }
0x221: {  	vm1 =	vgt.f32 v62, $5.000000000e-01;
	v60 =	vor.u32 $0x6001, v55;
	v51 =	vld.idx.msk [tilespmem:v0+s20+$0x0], $0xffff;
	v59 =	vadd.f32 v49, v3  }
0x222: {  	v61 =	vor.u32 $0x6002, v55;
	vm0 =	vmor vm0, vm1;
	v0 =	vld.idx.msk [tilespmem:v0+s21+$0x0], $0xffff;
	v57 =	vmul.f32 $5.000000000e-01, v57  }
0x223: {  	v62 =	vor.u32 $0x6003, v55;
	v59 =	vmul.f32 $5.000000000e-01, v59;
	v50 =	vnsel vm0, $0x0, v50  }
0x224: {  	v2 =	vsub.f32 v4, v2;
	v52 =	vsel vm0, v52, v57;
	[tilespmem:$0x15BC0] =	vst v50  }
0x225: {  	v3 =	vsub.f32 v49, v3;
	v4 =	vsel vm0, v56, v59;
	[tilespmem:v58+s22+$0x0] =	vst.idx.msk $0xffff, v52  }
0x226: {  	v2 =	vsel vm0, v51, v2;
	[tilespmem:v60+s22+$0x0] =	vst.idx.msk $0xffff, v4  }
0x227: {  	v0 =	vsel vm0, v0, v3;
	[tilespmem:v61+s22+$0x0] =	vst.idx.msk $0xffff, v2  }
0x228: {  	[tilespmem:v62+s22+$0x0] =	vst.idx.msk $0xffff, v0  }
0x229: {  	v0 =	vld [tilespmem:$0x5D0]  }
0x22a: {  	v3 =	vor.u32 $0x340, v1;
	v2 =	vld [tilespmem:$0x350]  }
0x22b: {  	v4 =	vor.u32 $0x341, v1  }
0x22c: {  	v60 =	vor.u32 $0x342, v1  }
0x22d: {  	v61 =	vor.u32 $0x343, v1  }
0x22e: {  	v62 =	vld [tilespmem:$0xD0];
	vm0 =	vgt.s32 v0, $0xFFFFFFFF  }
0x22f: {  	v0 =	vsel vm0, v0, v2;
	v2 =	vld.idx.msk [tilespmem:v3+s13+$0x0], $0xffff  }
0x230: {  	v3 =	vld.idx.msk [tilespmem:v4+s13+$0x0], $0xffff  }
0x231: {  	v4 =	vld.idx.msk [tilespmem:v60+s13+$0x0], $0xffff  }
0x232: {  	v49 =	vld.idx.msk [tilespmem:v61+s13+$0x0], $0xffff;
	_ =	sdelay $0x1  }
0x233: {  	v50 =	vld.idx.msk [tilespmem:v0+s15+$0x0], $0xffff  }
0x234: {  	v52 =	vld.idx.msk [tilespmem:v0+s18+$0x0], $0xffff  }
0x235: {  	v58 =	vor.u32 $0x6800, v55;
	v56 =	vld.idx.msk [tilespmem:v0+s19+$0x0], $0xffff;
	v57 =	vadd.f32 v4, v2  }
0x236: {  	vm1 =	vgt.f32 v62, $5.000000000e-01;
	v60 =	vor.u32 $0x6801, v55;
	v51 =	vld.idx.msk [tilespmem:v0+s20+$0x0], $0xffff;
	v59 =	vadd.f32 v49, v3  }
0x237: {  	v61 =	vor.u32 $0x6802, v55;
	vm0 =	vmor vm0, vm1;
	v0 =	vld.idx.msk [tilespmem:v0+s21+$0x0], $0xffff;
	v57 =	vmul.f32 $5.000000000e-01, v57  }
0x238: {  	v62 =	vor.u32 $0x6803, v55;
	v59 =	vmul.f32 $5.000000000e-01, v59;
	v50 =	vnsel vm0, $0x0, v50  }
0x239: {  	v2 =	vsub.f32 v4, v2;
	v52 =	vsel vm0, v52, v57;
	[tilespmem:$0x15BD0] =	vst v50  }
0x23a: {  	v3 =	vsub.f32 v49, v3;
	v4 =	vsel vm0, v56, v59;
	[tilespmem:v58+s22+$0x0] =	vst.idx.msk $0xffff, v52  }
0x23b: {  	v2 =	vsel vm0, v51, v2;
	[tilespmem:v60+s22+$0x0] =	vst.idx.msk $0xffff, v4  }
0x23c: {  	v0 =	vsel vm0, v0, v3;
	[tilespmem:v61+s22+$0x0] =	vst.idx.msk $0xffff, v2  }
0x23d: {  	[tilespmem:v62+s22+$0x0] =	vst.idx.msk $0xffff, v0  }
0x23e: {  	v0 =	vld [tilespmem:$0x5E0]  }
0x23f: {  	v3 =	vor.u32 $0x380, v1;
	v2 =	vld [tilespmem:$0x360]  }
0x240: {  	v4 =	vor.u32 $0x381, v1  }
0x241: {  	v60 =	vor.u32 $0x382, v1  }
0x242: {  	v61 =	vor.u32 $0x383, v1  }
0x243: {  	v62 =	vld [tilespmem:$0xE0];
	vm0 =	vgt.s32 v0, $0xFFFFFFFF  }
0x244: {  	v0 =	vsel vm0, v0, v2;
	v2 =	vld.idx.msk [tilespmem:v3+s13+$0x0], $0xffff  }
0x245: {  	v3 =	vld.idx.msk [tilespmem:v4+s13+$0x0], $0xffff  }
0x246: {  	v4 =	vld.idx.msk [tilespmem:v60+s13+$0x0], $0xffff  }
0x247: {  	v49 =	vld.idx.msk [tilespmem:v61+s13+$0x0], $0xffff;
	_ =	sdelay $0x1  }
0x248: {  	v50 =	vld.idx.msk [tilespmem:v0+s15+$0x0], $0xffff  }
0x249: {  	v52 =	vld.idx.msk [tilespmem:v0+s18+$0x0], $0xffff  }
0x24a: {  	v58 =	vor.u32 $0x7000, v55;
	v56 =	vld.idx.msk [tilespmem:v0+s19+$0x0], $0xffff;
	v57 =	vadd.f32 v4, v2  }
0x24b: {  	vm1 =	vgt.f32 v62, $5.000000000e-01;
	v60 =	vor.u32 $0x7001, v55;
	v51 =	vld.idx.msk [tilespmem:v0+s20+$0x0], $0xffff;
	v59 =	vadd.f32 v49, v3  }
0x24c: {  	v61 =	vor.u32 $0x7002, v55;
	vm0 =	vmor vm0, vm1;
	v0 =	vld.idx.msk [tilespmem:v0+s21+$0x0], $0xffff;
	v57 =	vmul.f32 $5.000000000e-01, v57  }
0x24d: {  	v62 =	vor.u32 $0x7003, v55;
	v59 =	vmul.f32 $5.000000000e-01, v59;
	v50 =	vnsel vm0, $0x0, v50  }
0x24e: {  	v2 =	vsub.f32 v4, v2;
	v52 =	vsel vm0, v52, v57;
	[tilespmem:$0x15BE0] =	vst v50  }
0x24f: {  	v3 =	vsub.f32 v49, v3;
	v4 =	vsel vm0, v56, v59;
	[tilespmem:v58+s22+$0x0] =	vst.idx.msk $0xffff, v52  }
0x250: {  	v2 =	vsel vm0, v51, v2;
	[tilespmem:v60+s22+$0x0] =	vst.idx.msk $0xffff, v4  }
0x251: {  	v0 =	vsel vm0, v0, v3;
	[tilespmem:v61+s22+$0x0] =	vst.idx.msk $0xffff, v2  }
0x252: {  	[tilespmem:v62+s22+$0x0] =	vst.idx.msk $0xffff, v0  }
0x253: {  	v0 =	vld [tilespmem:$0x5F0]  }
0x254: {  	v3 =	vor.u32 $0x3C0, v1;
	v2 =	vld [tilespmem:$0x370]  }
0x255: {  	v4 =	vor.u32 $0x3C1, v1  }
0x256: {  	v60 =	vor.u32 $0x3C2, v1  }
0x257: {  	v61 =	vor.u32 $0x3C3, v1  }
0x258: {  	v62 =	vld [tilespmem:$0xF0];
	vm0 =	vgt.s32 v0, $0xFFFFFFFF  }
0x259: {  	v0 =	vsel vm0, v0, v2;
	v2 =	vld.idx.msk [tilespmem:v3+s13+$0x0], $0xffff  }
0x25a: {  	v3 =	vld.idx.msk [tilespmem:v4+s13+$0x0], $0xffff  }
0x25b: {  	v4 =	vld.idx.msk [tilespmem:v60+s13+$0x0], $0xffff  }
0x25c: {  	v49 =	vld.idx.msk [tilespmem:v61+s13+$0x0], $0xffff;
	_ =	sdelay $0x1  }
0x25d: {  	v50 =	vld.idx.msk [tilespmem:v0+s15+$0x0], $0xffff  }
0x25e: {  	v52 =	vld.idx.msk [tilespmem:v0+s18+$0x0], $0xffff  }
0x25f: {  	v58 =	vor.u32 $0x7800, v55;
	v56 =	vld.idx.msk [tilespmem:v0+s19+$0x0], $0xffff;
	v57 =	vadd.f32 v4, v2  }
0x260: {  	vm1 =	vgt.f32 v62, $5.000000000e-01;
	v60 =	vor.u32 $0x7801, v55;
	v51 =	vld.idx.msk [tilespmem:v0+s20+$0x0], $0xffff;
	v59 =	vadd.f32 v49, v3  }
0x261: {  	v61 =	vor.u32 $0x7802, v55;
	vm0 =	vmor vm0, vm1;
	v0 =	vld.idx.msk [tilespmem:v0+s21+$0x0], $0xffff;
	v57 =	vmul.f32 $5.000000000e-01, v57  }
0x262: {  	v62 =	vor.u32 $0x7803, v55;
	v59 =	vmul.f32 $5.000000000e-01, v59;
	v50 =	vnsel vm0, $0x0, v50  }
0x263: {  	v2 =	vsub.f32 v4, v2;
	v52 =	vsel vm0, v52, v57;
	[tilespmem:$0x15BF0] =	vst v50  }
0x264: {  	v3 =	vsub.f32 v49, v3;
	v4 =	vsel vm0, v56, v59;
	[tilespmem:v58+s22+$0x0] =	vst.idx.msk $0xffff, v52  }
0x265: {  	v2 =	vsel vm0, v51, v2;
	[tilespmem:v60+s22+$0x0] =	vst.idx.msk $0xffff, v4  }
0x266: {  	v0 =	vsel vm0, v0, v3;
	[tilespmem:v61+s22+$0x0] =	vst.idx.msk $0xffff, v2  }
0x267: {  	[tilespmem:v62+s22+$0x0] =	vst.idx.msk $0xffff, v0  }
0x268: {  	v0 =	vld [tilespmem:$0x600]  }
0x269: {  	v3 =	vor.u32 $0x400, v1;
	v2 =	vld [tilespmem:$0x380]  }
0x26a: {  	v4 =	vor.u32 $0x401, v1  }
0x26b: {  	v60 =	vor.u32 $0x402, v1  }
0x26c: {  	v61 =	vor.u32 $0x403, v1  }
0x26d: {  	v62 =	vld [tilespmem:$0x100];
	vm0 =	vgt.s32 v0, $0xFFFFFFFF  }
0x26e: {  	v0 =	vsel vm0, v0, v2;
	v2 =	vld.idx.msk [tilespmem:v3+s13+$0x0], $0xffff  }
0x26f: {  	v3 =	vld.idx.msk [tilespmem:v4+s13+$0x0], $0xffff  }
0x270: {  	v4 =	vld.idx.msk [tilespmem:v60+s13+$0x0], $0xffff  }
0x271: {  	v49 =	vld.idx.msk [tilespmem:v61+s13+$0x0], $0xffff;
	_ =	sdelay $0x1  }
0x272: {  	v50 =	vld.idx.msk [tilespmem:v0+s15+$0x0], $0xffff  }
0x273: {  	v52 =	vld.idx.msk [tilespmem:v0+s18+$0x0], $0xffff  }
0x274: {  	v58 =	vor.u32 $0x8000, v55;
	v56 =	vld.idx.msk [tilespmem:v0+s19+$0x0], $0xffff;
	v57 =	vadd.f32 v4, v2  }
0x275: {  	vm1 =	vgt.f32 v62, $5.000000000e-01;
	v60 =	vor.u32 $0x8001, v55;
	v51 =	vld.idx.msk [tilespmem:v0+s20+$0x0], $0xffff;
	v59 =	vadd.f32 v49, v3  }
0x276: {  	v61 =	vor.u32 $0x8002, v55;
	vm0 =	vmor vm0, vm1;
	v0 =	vld.idx.msk [tilespmem:v0+s21+$0x0], $0xffff;
	v57 =	vmul.f32 $5.000000000e-01, v57  }
0x277: {  	v62 =	vor.u32 $0x8003, v55;
	v59 =	vmul.f32 $5.000000000e-01, v59;
	v50 =	vnsel vm0, $0x0, v50  }
0x278: {  	v2 =	vsub.f32 v4, v2;
	v52 =	vsel vm0, v52, v57;
	[tilespmem:$0x15C00] =	vst v50  }
0x279: {  	v3 =	vsub.f32 v49, v3;
	v4 =	vsel vm0, v56, v59;
	[tilespmem:v58+s22+$0x0] =	vst.idx.msk $0xffff, v52  }
0x27a: {  	v2 =	vsel vm0, v51, v2;
	[tilespmem:v60+s22+$0x0] =	vst.idx.msk $0xffff, v4  }
0x27b: {  	v0 =	vsel vm0, v0, v3;
	[tilespmem:v61+s22+$0x0] =	vst.idx.msk $0xffff, v2  }
0x27c: {  	[tilespmem:v62+s22+$0x0] =	vst.idx.msk $0xffff, v0  }
0x27d: {  	v0 =	vld [tilespmem:$0x610]  }
0x27e: {  	v3 =	vor.u32 $0x440, v1;
	v2 =	vld [tilespmem:$0x390]  }
0x27f: {  	v4 =	vor.u32 $0x441, v1  }
0x280: {  	v60 =	vor.u32 $0x442, v1  }
0x281: {  	v61 =	vor.u32 $0x443, v1  }
0x282: {  	v62 =	vld [tilespmem:$0x110];
	vm0 =	vgt.s32 v0, $0xFFFFFFFF  }
0x283: {  	v0 =	vsel vm0, v0, v2;
	v2 =	vld.idx.msk [tilespmem:v3+s13+$0x0], $0xffff  }
0x284: {  	v3 =	vld.idx.msk [tilespmem:v4+s13+$0x0], $0xffff  }
0x285: {  	v4 =	vld.idx.msk [tilespmem:v60+s13+$0x0], $0xffff  }
0x286: {  	v49 =	vld.idx.msk [tilespmem:v61+s13+$0x0], $0xffff;
	_ =	sdelay $0x1  }
0x287: {  	v50 =	vld.idx.msk [tilespmem:v0+s15+$0x0], $0xffff  }
0x288: {  	v52 =	vld.idx.msk [tilespmem:v0+s18+$0x0], $0xffff  }
0x289: {  	v58 =	vor.u32 $0x8800, v55;
	v56 =	vld.idx.msk [tilespmem:v0+s19+$0x0], $0xffff;
	v57 =	vadd.f32 v4, v2  }
0x28a: {  	vm1 =	vgt.f32 v62, $5.000000000e-01;
	v60 =	vor.u32 $0x8801, v55;
	v51 =	vld.idx.msk [tilespmem:v0+s20+$0x0], $0xffff;
	v59 =	vadd.f32 v49, v3  }
0x28b: {  	v61 =	vor.u32 $0x8802, v55;
	vm0 =	vmor vm0, vm1;
	v0 =	vld.idx.msk [tilespmem:v0+s21+$0x0], $0xffff;
	v57 =	vmul.f32 $5.000000000e-01, v57  }
0x28c: {  	v62 =	vor.u32 $0x8803, v55;
	v59 =	vmul.f32 $5.000000000e-01, v59;
	v50 =	vnsel vm0, $0x0, v50  }
0x28d: {  	v2 =	vsub.f32 v4, v2;
	v52 =	vsel vm0, v52, v57;
	[tilespmem:$0x15C10] =	vst v50  }
0x28e: {  	v3 =	vsub.f32 v49, v3;
	v4 =	vsel vm0, v56, v59;
	[tilespmem:v58+s22+$0x0] =	vst.idx.msk $0xffff, v52  }
0x28f: {  	v2 =	vsel vm0, v51, v2;
	[tilespmem:v60+s22+$0x0] =	vst.idx.msk $0xffff, v4  }
0x290: {  	v0 =	vsel vm0, v0, v3;
	[tilespmem:v61+s22+$0x0] =	vst.idx.msk $0xffff, v2  }
0x291: {  	[tilespmem:v62+s22+$0x0] =	vst.idx.msk $0xffff, v0  }
0x292: {  	v0 =	vld [tilespmem:$0x620]  }
0x293: {  	v3 =	vor.u32 $0x480, v1;
	v2 =	vld [tilespmem:$0x3A0]  }
0x294: {  	v4 =	vor.u32 $0x481, v1  }
0x295: {  	v60 =	vor.u32 $0x482, v1  }
0x296: {  	v61 =	vor.u32 $0x483, v1  }
0x297: {  	v62 =	vld [tilespmem:$0x120];
	vm0 =	vgt.s32 v0, $0xFFFFFFFF  }
0x298: {  	v0 =	vsel vm0, v0, v2;
	v2 =	vld.idx.msk [tilespmem:v3+s13+$0x0], $0xffff  }
0x299: {  	v3 =	vld.idx.msk [tilespmem:v4+s13+$0x0], $0xffff  }
0x29a: {  	v4 =	vld.idx.msk [tilespmem:v60+s13+$0x0], $0xffff  }
0x29b: {  	v49 =	vld.idx.msk [tilespmem:v61+s13+$0x0], $0xffff;
	_ =	sdelay $0x1  }
0x29c: {  	v50 =	vld.idx.msk [tilespmem:v0+s15+$0x0], $0xffff  }
0x29d: {  	v52 =	vld.idx.msk [tilespmem:v0+s18+$0x0], $0xffff  }
0x29e: {  	v58 =	vor.u32 $0x9000, v55;
	v56 =	vld.idx.msk [tilespmem:v0+s19+$0x0], $0xffff;
	v57 =	vadd.f32 v4, v2  }
0x29f: {  	vm1 =	vgt.f32 v62, $5.000000000e-01;
	v60 =	vor.u32 $0x9001, v55;
	v51 =	vld.idx.msk [tilespmem:v0+s20+$0x0], $0xffff;
	v59 =	vadd.f32 v49, v3  }
0x2a0: {  	v61 =	vor.u32 $0x9002, v55;
	vm0 =	vmor vm0, vm1;
	v0 =	vld.idx.msk [tilespmem:v0+s21+$0x0], $0xffff;
	v57 =	vmul.f32 $5.000000000e-01, v57  }
0x2a1: {  	v62 =	vor.u32 $0x9003, v55;
	v59 =	vmul.f32 $5.000000000e-01, v59;
	v50 =	vnsel vm0, $0x0, v50  }
0x2a2: {  	v2 =	vsub.f32 v4, v2;
	v52 =	vsel vm0, v52, v57;
	[tilespmem:$0x15C20] =	vst v50  }
0x2a3: {  	v3 =	vsub.f32 v49, v3;
	v4 =	vsel vm0, v56, v59;
	[tilespmem:v58+s22+$0x0] =	vst.idx.msk $0xffff, v52  }
0x2a4: {  	v2 =	vsel vm0, v51, v2;
	[tilespmem:v60+s22+$0x0] =	vst.idx.msk $0xffff, v4  }
0x2a5: {  	v0 =	vsel vm0, v0, v3;
	[tilespmem:v61+s22+$0x0] =	vst.idx.msk $0xffff, v2  }
0x2a6: {  	[tilespmem:v62+s22+$0x0] =	vst.idx.msk $0xffff, v0  }
0x2a7: {  	v0 =	vld [tilespmem:$0x630]  }
0x2a8: {  	v3 =	vor.u32 $0x4C0, v1;
	v2 =	vld [tilespmem:$0x3B0]  }
0x2a9: {  	v4 =	vor.u32 $0x4C1, v1  }
0x2aa: {  	v60 =	vor.u32 $0x4C2, v1  }
0x2ab: {  	v61 =	vor.u32 $0x4C3, v1  }
0x2ac: {  	v62 =	vld [tilespmem:$0x130];
	vm0 =	vgt.s32 v0, $0xFFFFFFFF  }
0x2ad: {  	v0 =	vsel vm0, v0, v2;
	v2 =	vld.idx.msk [tilespmem:v3+s13+$0x0], $0xffff  }
0x2ae: {  	v3 =	vld.idx.msk [tilespmem:v4+s13+$0x0], $0xffff  }
0x2af: {  	v4 =	vld.idx.msk [tilespmem:v60+s13+$0x0], $0xffff  }
0x2b0: {  	v49 =	vld.idx.msk [tilespmem:v61+s13+$0x0], $0xffff;
	_ =	sdelay $0x1  }
0x2b1: {  	v50 =	vld.idx.msk [tilespmem:v0+s15+$0x0], $0xffff  }
0x2b2: {  	v52 =	vld.idx.msk [tilespmem:v0+s18+$0x0], $0xffff  }
0x2b3: {  	v58 =	vor.u32 $0x9800, v55;
	v56 =	vld.idx.msk [tilespmem:v0+s19+$0x0], $0xffff;
	v57 =	vadd.f32 v4, v2  }
0x2b4: {  	vm1 =	vgt.f32 v62, $5.000000000e-01;
	v60 =	vor.u32 $0x9801, v55;
	v51 =	vld.idx.msk [tilespmem:v0+s20+$0x0], $0xffff;
	v59 =	vadd.f32 v49, v3  }
0x2b5: {  	v61 =	vor.u32 $0x9802, v55;
	vm0 =	vmor vm0, vm1;
	v0 =	vld.idx.msk [tilespmem:v0+s21+$0x0], $0xffff;
	v57 =	vmul.f32 $5.000000000e-01, v57  }
0x2b6: {  	v62 =	vor.u32 $0x9803, v55;
	v59 =	vmul.f32 $5.000000000e-01, v59;
	v50 =	vnsel vm0, $0x0, v50  }
0x2b7: {  	v2 =	vsub.f32 v4, v2;
	v52 =	vsel vm0, v52, v57;
	[tilespmem:$0x15C30] =	vst v50  }
0x2b8: {  	v3 =	vsub.f32 v49, v3;
	v4 =	vsel vm0, v56, v59;
	[tilespmem:v58+s22+$0x0] =	vst.idx.msk $0xffff, v52  }
0x2b9: {  	v2 =	vsel vm0, v51, v2;
	[tilespmem:v60+s22+$0x0] =	vst.idx.msk $0xffff, v4  }
0x2ba: {  	v0 =	vsel vm0, v0, v3;
	[tilespmem:v61+s22+$0x0] =	vst.idx.msk $0xffff, v2  }
0x2bb: {  	[tilespmem:v62+s22+$0x0] =	vst.idx.msk $0xffff, v0  }
0x2bc: {  	v0 =	vld [tilespmem:$0x640]  }
0x2bd: {  	v3 =	vor.u32 $0x500, v1;
	v2 =	vld [tilespmem:$0x3C0]  }
0x2be: {  	v4 =	vor.u32 $0x501, v1  }
0x2bf: {  	v60 =	vor.u32 $0x502, v1  }
0x2c0: {  	v61 =	vor.u32 $0x503, v1  }
0x2c1: {  	v62 =	vld [tilespmem:$0x140];
	vm0 =	vgt.s32 v0, $0xFFFFFFFF  }
0x2c2: {  	v0 =	vsel vm0, v0, v2;
	v2 =	vld.idx.msk [tilespmem:v3+s13+$0x0], $0xffff  }
0x2c3: {  	v3 =	vld.idx.msk [tilespmem:v4+s13+$0x0], $0xffff  }
0x2c4: {  	v4 =	vld.idx.msk [tilespmem:v60+s13+$0x0], $0xffff  }
0x2c5: {  	v49 =	vld.idx.msk [tilespmem:v61+s13+$0x0], $0xffff;
	_ =	sdelay $0x1  }
0x2c6: {  	v50 =	vld.idx.msk [tilespmem:v0+s15+$0x0], $0xffff  }
0x2c7: {  	v52 =	vld.idx.msk [tilespmem:v0+s18+$0x0], $0xffff  }
0x2c8: {  	v58 =	vor.u32 $0xA000, v55;
	v56 =	vld.idx.msk [tilespmem:v0+s19+$0x0], $0xffff;
	v57 =	vadd.f32 v4, v2  }
0x2c9: {  	vm1 =	vgt.f32 v62, $5.000000000e-01;
	v60 =	vor.u32 $0xA001, v55;
	v51 =	vld.idx.msk [tilespmem:v0+s20+$0x0], $0xffff;
	v59 =	vadd.f32 v49, v3  }
0x2ca: {  	v61 =	vor.u32 $0xA002, v55;
	vm0 =	vmor vm0, vm1;
	v0 =	vld.idx.msk [tilespmem:v0+s21+$0x0], $0xffff;
	v57 =	vmul.f32 $5.000000000e-01, v57  }
0x2cb: {  	v62 =	vor.u32 $0xA003, v55;
	v59 =	vmul.f32 $5.000000000e-01, v59;
	v50 =	vnsel vm0, $0x0, v50  }
0x2cc: {  	v2 =	vsub.f32 v4, v2;
	v52 =	vsel vm0, v52, v57;
	[tilespmem:$0x15C40] =	vst v50  }
0x2cd: {  	v3 =	vsub.f32 v49, v3;
	v4 =	vsel vm0, v56, v59;
	[tilespmem:v58+s22+$0x0] =	vst.idx.msk $0xffff, v52  }
0x2ce: {  	v2 =	vsel vm0, v51, v2;
	[tilespmem:v60+s22+$0x0] =	vst.idx.msk $0xffff, v4  }
0x2cf: {  	v0 =	vsel vm0, v0, v3;
	[tilespmem:v61+s22+$0x0] =	vst.idx.msk $0xffff, v2  }
0x2d0: {  	[tilespmem:v62+s22+$0x0] =	vst.idx.msk $0xffff, v0  }
0x2d1: {  	v0 =	vld [tilespmem:$0x650]  }
0x2d2: {  	v3 =	vor.u32 $0x540, v1;
	v2 =	vld [tilespmem:$0x3D0]  }
0x2d3: {  	v4 =	vor.u32 $0x541, v1  }
0x2d4: {  	v60 =	vor.u32 $0x542, v1  }
0x2d5: {  	v61 =	vor.u32 $0x543, v1  }
0x2d6: {  	v62 =	vld [tilespmem:$0x150];
	vm0 =	vgt.s32 v0, $0xFFFFFFFF  }
0x2d7: {  	v0 =	vsel vm0, v0, v2;
	v2 =	vld.idx.msk [tilespmem:v3+s13+$0x0], $0xffff  }
0x2d8: {  	v3 =	vld.idx.msk [tilespmem:v4+s13+$0x0], $0xffff  }
0x2d9: {  	v4 =	vld.idx.msk [tilespmem:v60+s13+$0x0], $0xffff  }
0x2da: {  	v49 =	vld.idx.msk [tilespmem:v61+s13+$0x0], $0xffff;
	_ =	sdelay $0x1  }
0x2db: {  	v50 =	vld.idx.msk [tilespmem:v0+s15+$0x0], $0xffff  }
0x2dc: {  	v52 =	vld.idx.msk [tilespmem:v0+s18+$0x0], $0xffff  }
0x2dd: {  	v58 =	vor.u32 $0xA800, v55;
	v56 =	vld.idx.msk [tilespmem:v0+s19+$0x0], $0xffff;
	v57 =	vadd.f32 v4, v2  }
0x2de: {  	vm1 =	vgt.f32 v62, $5.000000000e-01;
	v60 =	vor.u32 $0xA801, v55;
	v51 =	vld.idx.msk [tilespmem:v0+s20+$0x0], $0xffff;
	v59 =	vadd.f32 v49, v3  }
0x2df: {  	v61 =	vor.u32 $0xA802, v55;
	vm0 =	vmor vm0, vm1;
	v0 =	vld.idx.msk [tilespmem:v0+s21+$0x0], $0xffff;
	v57 =	vmul.f32 $5.000000000e-01, v57  }
0x2e0: {  	v62 =	vor.u32 $0xA803, v55;
	v59 =	vmul.f32 $5.000000000e-01, v59;
	v50 =	vnsel vm0, $0x0, v50  }
0x2e1: {  	v2 =	vsub.f32 v4, v2;
	v52 =	vsel vm0, v52, v57;
	[tilespmem:$0x15C50] =	vst v50  }
0x2e2: {  	v3 =	vsub.f32 v49, v3;
	v4 =	vsel vm0, v56, v59;
	[tilespmem:v58+s22+$0x0] =	vst.idx.msk $0xffff, v52  }
0x2e3: {  	v2 =	vsel vm0, v51, v2;
	[tilespmem:v60+s22+$0x0] =	vst.idx.msk $0xffff, v4  }
0x2e4: {  	v0 =	vsel vm0, v0, v3;
	[tilespmem:v61+s22+$0x0] =	vst.idx.msk $0xffff, v2  }
0x2e5: {  	[tilespmem:v62+s22+$0x0] =	vst.idx.msk $0xffff, v0  }
0x2e6: {  	v0 =	vld [tilespmem:$0x660]  }
0x2e7: {  	v3 =	vor.u32 $0x580, v1;
	v2 =	vld [tilespmem:$0x3E0]  }
0x2e8: {  	v4 =	vor.u32 $0x581, v1  }
0x2e9: {  	v60 =	vor.u32 $0x582, v1  }
0x2ea: {  	v61 =	vor.u32 $0x583, v1  }
0x2eb: {  	v62 =	vld [tilespmem:$0x160];
	vm0 =	vgt.s32 v0, $0xFFFFFFFF  }
0x2ec: {  	v0 =	vsel vm0, v0, v2;
	v2 =	vld.idx.msk [tilespmem:v3+s13+$0x0], $0xffff  }
0x2ed: {  	v3 =	vld.idx.msk [tilespmem:v4+s13+$0x0], $0xffff  }
0x2ee: {  	v4 =	vld.idx.msk [tilespmem:v60+s13+$0x0], $0xffff  }
0x2ef: {  	v49 =	vld.idx.msk [tilespmem:v61+s13+$0x0], $0xffff;
	_ =	sdelay $0x1  }
0x2f0: {  	v50 =	vld.idx.msk [tilespmem:v0+s15+$0x0], $0xffff  }
0x2f1: {  	v52 =	vld.idx.msk [tilespmem:v0+s18+$0x0], $0xffff  }
0x2f2: {  	v58 =	vor.u32 $0xB000, v55;
	v56 =	vld.idx.msk [tilespmem:v0+s19+$0x0], $0xffff;
	v57 =	vadd.f32 v4, v2  }
0x2f3: {  	vm1 =	vgt.f32 v62, $5.000000000e-01;
	v60 =	vor.u32 $0xB001, v55;
	v51 =	vld.idx.msk [tilespmem:v0+s20+$0x0], $0xffff;
	v59 =	vadd.f32 v49, v3  }
0x2f4: {  	v61 =	vor.u32 $0xB002, v55;
	vm0 =	vmor vm0, vm1;
	v0 =	vld.idx.msk [tilespmem:v0+s21+$0x0], $0xffff;
	v57 =	vmul.f32 $5.000000000e-01, v57  }
0x2f5: {  	v62 =	vor.u32 $0xB003, v55;
	v59 =	vmul.f32 $5.000000000e-01, v59;
	v50 =	vnsel vm0, $0x0, v50  }
0x2f6: {  	v2 =	vsub.f32 v4, v2;
	v52 =	vsel vm0, v52, v57;
	[tilespmem:$0x15C60] =	vst v50  }
0x2f7: {  	v3 =	vsub.f32 v49, v3;
	v4 =	vsel vm0, v56, v59;
	[tilespmem:v58+s22+$0x0] =	vst.idx.msk $0xffff, v52  }
0x2f8: {  	v2 =	vsel vm0, v51, v2;
	[tilespmem:v60+s22+$0x0] =	vst.idx.msk $0xffff, v4  }
0x2f9: {  	v0 =	vsel vm0, v0, v3;
	[tilespmem:v61+s22+$0x0] =	vst.idx.msk $0xffff, v2  }
0x2fa: {  	[tilespmem:v62+s22+$0x0] =	vst.idx.msk $0xffff, v0  }
0x2fb: {  	v0 =	vld [tilespmem:$0x670]  }
0x2fc: {  	v3 =	vor.u32 $0x5C0, v1;
	v2 =	vld [tilespmem:$0x3F0]  }
0x2fd: {  	v4 =	vor.u32 $0x5C1, v1  }
0x2fe: {  	v60 =	vor.u32 $0x5C2, v1  }
0x2ff: {  	v61 =	vor.u32 $0x5C3, v1  }
0x300: {  	v62 =	vld [tilespmem:$0x170];
	vm0 =	vgt.s32 v0, $0xFFFFFFFF  }
0x301: {  	v0 =	vsel vm0, v0, v2;
	v2 =	vld.idx.msk [tilespmem:v3+s13+$0x0], $0xffff  }
0x302: {  	v3 =	vld.idx.msk [tilespmem:v4+s13+$0x0], $0xffff  }
0x303: {  	v4 =	vld.idx.msk [tilespmem:v60+s13+$0x0], $0xffff  }
0x304: {  	v49 =	vld.idx.msk [tilespmem:v61+s13+$0x0], $0xffff;
	_ =	sdelay $0x1  }
0x305: {  	v50 =	vld.idx.msk [tilespmem:v0+s15+$0x0], $0xffff  }
0x306: {  	v52 =	vld.idx.msk [tilespmem:v0+s18+$0x0], $0xffff  }
0x307: {  	v58 =	vor.u32 $0xB800, v55;
	v56 =	vld.idx.msk [tilespmem:v0+s19+$0x0], $0xffff;
	v57 =	vadd.f32 v4, v2  }
0x308: {  	vm1 =	vgt.f32 v62, $5.000000000e-01;
	v60 =	vor.u32 $0xB801, v55;
	v51 =	vld.idx.msk [tilespmem:v0+s20+$0x0], $0xffff;
	v59 =	vadd.f32 v49, v3  }
0x309: {  	v61 =	vor.u32 $0xB802, v55;
	vm0 =	vmor vm0, vm1;
	v0 =	vld.idx.msk [tilespmem:v0+s21+$0x0], $0xffff;
	v57 =	vmul.f32 $5.000000000e-01, v57  }
0x30a: {  	v62 =	vor.u32 $0xB803, v55;
	v59 =	vmul.f32 $5.000000000e-01, v59;
	v50 =	vnsel vm0, $0x0, v50  }
0x30b: {  	v2 =	vsub.f32 v4, v2;
	v52 =	vsel vm0, v52, v57;
	[tilespmem:$0x15C70] =	vst v50  }
0x30c: {  	v3 =	vsub.f32 v49, v3;
	v4 =	vsel vm0, v56, v59;
	[tilespmem:v58+s22+$0x0] =	vst.idx.msk $0xffff, v52  }
0x30d: {  	v2 =	vsel vm0, v51, v2;
	[tilespmem:v60+s22+$0x0] =	vst.idx.msk $0xffff, v4  }
0x30e: {  	v0 =	vsel vm0, v0, v3;
	[tilespmem:v61+s22+$0x0] =	vst.idx.msk $0xffff, v2  }
0x30f: {  	[tilespmem:v62+s22+$0x0] =	vst.idx.msk $0xffff, v0  }
0x310: {  	v0 =	vld [tilespmem:$0x680]  }
0x311: {  	v3 =	vor.u32 $0x600, v1;
	v2 =	vld [tilespmem:$0x400]  }
0x312: {  	v4 =	vor.u32 $0x601, v1  }
0x313: {  	v60 =	vor.u32 $0x602, v1  }
0x314: {  	v61 =	vor.u32 $0x603, v1  }
0x315: {  	v62 =	vld [tilespmem:$0x180];
	vm0 =	vgt.s32 v0, $0xFFFFFFFF  }
0x316: {  	v0 =	vsel vm0, v0, v2;
	v2 =	vld.idx.msk [tilespmem:v3+s13+$0x0], $0xffff  }
0x317: {  	v3 =	vld.idx.msk [tilespmem:v4+s13+$0x0], $0xffff  }
0x318: {  	v4 =	vld.idx.msk [tilespmem:v60+s13+$0x0], $0xffff  }
0x319: {  	v49 =	vld.idx.msk [tilespmem:v61+s13+$0x0], $0xffff;
	_ =	sdelay $0x1  }
0x31a: {  	v50 =	vld.idx.msk [tilespmem:v0+s15+$0x0], $0xffff  }
0x31b: {  	v52 =	vld.idx.msk [tilespmem:v0+s18+$0x0], $0xffff  }
0x31c: {  	v58 =	vor.u32 $0xC000, v55;
	v56 =	vld.idx.msk [tilespmem:v0+s19+$0x0], $0xffff;
	v57 =	vadd.f32 v4, v2  }
0x31d: {  	vm1 =	vgt.f32 v62, $5.000000000e-01;
	v60 =	vor.u32 $0xC001, v55;
	v51 =	vld.idx.msk [tilespmem:v0+s20+$0x0], $0xffff;
	v59 =	vadd.f32 v49, v3  }
0x31e: {  	v61 =	vor.u32 $0xC002, v55;
	vm0 =	vmor vm0, vm1;
	v0 =	vld.idx.msk [tilespmem:v0+s21+$0x0], $0xffff;
	v57 =	vmul.f32 $5.000000000e-01, v57  }
0x31f: {  	v62 =	vor.u32 $0xC003, v55;
	v59 =	vmul.f32 $5.000000000e-01, v59;
	v50 =	vnsel vm0, $0x0, v50  }
0x320: {  	v2 =	vsub.f32 v4, v2;
	v52 =	vsel vm0, v52, v57;
	[tilespmem:$0x15C80] =	vst v50  }
0x321: {  	v3 =	vsub.f32 v49, v3;
	v4 =	vsel vm0, v56, v59;
	[tilespmem:v58+s22+$0x0] =	vst.idx.msk $0xffff, v52  }
0x322: {  	v2 =	vsel vm0, v51, v2;
	[tilespmem:v60+s22+$0x0] =	vst.idx.msk $0xffff, v4  }
0x323: {  	v0 =	vsel vm0, v0, v3;
	[tilespmem:v61+s22+$0x0] =	vst.idx.msk $0xffff, v2  }
0x324: {  	[tilespmem:v62+s22+$0x0] =	vst.idx.msk $0xffff, v0  }
0x325: {  	v0 =	vld [tilespmem:$0x690]  }
0x326: {  	v3 =	vor.u32 $0x640, v1;
	v2 =	vld [tilespmem:$0x410]  }
0x327: {  	v4 =	vor.u32 $0x641, v1  }
0x328: {  	v60 =	vor.u32 $0x642, v1  }
0x329: {  	v61 =	vor.u32 $0x643, v1  }
0x32a: {  	v62 =	vld [tilespmem:$0x190];
	vm0 =	vgt.s32 v0, $0xFFFFFFFF  }
0x32b: {  	v0 =	vsel vm0, v0, v2;
	v2 =	vld.idx.msk [tilespmem:v3+s13+$0x0], $0xffff  }
0x32c: {  	v3 =	vld.idx.msk [tilespmem:v4+s13+$0x0], $0xffff  }
0x32d: {  	v4 =	vld.idx.msk [tilespmem:v60+s13+$0x0], $0xffff  }
0x32e: {  	v49 =	vld.idx.msk [tilespmem:v61+s13+$0x0], $0xffff;
	_ =	sdelay $0x1  }
0x32f: {  	v50 =	vld.idx.msk [tilespmem:v0+s15+$0x0], $0xffff  }
0x330: {  	v52 =	vld.idx.msk [tilespmem:v0+s18+$0x0], $0xffff  }
0x331: {  	v58 =	vor.u32 $0xC800, v55;
	v56 =	vld.idx.msk [tilespmem:v0+s19+$0x0], $0xffff;
	v57 =	vadd.f32 v4, v2  }
0x332: {  	vm1 =	vgt.f32 v62, $5.000000000e-01;
	v60 =	vor.u32 $0xC801, v55;
	v51 =	vld.idx.msk [tilespmem:v0+s20+$0x0], $0xffff;
	v59 =	vadd.f32 v49, v3  }
0x333: {  	v61 =	vor.u32 $0xC802, v55;
	vm0 =	vmor vm0, vm1;
	v0 =	vld.idx.msk [tilespmem:v0+s21+$0x0], $0xffff;
	v57 =	vmul.f32 $5.000000000e-01, v57  }
0x334: {  	v62 =	vor.u32 $0xC803, v55;
	v59 =	vmul.f32 $5.000000000e-01, v59;
	v50 =	vnsel vm0, $0x0, v50  }
0x335: {  	v2 =	vsub.f32 v4, v2;
	v52 =	vsel vm0, v52, v57;
	[tilespmem:$0x15C90] =	vst v50  }
0x336: {  	v3 =	vsub.f32 v49, v3;
	v4 =	vsel vm0, v56, v59;
	[tilespmem:v58+s22+$0x0] =	vst.idx.msk $0xffff, v52  }
0x337: {  	v2 =	vsel vm0, v51, v2;
	[tilespmem:v60+s22+$0x0] =	vst.idx.msk $0xffff, v4  }
0x338: {  	v0 =	vsel vm0, v0, v3;
	[tilespmem:v61+s22+$0x0] =	vst.idx.msk $0xffff, v2  }
0x339: {  	[tilespmem:v62+s22+$0x0] =	vst.idx.msk $0xffff, v0  }
0x33a: {  	v0 =	vld [tilespmem:$0x6A0]  }
0x33b: {  	v3 =	vor.u32 $0x680, v1;
	v2 =	vld [tilespmem:$0x420]  }
0x33c: {  	v4 =	vor.u32 $0x681, v1  }
0x33d: {  	v60 =	vor.u32 $0x682, v1  }
0x33e: {  	v61 =	vor.u32 $0x683, v1  }
0x33f: {  	v62 =	vld [tilespmem:$0x1A0];
	vm0 =	vgt.s32 v0, $0xFFFFFFFF  }
0x340: {  	v0 =	vsel vm0, v0, v2;
	v2 =	vld.idx.msk [tilespmem:v3+s13+$0x0], $0xffff  }
0x341: {  	v3 =	vld.idx.msk [tilespmem:v4+s13+$0x0], $0xffff  }
0x342: {  	v4 =	vld.idx.msk [tilespmem:v60+s13+$0x0], $0xffff  }
0x343: {  	v49 =	vld.idx.msk [tilespmem:v61+s13+$0x0], $0xffff;
	_ =	sdelay $0x1  }
0x344: {  	v50 =	vld.idx.msk [tilespmem:v0+s15+$0x0], $0xffff  }
0x345: {  	v52 =	vld.idx.msk [tilespmem:v0+s18+$0x0], $0xffff  }
0x346: {  	v58 =	vor.u32 $0xD000, v55;
	v56 =	vld.idx.msk [tilespmem:v0+s19+$0x0], $0xffff;
	v57 =	vadd.f32 v4, v2  }
0x347: {  	vm1 =	vgt.f32 v62, $5.000000000e-01;
	v60 =	vor.u32 $0xD001, v55;
	v51 =	vld.idx.msk [tilespmem:v0+s20+$0x0], $0xffff;
	v59 =	vadd.f32 v49, v3  }
0x348: {  	v61 =	vor.u32 $0xD002, v55;
	vm0 =	vmor vm0, vm1;
	v0 =	vld.idx.msk [tilespmem:v0+s21+$0x0], $0xffff;
	v57 =	vmul.f32 $5.000000000e-01, v57  }
0x349: {  	v62 =	vor.u32 $0xD003, v55;
	v59 =	vmul.f32 $5.000000000e-01, v59;
	v50 =	vnsel vm0, $0x0, v50  }
0x34a: {  	v2 =	vsub.f32 v4, v2;
	v52 =	vsel vm0, v52, v57;
	[tilespmem:$0x15CA0] =	vst v50  }
0x34b: {  	v3 =	vsub.f32 v49, v3;
	v4 =	vsel vm0, v56, v59;
	[tilespmem:v58+s22+$0x0] =	vst.idx.msk $0xffff, v52  }
0x34c: {  	v2 =	vsel vm0, v51, v2;
	[tilespmem:v60+s22+$0x0] =	vst.idx.msk $0xffff, v4  }
0x34d: {  	v0 =	vsel vm0, v0, v3;
	[tilespmem:v61+s22+$0x0] =	vst.idx.msk $0xffff, v2  }
0x34e: {  	[tilespmem:v62+s22+$0x0] =	vst.idx.msk $0xffff, v0  }
0x34f: {  	v0 =	vld [tilespmem:$0x6B0]  }
0x350: {  	v3 =	vor.u32 $0x6C0, v1;
	v2 =	vld [tilespmem:$0x430]  }
0x351: {  	v4 =	vor.u32 $0x6C1, v1  }
0x352: {  	v60 =	vor.u32 $0x6C2, v1  }
0x353: {  	v61 =	vor.u32 $0x6C3, v1  }
0x354: {  	v62 =	vld [tilespmem:$0x1B0];
	vm0 =	vgt.s32 v0, $0xFFFFFFFF  }
0x355: {  	v0 =	vsel vm0, v0, v2;
	v2 =	vld.idx.msk [tilespmem:v3+s13+$0x0], $0xffff  }
0x356: {  	v3 =	vld.idx.msk [tilespmem:v4+s13+$0x0], $0xffff  }
0x357: {  	v4 =	vld.idx.msk [tilespmem:v60+s13+$0x0], $0xffff  }
0x358: {  	v49 =	vld.idx.msk [tilespmem:v61+s13+$0x0], $0xffff;
	_ =	sdelay $0x1  }
0x359: {  	v50 =	vld.idx.msk [tilespmem:v0+s15+$0x0], $0xffff  }
0x35a: {  	v52 =	vld.idx.msk [tilespmem:v0+s18+$0x0], $0xffff  }
0x35b: {  	v58 =	vor.u32 $0xD800, v55;
	v56 =	vld.idx.msk [tilespmem:v0+s19+$0x0], $0xffff;
	v57 =	vadd.f32 v4, v2  }
0x35c: {  	vm1 =	vgt.f32 v62, $5.000000000e-01;
	v60 =	vor.u32 $0xD801, v55;
	v51 =	vld.idx.msk [tilespmem:v0+s20+$0x0], $0xffff;
	v59 =	vadd.f32 v49, v3  }
0x35d: {  	v61 =	vor.u32 $0xD802, v55;
	vm0 =	vmor vm0, vm1;
	v0 =	vld.idx.msk [tilespmem:v0+s21+$0x0], $0xffff;
	v57 =	vmul.f32 $5.000000000e-01, v57  }
0x35e: {  	v62 =	vor.u32 $0xD803, v55;
	v59 =	vmul.f32 $5.000000000e-01, v59;
	v50 =	vnsel vm0, $0x0, v50  }
0x35f: {  	v2 =	vsub.f32 v4, v2;
	v52 =	vsel vm0, v52, v57;
	[tilespmem:$0x15CB0] =	vst v50  }
0x360: {  	v3 =	vsub.f32 v49, v3;
	v4 =	vsel vm0, v56, v59;
	[tilespmem:v58+s22+$0x0] =	vst.idx.msk $0xffff, v52  }
0x361: {  	v2 =	vsel vm0, v51, v2;
	[tilespmem:v60+s22+$0x0] =	vst.idx.msk $0xffff, v4  }
0x362: {  	v0 =	vsel vm0, v0, v3;
	[tilespmem:v61+s22+$0x0] =	vst.idx.msk $0xffff, v2  }
0x363: {  	[tilespmem:v62+s22+$0x0] =	vst.idx.msk $0xffff, v0  }
0x364: {  	v0 =	vld [tilespmem:$0x6C0]  }
0x365: {  	v3 =	vor.u32 $0x700, v1;
	v2 =	vld [tilespmem:$0x440]  }
0x366: {  	v4 =	vor.u32 $0x701, v1  }
0x367: {  	v60 =	vor.u32 $0x702, v1  }
0x368: {  	v61 =	vor.u32 $0x703, v1  }
0x369: {  	v62 =	vld [tilespmem:$0x1C0];
	vm0 =	vgt.s32 v0, $0xFFFFFFFF  }
0x36a: {  	v0 =	vsel vm0, v0, v2;
	v2 =	vld.idx.msk [tilespmem:v3+s13+$0x0], $0xffff  }
0x36b: {  	v3 =	vld.idx.msk [tilespmem:v4+s13+$0x0], $0xffff  }
0x36c: {  	v4 =	vld.idx.msk [tilespmem:v60+s13+$0x0], $0xffff  }
0x36d: {  	v49 =	vld.idx.msk [tilespmem:v61+s13+$0x0], $0xffff;
	_ =	sdelay $0x1  }
0x36e: {  	v50 =	vld.idx.msk [tilespmem:v0+s15+$0x0], $0xffff  }
0x36f: {  	v52 =	vld.idx.msk [tilespmem:v0+s18+$0x0], $0xffff  }
0x370: {  	v58 =	vor.u32 $0xE000, v55;
	v56 =	vld.idx.msk [tilespmem:v0+s19+$0x0], $0xffff;
	v57 =	vadd.f32 v4, v2  }
0x371: {  	vm1 =	vgt.f32 v62, $5.000000000e-01;
	v60 =	vor.u32 $0xE001, v55;
	v51 =	vld.idx.msk [tilespmem:v0+s20+$0x0], $0xffff;
	v59 =	vadd.f32 v49, v3  }
0x372: {  	v61 =	vor.u32 $0xE002, v55;
	vm0 =	vmor vm0, vm1;
	v0 =	vld.idx.msk [tilespmem:v0+s21+$0x0], $0xffff;
	v57 =	vmul.f32 $5.000000000e-01, v57  }
0x373: {  	v62 =	vor.u32 $0xE003, v55;
	v59 =	vmul.f32 $5.000000000e-01, v59;
	v50 =	vnsel vm0, $0x0, v50  }
0x374: {  	v2 =	vsub.f32 v4, v2;
	v52 =	vsel vm0, v52, v57;
	[tilespmem:$0x15CC0] =	vst v50  }
0x375: {  	v3 =	vsub.f32 v49, v3;
	v4 =	vsel vm0, v56, v59;
	[tilespmem:v58+s22+$0x0] =	vst.idx.msk $0xffff, v52  }
0x376: {  	v2 =	vsel vm0, v51, v2;
	[tilespmem:v60+s22+$0x0] =	vst.idx.msk $0xffff, v4  }
0x377: {  	v0 =	vsel vm0, v0, v3;
	[tilespmem:v61+s22+$0x0] =	vst.idx.msk $0xffff, v2  }
0x378: {  	[tilespmem:v62+s22+$0x0] =	vst.idx.msk $0xffff, v0  }
0x379: {  	v0 =	vld [tilespmem:$0x6D0]  }
0x37a: {  	v3 =	vor.u32 $0x740, v1;
	v2 =	vld [tilespmem:$0x450]  }
0x37b: {  	v4 =	vor.u32 $0x741, v1  }
0x37c: {  	v60 =	vor.u32 $0x742, v1  }
0x37d: {  	v61 =	vor.u32 $0x743, v1  }
0x37e: {  	v62 =	vld [tilespmem:$0x1D0];
	vm0 =	vgt.s32 v0, $0xFFFFFFFF  }
0x37f: {  	v0 =	vsel vm0, v0, v2;
	v2 =	vld.idx.msk [tilespmem:v3+s13+$0x0], $0xffff  }
0x380: {  	v3 =	vld.idx.msk [tilespmem:v4+s13+$0x0], $0xffff  }
0x381: {  	v4 =	vld.idx.msk [tilespmem:v60+s13+$0x0], $0xffff  }
0x382: {  	v49 =	vld.idx.msk [tilespmem:v61+s13+$0x0], $0xffff;
	_ =	sdelay $0x1  }
0x383: {  	v50 =	vld.idx.msk [tilespmem:v0+s15+$0x0], $0xffff  }
0x384: {  	v52 =	vld.idx.msk [tilespmem:v0+s18+$0x0], $0xffff  }
0x385: {  	v58 =	vor.u32 $0xE800, v55;
	v56 =	vld.idx.msk [tilespmem:v0+s19+$0x0], $0xffff;
	v57 =	vadd.f32 v4, v2  }
0x386: {  	vm1 =	vgt.f32 v62, $5.000000000e-01;
	v60 =	vor.u32 $0xE801, v55;
	v51 =	vld.idx.msk [tilespmem:v0+s20+$0x0], $0xffff;
	v59 =	vadd.f32 v49, v3  }
0x387: {  	v61 =	vor.u32 $0xE802, v55;
	vm0 =	vmor vm0, vm1;
	v0 =	vld.idx.msk [tilespmem:v0+s21+$0x0], $0xffff;
	v57 =	vmul.f32 $5.000000000e-01, v57  }
0x388: {  	v62 =	vor.u32 $0xE803, v55;
	v59 =	vmul.f32 $5.000000000e-01, v59;
	v50 =	vnsel vm0, $0x0, v50  }
0x389: {  	v2 =	vsub.f32 v4, v2;
	v52 =	vsel vm0, v52, v57;
	[tilespmem:$0x15CD0] =	vst v50  }
0x38a: {  	v3 =	vsub.f32 v49, v3;
	v4 =	vsel vm0, v56, v59;
	[tilespmem:v58+s22+$0x0] =	vst.idx.msk $0xffff, v52  }
0x38b: {  	v2 =	vsel vm0, v51, v2;
	[tilespmem:v60+s22+$0x0] =	vst.idx.msk $0xffff, v4  }
0x38c: {  	v0 =	vsel vm0, v0, v3;
	[tilespmem:v61+s22+$0x0] =	vst.idx.msk $0xffff, v2  }
0x38d: {  	[tilespmem:v62+s22+$0x0] =	vst.idx.msk $0xffff, v0  }
0x38e: {  	v0 =	vld [tilespmem:$0x6E0]  }
0x38f: {  	v3 =	vor.u32 $0x780, v1;
	v2 =	vld [tilespmem:$0x460]  }
0x390: {  	v4 =	vor.u32 $0x781, v1  }
0x391: {  	v60 =	vor.u32 $0x782, v1  }
0x392: {  	v61 =	vor.u32 $0x783, v1  }
0x393: {  	v62 =	vld [tilespmem:$0x1E0];
	vm0 =	vgt.s32 v0, $0xFFFFFFFF  }
0x394: {  	v0 =	vsel vm0, v0, v2;
	v2 =	vld.idx.msk [tilespmem:v3+s13+$0x0], $0xffff  }
0x395: {  	v3 =	vld.idx.msk [tilespmem:v4+s13+$0x0], $0xffff  }
0x396: {  	v4 =	vld.idx.msk [tilespmem:v60+s13+$0x0], $0xffff  }
0x397: {  	v49 =	vld.idx.msk [tilespmem:v61+s13+$0x0], $0xffff;
	_ =	sdelay $0x1  }
0x398: {  	v50 =	vld.idx.msk [tilespmem:v0+s15+$0x0], $0xffff  }
0x399: {  	v52 =	vld.idx.msk [tilespmem:v0+s18+$0x0], $0xffff  }
0x39a: {  	v58 =	vor.u32 $0xF000, v55;
	v56 =	vld.idx.msk [tilespmem:v0+s19+$0x0], $0xffff;
	v57 =	vadd.f32 v4, v2  }
0x39b: {  	vm1 =	vgt.f32 v62, $5.000000000e-01;
	v60 =	vor.u32 $0xF001, v55;
	v51 =	vld.idx.msk [tilespmem:v0+s20+$0x0], $0xffff;
	v59 =	vadd.f32 v49, v3  }
0x39c: {  	v61 =	vor.u32 $0xF002, v55;
	vm0 =	vmor vm0, vm1;
	v0 =	vld.idx.msk [tilespmem:v0+s21+$0x0], $0xffff;
	v57 =	vmul.f32 $5.000000000e-01, v57  }
0x39d: {  	v62 =	vor.u32 $0xF003, v55;
	v59 =	vmul.f32 $5.000000000e-01, v59;
	v50 =	vnsel vm0, $0x0, v50  }
0x39e: {  	v2 =	vsub.f32 v4, v2;
	v52 =	vsel vm0, v52, v57;
	[tilespmem:$0x15CE0] =	vst v50  }
0x39f: {  	v3 =	vsub.f32 v49, v3;
	v4 =	vsel vm0, v56, v59;
	[tilespmem:v58+s22+$0x0] =	vst.idx.msk $0xffff, v52  }
0x3a0: {  	v2 =	vsel vm0, v51, v2;
	[tilespmem:v60+s22+$0x0] =	vst.idx.msk $0xffff, v4  }
0x3a1: {  	v0 =	vsel vm0, v0, v3;
	[tilespmem:v61+s22+$0x0] =	vst.idx.msk $0xffff, v2  }
0x3a2: {  	[tilespmem:v62+s22+$0x0] =	vst.idx.msk $0xffff, v0  }
0x3a3: {  	v0 =	vld [tilespmem:$0x6F0]  }
0x3a4: {  	v3 =	vor.u32 $0x7C0, v1;
	v2 =	vld [tilespmem:$0x470]  }
0x3a5: {  	v4 =	vor.u32 $0x7C1, v1  }
0x3a6: {  	v60 =	vor.u32 $0x7C2, v1  }
0x3a7: {  	v61 =	vor.u32 $0x7C3, v1  }
0x3a8: {  	v62 =	vld [tilespmem:$0x1F0];
	vm0 =	vgt.s32 v0, $0xFFFFFFFF  }
0x3a9: {  	v0 =	vsel vm0, v0, v2;
	v2 =	vld.idx.msk [tilespmem:v3+s13+$0x0], $0xffff  }
0x3aa: {  	v3 =	vld.idx.msk [tilespmem:v4+s13+$0x0], $0xffff  }
0x3ab: {  	v4 =	vld.idx.msk [tilespmem:v60+s13+$0x0], $0xffff  }
0x3ac: {  	v49 =	vld.idx.msk [tilespmem:v61+s13+$0x0], $0xffff;
	_ =	sdelay $0x1  }
0x3ad: {  	v50 =	vld.idx.msk [tilespmem:v0+s15+$0x0], $0xffff  }
0x3ae: {  	v52 =	vld.idx.msk [tilespmem:v0+s18+$0x0], $0xffff  }
0x3af: {  	v58 =	vor.u32 $0xF800, v55;
	v56 =	vld.idx.msk [tilespmem:v0+s19+$0x0], $0xffff;
	v57 =	vadd.f32 v4, v2  }
0x3b0: {  	vm1 =	vgt.f32 v62, $5.000000000e-01;
	v60 =	vor.u32 $0xF801, v55;
	v51 =	vld.idx.msk [tilespmem:v0+s20+$0x0], $0xffff;
	v59 =	vadd.f32 v49, v3  }
0x3b1: {  	v61 =	vor.u32 $0xF802, v55;
	vm0 =	vmor vm0, vm1;
	v0 =	vld.idx.msk [tilespmem:v0+s21+$0x0], $0xffff;
	v57 =	vmul.f32 $5.000000000e-01, v57  }
0x3b2: {  	v62 =	vor.u32 $0xF803, v55;
	v59 =	vmul.f32 $5.000000000e-01, v59;
	v50 =	vnsel vm0, $0x0, v50  }
0x3b3: {  	v2 =	vsub.f32 v4, v2;
	v52 =	vsel vm0, v52, v57;
	[tilespmem:$0x15CF0] =	vst v50  }
0x3b4: {  	v3 =	vsub.f32 v49, v3;
	v4 =	vsel vm0, v56, v59;
	[tilespmem:v58+s22+$0x0] =	vst.idx.msk $0xffff, v52  }
0x3b5: {  	v2 =	vsel vm0, v51, v2;
	[tilespmem:v60+s22+$0x0] =	vst.idx.msk $0xffff, v4  }
0x3b6: {  	v0 =	vsel vm0, v0, v3;
	[tilespmem:v61+s22+$0x0] =	vst.idx.msk $0xffff, v2  }
0x3b7: {  	[tilespmem:v62+s22+$0x0] =	vst.idx.msk $0xffff, v0  }
0x3b8: {  	v0 =	vld [tilespmem:$0x700]  }
0x3b9: {  	v3 =	vor.u32 $0x800, v1;
	v2 =	vld [tilespmem:$0x480]  }
0x3ba: {  	v4 =	vor.u32 $0x801, v1  }
0x3bb: {  	v60 =	vor.u32 $0x802, v1  }
0x3bc: {  	v61 =	vor.u32 $0x803, v1  }
0x3bd: {  	v62 =	vld [tilespmem:$0x200];
	vm0 =	vgt.s32 v0, $0xFFFFFFFF  }
0x3be: {  	v0 =	vsel vm0, v0, v2;
	v2 =	vld.idx.msk [tilespmem:v3+s13+$0x0], $0xffff  }
0x3bf: {  	v3 =	vld.idx.msk [tilespmem:v4+s13+$0x0], $0xffff  }
0x3c0: {  	v4 =	vld.idx.msk [tilespmem:v60+s13+$0x0], $0xffff  }
0x3c1: {  	v49 =	vld.idx.msk [tilespmem:v61+s13+$0x0], $0xffff;
	_ =	sdelay $0x1  }
0x3c2: {  	v50 =	vld.idx.msk [tilespmem:v0+s15+$0x0], $0xffff  }
0x3c3: {  	v52 =	vld.idx.msk [tilespmem:v0+s18+$0x0], $0xffff  }
0x3c4: {  	v58 =	vor.u32 $0x10000, v55;
	v56 =	vld.idx.msk [tilespmem:v0+s19+$0x0], $0xffff;
	v57 =	vadd.f32 v4, v2  }
0x3c5: {  	vm1 =	vgt.f32 v62, $5.000000000e-01;
	v60 =	vor.u32 $0x10001, v55;
	v51 =	vld.idx.msk [tilespmem:v0+s20+$0x0], $0xffff;
	v59 =	vadd.f32 v49, v3  }
0x3c6: {  	v61 =	vor.u32 $0x10002, v55;
	vm0 =	vmor vm0, vm1;
	v0 =	vld.idx.msk [tilespmem:v0+s21+$0x0], $0xffff;
	v57 =	vmul.f32 $5.000000000e-01, v57  }
0x3c7: {  	v62 =	vor.u32 $0x10003, v55;
	v59 =	vmul.f32 $5.000000000e-01, v59;
	v50 =	vnsel vm0, $0x0, v50  }
0x3c8: {  	v2 =	vsub.f32 v4, v2;
	v52 =	vsel vm0, v52, v57;
	[tilespmem:$0x15D00] =	vst v50  }
0x3c9: {  	v3 =	vsub.f32 v49, v3;
	v4 =	vsel vm0, v56, v59;
	[tilespmem:v58+s22+$0x0] =	vst.idx.msk $0xffff, v52  }
0x3ca: {  	v2 =	vsel vm0, v51, v2;
	[tilespmem:v60+s22+$0x0] =	vst.idx.msk $0xffff, v4  }
0x3cb: {  	v0 =	vsel vm0, v0, v3;
	[tilespmem:v61+s22+$0x0] =	vst.idx.msk $0xffff, v2  }
0x3cc: {  	[tilespmem:v62+s22+$0x0] =	vst.idx.msk $0xffff, v0  }
0x3cd: {  	v0 =	vld [tilespmem:$0x710]  }
0x3ce: {  	v3 =	vor.u32 $0x840, v1;
	v2 =	vld [tilespmem:$0x490]  }
0x3cf: {  	v4 =	vor.u32 $0x841, v1  }
0x3d0: {  	v60 =	vor.u32 $0x842, v1  }
0x3d1: {  	v61 =	vor.u32 $0x843, v1  }
0x3d2: {  	v62 =	vld [tilespmem:$0x210];
	vm0 =	vgt.s32 v0, $0xFFFFFFFF  }
0x3d3: {  	v0 =	vsel vm0, v0, v2;
	v2 =	vld.idx.msk [tilespmem:v3+s13+$0x0], $0xffff  }
0x3d4: {  	v3 =	vld.idx.msk [tilespmem:v4+s13+$0x0], $0xffff  }
0x3d5: {  	v4 =	vld.idx.msk [tilespmem:v60+s13+$0x0], $0xffff  }
0x3d6: {  	v49 =	vld.idx.msk [tilespmem:v61+s13+$0x0], $0xffff;
	_ =	sdelay $0x1  }
0x3d7: {  	v50 =	vld.idx.msk [tilespmem:v0+s15+$0x0], $0xffff  }
0x3d8: {  	v52 =	vld.idx.msk [tilespmem:v0+s18+$0x0], $0xffff  }
0x3d9: {  	v58 =	vor.u32 $0x10800, v55;
	v56 =	vld.idx.msk [tilespmem:v0+s19+$0x0], $0xffff;
	v57 =	vadd.f32 v4, v2  }
0x3da: {  	vm1 =	vgt.f32 v62, $5.000000000e-01;
	v60 =	vor.u32 $0x10801, v55;
	v51 =	vld.idx.msk [tilespmem:v0+s20+$0x0], $0xffff;
	v59 =	vadd.f32 v49, v3  }
0x3db: {  	v61 =	vor.u32 $0x10802, v55;
	vm0 =	vmor vm0, vm1;
	v0 =	vld.idx.msk [tilespmem:v0+s21+$0x0], $0xffff;
	v57 =	vmul.f32 $5.000000000e-01, v57  }
0x3dc: {  	v62 =	vor.u32 $0x10803, v55;
	v59 =	vmul.f32 $5.000000000e-01, v59;
	v50 =	vnsel vm0, $0x0, v50  }
0x3dd: {  	v2 =	vsub.f32 v4, v2;
	v52 =	vsel vm0, v52, v57;
	[tilespmem:$0x15D10] =	vst v50  }
0x3de: {  	v3 =	vsub.f32 v49, v3;
	v4 =	vsel vm0, v56, v59;
	[tilespmem:v58+s22+$0x0] =	vst.idx.msk $0xffff, v52  }
0x3df: {  	v2 =	vsel vm0, v51, v2;
	[tilespmem:v60+s22+$0x0] =	vst.idx.msk $0xffff, v4  }
0x3e0: {  	v0 =	vsel vm0, v0, v3;
	[tilespmem:v61+s22+$0x0] =	vst.idx.msk $0xffff, v2  }
0x3e1: {  	[tilespmem:v62+s22+$0x0] =	vst.idx.msk $0xffff, v0  }
0x3e2: {  	v0 =	vld [tilespmem:$0x720]  }
0x3e3: {  	v3 =	vor.u32 $0x880, v1;
	v2 =	vld [tilespmem:$0x4A0]  }
0x3e4: {  	v4 =	vor.u32 $0x881, v1  }
0x3e5: {  	v60 =	vor.u32 $0x882, v1  }
0x3e6: {  	v61 =	vor.u32 $0x883, v1  }
0x3e7: {  	v62 =	vld [tilespmem:$0x220];
	vm0 =	vgt.s32 v0, $0xFFFFFFFF  }
0x3e8: {  	v0 =	vsel vm0, v0, v2;
	v2 =	vld.idx.msk [tilespmem:v3+s13+$0x0], $0xffff  }
0x3e9: {  	v3 =	vld.idx.msk [tilespmem:v4+s13+$0x0], $0xffff  }
0x3ea: {  	v4 =	vld.idx.msk [tilespmem:v60+s13+$0x0], $0xffff  }
0x3eb: {  	v49 =	vld.idx.msk [tilespmem:v61+s13+$0x0], $0xffff;
	_ =	sdelay $0x1  }
0x3ec: {  	v50 =	vld.idx.msk [tilespmem:v0+s15+$0x0], $0xffff  }
0x3ed: {  	v52 =	vld.idx.msk [tilespmem:v0+s18+$0x0], $0xffff  }
0x3ee: {  	v58 =	vor.u32 $0x11000, v55;
	v56 =	vld.idx.msk [tilespmem:v0+s19+$0x0], $0xffff;
	v57 =	vadd.f32 v4, v2  }
0x3ef: {  	vm1 =	vgt.f32 v62, $5.000000000e-01;
	v60 =	vor.u32 $0x11001, v55;
	v51 =	vld.idx.msk [tilespmem:v0+s20+$0x0], $0xffff;
	v59 =	vadd.f32 v49, v3  }
0x3f0: {  	v61 =	vor.u32 $0x11002, v55;
	vm0 =	vmor vm0, vm1;
	v0 =	vld.idx.msk [tilespmem:v0+s21+$0x0], $0xffff;
	v57 =	vmul.f32 $5.000000000e-01, v57  }
0x3f1: {  	v62 =	vor.u32 $0x11003, v55;
	v59 =	vmul.f32 $5.000000000e-01, v59;
	v50 =	vnsel vm0, $0x0, v50  }
0x3f2: {  	v2 =	vsub.f32 v4, v2;
	v52 =	vsel vm0, v52, v57;
	[tilespmem:$0x15D20] =	vst v50  }
0x3f3: {  	v3 =	vsub.f32 v49, v3;
	v4 =	vsel vm0, v56, v59;
	[tilespmem:v58+s22+$0x0] =	vst.idx.msk $0xffff, v52  }
0x3f4: {  	v2 =	vsel vm0, v51, v2;
	[tilespmem:v60+s22+$0x0] =	vst.idx.msk $0xffff, v4  }
0x3f5: {  	v0 =	vsel vm0, v0, v3;
	[tilespmem:v61+s22+$0x0] =	vst.idx.msk $0xffff, v2  }
0x3f6: {  	[tilespmem:v62+s22+$0x0] =	vst.idx.msk $0xffff, v0  }
0x3f7: {  	v0 =	vld [tilespmem:$0x730]  }
0x3f8: {  	v3 =	vor.u32 $0x8C0, v1;
	v2 =	vld [tilespmem:$0x4B0]  }
0x3f9: {  	v4 =	vor.u32 $0x8C1, v1  }
0x3fa: {  	v60 =	vor.u32 $0x8C2, v1  }
0x3fb: {  	v61 =	vor.u32 $0x8C3, v1  }
0x3fc: {  	v62 =	vld [tilespmem:$0x230];
	vm0 =	vgt.s32 v0, $0xFFFFFFFF  }
0x3fd: {  	v0 =	vsel vm0, v0, v2;
	v2 =	vld.idx.msk [tilespmem:v3+s13+$0x0], $0xffff  }
0x3fe: {  	v3 =	vld.idx.msk [tilespmem:v4+s13+$0x0], $0xffff  }
0x3ff: {  	v4 =	vld.idx.msk [tilespmem:v60+s13+$0x0], $0xffff  }
0x400: {  	v49 =	vld.idx.msk [tilespmem:v61+s13+$0x0], $0xffff;
	_ =	sdelay $0x1  }
0x401: {  	v50 =	vld.idx.msk [tilespmem:v0+s15+$0x0], $0xffff  }
0x402: {  	v52 =	vld.idx.msk [tilespmem:v0+s18+$0x0], $0xffff  }
0x403: {  	v58 =	vor.u32 $0x11800, v55;
	v56 =	vld.idx.msk [tilespmem:v0+s19+$0x0], $0xffff;
	v57 =	vadd.f32 v4, v2  }
0x404: {  	vm1 =	vgt.f32 v62, $5.000000000e-01;
	v60 =	vor.u32 $0x11801, v55;
	v51 =	vld.idx.msk [tilespmem:v0+s20+$0x0], $0xffff;
	v59 =	vadd.f32 v49, v3  }
0x405: {  	v61 =	vor.u32 $0x11802, v55;
	vm0 =	vmor vm0, vm1;
	v0 =	vld.idx.msk [tilespmem:v0+s21+$0x0], $0xffff;
	v57 =	vmul.f32 $5.000000000e-01, v57  }
0x406: {  	v62 =	vor.u32 $0x11803, v55;
	v59 =	vmul.f32 $5.000000000e-01, v59;
	v50 =	vnsel vm0, $0x0, v50  }
0x407: {  	v2 =	vsub.f32 v4, v2;
	v52 =	vsel vm0, v52, v57;
	[tilespmem:$0x15D30] =	vst v50  }
0x408: {  	v3 =	vsub.f32 v49, v3;
	v4 =	vsel vm0, v56, v59;
	[tilespmem:v58+s22+$0x0] =	vst.idx.msk $0xffff, v52  }
0x409: {  	v2 =	vsel vm0, v51, v2;
	[tilespmem:v60+s22+$0x0] =	vst.idx.msk $0xffff, v4  }
0x40a: {  	v0 =	vsel vm0, v0, v3;
	[tilespmem:v61+s22+$0x0] =	vst.idx.msk $0xffff, v2  }
0x40b: {  	[tilespmem:v62+s22+$0x0] =	vst.idx.msk $0xffff, v0  }
0x40c: {  	v0 =	vld [tilespmem:$0x740]  }
0x40d: {  	v3 =	vor.u32 $0x900, v1;
	v2 =	vld [tilespmem:$0x4C0]  }
0x40e: {  	v4 =	vor.u32 $0x901, v1  }
0x40f: {  	v60 =	vor.u32 $0x902, v1  }
0x410: {  	v61 =	vor.u32 $0x903, v1  }
0x411: {  	v62 =	vld [tilespmem:$0x240];
	vm0 =	vgt.s32 v0, $0xFFFFFFFF  }
0x412: {  	v0 =	vsel vm0, v0, v2;
	v2 =	vld.idx.msk [tilespmem:v3+s13+$0x0], $0xffff  }
0x413: {  	v3 =	vld.idx.msk [tilespmem:v4+s13+$0x0], $0xffff  }
0x414: {  	v4 =	vld.idx.msk [tilespmem:v60+s13+$0x0], $0xffff  }
0x415: {  	v49 =	vld.idx.msk [tilespmem:v61+s13+$0x0], $0xffff;
	_ =	sdelay $0x1  }
0x416: {  	v50 =	vld.idx.msk [tilespmem:v0+s15+$0x0], $0xffff  }
0x417: {  	v52 =	vld.idx.msk [tilespmem:v0+s18+$0x0], $0xffff  }
0x418: {  	v58 =	vor.u32 $0x12000, v55;
	v56 =	vld.idx.msk [tilespmem:v0+s19+$0x0], $0xffff;
	v57 =	vadd.f32 v4, v2  }
0x419: {  	vm1 =	vgt.f32 v62, $5.000000000e-01;
	v60 =	vor.u32 $0x12001, v55;
	v51 =	vld.idx.msk [tilespmem:v0+s20+$0x0], $0xffff;
	v59 =	vadd.f32 v49, v3  }
0x41a: {  	v61 =	vor.u32 $0x12002, v55;
	vm0 =	vmor vm0, vm1;
	v0 =	vld.idx.msk [tilespmem:v0+s21+$0x0], $0xffff;
	v57 =	vmul.f32 $5.000000000e-01, v57  }
0x41b: {  	v62 =	vor.u32 $0x12003, v55;
	v59 =	vmul.f32 $5.000000000e-01, v59;
	v50 =	vnsel vm0, $0x0, v50  }
0x41c: {  	v2 =	vsub.f32 v4, v2;
	v52 =	vsel vm0, v52, v57;
	[tilespmem:$0x15D40] =	vst v50  }
0x41d: {  	v3 =	vsub.f32 v49, v3;
	v4 =	vsel vm0, v56, v59;
	[tilespmem:v58+s22+$0x0] =	vst.idx.msk $0xffff, v52  }
0x41e: {  	v2 =	vsel vm0, v51, v2;
	[tilespmem:v60+s22+$0x0] =	vst.idx.msk $0xffff, v4  }
0x41f: {  	v0 =	vsel vm0, v0, v3;
	[tilespmem:v61+s22+$0x0] =	vst.idx.msk $0xffff, v2  }
0x420: {  	[tilespmem:v62+s22+$0x0] =	vst.idx.msk $0xffff, v0  }
0x421: {  	v0 =	vld [tilespmem:$0x750]  }
0x422: {  	v3 =	vor.u32 $0x940, v1;
	v2 =	vld [tilespmem:$0x4D0]  }
0x423: {  	v4 =	vor.u32 $0x941, v1  }
0x424: {  	v60 =	vor.u32 $0x942, v1  }
0x425: {  	v61 =	vor.u32 $0x943, v1  }
0x426: {  	v62 =	vld [tilespmem:$0x250];
	vm0 =	vgt.s32 v0, $0xFFFFFFFF  }
0x427: {  	v0 =	vsel vm0, v0, v2;
	v2 =	vld.idx.msk [tilespmem:v3+s13+$0x0], $0xffff  }
0x428: {  	v3 =	vld.idx.msk [tilespmem:v4+s13+$0x0], $0xffff  }
0x429: {  	v4 =	vld.idx.msk [tilespmem:v60+s13+$0x0], $0xffff  }
0x42a: {  	v49 =	vld.idx.msk [tilespmem:v61+s13+$0x0], $0xffff;
	_ =	sdelay $0x1  }
0x42b: {  	v50 =	vld.idx.msk [tilespmem:v0+s15+$0x0], $0xffff  }
0x42c: {  	v52 =	vld.idx.msk [tilespmem:v0+s18+$0x0], $0xffff  }
0x42d: {  	v58 =	vor.u32 $0x12800, v55;
	v56 =	vld.idx.msk [tilespmem:v0+s19+$0x0], $0xffff;
	v57 =	vadd.f32 v4, v2  }
0x42e: {  	vm1 =	vgt.f32 v62, $5.000000000e-01;
	v60 =	vor.u32 $0x12801, v55;
	v51 =	vld.idx.msk [tilespmem:v0+s20+$0x0], $0xffff;
	v59 =	vadd.f32 v49, v3  }
0x42f: {  	v61 =	vor.u32 $0x12802, v55;
	vm0 =	vmor vm0, vm1;
	v0 =	vld.idx.msk [tilespmem:v0+s21+$0x0], $0xffff;
	v57 =	vmul.f32 $5.000000000e-01, v57  }
0x430: {  	v62 =	vor.u32 $0x12803, v55;
	v59 =	vmul.f32 $5.000000000e-01, v59;
	v50 =	vnsel vm0, $0x0, v50  }
0x431: {  	v2 =	vsub.f32 v4, v2;
	v52 =	vsel vm0, v52, v57;
	[tilespmem:$0x15D50] =	vst v50  }
0x432: {  	v3 =	vsub.f32 v49, v3;
	v4 =	vsel vm0, v56, v59;
	[tilespmem:v58+s22+$0x0] =	vst.idx.msk $0xffff, v52  }
0x433: {  	v2 =	vsel vm0, v51, v2;
	[tilespmem:v60+s22+$0x0] =	vst.idx.msk $0xffff, v4  }
0x434: {  	v0 =	vsel vm0, v0, v3;
	[tilespmem:v61+s22+$0x0] =	vst.idx.msk $0xffff, v2  }
0x435: {  	[tilespmem:v62+s22+$0x0] =	vst.idx.msk $0xffff, v0  }
0x436: {  	v0 =	vld [tilespmem:$0x760]  }
0x437: {  	v3 =	vor.u32 $0x980, v1;
	v2 =	vld [tilespmem:$0x4E0]  }
0x438: {  	v4 =	vor.u32 $0x981, v1  }
0x439: {  	v60 =	vor.u32 $0x982, v1  }
0x43a: {  	v61 =	vor.u32 $0x983, v1  }
0x43b: {  	v62 =	vld [tilespmem:$0x260];
	vm0 =	vgt.s32 v0, $0xFFFFFFFF  }
0x43c: {  	v0 =	vsel vm0, v0, v2;
	v2 =	vld.idx.msk [tilespmem:v3+s13+$0x0], $0xffff  }
0x43d: {  	v3 =	vld.idx.msk [tilespmem:v4+s13+$0x0], $0xffff  }
0x43e: {  	v4 =	vld.idx.msk [tilespmem:v60+s13+$0x0], $0xffff  }
0x43f: {  	v49 =	vld.idx.msk [tilespmem:v61+s13+$0x0], $0xffff;
	_ =	sdelay $0x1  }
0x440: {  	v50 =	vld.idx.msk [tilespmem:v0+s15+$0x0], $0xffff  }
0x441: {  	v52 =	vld.idx.msk [tilespmem:v0+s18+$0x0], $0xffff  }
0x442: {  	v58 =	vor.u32 $0x13000, v55;
	v56 =	vld.idx.msk [tilespmem:v0+s19+$0x0], $0xffff;
	v57 =	vadd.f32 v4, v2  }
0x443: {  	vm1 =	vgt.f32 v62, $5.000000000e-01;
	v60 =	vor.u32 $0x13001, v55;
	v51 =	vld.idx.msk [tilespmem:v0+s20+$0x0], $0xffff;
	v59 =	vadd.f32 v49, v3  }
0x444: {  	v61 =	vor.u32 $0x13002, v55;
	vm0 =	vmor vm0, vm1;
	v0 =	vld.idx.msk [tilespmem:v0+s21+$0x0], $0xffff;
	v57 =	vmul.f32 $5.000000000e-01, v57  }
0x445: {  	v62 =	vor.u32 $0x13003, v55;
	v59 =	vmul.f32 $5.000000000e-01, v59;
	v50 =	vnsel vm0, $0x0, v50  }
0x446: {  	v2 =	vsub.f32 v4, v2;
	v52 =	vsel vm0, v52, v57;
	[tilespmem:$0x15D60] =	vst v50  }
0x447: {  	v3 =	vsub.f32 v49, v3;
	v4 =	vsel vm0, v56, v59;
	[tilespmem:v58+s22+$0x0] =	vst.idx.msk $0xffff, v52  }
0x448: {  	v2 =	vsel vm0, v51, v2;
	[tilespmem:v60+s22+$0x0] =	vst.idx.msk $0xffff, v4  }
0x449: {  	v0 =	vsel vm0, v0, v3;
	[tilespmem:v61+s22+$0x0] =	vst.idx.msk $0xffff, v2  }
0x44a: {  	[tilespmem:v62+s22+$0x0] =	vst.idx.msk $0xffff, v0  }
0x44b: {  	v0 =	vld [tilespmem:$0x770]  }
0x44c: {  	v3 =	vor.u32 $0x9C0, v1;
	v2 =	vld [tilespmem:$0x4F0]  }
0x44d: {  	v4 =	vor.u32 $0x9C1, v1  }
0x44e: {  	v59 =	vor.u32 $0x9C2, v1  }
0x44f: {  	v60 =	vor.u32 $0x9C3, v1  }
0x450: {  	v61 =	vld [tilespmem:$0x270];
	vm0 =	vgt.s32 v0, $0xFFFFFFFF  }
0x451: {  	v0 =	vsel vm0, v0, v2;
	v2 =	vld.idx.msk [tilespmem:v3+s13+$0x0], $0xffff  }
0x452: {  	v3 =	vld.idx.msk [tilespmem:v4+s13+$0x0], $0xffff  }
0x453: {  	v4 =	vld.idx.msk [tilespmem:v59+s13+$0x0], $0xffff  }
0x454: {  	v49 =	vld.idx.msk [tilespmem:v60+s13+$0x0], $0xffff;
	_ =	sdelay $0x1  }
0x455: {  	v50 =	vld.idx.msk [tilespmem:v0+s15+$0x0], $0xffff  }
0x456: {  	v52 =	vld.idx.msk [tilespmem:v0+s18+$0x0], $0xffff  }
0x457: {  	v58 =	vor.u32 $0x13800, v55;
	v62 =	vmov v43;
	v56 =	vld.idx.msk [tilespmem:v0+s19+$0x0], $0xffff;
	v43 =	vadd.f32 v4, v2  }
0x458: {  	v60 =	vor.u32 $0x13801, v55;
	vm1 =	vgt.f32 v61, $5.000000000e-01;
	v51 =	vld.idx.msk [tilespmem:v0+s20+$0x0], $0xffff;
	v59 =	vadd.f32 v49, v3  }
0x459: {  	vm0 =	vmor vm0, vm1;
	v0 =	vld.idx.msk [tilespmem:v0+s21+$0x0], $0xffff;
	v57 =	vmul.f32 $5.000000000e-01, v43;
	v43 =	vor.u32 $0x13802, v55  }
0x45a: {  	v59 =	vmul.f32 $5.000000000e-01, v59;
	v55 =	vor.u32 $0x13803, v55;
	v50 =	vnsel vm0, $0x0, v50  }
0x45b: {  	v2 =	vsub.f32 v4, v2;
	v52 =	vsel vm0, v52, v57;
	[tilespmem:$0x15D70] =	vst v50  }
0x45c: {  	v3 =	vsub.f32 v49, v3;
	v4 =	vsel vm0, v56, v59;
	[tilespmem:v58+s22+$0x0] =	vst.idx.msk $0xffff, v52  }
0x45d: {  	v2 =	vsel vm0, v51, v2;
	[tilespmem:v60+s22+$0x0] =	vst.idx.msk $0xffff, v4  }
0x45e: {  	v0 =	vsel vm0, v0, v3;
	[tilespmem:v43+s22+$0x0] =	vst.idx.msk $0xffff, v2  }
0x45f: {  	[tilespmem:v55+s22+$0x0] =	vst.idx.msk $0xffff, v0  }
0x460: {  	[hbm4b:s9+s3] =	stream.linear.scatter [tilespmem:s22], [sflag:$0x2], $0x14000, $0x38;
	[tilespmem:$0x15D80] =	vst v63  }
0x461: {  	s25 =	sadd.s32 $0x1, s25;
	v0 =	vld [tilespmem:$0x1FFF0];
	_ =	swait.ge [sflag:s23], $0x14000  }
0x462: {  	p0 =	sne.s32 s25, s11;
	[sflag:s23] =	ssyncset.done $0x0  }
.Ltmp1:
0x463: {  	[sflag:s23] =	ssyncadd.s32 $0xFFFEC000;
	(pc) =	sbr.rel @p0 .LBB2_1-.Ltmp1, $4  }
0x464: {  	[hbm4b:s10+s3] =	stream.linear.scatter [tilespmem:s24], [sflag:$0x2], $0x280, $0x38;
	[tilespmem:$0x15D80] =	vst v63  }
0x465: {  	_ =	swait.ge [sflag:s23], $0x280  }
0x466: {  	[sflag:s23] =	ssyncset.done $0x0  }
0x467: {  	v61 =	vmovc v5;
	v3 =	vmov v7;
	v4 =	vmov v8;
	v2 =	vmov v6;
	[sflag:s23] =	ssyncadd.s32 $0xFFFFFD80  }
0x468: {  	_ =	sfence.sel $0x180000  }
0x469: {  	[bflag:$0x0] =	sbarrier.arrive $0xFFFF  }
0x46a: {  	p0 =	sne.s32 s0, $0x0;
	_ =	strace $0x90000047  }
0x46b: {  	s0 =	sadd.s32 @!p0 $0x100000, s2;
	[bflag:$0x2] =	sbarrier.arrive $0xFFFF  }
0x46c: {  	[sflag:s0] =	ssyncadd.tile.s32 @!p0 $0x1;
	_ =	shalt  }
.Lfunc_end2:
_tile_overlayer_lowered:
.L_overlay_start_2:
0x46d: {  	(tag) =	ssettag $0x2  }
0x46e: {  	s0 =	rddreg [dreg:$0x0];
	s2 =	stileid.u32  }
0x46f: {  	s1 =	rddreg [dreg:$0x1];
	p0 =	sne.s32 s2, $0x0  }
0x470: {  	s3 =	rddreg [dreg:$0x2];
	[bflag:$0x3] =	sbarrier.arrive $0xFFFF;
	s2 =	simm.s32 @!p0 $0x1C02  }
0x471: {  	[timem:s3], [sflag:s2] =	dma.local @!p0 [hbm:s0], s1  }
0x472: {  	s0 =	simm.s32 @!p0 $0x2  }
0x473: {  	_ =	swait.ge @!p0 [sflag:s0], s1  }
0x474: {  	s1 =	ssub.s32 @!p0 $0x0, s1;
	[sflag:s0] =	ssyncset.done @!p0 $0x0  }
0x475: {  	[sflag:s0] =	ssyncadd.s32 @!p0 s1  }
0x476: {  	[bflag:$0x3] =	sbarrier.arrive $0xFFFF  }
0x477: {  	_ =	shalt  }

</sc_bundles>
